<compile_context>
chip_gen: v7x
topology: tpu7x:2x2x1
jax: 0.10.2.dev20260603
libtpu: 0.0.44.dev20260713+nightly
codegen_flags: <defaults>
</compile_context>

<pallas_src>
import functools

import jax
import jax.numpy as jnp
from jax import lax
from jax.experimental import pallas as pl
from jax.experimental.pallas import tpu as pltpu
from jax.experimental.pallas import tpu_sc as plsc

_L = 16


@functools.cache
def _make_tableT(V, D):
    info = plsc.get_sparse_core_info()
    NC, NS = info.num_cores, info.num_subcores
    NW = NC * NS
    TCOLS = V // 128
    TAIL = (V - TCOLS * 128) * D
    n_iter = (TCOLS + 2 * NW - 1) // (2 * NW)
    mesh = plsc.VectorSubcoreMesh(core_axis_name="c", subcore_axis_name="s")

    @functools.partial(
        pl.kernel,
        mesh=mesh,
        out_type=jax.ShapeDtypeStruct((V * D,), jnp.float32),
        scratch_types=[
            pltpu.VMEM((2, D // 8, 8, 128), jnp.float32),
            pltpu.VMEM((2, 128 * D), jnp.float32),
            pltpu.VMEM((128 * 33 + D, ), jnp.float32),
            pltpu.VMEM((TAIL,), jnp.float32),
            pltpu.SemaphoreType.DMA((2,)),
            pltpu.SemaphoreType.DMA((2,)),
        ],
        compiler_params=pltpu.CompilerParams(
            use_tc_tiling_on_sc=True, needs_layout_passes=False),
    )
    def k(tt_hbm, tail_hbm, out_hbm, st_v, tr_v, tmp_v, tail_v, lsem, ssem):
        wid = lax.axis_index("s") * NC + lax.axis_index("c")
        lanes = lax.iota(jnp.int32, _L)

        @pl.when(wid == 0)
        def _():
            pltpu.sync_copy(tail_hbm, tail_v)
            pltpu.sync_copy(tail_v, out_hbm.at[pl.ds(TCOLS * 128 * D, TAIL)])

        def load_cps(c, b):
            return [pltpu.make_async_copy(
                tt_hbm.at[pl.ds(r * 8, 8), pl.ds(c * 128, 128)],
                st_v.at[b, r], lsem.at[b]) for r in range(D // 8)]

        def store_cp(c, b):
            return pltpu.make_async_copy(
                tr_v.at[b], out_hbm.at[pl.ds(c * 128 * D, 128 * D)],
                ssem.at[b])

        def ld(c, b):
            for cp in load_cps(c, b):
                cp.start()

        def wait_ld(c, b):
            for cp in load_cps(c, b):
                cp.wait()

        def st(c, b):
            store_cp(c, b).start()

        def wait_st(c, b):
            store_cp(c, b).wait()

        def transpose_block(b):
            def p1_body(t, carry):
                r = t // 64
                e0 = (t // 8) % 8
                i16 = (t % 8) * _L
                e = r * 8 + e0
                vec = st_v[b, r, e0, pl.ds(i16, _L)]
                addr = (i16 + lanes) * 33 + e
                plsc.store_scatter(tmp_v, [addr], vec)
                return carry
            lax.fori_loop(0, (D // 8) * 8 * 8, p1_body, 0, unroll=8)

            def p2_body(t, carry):
                i = t // (D // _L)
                hf = t % (D // _L)
                vec = tmp_v[pl.ds(i * 33 + hf * _L, _L)]
                tr_v[b, pl.ds(i * D + hf * _L, _L)] = vec
                return carry
            lax.fori_loop(0, 128 * (D // _L), p2_body, 0, unroll=8)

        ld(wid, 0)

        def half(t, b):
            k = 2 * t + b
            c = wid + NW * k

            @pl.when(c < TCOLS)
            def _():
                wait_ld(c, b)
                cn = c + NW
                @pl.when(cn < TCOLS)
                def _():
                    ld(cn, 1 - b)
                @pl.when(k >= 2)
                def _():
                    wait_st(c - 2 * NW, b)
                transpose_block(b)
                st(c, b)

        def body(t, carry):
            half(t, 0)
            half(t, 1)
            return carry

        lax.fori_loop(0, n_iter, body, 0)

        k_last = (TCOLS - 1 - wid) // NW
        p = k_last % 2
        c_last = wid + NW * k_last

        def wait_st_dyn(c, b):
            pltpu.make_async_copy(
                tr_v.at[b], out_hbm.at[pl.ds(c * 128 * D, 128 * D)],
                ssem.at[b]).wait()

        wait_st_dyn(c_last, p)
        wait_st_dyn(c_last - NW, 1 - p)

    return k


@functools.cache
def _make_gather(BT, H, D):
    info = plsc.get_sparse_core_info()
    NC, NS = info.num_cores, info.num_subcores
    NW = NC * NS
    assert BT % (NW * 128) == 0 and D % 8 == 0 and H % 2 == 0
    W = BT // NW
    E1, B1 = D // 8, BT // 128
    WB = W // 128
    mesh = plsc.VectorSubcoreMesh(core_axis_name="c", subcore_axis_name="s")

    @functools.partial(
        pl.kernel,
        mesh=mesh,
        out_type=jax.ShapeDtypeStruct((H, E1, B1, 8, 128), jnp.float32),
        scratch_types=[
            pltpu.VMEM((H, W), jnp.int32),
            pltpu.VMEM((2, W, D), jnp.float32),
            pltpu.VMEM((2, E1, WB, 8, 129), jnp.float32),
            pltpu.SemaphoreType.DMA((2,)),
            pltpu.SemaphoreType.DMA((2,)),
        ],
        compiler_params=pltpu.CompilerParams(
            use_tc_tiling_on_sc=False, needs_layout_passes=False),
    )
    def k(idx_hbm, table_hbm, y_hbm, idxT_v, rows_v, rowsT_v, gsem, ssem):
        wid = lax.axis_index("s") * NC + lax.axis_index("c")
        pltpu.sync_copy(idx_hbm.at[:, pl.ds(wid * W, W)], idxT_v)
        lanes = lax.iota(jnp.int32, _L)

        def gather_cp(h, b):
            return pltpu.make_async_copy(
                table_hbm.at[idxT_v.at[h]], rows_v.at[b], gsem.at[b])

        def store_cp(h, b):
            return pltpu.make_async_copy(
                rowsT_v.at[b].at[:, :, :, pl.ds(0, 128)],
                y_hbm.at[h, :, pl.ds(wid * WB, WB)], ssem.at[b])

        half_idx = [((2 * hf + lanes // 8), (lanes % 8)) for hf in range(D // _L)]

        def transpose_rows(b):
            def c_body(c, carry):
                c_vec = jnp.full((_L,), c, jnp.int32)

                def b_body(b0, carry2):
                    b_vec = jnp.full((_L,), b0, jnp.int32)
                    row = c * 128 + b0
                    for hf, (r_vec, e_vec) in enumerate(half_idx):
                        vec = rows_v[b, row, pl.ds(hf * _L, _L)]
                        plsc.store_scatter(
                            rowsT_v.at[b], [r_vec, c_vec, e_vec, b_vec], vec)
                    return carry2
                lax.fori_loop(0, 128, b_body, 0, unroll=8)
                return carry
            lax.fori_loop(0, WB, c_body, 0)

        gather_cp(0, 0).start()

        def half(t, b):
            h = 2 * t + b
            gather_cp(h, b).wait()
            if b == 0:
                gather_cp(h + 1, 1 - b).start()
            else:
                @pl.when(t < H // 2 - 1)
                def _():
                    gather_cp(h + 1, 1 - b).start()

            @pl.when(t > 0)
            def _():
                store_cp(h - 2, b).wait()
            transpose_rows(b)
            store_cp(h, b).start()

        def body(t, carry):
            half(t, 0)
            half(t, 1)
            return carry

        lax.fori_loop(0, H // 2, body, 0)
        store_cp(H - 2, 0).wait()
        store_cp(H - 1, 1).wait()

    return k


def kernel(input_tensor, table):
    bt, h = input_tensor.shape
    v, d = table.shape
    tail = table[(v // 128) * 128:].reshape(-1)
    table_rm = _make_tableT(v, d)(table.T, tail).reshape(v, d)
    y = _make_gather(bt, h, d)(input_tensor.T, table_rm)
    return y.transpose(2, 4, 0, 1, 3).reshape(bt, h, d)

# --- scband reference (transcript-rebuilt; emitter-appended) ---
"""Pipeline reference for scband-embedder-17781164605449 (READ-ONLY COPY).

The authoritative reference and input builder live on the scoring server;
editing this copy changes nothing except your own understanding.
"""

import jax, jax.numpy as jnp
import numpy as np

VOCAB = 1000000
EMBED_DIM = 32
BATCH = 16384
HIST = 50

def setup_inputs(seed: int = 0) -> dict:
    key = jax.random.key(seed)
    k_idx, k_tab = jax.random.split(key)
    input_tensor = jax.random.randint(k_idx, (BATCH, HIST), 0, VOCAB, dtype=jnp.int64 if jax.config.jax_enable_x64 else jnp.int32)
    table = jax.random.normal(k_tab, (VOCAB, EMBED_DIM), dtype=jnp.float32) * 0.02
    return {"input_tensor": input_tensor, "table": table}

def reference(input_tensor, table):
    # Embedding lookup: gather rows of the table by integer ids.
    return jnp.take(table, input_tensor, axis=0)

if __name__ == "__main__":
    import jax
    _d = setup_inputs()
    print(jax.jit(kernel)(*tuple(_d.values())))

</pallas_src>

<mosaic_0001>
#map = affine_map<(d0, d1) -> (0, 0)>
#map1 = affine_map<(d0, d1) -> (0, 0, 0, 0, 0)>
module attributes {stable_mosaic.version = 14 : i64} {
  func.func @k(%arg0: i32, %arg1: i32, %arg2: memref<50x16384xi32, #tpu.memory_space<hbm>>, %arg3: memref<1000000x32xf32, #tpu.memory_space<hbm>>, %arg4: memref<50x4x128x8x128xf32, #tpu.memory_space<hbm>>, %arg5: memref<50x512xi32, #tpu.memory_space<vmem>>, %arg6: memref<2x512x32xf32, #tpu.memory_space<vmem>>, %arg7: memref<2x4x4x8x129xf32, #tpu.memory_space<vmem>>, %arg8: memref<2x!tpu.dma_semaphore, #tpu.memory_space<semaphore_mem>>, %arg9: memref<2x!tpu.dma_semaphore, #tpu.memory_space<semaphore_mem>>) attributes {dimension_semantics = [#tpu.dimension_semantics<core_parallel>, #tpu.dimension_semantics<subcore_parallel>], iteration_bounds = array<i64: 2, 16>, scalar_prefetch = 0 : i64, scratch_operands = 5 : i64, tpu.core_type = #tpu.core_type<sc_vector_subcore>, window_params = [{transform_indices = #map}, {transform_indices = #map}, {transform_indices = #map1}]} {
    %mul3A = arith.constant 2 : i32
    %mul3A_0 = arith.muli %arg1, %mul3A : i32
    %add3A = arith.addi %mul3A_0, %arg0 : i32
    %mul3A_1 = arith.constant 512 : i32
    %mul3A_2 = arith.muli %add3A, %mul3A_1 : i32
    "tpu.region"() ({
      %run_scoped3A = tpu.sem_alloc : memref<!tpu.dma_semaphore, #tpu.memory_space<semaphore_mem>>
      %dma_start3A_201 = arith.constant 0 : i32
      %dma_start3A_202 = tpu.memref_slice %arg2[%dma_start3A_201, %mul3A_2] : memref<50x16384xi32, #tpu.memory_space<hbm>> -> memref<50x512xi32, #tpu.memory_space<hbm>>
      %dma_start3A_203 = arith.constant 0 : i32
      %dma_start3A_204 = tpu.memref_slice %arg2[%dma_start3A_203, %mul3A_2] : memref<50x16384xi32, #tpu.memory_space<hbm>> -> memref<50x512xi32, #tpu.memory_space<hbm>>
      tpu.enqueue_dma source(%dma_start3A_204 : memref<50x512xi32, #tpu.memory_space<hbm>>) target(%arg5 : memref<50x512xi32, #tpu.memory_space<vmem>>) target_semaphore(%run_scoped3A : memref<!tpu.dma_semaphore, #tpu.memory_space<semaphore_mem>>)
      %dma_wait3A_205 = arith.constant 0 : i32
      %dma_wait3A_206 = tpu.memref_slice %arg2[%dma_wait3A_205, %mul3A_2] : memref<50x16384xi32, #tpu.memory_space<hbm>> -> memref<50x512xi32, #tpu.memory_space<hbm>>
      %dma_wait3A_207 = arith.constant 0 : i32
      %dma_wait3A_208 = tpu.memref_slice %arg2[%dma_wait3A_207, %mul3A_2] : memref<50x16384xi32, #tpu.memory_space<hbm>> -> memref<50x512xi32, #tpu.memory_space<hbm>>
      tpu.wait_dma2 semaphore(%run_scoped3A : memref<!tpu.dma_semaphore, #tpu.memory_space<semaphore_mem>>) src(%dma_wait3A_208 : memref<50x512xi32, #tpu.memory_space<hbm>>) dst(%arg5 : memref<50x512xi32, #tpu.memory_space<vmem>>)
      tpu.yield
    }) : () -> ()
    %iota3A = tpu.iota {dimensions = array<i32: 0>} : vector<16xi32>
    %jit3A = arith.constant 8 : i32
    %div3A = vector.broadcast %jit3A : i32 to vector<16xi32>
    %div3A_3 = arith.divsi %iota3A, %div3A : vector<16xi32>
    %sign3A = arith.constant 0 : i32
    %sign3A_4 = vector.broadcast %sign3A : i32 to vector<16xi32>
    %sign3A_5 = arith.cmpi sgt, %iota3A, %sign3A_4 : vector<16xi32>
    %sign3A_6 = arith.extui %sign3A_5 : vector<16xi1> to vector<16xi32>
    %sign3A_7 = arith.constant 0 : i32
    %sign3A_8 = vector.broadcast %sign3A_7 : i32 to vector<16xi32>
    %sign3A_9 = arith.cmpi slt, %iota3A, %sign3A_8 : vector<16xi32>
    %sign3A_10 = arith.extui %sign3A_9 : vector<16xi1> to vector<16xi32>
    %sign3A_11 = arith.subi %sign3A_6, %sign3A_10 : vector<16xi32>
    %sign3A_12 = arith.constant 0 : i32
    %sign3A_13 = arith.cmpi sgt, %jit3A, %sign3A_12 : i32
    %sign3A_14 = arith.extui %sign3A_13 : i1 to i32
    %sign3A_15 = arith.constant 0 : i32
    %sign3A_16 = arith.cmpi slt, %jit3A, %sign3A_15 : i32
    %sign3A_17 = arith.extui %sign3A_16 : i1 to i32
    %sign3A_18 = arith.subi %sign3A_14, %sign3A_17 : i32
    %ne3A = vector.broadcast %sign3A_18 : i32 to vector<16xi32>
    %ne3A_19 = arith.cmpi ne, %sign3A_11, %ne3A : vector<16xi32>
    %rem3A = vector.broadcast %jit3A : i32 to vector<16xi32>
    %rem3A_20 = arith.remsi %iota3A, %rem3A : vector<16xi32>
    %ne3A_21 = arith.constant 0 : i32
    %ne3A_22 = vector.broadcast %ne3A_21 : i32 to vector<16xi32>
    %ne3A_23 = arith.cmpi ne, %rem3A_20, %ne3A_22 : vector<16xi32>
    %and3A = arith.andi %ne3A_19, %ne3A_23 : vector<16xi1>
    %sub3A = arith.constant 1 : i32
    %sub3A_24 = vector.broadcast %sub3A : i32 to vector<16xi32>
    %sub3A_25 = arith.subi %div3A_3, %sub3A_24 : vector<16xi32>
    %select_n3A = arith.select %and3A, %sub3A_25, %div3A_3 : vector<16xi1>, vector<16xi32>
    %add3A_26 = arith.constant 0 : i32
    %add3A_27 = vector.broadcast %add3A_26 : i32 to vector<16xi32>
    %add3A_28 = arith.addi %add3A_27, %select_n3A : vector<16xi32>
    %jit3A_29 = arith.constant 8 : i32
    %eq3A = arith.constant 0 : i32
    %eq3A_30 = arith.cmpi eq, %jit3A_29, %eq3A : i32
    %jit3A_31 = arith.constant 1 : i32
    %select_n3A_32 = arith.select %eq3A_30, %jit3A_31, %jit3A_29 : i32
    %rem3A_33 = vector.broadcast %select_n3A_32 : i32 to vector<16xi32>
    %rem3A_34 = arith.remsi %iota3A, %rem3A_33 : vector<16xi32>
    %ne3A_35 = arith.constant 0 : i32
    %ne3A_36 = vector.broadcast %ne3A_35 : i32 to vector<16xi32>
    %ne3A_37 = arith.cmpi ne, %rem3A_34, %ne3A_36 : vector<16xi32>
    %lt3A = arith.constant 0 : i32
    %lt3A_38 = vector.broadcast %lt3A : i32 to vector<16xi32>
    %lt3A_39 = arith.cmpi slt, %rem3A_34, %lt3A_38 : vector<16xi32>
    %lt3A_40 = arith.constant 0 : i32
    %lt3A_41 = arith.cmpi slt, %select_n3A_32, %lt3A_40 : i32
    %ne3A_42 = vector.broadcast %lt3A_41 : i1 to vector<16xi1>
    %ne3A_43 = vector.broadcast %ne3A_42 : vector<16xi1> to vector<16xi1>
    %ne3A_44 = arith.xori %lt3A_39, %ne3A_43 : vector<16xi1>
    %and3A_45 = arith.andi %ne3A_44, %ne3A_37 : vector<16xi1>
    %add3A_46 = vector.broadcast %select_n3A_32 : i32 to vector<16xi32>
    %add3A_47 = arith.addi %rem3A_34, %add3A_46 : vector<16xi32>
    %select_n3A_48 = arith.select %and3A_45, %add3A_47, %rem3A_34 : vector<16xi1>, vector<16xi32>
    %jit3A_49 = arith.constant 8 : i32
    %div3A_50 = vector.broadcast %jit3A_49 : i32 to vector<16xi32>
    %div3A_51 = arith.divsi %iota3A, %div3A_50 : vector<16xi32>
    %sign3A_52 = arith.constant 0 : i32
    %sign3A_53 = vector.broadcast %sign3A_52 : i32 to vector<16xi32>
    %sign3A_54 = arith.cmpi sgt, %iota3A, %sign3A_53 : vector<16xi32>
    %sign3A_55 = arith.extui %sign3A_54 : vector<16xi1> to vector<16xi32>
    %sign3A_56 = arith.constant 0 : i32
    %sign3A_57 = vector.broadcast %sign3A_56 : i32 to vector<16xi32>
    %sign3A_58 = arith.cmpi slt, %iota3A, %sign3A_57 : vector<16xi32>
    %sign3A_59 = arith.extui %sign3A_58 : vector<16xi1> to vector<16xi32>
    %sign3A_60 = arith.subi %sign3A_55, %sign3A_59 : vector<16xi32>
    %sign3A_61 = arith.constant 0 : i32
    %sign3A_62 = arith.cmpi sgt, %jit3A_49, %sign3A_61 : i32
    %sign3A_63 = arith.extui %sign3A_62 : i1 to i32
    %sign3A_64 = arith.constant 0 : i32
    %sign3A_65 = arith.cmpi slt, %jit3A_49, %sign3A_64 : i32
    %sign3A_66 = arith.extui %sign3A_65 : i1 to i32
    %sign3A_67 = arith.subi %sign3A_63, %sign3A_66 : i32
    %ne3A_68 = vector.broadcast %sign3A_67 : i32 to vector<16xi32>
    %ne3A_69 = arith.cmpi ne, %sign3A_60, %ne3A_68 : vector<16xi32>
    %rem3A_70 = vector.broadcast %jit3A_49 : i32 to vector<16xi32>
    %rem3A_71 = arith.remsi %iota3A, %rem3A_70 : vector<16xi32>
    %ne3A_72 = arith.constant 0 : i32
    %ne3A_73 = vector.broadcast %ne3A_72 : i32 to vector<16xi32>
    %ne3A_74 = arith.cmpi ne, %rem3A_71, %ne3A_73 : vector<16xi32>
    %and3A_75 = arith.andi %ne3A_69, %ne3A_74 : vector<16xi1>
    %sub3A_76 = arith.constant 1 : i32
    %sub3A_77 = vector.broadcast %sub3A_76 : i32 to vector<16xi32>
    %sub3A_78 = arith.subi %div3A_51, %sub3A_77 : vector<16xi32>
    %select_n3A_79 = arith.select %and3A_75, %sub3A_78, %div3A_51 : vector<16xi1>, vector<16xi32>
    %add3A_80 = arith.constant 2 : i32
    %add3A_81 = vector.broadcast %add3A_80 : i32 to vector<16xi32>
    %add3A_82 = arith.addi %add3A_81, %select_n3A_79 : vector<16xi32>
    %jit3A_83 = arith.constant 8 : i32
    %eq3A_84 = arith.constant 0 : i32
    %eq3A_85 = arith.cmpi eq, %jit3A_83, %eq3A_84 : i32
    %jit3A_86 = arith.constant 1 : i32
    %select_n3A_87 = arith.select %eq3A_85, %jit3A_86, %jit3A_83 : i32
    %rem3A_88 = vector.broadcast %select_n3A_87 : i32 to vector<16xi32>
    %rem3A_89 = arith.remsi %iota3A, %rem3A_88 : vector<16xi32>
    %ne3A_90 = arith.constant 0 : i32
    %ne3A_91 = vector.broadcast %ne3A_90 : i32 to vector<16xi32>
    %ne3A_92 = arith.cmpi ne, %rem3A_89, %ne3A_91 : vector<16xi32>
    %lt3A_93 = arith.constant 0 : i32
    %lt3A_94 = vector.broadcast %lt3A_93 : i32 to vector<16xi32>
    %lt3A_95 = arith.cmpi slt, %rem3A_89, %lt3A_94 : vector<16xi32>
    %lt3A_96 = arith.constant 0 : i32
    %lt3A_97 = arith.cmpi slt, %select_n3A_87, %lt3A_96 : i32
    %ne3A_98 = vector.broadcast %lt3A_97 : i1 to vector<16xi1>
    %ne3A_99 = vector.broadcast %ne3A_98 : vector<16xi1> to vector<16xi1>
    %ne3A_100 = arith.xori %lt3A_95, %ne3A_99 : vector<16xi1>
    %and3A_101 = arith.andi %ne3A_100, %ne3A_92 : vector<16xi1>
    %add3A_102 = vector.broadcast %select_n3A_87 : i32 to vector<16xi32>
    %add3A_103 = arith.addi %rem3A_89, %add3A_102 : vector<16xi32>
    %select_n3A_104 = arith.select %and3A_101, %add3A_103, %rem3A_89 : vector<16xi1>, vector<16xi32>
    %dma_start3A = arith.constant 0 : i32
    %dma_start3A_105 = arith.constant 0 : i32
    %dma_start3A_106 = arith.constant 0 : i32
    %dma_start3A_107 = arith.constant 0 : i32
    %dma_start3A_108 = arith.constant 0 : i32
    %dma_start3A_109 = tpu.memref_slice %arg6[%dma_start3A_105, %dma_start3A_107, %dma_start3A_108] : memref<2x512x32xf32, #tpu.memory_space<vmem>> -> memref<1x512x32xf32, #tpu.memory_space<vmem>>
    %dma_start3A_110 = tpu.memref_squeeze %dma_start3A_109 : memref<1x512x32xf32, #tpu.memory_space<vmem>> -> memref<512x32xf32, #tpu.memory_space<vmem>>
    %dma_start3A_111 = arith.constant 0 : i32
    %dma_start3A_112 = tpu.memref_slice %arg5[%dma_start3A, %dma_start3A_111] : memref<50x512xi32, #tpu.memory_space<vmem>> -> memref<1x512xi32, #tpu.memory_space<vmem>>
    %dma_start3A_113 = tpu.memref_squeeze %dma_start3A_112 : memref<1x512xi32, #tpu.memory_space<vmem>> -> memref<512xi32, #tpu.memory_space<vmem>>
    %dma_start3A_114 = arith.constant 0 : i32
    %dma_start3A_115 = arith.constant 0 : i32
    %dma_start3A_116 = tpu.memref_slice %arg3[%dma_start3A_114, %dma_start3A_115] : memref<1000000x32xf32, #tpu.memory_space<hbm>> -> memref<1000000x32xf32, #tpu.memory_space<hbm>>
    %dma_start3A_117 = tpu.memref_slice %arg8[%dma_start3A_106] : memref<2x!tpu.dma_semaphore, #tpu.memory_space<semaphore_mem>> -> memref<1x!tpu.dma_semaphore, #tpu.memory_space<semaphore_mem>>
    %dma_start3A_118 = tpu.memref_squeeze %dma_start3A_117 : memref<1x!tpu.dma_semaphore, #tpu.memory_space<semaphore_mem>> -> memref<!tpu.dma_semaphore, #tpu.memory_space<semaphore_mem>>
    tpu.enqueue_indirect_dma source(%dma_start3A_116 : memref<1000000x32xf32, #tpu.memory_space<hbm>>) target(%dma_start3A_110 : memref<512x32xf32, #tpu.memory_space<vmem>>) offsets(%dma_start3A_113 : memref<512xi32, #tpu.memory_space<vmem>>) semaphore(%dma_start3A_118 : memref<!tpu.dma_semaphore, #tpu.memory_space<semaphore_mem>>)
    %scan3A = arith.constant 0 : i32
    %scan3A_119 = arith.constant 0 : i32
    %scan3A_120 = arith.constant 25 : i32
    %scan3A_121 = arith.addi %scan3A_119, %scan3A_120 : i32
    %scan3A_122 = arith.constant 1 : i32
    scf.for %scan3A_201 = %scan3A_119 to %scan3A_121 step %scan3A_122  : i32 {
      %mul3A_202 = arith.constant 2 : i32
      %mul3A_203 = arith.muli %mul3A_202, %scan3A_201 : i32
      %add3A_204 = arith.constant 0 : i32
      %add3A_205 = arith.addi %mul3A_203, %add3A_204 : i32
      %dma_wait3A_206 = arith.constant 0 : i32
      %dma_wait3A_207 = arith.constant 0 : i32
      %dma_wait3A_208 = arith.constant 0 : i32
      %dma_wait3A_209 = arith.constant 0 : i32
      %dma_wait3A_210 = tpu.memref_slice %arg6[%dma_wait3A_206, %dma_wait3A_208, %dma_wait3A_209] : memref<2x512x32xf32, #tpu.memory_space<vmem>> -> memref<1x512x32xf32, #tpu.memory_space<vmem>>
      %dma_wait3A_211 = tpu.memref_squeeze %dma_wait3A_210 : memref<1x512x32xf32, #tpu.memory_space<vmem>> -> memref<512x32xf32, #tpu.memory_space<vmem>>
      %dma_wait3A_212 = arith.constant 0 : i32
      %dma_wait3A_213 = tpu.memref_slice %arg5[%add3A_205, %dma_wait3A_212] : memref<50x512xi32, #tpu.memory_space<vmem>> -> memref<1x512xi32, #tpu.memory_space<vmem>>
      %dma_wait3A_214 = tpu.memref_squeeze %dma_wait3A_213 : memref<1x512xi32, #tpu.memory_space<vmem>> -> memref<512xi32, #tpu.memory_space<vmem>>
      %dma_wait3A_215 = arith.constant 0 : i32
      %dma_wait3A_216 = arith.constant 0 : i32
      %dma_wait3A_217 = tpu.memref_slice %arg3[%dma_wait3A_215, %dma_wait3A_216] : memref<1000000x32xf32, #tpu.memory_space<hbm>> -> memref<1000000x32xf32, #tpu.memory_space<hbm>>
      %dma_wait3A_218 = tpu.memref_slice %arg8[%dma_wait3A_207] : memref<2x!tpu.dma_semaphore, #tpu.memory_space<semaphore_mem>> -> memref<1x!tpu.dma_semaphore, #tpu.memory_space<semaphore_mem>>
      %dma_wait3A_219 = tpu.memref_squeeze %dma_wait3A_218 : memref<1x!tpu.dma_semaphore, #tpu.memory_space<semaphore_mem>> -> memref<!tpu.dma_semaphore, #tpu.memory_space<semaphore_mem>>
      tpu.wait_indirect_dma semaphore(%dma_wait3A_219 : memref<!tpu.dma_semaphore, #tpu.memory_space<semaphore_mem>>) src(%dma_wait3A_217 : memref<1000000x32xf32, #tpu.memory_space<hbm>>) dst(%dma_wait3A_211 : memref<512x32xf32, #tpu.memory_space<vmem>>)
      %add3A_220 = arith.constant 1 : i32
      %add3A_221 = arith.addi %add3A_205, %add3A_220 : i32
      %dma_start3A_222 = arith.constant 1 : i32
      %dma_start3A_223 = arith.constant 1 : i32
      %dma_start3A_224 = arith.constant 0 : i32
      %dma_start3A_225 = arith.constant 0 : i32
      %dma_start3A_226 = tpu.memref_slice %arg6[%dma_start3A_222, %dma_start3A_224, %dma_start3A_225] : memref<2x512x32xf32, #tpu.memory_space<vmem>> -> memref<1x512x32xf32, #tpu.memory_space<vmem>>
      %dma_start3A_227 = tpu.memref_squeeze %dma_start3A_226 : memref<1x512x32xf32, #tpu.memory_space<vmem>> -> memref<512x32xf32, #tpu.memory_space<vmem>>
      %dma_start3A_228 = arith.constant 0 : i32
      %dma_start3A_229 = tpu.memref_slice %arg5[%add3A_221, %dma_start3A_228] : memref<50x512xi32, #tpu.memory_space<vmem>> -> memref<1x512xi32, #tpu.memory_space<vmem>>
      %dma_start3A_230 = tpu.memref_squeeze %dma_start3A_229 : memref<1x512xi32, #tpu.memory_space<vmem>> -> memref<512xi32, #tpu.memory_space<vmem>>
      %dma_start3A_231 = arith.constant 0 : i32
      %dma_start3A_232 = arith.constant 0 : i32
      %dma_start3A_233 = tpu.memref_slice %arg3[%dma_start3A_231, %dma_start3A_232] : memref<1000000x32xf32, #tpu.memory_space<hbm>> -> memref<1000000x32xf32, #tpu.memory_space<hbm>>
      %dma_start3A_234 = tpu.memref_slice %arg8[%dma_start3A_223] : memref<2x!tpu.dma_semaphore, #tpu.memory_space<semaphore_mem>> -> memref<1x!tpu.dma_semaphore, #tpu.memory_space<semaphore_mem>>
      %dma_start3A_235 = tpu.memref_squeeze %dma_start3A_234 : memref<1x!tpu.dma_semaphore, #tpu.memory_space<semaphore_mem>> -> memref<!tpu.dma_semaphore, #tpu.memory_space<semaphore_mem>>
      tpu.enqueue_indirect_dma source(%dma_start3A_233 : memref<1000000x32xf32, #tpu.memory_space<hbm>>) target(%dma_start3A_227 : memref<512x32xf32, #tpu.memory_space<vmem>>) offsets(%dma_start3A_230 : memref<512xi32, #tpu.memory_space<vmem>>) semaphore(%dma_start3A_235 : memref<!tpu.dma_semaphore, #tpu.memory_space<semaphore_mem>>)
      %gt3A = arith.constant 0 : i32
      %gt3A_236 = arith.cmpi sgt, %scan3A_201, %gt3A : i32
      %convert_element_type3A = arith.extui %gt3A_236 : i1 to i32
      %cond3A = arith.constant 0 : i32
      %cond3A_237 = arith.cmpi ne, %convert_element_type3A, %cond3A : i32
      scf.if %cond3A_237 {
        %sub3A_354 = arith.constant 2 : i32
        %sub3A_355 = arith.subi %add3A_205, %sub3A_354 : i32
        %mul3A_356 = arith.constant 4 : i32
        %mul3A_357 = arith.muli %add3A, %mul3A_356 : i32
        %dma_wait3A_358 = arith.constant 0 : i32
        %dma_wait3A_359 = arith.constant 0 : i32
        %dma_wait3A_360 = arith.constant 0 : i32
        %dma_wait3A_361 = arith.constant 0 : i32
        %dma_wait3A_362 = arith.constant 0 : i32
        %dma_wait3A_363 = arith.constant 0 : i32
        %dma_wait3A_364 = tpu.memref_slice %arg7[%dma_wait3A_358, %dma_wait3A_360, %dma_wait3A_361, %dma_wait3A_362, %dma_wait3A_363] : memref<2x4x4x8x129xf32, #tpu.memory_space<vmem>> -> memref<1x4x4x8x129xf32, #tpu.memory_space<vmem>>
        %dma_wait3A_365 = tpu.memref_squeeze %dma_wait3A_364 : memref<1x4x4x8x129xf32, #tpu.memory_space<vmem>> -> memref<4x4x8x129xf32, #tpu.memory_space<vmem>>
        %dma_wait3A_366 = arith.constant 0 : i32
        %dma_wait3A_367 = arith.constant 0 : i32
        %dma_wait3A_368 = arith.constant 0 : i32
        %dma_wait3A_369 = arith.constant 0 : i32
        %dma_wait3A_370 = tpu.memref_slice %dma_wait3A_365[%dma_wait3A_366, %dma_wait3A_367, %dma_wait3A_368, %dma_wait3A_369] : memref<4x4x8x129xf32, #tpu.memory_space<vmem>> -> memref<4x4x8x128xf32, #tpu.memory_space<vmem>>
        %dma_wait3A_371 = arith.constant 0 : i32
        %dma_wait3A_372 = arith.constant 0 : i32
        %dma_wait3A_373 = arith.constant 0 : i32
        %dma_wait3A_374 = tpu.memref_slice %arg4[%sub3A_355, %dma_wait3A_371, %mul3A_357, %dma_wait3A_372, %dma_wait3A_373] : memref<50x4x128x8x128xf32, #tpu.memory_space<hbm>> -> memref<1x4x4x8x128xf32, #tpu.memory_space<hbm>>
        %dma_wait3A_375 = tpu.memref_squeeze %dma_wait3A_374 : memref<1x4x4x8x128xf32, #tpu.memory_space<hbm>> -> memref<4x4x8x128xf32, #tpu.memory_space<hbm>>
        %dma_wait3A_376 = tpu.memref_slice %arg9[%dma_wait3A_359] : memref<2x!tpu.dma_semaphore, #tpu.memory_space<semaphore_mem>> -> memref<1x!tpu.dma_semaphore, #tpu.memory_space<semaphore_mem>>
        %dma_wait3A_377 = tpu.memref_squeeze %dma_wait3A_376 : memref<1x!tpu.dma_semaphore, #tpu.memory_space<semaphore_mem>> -> memref<!tpu.dma_semaphore, #tpu.memory_space<semaphore_mem>>
        %dma_wait3A_378 = arith.constant 0 : i32
        %dma_wait3A_379 = arith.constant 0 : i32
        %dma_wait3A_380 = arith.constant 0 : i32
        %dma_wait3A_381 = tpu.memref_slice %arg4[%sub3A_355, %dma_wait3A_378, %mul3A_357, %dma_wait3A_379, %dma_wait3A_380] : memref<50x4x128x8x128xf32, #tpu.memory_space<hbm>> -> memref<1x4x4x8x128xf32, #tpu.memory_space<hbm>>
        %dma_wait3A_382 = tpu.memref_squeeze %dma_wait3A_381 : memref<1x4x4x8x128xf32, #tpu.memory_space<hbm>> -> memref<4x4x8x128xf32, #tpu.memory_space<hbm>>
        %dma_wait3A_383 = arith.constant 0 : i32
        %dma_wait3A_384 = arith.constant 0 : i32
        %dma_wait3A_385 = arith.constant 0 : i32
        %dma_wait3A_386 = arith.constant 0 : i32
        %dma_wait3A_387 = tpu.memref_slice %arg7[%dma_wait3A_358, %dma_wait3A_383, %dma_wait3A_384, %dma_wait3A_385, %dma_wait3A_386] : memref<2x4x4x8x129xf32, #tpu.memory_space<vmem>> -> memref<1x4x4x8x129xf32, #tpu.memory_space<vmem>>
        %dma_wait3A_388 = tpu.memref_squeeze %dma_wait3A_387 : memref<1x4x4x8x129xf32, #tpu.memory_space<vmem>> -> memref<4x4x8x129xf32, #tpu.memory_space<vmem>>
        %dma_wait3A_389 = arith.constant 0 : i32
        %dma_wait3A_390 = arith.constant 0 : i32
        %dma_wait3A_391 = arith.constant 0 : i32
        %dma_wait3A_392 = arith.constant 0 : i32
        %dma_wait3A_393 = tpu.memref_slice %dma_wait3A_388[%dma_wait3A_389, %dma_wait3A_390, %dma_wait3A_391, %dma_wait3A_392] : memref<4x4x8x129xf32, #tpu.memory_space<vmem>> -> memref<4x4x8x128xf32, #tpu.memory_space<vmem>>
        tpu.wait_dma2 semaphore(%dma_wait3A_377 : memref<!tpu.dma_semaphore, #tpu.memory_space<semaphore_mem>>) src(%dma_wait3A_393 : memref<4x4x8x128xf32, #tpu.memory_space<vmem>>) dst(%dma_wait3A_382 : memref<4x4x8x128xf32, #tpu.memory_space<hbm>>)
      } else {
      }
      %scan3A_238 = arith.constant 0 : i32
      %scan3A_239 = arith.constant 0 : i32
      %scan3A_240 = arith.constant 4 : i32
      %scan3A_241 = arith.addi %scan3A_239, %scan3A_240 : i32
      %scan3A_242 = arith.constant 1 : i32
      scf.for %scan3A_354 = %scan3A_239 to %scan3A_241 step %scan3A_242  : i32 {
        %broadcast_in_dim3A = vector.broadcast %scan3A_354 : i32 to vector<16xi32>
        %scan3A_355 = arith.constant 0 : i32
        %scan3A_356 = arith.constant 0 : i32
        %scan3A_357 = arith.constant 128 : i32
        %scan3A_358 = arith.addi %scan3A_356, %scan3A_357 : i32
        %scan3A_359 = arith.constant 8 : i32
        scf.for %scan3A_361 = %scan3A_356 to %scan3A_358 step %scan3A_359  : i32 {
          %broadcast_in_dim3A_362 = vector.broadcast %scan3A_361 : i32 to vector<16xi32>
          %mul3A_363 = arith.constant 128 : i32
          %mul3A_364 = arith.muli %scan3A_354, %mul3A_363 : i32
          %add3A_365 = arith.addi %mul3A_364, %scan3A_361 : i32
          %get3A = arith.constant 0 : i32
          %get3A_366 = arith.index_cast %get3A : i32 to index
          %get3A_367 = arith.index_cast %add3A_365 : i32 to index
          %get3A_368 = arith.constant 0 : index
          %get3A_369 = tpu.vector_load %arg6[%get3A_366, %get3A_367, %get3A_368] {strides = array<i32>} : memref<2x512x32xf32, #tpu.memory_space<vmem>>, vector<16xf32>,
          %scatter3A = arith.constant 0 : i32
          %scatter3A_370 = arith.constant 0 : i32
          %scatter3A_371 = arith.constant 0 : i32
          %scatter3A_372 = arith.constant 0 : i32
          %scatter3A_373 = arith.constant 0 : i32
          %scatter3A_374 = tpu.memref_slice %arg7[%scatter3A, %scatter3A_370, %scatter3A_371, %scatter3A_372, %scatter3A_373] : memref<2x4x4x8x129xf32, #tpu.memory_space<vmem>> -> memref<1x4x4x8x129xf32, #tpu.memory_space<vmem>>
          %scatter3A_375 = tpu.memref_squeeze %scatter3A_374 : memref<1x4x4x8x129xf32, #tpu.memory_space<vmem>> -> memref<4x4x8x129xf32, #tpu.memory_space<vmem>>
          tpu.vector_store_idx %scatter3A_375[%add3A_28, %broadcast_in_dim3A, %select_n3A_48, %broadcast_in_dim3A_362], %get3A_369 : memref<4x4x8x129xf32, #tpu.memory_space<vmem>>[vector<16xi32>, vector<16xi32>, vector<16xi32>, vector<16xi32>], vector<16xf32>,
          %get3A_376 = arith.constant 0 : i32
          %get3A_377 = arith.index_cast %get3A_376 : i32 to index
          %get3A_378 = arith.index_cast %add3A_365 : i32 to index
          %get3A_379 = arith.constant 16 : index
          %get3A_380 = tpu.vector_load %arg6[%get3A_377, %get3A_378, %get3A_379] {strides = array<i32>} : memref<2x512x32xf32, #tpu.memory_space<vmem>>, vector<16xf32>,
          %scatter3A_381 = arith.constant 0 : i32
          %scatter3A_382 = arith.constant 0 : i32
          %scatter3A_383 = arith.constant 0 : i32
          %scatter3A_384 = arith.constant 0 : i32
          %scatter3A_385 = arith.constant 0 : i32
          %scatter3A_386 = tpu.memref_slice %arg7[%scatter3A_381, %scatter3A_382, %scatter3A_383, %scatter3A_384, %scatter3A_385] : memref<2x4x4x8x129xf32, #tpu.memory_space<vmem>> -> memref<1x4x4x8x129xf32, #tpu.memory_space<vmem>>
          %scatter3A_387 = tpu.memref_squeeze %scatter3A_386 : memref<1x4x4x8x129xf32, #tpu.memory_space<vmem>> -> memref<4x4x8x129xf32, #tpu.memory_space<vmem>>
          tpu.vector_store_idx %scatter3A_387[%add3A_82, %broadcast_in_dim3A, %select_n3A_104, %broadcast_in_dim3A_362], %get3A_380 : memref<4x4x8x129xf32, #tpu.memory_space<vmem>>[vector<16xi32>, vector<16xi32>, vector<16xi32>, vector<16xi32>], vector<16xf32>,
          %scan3A_388 = arith.constant 1 : i32
          %scan3A_389 = arith.addi %scan3A_361, %scan3A_388 : i32
          %broadcast_in_dim3A_390 = vector.broadcast %scan3A_389 : i32 to vector<16xi32>
          %mul3A_391 = arith.constant 128 : i32
          %mul3A_392 = arith.muli %scan3A_354, %mul3A_391 : i32
          %add3A_393 = arith.addi %mul3A_392, %scan3A_389 : i32
          %get3A_394 = arith.constant 0 : i32
          %get3A_395 = arith.index_cast %get3A_394 : i32 to index
          %get3A_396 = arith.index_cast %add3A_393 : i32 to index
          %get3A_397 = arith.constant 0 : index
          %get3A_398 = tpu.vector_load %arg6[%get3A_395, %get3A_396, %get3A_397] {strides = array<i32>} : memref<2x512x32xf32, #tpu.memory_space<vmem>>, vector<16xf32>,
          %scatter3A_399 = arith.constant 0 : i32
          %scatter3A_400 = arith.constant 0 : i32
          %scatter3A_401 = arith.constant 0 : i32
          %scatter3A_402 = arith.constant 0 : i32
          %scatter3A_403 = arith.constant 0 : i32
          %scatter3A_404 = tpu.memref_slice %arg7[%scatter3A_399, %scatter3A_400, %scatter3A_401, %scatter3A_402, %scatter3A_403] : memref<2x4x4x8x129xf32, #tpu.memory_space<vmem>> -> memref<1x4x4x8x129xf32, #tpu.memory_space<vmem>>
          %scatter3A_405 = tpu.memref_squeeze %scatter3A_404 : memref<1x4x4x8x129xf32, #tpu.memory_space<vmem>> -> memref<4x4x8x129xf32, #tpu.memory_space<vmem>>
          tpu.vector_store_idx %scatter3A_405[%add3A_28, %broadcast_in_dim3A, %select_n3A_48, %broadcast_in_dim3A_390], %get3A_398 : memref<4x4x8x129xf32, #tpu.memory_space<vmem>>[vector<16xi32>, vector<16xi32>, vector<16xi32>, vector<16xi32>], vector<16xf32>,
          %get3A_406 = arith.constant 0 : i32
          %get3A_407 = arith.index_cast %get3A_406 : i32 to index
          %get3A_408 = arith.index_cast %add3A_393 : i32 to index
          %get3A_409 = arith.constant 16 : index
          %get3A_410 = tpu.vector_load %arg6[%get3A_407, %get3A_408, %get3A_409] {strides = array<i32>} : memref<2x512x32xf32, #tpu.memory_space<vmem>>, vector<16xf32>,
          %scatter3A_411 = arith.constant 0 : i32
          %scatter3A_412 = arith.constant 0 : i32
          %scatter3A_413 = arith.constant 0 : i32
          %scatter3A_414 = arith.constant 0 : i32
          %scatter3A_415 = arith.constant 0 : i32
          %scatter3A_416 = tpu.memref_slice %arg7[%scatter3A_411, %scatter3A_412, %scatter3A_413, %scatter3A_414, %scatter3A_415] : memref<2x4x4x8x129xf32, #tpu.memory_space<vmem>> -> memref<1x4x4x8x129xf32, #tpu.memory_space<vmem>>
          %scatter3A_417 = tpu.memref_squeeze %scatter3A_416 : memref<1x4x4x8x129xf32, #tpu.memory_space<vmem>> -> memref<4x4x8x129xf32, #tpu.memory_space<vmem>>
          tpu.vector_store_idx %scatter3A_417[%add3A_82, %broadcast_in_dim3A, %select_n3A_104, %broadcast_in_dim3A_390], %get3A_410 : memref<4x4x8x129xf32, #tpu.memory_space<vmem>>[vector<16xi32>, vector<16xi32>, vector<16xi32>, vector<16xi32>], vector<16xf32>,
          %scan3A_418 = arith.constant 2 : i32
          %scan3A_419 = arith.addi %scan3A_361, %scan3A_418 : i32
          %broadcast_in_dim3A_420 = vector.broadcast %scan3A_419 : i32 to vector<16xi32>
          %mul3A_421 = arith.constant 128 : i32
          %mul3A_422 = arith.muli %scan3A_354, %mul3A_421 : i32
          %add3A_423 = arith.addi %mul3A_422, %scan3A_419 : i32
          %get3A_424 = arith.constant 0 : i32
          %get3A_425 = arith.index_cast %get3A_424 : i32 to index
          %get3A_426 = arith.index_cast %add3A_423 : i32 to index
          %get3A_427 = arith.constant 0 : index
          %get3A_428 = tpu.vector_load %arg6[%get3A_425, %get3A_426, %get3A_427] {strides = array<i32>} : memref<2x512x32xf32, #tpu.memory_space<vmem>>, vector<16xf32>,
          %scatter3A_429 = arith.constant 0 : i32
          %scatter3A_430 = arith.constant 0 : i32
          %scatter3A_431 = arith.constant 0 : i32
          %scatter3A_432 = arith.constant 0 : i32
          %scatter3A_433 = arith.constant 0 : i32
          %scatter3A_434 = tpu.memref_slice %arg7[%scatter3A_429, %scatter3A_430, %scatter3A_431, %scatter3A_432, %scatter3A_433] : memref<2x4x4x8x129xf32, #tpu.memory_space<vmem>> -> memref<1x4x4x8x129xf32, #tpu.memory_space<vmem>>
          %scatter3A_435 = tpu.memref_squeeze %scatter3A_434 : memref<1x4x4x8x129xf32, #tpu.memory_space<vmem>> -> memref<4x4x8x129xf32, #tpu.memory_space<vmem>>
          tpu.vector_store_idx %scatter3A_435[%add3A_28, %broadcast_in_dim3A, %select_n3A_48, %broadcast_in_dim3A_420], %get3A_428 : memref<4x4x8x129xf32, #tpu.memory_space<vmem>>[vector<16xi32>, vector<16xi32>, vector<16xi32>, vector<16xi32>], vector<16xf32>,
          %get3A_436 = arith.constant 0 : i32
          %get3A_437 = arith.index_cast %get3A_436 : i32 to index
          %get3A_438 = arith.index_cast %add3A_423 : i32 to index
          %get3A_439 = arith.constant 16 : index
          %get3A_440 = tpu.vector_load %arg6[%get3A_437, %get3A_438, %get3A_439] {strides = array<i32>} : memref<2x512x32xf32, #tpu.memory_space<vmem>>, vector<16xf32>,
          %scatter3A_441 = arith.constant 0 : i32
          %scatter3A_442 = arith.constant 0 : i32
          %scatter3A_443 = arith.constant 0 : i32
          %scatter3A_444 = arith.constant 0 : i32
          %scatter3A_445 = arith.constant 0 : i32
          %scatter3A_446 = tpu.memref_slice %arg7[%scatter3A_441, %scatter3A_442, %scatter3A_443, %scatter3A_444, %scatter3A_445] : memref<2x4x4x8x129xf32, #tpu.memory_space<vmem>> -> memref<1x4x4x8x129xf32, #tpu.memory_space<vmem>>
          %scatter3A_447 = tpu.memref_squeeze %scatter3A_446 : memref<1x4x4x8x129xf32, #tpu.memory_space<vmem>> -> memref<4x4x8x129xf32, #tpu.memory_space<vmem>>
          tpu.vector_store_idx %scatter3A_447[%add3A_82, %broadcast_in_dim3A, %select_n3A_104, %broadcast_in_dim3A_420], %get3A_440 : memref<4x4x8x129xf32, #tpu.memory_space<vmem>>[vector<16xi32>, vector<16xi32>, vector<16xi32>, vector<16xi32>], vector<16xf32>,
          %scan3A_448 = arith.constant 3 : i32
          %scan3A_449 = arith.addi %scan3A_361, %scan3A_448 : i32
          %broadcast_in_dim3A_450 = vector.broadcast %scan3A_449 : i32 to vector<16xi32>
          %mul3A_451 = arith.constant 128 : i32
          %mul3A_452 = arith.muli %scan3A_354, %mul3A_451 : i32
          %add3A_453 = arith.addi %mul3A_452, %scan3A_449 : i32
          %get3A_454 = arith.constant 0 : i32
          %get3A_455 = arith.index_cast %get3A_454 : i32 to index
          %get3A_456 = arith.index_cast %add3A_453 : i32 to index
          %get3A_457 = arith.constant 0 : index
          %get3A_458 = tpu.vector_load %arg6[%get3A_455, %get3A_456, %get3A_457] {strides = array<i32>} : memref<2x512x32xf32, #tpu.memory_space<vmem>>, vector<16xf32>,
          %scatter3A_459 = arith.constant 0 : i32
          %scatter3A_460 = arith.constant 0 : i32
          %scatter3A_461 = arith.constant 0 : i32
          %scatter3A_462 = arith.constant 0 : i32
          %scatter3A_463 = arith.constant 0 : i32
          %scatter3A_464 = tpu.memref_slice %arg7[%scatter3A_459, %scatter3A_460, %scatter3A_461, %scatter3A_462, %scatter3A_463] : memref<2x4x4x8x129xf32, #tpu.memory_space<vmem>> -> memref<1x4x4x8x129xf32, #tpu.memory_space<vmem>>
          %scatter3A_465 = tpu.memref_squeeze %scatter3A_464 : memref<1x4x4x8x129xf32, #tpu.memory_space<vmem>> -> memref<4x4x8x129xf32, #tpu.memory_space<vmem>>
          tpu.vector_store_idx %scatter3A_465[%add3A_28, %broadcast_in_dim3A, %select_n3A_48, %broadcast_in_dim3A_450], %get3A_458 : memref<4x4x8x129xf32, #tpu.memory_space<vmem>>[vector<16xi32>, vector<16xi32>, vector<16xi32>, vector<16xi32>], vector<16xf32>,
          %get3A_466 = arith.constant 0 : i32
          %get3A_467 = arith.index_cast %get3A_466 : i32 to index
          %get3A_468 = arith.index_cast %add3A_453 : i32 to index
          %get3A_469 = arith.constant 16 : index
          %get3A_470 = tpu.vector_load %arg6[%get3A_467, %get3A_468, %get3A_469] {strides = array<i32>} : memref<2x512x32xf32, #tpu.memory_space<vmem>>, vector<16xf32>,
          %scatter3A_471 = arith.constant 0 : i32
          %scatter3A_472 = arith.constant 0 : i32
          %scatter3A_473 = arith.constant 0 : i32
          %scatter3A_474 = arith.constant 0 : i32
          %scatter3A_475 = arith.constant 0 : i32
          %scatter3A_476 = tpu.memref_slice %arg7[%scatter3A_471, %scatter3A_472, %scatter3A_473, %scatter3A_474, %scatter3A_475] : memref<2x4x4x8x129xf32, #tpu.memory_space<vmem>> -> memref<1x4x4x8x129xf32, #tpu.memory_space<vmem>>
          %scatter3A_477 = tpu.memref_squeeze %scatter3A_476 : memref<1x4x4x8x129xf32, #tpu.memory_space<vmem>> -> memref<4x4x8x129xf32, #tpu.memory_space<vmem>>
          tpu.vector_store_idx %scatter3A_477[%add3A_82, %broadcast_in_dim3A, %select_n3A_104, %broadcast_in_dim3A_450], %get3A_470 : memref<4x4x8x129xf32, #tpu.memory_space<vmem>>[vector<16xi32>, vector<16xi32>, vector<16xi32>, vector<16xi32>], vector<16xf32>,
          %scan3A_478 = arith.constant 4 : i32
          %scan3A_479 = arith.addi %scan3A_361, %scan3A_478 : i32
          %broadcast_in_dim3A_480 = vector.broadcast %scan3A_479 : i32 to vector<16xi32>
          %mul3A_481 = arith.constant 128 : i32
          %mul3A_482 = arith.muli %scan3A_354, %mul3A_481 : i32
          %add3A_483 = arith.addi %mul3A_482, %scan3A_479 : i32
          %get3A_484 = arith.constant 0 : i32
          %get3A_485 = arith.index_cast %get3A_484 : i32 to index
          %get3A_486 = arith.index_cast %add3A_483 : i32 to index
          %get3A_487 = arith.constant 0 : index
          %get3A_488 = tpu.vector_load %arg6[%get3A_485, %get3A_486, %get3A_487] {strides = array<i32>} : memref<2x512x32xf32, #tpu.memory_space<vmem>>, vector<16xf32>,
          %scatter3A_489 = arith.constant 0 : i32
          %scatter3A_490 = arith.constant 0 : i32
          %scatter3A_491 = arith.constant 0 : i32
          %scatter3A_492 = arith.constant 0 : i32
          %scatter3A_493 = arith.constant 0 : i32
          %scatter3A_494 = tpu.memref_slice %arg7[%scatter3A_489, %scatter3A_490, %scatter3A_491, %scatter3A_492, %scatter3A_493] : memref<2x4x4x8x129xf32, #tpu.memory_space<vmem>> -> memref<1x4x4x8x129xf32, #tpu.memory_space<vmem>>
          %scatter3A_495 = tpu.memref_squeeze %scatter3A_494 : memref<1x4x4x8x129xf32, #tpu.memory_space<vmem>> -> memref<4x4x8x129xf32, #tpu.memory_space<vmem>>
          tpu.vector_store_idx %scatter3A_495[%add3A_28, %broadcast_in_dim3A, %select_n3A_48, %broadcast_in_dim3A_480], %get3A_488 : memref<4x4x8x129xf32, #tpu.memory_space<vmem>>[vector<16xi32>, vector<16xi32>, vector<16xi32>, vector<16xi32>], vector<16xf32>,
          %get3A_496 = arith.constant 0 : i32
          %get3A_497 = arith.index_cast %get3A_496 : i32 to index
          %get3A_498 = arith.index_cast %add3A_483 : i32 to index
          %get3A_499 = arith.constant 16 : index
          %get3A_500 = tpu.vector_load %arg6[%get3A_497, %get3A_498, %get3A_499] {strides = array<i32>} : memref<2x512x32xf32, #tpu.memory_space<vmem>>, vector<16xf32>,
          %scatter3A_501 = arith.constant 0 : i32
          %scatter3A_502 = arith.constant 0 : i32
          %scatter3A_503 = arith.constant 0 : i32
          %scatter3A_504 = arith.constant 0 : i32
          %scatter3A_505 = arith.constant 0 : i32
          %scatter3A_506 = tpu.memref_slice %arg7[%scatter3A_501, %scatter3A_502, %scatter3A_503, %scatter3A_504, %scatter3A_505] : memref<2x4x4x8x129xf32, #tpu.memory_space<vmem>> -> memref<1x4x4x8x129xf32, #tpu.memory_space<vmem>>
          %scatter3A_507 = tpu.memref_squeeze %scatter3A_506 : memref<1x4x4x8x129xf32, #tpu.memory_space<vmem>> -> memref<4x4x8x129xf32, #tpu.memory_space<vmem>>
          tpu.vector_store_idx %scatter3A_507[%add3A_82, %broadcast_in_dim3A, %select_n3A_104, %broadcast_in_dim3A_480], %get3A_500 : memref<4x4x8x129xf32, #tpu.memory_space<vmem>>[vector<16xi32>, vector<16xi32>, vector<16xi32>, vector<16xi32>], vector<16xf32>,
          %scan3A_508 = arith.constant 5 : i32
          %scan3A_509 = arith.addi %scan3A_361, %scan3A_508 : i32
          %broadcast_in_dim3A_510 = vector.broadcast %scan3A_509 : i32 to vector<16xi32>
          %mul3A_511 = arith.constant 128 : i32
          %mul3A_512 = arith.muli %scan3A_354, %mul3A_511 : i32
          %add3A_513 = arith.addi %mul3A_512, %scan3A_509 : i32
          %get3A_514 = arith.constant 0 : i32
          %get3A_515 = arith.index_cast %get3A_514 : i32 to index
          %get3A_516 = arith.index_cast %add3A_513 : i32 to index
          %get3A_517 = arith.constant 0 : index
          %get3A_518 = tpu.vector_load %arg6[%get3A_515, %get3A_516, %get3A_517] {strides = array<i32>} : memref<2x512x32xf32, #tpu.memory_space<vmem>>, vector<16xf32>,
          %scatter3A_519 = arith.constant 0 : i32
          %scatter3A_520 = arith.constant 0 : i32
          %scatter3A_521 = arith.constant 0 : i32
          %scatter3A_522 = arith.constant 0 : i32
          %scatter3A_523 = arith.constant 0 : i32
          %scatter3A_524 = tpu.memref_slice %arg7[%scatter3A_519, %scatter3A_520, %scatter3A_521, %scatter3A_522, %scatter3A_523] : memref<2x4x4x8x129xf32, #tpu.memory_space<vmem>> -> memref<1x4x4x8x129xf32, #tpu.memory_space<vmem>>
          %scatter3A_525 = tpu.memref_squeeze %scatter3A_524 : memref<1x4x4x8x129xf32, #tpu.memory_space<vmem>> -> memref<4x4x8x129xf32, #tpu.memory_space<vmem>>
          tpu.vector_store_idx %scatter3A_525[%add3A_28, %broadcast_in_dim3A, %select_n3A_48, %broadcast_in_dim3A_510], %get3A_518 : memref<4x4x8x129xf32, #tpu.memory_space<vmem>>[vector<16xi32>, vector<16xi32>, vector<16xi32>, vector<16xi32>], vector<16xf32>,
          %get3A_526 = arith.constant 0 : i32
          %get3A_527 = arith.index_cast %get3A_526 : i32 to index
          %get3A_528 = arith.index_cast %add3A_513 : i32 to index
          %get3A_529 = arith.constant 16 : index
          %get3A_530 = tpu.vector_load %arg6[%get3A_527, %get3A_528, %get3A_529] {strides = array<i32>} : memref<2x512x32xf32, #tpu.memory_space<vmem>>, vector<16xf32>,
          %scatter3A_531 = arith.constant 0 : i32
          %scatter3A_532 = arith.constant 0 : i32
          %scatter3A_533 = arith.constant 0 : i32
          %scatter3A_534 = arith.constant 0 : i32
          %scatter3A_535 = arith.constant 0 : i32
          %scatter3A_536 = tpu.memref_slice %arg7[%scatter3A_531, %scatter3A_532, %scatter3A_533, %scatter3A_534, %scatter3A_535] : memref<2x4x4x8x129xf32, #tpu.memory_space<vmem>> -> memref<1x4x4x8x129xf32, #tpu.memory_space<vmem>>
          %scatter3A_537 = tpu.memref_squeeze %scatter3A_536 : memref<1x4x4x8x129xf32, #tpu.memory_space<vmem>> -> memref<4x4x8x129xf32, #tpu.memory_space<vmem>>
          tpu.vector_store_idx %scatter3A_537[%add3A_82, %broadcast_in_dim3A, %select_n3A_104, %broadcast_in_dim3A_510], %get3A_530 : memref<4x4x8x129xf32, #tpu.memory_space<vmem>>[vector<16xi32>, vector<16xi32>, vector<16xi32>, vector<16xi32>], vector<16xf32>,
          %scan3A_538 = arith.constant 6 : i32
          %scan3A_539 = arith.addi %scan3A_361, %scan3A_538 : i32
          %broadcast_in_dim3A_540 = vector.broadcast %scan3A_539 : i32 to vector<16xi32>
          %mul3A_541 = arith.constant 128 : i32
          %mul3A_542 = arith.muli %scan3A_354, %mul3A_541 : i32
          %add3A_543 = arith.addi %mul3A_542, %scan3A_539 : i32
          %get3A_544 = arith.constant 0 : i32
          %get3A_545 = arith.index_cast %get3A_544 : i32 to index
          %get3A_546 = arith.index_cast %add3A_543 : i32 to index
          %get3A_547 = arith.constant 0 : index
          %get3A_548 = tpu.vector_load %arg6[%get3A_545, %get3A_546, %get3A_547] {strides = array<i32>} : memref<2x512x32xf32, #tpu.memory_space<vmem>>, vector<16xf32>,
          %scatter3A_549 = arith.constant 0 : i32
          %scatter3A_550 = arith.constant 0 : i32
          %scatter3A_551 = arith.constant 0 : i32
          %scatter3A_552 = arith.constant 0 : i32
          %scatter3A_553 = arith.constant 0 : i32
          %scatter3A_554 = tpu.memref_slice %arg7[%scatter3A_549, %scatter3A_550, %scatter3A_551, %scatter3A_552, %scatter3A_553] : memref<2x4x4x8x129xf32, #tpu.memory_space<vmem>> -> memref<1x4x4x8x129xf32, #tpu.memory_space<vmem>>
          %scatter3A_555 = tpu.memref_squeeze %scatter3A_554 : memref<1x4x4x8x129xf32, #tpu.memory_space<vmem>> -> memref<4x4x8x129xf32, #tpu.memory_space<vmem>>
          tpu.vector_store_idx %scatter3A_555[%add3A_28, %broadcast_in_dim3A, %select_n3A_48, %broadcast_in_dim3A_540], %get3A_548 : memref<4x4x8x129xf32, #tpu.memory_space<vmem>>[vector<16xi32>, vector<16xi32>, vector<16xi32>, vector<16xi32>], vector<16xf32>,
          %get3A_556 = arith.constant 0 : i32
          %get3A_557 = arith.index_cast %get3A_556 : i32 to index
          %get3A_558 = arith.index_cast %add3A_543 : i32 to index
          %get3A_559 = arith.constant 16 : index
          %get3A_560 = tpu.vector_load %arg6[%get3A_557, %get3A_558, %get3A_559] {strides = array<i32>} : memref<2x512x32xf32, #tpu.memory_space<vmem>>, vector<16xf32>,
          %scatter3A_561 = arith.constant 0 : i32
          %scatter3A_562 = arith.constant 0 : i32
          %scatter3A_563 = arith.constant 0 : i32
          %scatter3A_564 = arith.constant 0 : i32
          %scatter3A_565 = arith.constant 0 : i32
          %scatter3A_566 = tpu.memref_slice %arg7[%scatter3A_561, %scatter3A_562, %scatter3A_563, %scatter3A_564, %scatter3A_565] : memref<2x4x4x8x129xf32, #tpu.memory_space<vmem>> -> memref<1x4x4x8x129xf32, #tpu.memory_space<vmem>>
          %scatter3A_567 = tpu.memref_squeeze %scatter3A_566 : memref<1x4x4x8x129xf32, #tpu.memory_space<vmem>> -> memref<4x4x8x129xf32, #tpu.memory_space<vmem>>
          tpu.vector_store_idx %scatter3A_567[%add3A_82, %broadcast_in_dim3A, %select_n3A_104, %broadcast_in_dim3A_540], %get3A_560 : memref<4x4x8x129xf32, #tpu.memory_space<vmem>>[vector<16xi32>, vector<16xi32>, vector<16xi32>, vector<16xi32>], vector<16xf32>,
          %scan3A_568 = arith.constant 7 : i32
          %scan3A_569 = arith.addi %scan3A_361, %scan3A_568 : i32
          %broadcast_in_dim3A_570 = vector.broadcast %scan3A_569 : i32 to vector<16xi32>
          %mul3A_571 = arith.constant 128 : i32
          %mul3A_572 = arith.muli %scan3A_354, %mul3A_571 : i32
          %add3A_573 = arith.addi %mul3A_572, %scan3A_569 : i32
          %get3A_574 = arith.constant 0 : i32
          %get3A_575 = arith.index_cast %get3A_574 : i32 to index
          %get3A_576 = arith.index_cast %add3A_573 : i32 to index
          %get3A_577 = arith.constant 0 : index
          %get3A_578 = tpu.vector_load %arg6[%get3A_575, %get3A_576, %get3A_577] {strides = array<i32>} : memref<2x512x32xf32, #tpu.memory_space<vmem>>, vector<16xf32>,
          %scatter3A_579 = arith.constant 0 : i32
          %scatter3A_580 = arith.constant 0 : i32
          %scatter3A_581 = arith.constant 0 : i32
          %scatter3A_582 = arith.constant 0 : i32
          %scatter3A_583 = arith.constant 0 : i32
          %scatter3A_584 = tpu.memref_slice %arg7[%scatter3A_579, %scatter3A_580, %scatter3A_581, %scatter3A_582, %scatter3A_583] : memref<2x4x4x8x129xf32, #tpu.memory_space<vmem>> -> memref<1x4x4x8x129xf32, #tpu.memory_space<vmem>>
          %scatter3A_585 = tpu.memref_squeeze %scatter3A_584 : memref<1x4x4x8x129xf32, #tpu.memory_space<vmem>> -> memref<4x4x8x129xf32, #tpu.memory_space<vmem>>
          tpu.vector_store_idx %scatter3A_585[%add3A_28, %broadcast_in_dim3A, %select_n3A_48, %broadcast_in_dim3A_570], %get3A_578 : memref<4x4x8x129xf32, #tpu.memory_space<vmem>>[vector<16xi32>, vector<16xi32>, vector<16xi32>, vector<16xi32>], vector<16xf32>,
          %get3A_586 = arith.constant 0 : i32
          %get3A_587 = arith.index_cast %get3A_586 : i32 to index
          %get3A_588 = arith.index_cast %add3A_573 : i32 to index
          %get3A_589 = arith.constant 16 : index
          %get3A_590 = tpu.vector_load %arg6[%get3A_587, %get3A_588, %get3A_589] {strides = array<i32>} : memref<2x512x32xf32, #tpu.memory_space<vmem>>, vector<16xf32>,
          %scatter3A_591 = arith.constant 0 : i32
          %scatter3A_592 = arith.constant 0 : i32
          %scatter3A_593 = arith.constant 0 : i32
          %scatter3A_594 = arith.constant 0 : i32
          %scatter3A_595 = arith.constant 0 : i32
          %scatter3A_596 = tpu.memref_slice %arg7[%scatter3A_591, %scatter3A_592, %scatter3A_593, %scatter3A_594, %scatter3A_595] : memref<2x4x4x8x129xf32, #tpu.memory_space<vmem>> -> memref<1x4x4x8x129xf32, #tpu.memory_space<vmem>>
          %scatter3A_597 = tpu.memref_squeeze %scatter3A_596 : memref<1x4x4x8x129xf32, #tpu.memory_space<vmem>> -> memref<4x4x8x129xf32, #tpu.memory_space<vmem>>
          tpu.vector_store_idx %scatter3A_597[%add3A_82, %broadcast_in_dim3A, %select_n3A_104, %broadcast_in_dim3A_570], %get3A_590 : memref<4x4x8x129xf32, #tpu.memory_space<vmem>>[vector<16xi32>, vector<16xi32>, vector<16xi32>, vector<16xi32>], vector<16xf32>,
        }
        %scan3A_360 = arith.constant 128 : i32
      }
      %scan3A_243 = arith.constant 4 : i32
      %mul3A_244 = arith.constant 4 : i32
      %mul3A_245 = arith.muli %add3A, %mul3A_244 : i32
      %dma_start3A_246 = arith.constant 0 : i32
      %dma_start3A_247 = arith.constant 0 : i32
      %dma_start3A_248 = arith.constant 0 : i32
      %dma_start3A_249 = arith.constant 0 : i32
      %dma_start3A_250 = arith.constant 0 : i32
      %dma_start3A_251 = arith.constant 0 : i32
      %dma_start3A_252 = tpu.memref_slice %arg7[%dma_start3A_246, %dma_start3A_248, %dma_start3A_249, %dma_start3A_250, %dma_start3A_251] : memref<2x4x4x8x129xf32, #tpu.memory_space<vmem>> -> memref<1x4x4x8x129xf32, #tpu.memory_space<vmem>>
      %dma_start3A_253 = tpu.memref_squeeze %dma_start3A_252 : memref<1x4x4x8x129xf32, #tpu.memory_space<vmem>> -> memref<4x4x8x129xf32, #tpu.memory_space<vmem>>
      %dma_start3A_254 = arith.constant 0 : i32
      %dma_start3A_255 = arith.constant 0 : i32
      %dma_start3A_256 = arith.constant 0 : i32
      %dma_start3A_257 = arith.constant 0 : i32
      %dma_start3A_258 = tpu.memref_slice %dma_start3A_253[%dma_start3A_254, %dma_start3A_255, %dma_start3A_256, %dma_start3A_257] : memref<4x4x8x129xf32, #tpu.memory_space<vmem>> -> memref<4x4x8x128xf32, #tpu.memory_space<vmem>>
      %dma_start3A_259 = arith.constant 0 : i32
      %dma_start3A_260 = arith.constant 0 : i32
      %dma_start3A_261 = arith.constant 0 : i32
      %dma_start3A_262 = tpu.memref_slice %arg4[%add3A_205, %dma_start3A_259, %mul3A_245, %dma_start3A_260, %dma_start3A_261] : memref<50x4x128x8x128xf32, #tpu.memory_space<hbm>> -> memref<1x4x4x8x128xf32, #tpu.memory_space<hbm>>
      %dma_start3A_263 = tpu.memref_squeeze %dma_start3A_262 : memref<1x4x4x8x128xf32, #tpu.memory_space<hbm>> -> memref<4x4x8x128xf32, #tpu.memory_space<hbm>>
      %dma_start3A_264 = tpu.memref_slice %arg9[%dma_start3A_247] : memref<2x!tpu.dma_semaphore, #tpu.memory_space<semaphore_mem>> -> memref<1x!tpu.dma_semaphore, #tpu.memory_space<semaphore_mem>>
      %dma_start3A_265 = tpu.memref_squeeze %dma_start3A_264 : memref<1x!tpu.dma_semaphore, #tpu.memory_space<semaphore_mem>> -> memref<!tpu.dma_semaphore, #tpu.memory_space<semaphore_mem>>
      %dma_start3A_266 = arith.constant 0 : i32
      %dma_start3A_267 = arith.constant 0 : i32
      %dma_start3A_268 = arith.constant 0 : i32
      %dma_start3A_269 = tpu.memref_slice %arg4[%add3A_205, %dma_start3A_266, %mul3A_245, %dma_start3A_267, %dma_start3A_268] : memref<50x4x128x8x128xf32, #tpu.memory_space<hbm>> -> memref<1x4x4x8x128xf32, #tpu.memory_space<hbm>>
      %dma_start3A_270 = tpu.memref_squeeze %dma_start3A_269 : memref<1x4x4x8x128xf32, #tpu.memory_space<hbm>> -> memref<4x4x8x128xf32, #tpu.memory_space<hbm>>
      %dma_start3A_271 = arith.constant 0 : i32
      %dma_start3A_272 = arith.constant 0 : i32
      %dma_start3A_273 = arith.constant 0 : i32
      %dma_start3A_274 = arith.constant 0 : i32
      %dma_start3A_275 = tpu.memref_slice %arg7[%dma_start3A_246, %dma_start3A_271, %dma_start3A_272, %dma_start3A_273, %dma_start3A_274] : memref<2x4x4x8x129xf32, #tpu.memory_space<vmem>> -> memref<1x4x4x8x129xf32, #tpu.memory_space<vmem>>
      %dma_start3A_276 = tpu.memref_squeeze %dma_start3A_275 : memref<1x4x4x8x129xf32, #tpu.memory_space<vmem>> -> memref<4x4x8x129xf32, #tpu.memory_space<vmem>>
      %dma_start3A_277 = arith.constant 0 : i32
      %dma_start3A_278 = arith.constant 0 : i32
      %dma_start3A_279 = arith.constant 0 : i32
      %dma_start3A_280 = arith.constant 0 : i32
      %dma_start3A_281 = tpu.memref_slice %dma_start3A_276[%dma_start3A_277, %dma_start3A_278, %dma_start3A_279, %dma_start3A_280] : memref<4x4x8x129xf32, #tpu.memory_space<vmem>> -> memref<4x4x8x128xf32, #tpu.memory_space<vmem>>
      tpu.enqueue_dma source(%dma_start3A_281 : memref<4x4x8x128xf32, #tpu.memory_space<vmem>>) target(%dma_start3A_270 : memref<4x4x8x128xf32, #tpu.memory_space<hbm>>) target_semaphore(%dma_start3A_265 : memref<!tpu.dma_semaphore, #tpu.memory_space<semaphore_mem>>)
      %mul3A_282 = arith.constant 2 : i32
      %mul3A_283 = arith.muli %mul3A_282, %scan3A_201 : i32
      %add3A_284 = arith.constant 1 : i32
      %add3A_285 = arith.addi %mul3A_283, %add3A_284 : i32
      %dma_wait3A_286 = arith.constant 1 : i32
      %dma_wait3A_287 = arith.constant 1 : i32
      %dma_wait3A_288 = arith.constant 0 : i32
      %dma_wait3A_289 = arith.constant 0 : i32
      %dma_wait3A_290 = tpu.memref_slice %arg6[%dma_wait3A_286, %dma_wait3A_288, %dma_wait3A_289] : memref<2x512x32xf32, #tpu.memory_space<vmem>> -> memref<1x512x32xf32, #tpu.memory_space<vmem>>
      %dma_wait3A_291 = tpu.memref_squeeze %dma_wait3A_290 : memref<1x512x32xf32, #tpu.memory_space<vmem>> -> memref<512x32xf32, #tpu.memory_space<vmem>>
      %dma_wait3A_292 = arith.constant 0 : i32
      %dma_wait3A_293 = tpu.memref_slice %arg5[%add3A_285, %dma_wait3A_292] : memref<50x512xi32, #tpu.memory_space<vmem>> -> memref<1x512xi32, #tpu.memory_space<vmem>>
      %dma_wait3A_294 = tpu.memref_squeeze %dma_wait3A_293 : memref<1x512xi32, #tpu.memory_space<vmem>> -> memref<512xi32, #tpu.memory_space<vmem>>
      %dma_wait3A_295 = arith.constant 0 : i32
      %dma_wait3A_296 = arith.constant 0 : i32
      %dma_wait3A_297 = tpu.memref_slice %arg3[%dma_wait3A_295, %dma_wait3A_296] : memref<1000000x32xf32, #tpu.memory_space<hbm>> -> memref<1000000x32xf32, #tpu.memory_space<hbm>>
      %dma_wait3A_298 = tpu.memref_slice %arg8[%dma_wait3A_287] : memref<2x!tpu.dma_semaphore, #tpu.memory_space<semaphore_mem>> -> memref<1x!tpu.dma_semaphore, #tpu.memory_space<semaphore_mem>>
      %dma_wait3A_299 = tpu.memref_squeeze %dma_wait3A_298 : memref<1x!tpu.dma_semaphore, #tpu.memory_space<semaphore_mem>> -> memref<!tpu.dma_semaphore, #tpu.memory_space<semaphore_mem>>
      tpu.wait_indirect_dma semaphore(%dma_wait3A_299 : memref<!tpu.dma_semaphore, #tpu.memory_space<semaphore_mem>>) src(%dma_wait3A_297 : memref<1000000x32xf32, #tpu.memory_space<hbm>>) dst(%dma_wait3A_291 : memref<512x32xf32, #tpu.memory_space<vmem>>)
      %lt3A_300 = arith.constant 24 : i32
      %lt3A_301 = arith.cmpi slt, %scan3A_201, %lt3A_300 : i32
      %convert_element_type3A_302 = arith.extui %lt3A_301 : i1 to i32
      %cond3A_303 = arith.constant 0 : i32
      %cond3A_304 = arith.cmpi ne, %convert_element_type3A_302, %cond3A_303 : i32
      scf.if %cond3A_304 {
        %add3A_354 = arith.constant 1 : i32
        %add3A_355 = arith.addi %add3A_285, %add3A_354 : i32
        %dma_start3A_356 = arith.constant 0 : i32
        %dma_start3A_357 = arith.constant 0 : i32
        %dma_start3A_358 = arith.constant 0 : i32
        %dma_start3A_359 = arith.constant 0 : i32
        %dma_start3A_360 = tpu.memref_slice %arg6[%dma_start3A_356, %dma_start3A_358, %dma_start3A_359] : memref<2x512x32xf32, #tpu.memory_space<vmem>> -> memref<1x512x32xf32, #tpu.memory_space<vmem>>
        %dma_start3A_361 = tpu.memref_squeeze %dma_start3A_360 : memref<1x512x32xf32, #tpu.memory_space<vmem>> -> memref<512x32xf32, #tpu.memory_space<vmem>>
        %dma_start3A_362 = arith.constant 0 : i32
        %dma_start3A_363 = tpu.memref_slice %arg5[%add3A_355, %dma_start3A_362] : memref<50x512xi32, #tpu.memory_space<vmem>> -> memref<1x512xi32, #tpu.memory_space<vmem>>
        %dma_start3A_364 = tpu.memref_squeeze %dma_start3A_363 : memref<1x512xi32, #tpu.memory_space<vmem>> -> memref<512xi32, #tpu.memory_space<vmem>>
        %dma_start3A_365 = arith.constant 0 : i32
        %dma_start3A_366 = arith.constant 0 : i32
        %dma_start3A_367 = tpu.memref_slice %arg3[%dma_start3A_365, %dma_start3A_366] : memref<1000000x32xf32, #tpu.memory_space<hbm>> -> memref<1000000x32xf32, #tpu.memory_space<hbm>>
        %dma_start3A_368 = tpu.memref_slice %arg8[%dma_start3A_357] : memref<2x!tpu.dma_semaphore, #tpu.memory_space<semaphore_mem>> -> memref<1x!tpu.dma_semaphore, #tpu.memory_space<semaphore_mem>>
        %dma_start3A_369 = tpu.memref_squeeze %dma_start3A_368 : memref<1x!tpu.dma_semaphore, #tpu.memory_space<semaphore_mem>> -> memref<!tpu.dma_semaphore, #tpu.memory_space<semaphore_mem>>
        tpu.enqueue_indirect_dma source(%dma_start3A_367 : memref<1000000x32xf32, #tpu.memory_space<hbm>>) target(%dma_start3A_361 : memref<512x32xf32, #tpu.memory_space<vmem>>) offsets(%dma_start3A_364 : memref<512xi32, #tpu.memory_space<vmem>>) semaphore(%dma_start3A_369 : memref<!tpu.dma_semaphore, #tpu.memory_space<semaphore_mem>>)
      } else {
      }
      %gt3A_305 = arith.constant 0 : i32
      %gt3A_306 = arith.cmpi sgt, %scan3A_201, %gt3A_305 : i32
      %convert_element_type3A_307 = arith.extui %gt3A_306 : i1 to i32
      %cond3A_308 = arith.constant 0 : i32
      %cond3A_309 = arith.cmpi ne, %convert_element_type3A_307, %cond3A_308 : i32
      scf.if %cond3A_309 {
        %sub3A_354 = arith.constant 2 : i32
        %sub3A_355 = arith.subi %add3A_285, %sub3A_354 : i32
        %mul3A_356 = arith.constant 4 : i32
        %mul3A_357 = arith.muli %add3A, %mul3A_356 : i32
        %dma_wait3A_358 = arith.constant 1 : i32
        %dma_wait3A_359 = arith.constant 1 : i32
        %dma_wait3A_360 = arith.constant 0 : i32
        %dma_wait3A_361 = arith.constant 0 : i32
        %dma_wait3A_362 = arith.constant 0 : i32
        %dma_wait3A_363 = arith.constant 0 : i32
        %dma_wait3A_364 = tpu.memref_slice %arg7[%dma_wait3A_358, %dma_wait3A_360, %dma_wait3A_361, %dma_wait3A_362, %dma_wait3A_363] : memref<2x4x4x8x129xf32, #tpu.memory_space<vmem>> -> memref<1x4x4x8x129xf32, #tpu.memory_space<vmem>>
        %dma_wait3A_365 = tpu.memref_squeeze %dma_wait3A_364 : memref<1x4x4x8x129xf32, #tpu.memory_space<vmem>> -> memref<4x4x8x129xf32, #tpu.memory_space<vmem>>
        %dma_wait3A_366 = arith.constant 0 : i32
        %dma_wait3A_367 = arith.constant 0 : i32
        %dma_wait3A_368 = arith.constant 0 : i32
        %dma_wait3A_369 = arith.constant 0 : i32
        %dma_wait3A_370 = tpu.memref_slice %dma_wait3A_365[%dma_wait3A_366, %dma_wait3A_367, %dma_wait3A_368, %dma_wait3A_369] : memref<4x4x8x129xf32, #tpu.memory_space<vmem>> -> memref<4x4x8x128xf32, #tpu.memory_space<vmem>>
        %dma_wait3A_371 = arith.constant 0 : i32
        %dma_wait3A_372 = arith.constant 0 : i32
        %dma_wait3A_373 = arith.constant 0 : i32
        %dma_wait3A_374 = tpu.memref_slice %arg4[%sub3A_355, %dma_wait3A_371, %mul3A_357, %dma_wait3A_372, %dma_wait3A_373] : memref<50x4x128x8x128xf32, #tpu.memory_space<hbm>> -> memref<1x4x4x8x128xf32, #tpu.memory_space<hbm>>
        %dma_wait3A_375 = tpu.memref_squeeze %dma_wait3A_374 : memref<1x4x4x8x128xf32, #tpu.memory_space<hbm>> -> memref<4x4x8x128xf32, #tpu.memory_space<hbm>>
        %dma_wait3A_376 = tpu.memref_slice %arg9[%dma_wait3A_359] : memref<2x!tpu.dma_semaphore, #tpu.memory_space<semaphore_mem>> -> memref<1x!tpu.dma_semaphore, #tpu.memory_space<semaphore_mem>>
        %dma_wait3A_377 = tpu.memref_squeeze %dma_wait3A_376 : memref<1x!tpu.dma_semaphore, #tpu.memory_space<semaphore_mem>> -> memref<!tpu.dma_semaphore, #tpu.memory_space<semaphore_mem>>
        %dma_wait3A_378 = arith.constant 0 : i32
        %dma_wait3A_379 = arith.constant 0 : i32
        %dma_wait3A_380 = arith.constant 0 : i32
        %dma_wait3A_381 = tpu.memref_slice %arg4[%sub3A_355, %dma_wait3A_378, %mul3A_357, %dma_wait3A_379, %dma_wait3A_380] : memref<50x4x128x8x128xf32, #tpu.memory_space<hbm>> -> memref<1x4x4x8x128xf32, #tpu.memory_space<hbm>>
        %dma_wait3A_382 = tpu.memref_squeeze %dma_wait3A_381 : memref<1x4x4x8x128xf32, #tpu.memory_space<hbm>> -> memref<4x4x8x128xf32, #tpu.memory_space<hbm>>
        %dma_wait3A_383 = arith.constant 0 : i32
        %dma_wait3A_384 = arith.constant 0 : i32
        %dma_wait3A_385 = arith.constant 0 : i32
        %dma_wait3A_386 = arith.constant 0 : i32
        %dma_wait3A_387 = tpu.memref_slice %arg7[%dma_wait3A_358, %dma_wait3A_383, %dma_wait3A_384, %dma_wait3A_385, %dma_wait3A_386] : memref<2x4x4x8x129xf32, #tpu.memory_space<vmem>> -> memref<1x4x4x8x129xf32, #tpu.memory_space<vmem>>
        %dma_wait3A_388 = tpu.memref_squeeze %dma_wait3A_387 : memref<1x4x4x8x129xf32, #tpu.memory_space<vmem>> -> memref<4x4x8x129xf32, #tpu.memory_space<vmem>>
        %dma_wait3A_389 = arith.constant 0 : i32
        %dma_wait3A_390 = arith.constant 0 : i32
        %dma_wait3A_391 = arith.constant 0 : i32
        %dma_wait3A_392 = arith.constant 0 : i32
        %dma_wait3A_393 = tpu.memref_slice %dma_wait3A_388[%dma_wait3A_389, %dma_wait3A_390, %dma_wait3A_391, %dma_wait3A_392] : memref<4x4x8x129xf32, #tpu.memory_space<vmem>> -> memref<4x4x8x128xf32, #tpu.memory_space<vmem>>
        tpu.wait_dma2 semaphore(%dma_wait3A_377 : memref<!tpu.dma_semaphore, #tpu.memory_space<semaphore_mem>>) src(%dma_wait3A_393 : memref<4x4x8x128xf32, #tpu.memory_space<vmem>>) dst(%dma_wait3A_382 : memref<4x4x8x128xf32, #tpu.memory_space<hbm>>)
      } else {
      }
      %scan3A_310 = arith.constant 0 : i32
      %scan3A_311 = arith.constant 0 : i32
      %scan3A_312 = arith.constant 4 : i32
      %scan3A_313 = arith.addi %scan3A_311, %scan3A_312 : i32
      %scan3A_314 = arith.constant 1 : i32
      scf.for %scan3A_354 = %scan3A_311 to %scan3A_313 step %scan3A_314  : i32 {
        %broadcast_in_dim3A = vector.broadcast %scan3A_354 : i32 to vector<16xi32>
        %scan3A_355 = arith.constant 0 : i32
        %scan3A_356 = arith.constant 0 : i32
        %scan3A_357 = arith.constant 128 : i32
        %scan3A_358 = arith.addi %scan3A_356, %scan3A_357 : i32
        %scan3A_359 = arith.constant 8 : i32
        scf.for %scan3A_361 = %scan3A_356 to %scan3A_358 step %scan3A_359  : i32 {
          %broadcast_in_dim3A_362 = vector.broadcast %scan3A_361 : i32 to vector<16xi32>
          %mul3A_363 = arith.constant 128 : i32
          %mul3A_364 = arith.muli %scan3A_354, %mul3A_363 : i32
          %add3A_365 = arith.addi %mul3A_364, %scan3A_361 : i32
          %get3A = arith.constant 1 : i32
          %get3A_366 = arith.index_cast %get3A : i32 to index
          %get3A_367 = arith.index_cast %add3A_365 : i32 to index
          %get3A_368 = arith.constant 0 : index
          %get3A_369 = tpu.vector_load %arg6[%get3A_366, %get3A_367, %get3A_368] {strides = array<i32>} : memref<2x512x32xf32, #tpu.memory_space<vmem>>, vector<16xf32>,
          %scatter3A = arith.constant 1 : i32
          %scatter3A_370 = arith.constant 0 : i32
          %scatter3A_371 = arith.constant 0 : i32
          %scatter3A_372 = arith.constant 0 : i32
          %scatter3A_373 = arith.constant 0 : i32
          %scatter3A_374 = tpu.memref_slice %arg7[%scatter3A, %scatter3A_370, %scatter3A_371, %scatter3A_372, %scatter3A_373] : memref<2x4x4x8x129xf32, #tpu.memory_space<vmem>> -> memref<1x4x4x8x129xf32, #tpu.memory_space<vmem>>
          %scatter3A_375 = tpu.memref_squeeze %scatter3A_374 : memref<1x4x4x8x129xf32, #tpu.memory_space<vmem>> -> memref<4x4x8x129xf32, #tpu.memory_space<vmem>>
          tpu.vector_store_idx %scatter3A_375[%add3A_28, %broadcast_in_dim3A, %select_n3A_48, %broadcast_in_dim3A_362], %get3A_369 : memref<4x4x8x129xf32, #tpu.memory_space<vmem>>[vector<16xi32>, vector<16xi32>, vector<16xi32>, vector<16xi32>], vector<16xf32>,
          %get3A_376 = arith.constant 1 : i32
          %get3A_377 = arith.index_cast %get3A_376 : i32 to index
          %get3A_378 = arith.index_cast %add3A_365 : i32 to index
          %get3A_379 = arith.constant 16 : index
          %get3A_380 = tpu.vector_load %arg6[%get3A_377, %get3A_378, %get3A_379] {strides = array<i32>} : memref<2x512x32xf32, #tpu.memory_space<vmem>>, vector<16xf32>,
          %scatter3A_381 = arith.constant 1 : i32
          %scatter3A_382 = arith.constant 0 : i32
          %scatter3A_383 = arith.constant 0 : i32
          %scatter3A_384 = arith.constant 0 : i32
          %scatter3A_385 = arith.constant 0 : i32
          %scatter3A_386 = tpu.memref_slice %arg7[%scatter3A_381, %scatter3A_382, %scatter3A_383, %scatter3A_384, %scatter3A_385] : memref<2x4x4x8x129xf32, #tpu.memory_space<vmem>> -> memref<1x4x4x8x129xf32, #tpu.memory_space<vmem>>
          %scatter3A_387 = tpu.memref_squeeze %scatter3A_386 : memref<1x4x4x8x129xf32, #tpu.memory_space<vmem>> -> memref<4x4x8x129xf32, #tpu.memory_space<vmem>>
          tpu.vector_store_idx %scatter3A_387[%add3A_82, %broadcast_in_dim3A, %select_n3A_104, %broadcast_in_dim3A_362], %get3A_380 : memref<4x4x8x129xf32, #tpu.memory_space<vmem>>[vector<16xi32>, vector<16xi32>, vector<16xi32>, vector<16xi32>], vector<16xf32>,
          %scan3A_388 = arith.constant 1 : i32
          %scan3A_389 = arith.addi %scan3A_361, %scan3A_388 : i32
          %broadcast_in_dim3A_390 = vector.broadcast %scan3A_389 : i32 to vector<16xi32>
          %mul3A_391 = arith.constant 128 : i32
          %mul3A_392 = arith.muli %scan3A_354, %mul3A_391 : i32
          %add3A_393 = arith.addi %mul3A_392, %scan3A_389 : i32
          %get3A_394 = arith.constant 1 : i32
          %get3A_395 = arith.index_cast %get3A_394 : i32 to index
          %get3A_396 = arith.index_cast %add3A_393 : i32 to index
          %get3A_397 = arith.constant 0 : index
          %get3A_398 = tpu.vector_load %arg6[%get3A_395, %get3A_396, %get3A_397] {strides = array<i32>} : memref<2x512x32xf32, #tpu.memory_space<vmem>>, vector<16xf32>,
          %scatter3A_399 = arith.constant 1 : i32
          %scatter3A_400 = arith.constant 0 : i32
          %scatter3A_401 = arith.constant 0 : i32
          %scatter3A_402 = arith.constant 0 : i32
          %scatter3A_403 = arith.constant 0 : i32
          %scatter3A_404 = tpu.memref_slice %arg7[%scatter3A_399, %scatter3A_400, %scatter3A_401, %scatter3A_402, %scatter3A_403] : memref<2x4x4x8x129xf32, #tpu.memory_space<vmem>> -> memref<1x4x4x8x129xf32, #tpu.memory_space<vmem>>
          %scatter3A_405 = tpu.memref_squeeze %scatter3A_404 : memref<1x4x4x8x129xf32, #tpu.memory_space<vmem>> -> memref<4x4x8x129xf32, #tpu.memory_space<vmem>>
          tpu.vector_store_idx %scatter3A_405[%add3A_28, %broadcast_in_dim3A, %select_n3A_48, %broadcast_in_dim3A_390], %get3A_398 : memref<4x4x8x129xf32, #tpu.memory_space<vmem>>[vector<16xi32>, vector<16xi32>, vector<16xi32>, vector<16xi32>], vector<16xf32>,
          %get3A_406 = arith.constant 1 : i32
          %get3A_407 = arith.index_cast %get3A_406 : i32 to index
          %get3A_408 = arith.index_cast %add3A_393 : i32 to index
          %get3A_409 = arith.constant 16 : index
          %get3A_410 = tpu.vector_load %arg6[%get3A_407, %get3A_408, %get3A_409] {strides = array<i32>} : memref<2x512x32xf32, #tpu.memory_space<vmem>>, vector<16xf32>,
          %scatter3A_411 = arith.constant 1 : i32
          %scatter3A_412 = arith.constant 0 : i32
          %scatter3A_413 = arith.constant 0 : i32
          %scatter3A_414 = arith.constant 0 : i32
          %scatter3A_415 = arith.constant 0 : i32
          %scatter3A_416 = tpu.memref_slice %arg7[%scatter3A_411, %scatter3A_412, %scatter3A_413, %scatter3A_414, %scatter3A_415] : memref<2x4x4x8x129xf32, #tpu.memory_space<vmem>> -> memref<1x4x4x8x129xf32, #tpu.memory_space<vmem>>
          %scatter3A_417 = tpu.memref_squeeze %scatter3A_416 : memref<1x4x4x8x129xf32, #tpu.memory_space<vmem>> -> memref<4x4x8x129xf32, #tpu.memory_space<vmem>>
          tpu.vector_store_idx %scatter3A_417[%add3A_82, %broadcast_in_dim3A, %select_n3A_104, %broadcast_in_dim3A_390], %get3A_410 : memref<4x4x8x129xf32, #tpu.memory_space<vmem>>[vector<16xi32>, vector<16xi32>, vector<16xi32>, vector<16xi32>], vector<16xf32>,
          %scan3A_418 = arith.constant 2 : i32
          %scan3A_419 = arith.addi %scan3A_361, %scan3A_418 : i32
          %broadcast_in_dim3A_420 = vector.broadcast %scan3A_419 : i32 to vector<16xi32>
          %mul3A_421 = arith.constant 128 : i32
          %mul3A_422 = arith.muli %scan3A_354, %mul3A_421 : i32
          %add3A_423 = arith.addi %mul3A_422, %scan3A_419 : i32
          %get3A_424 = arith.constant 1 : i32
          %get3A_425 = arith.index_cast %get3A_424 : i32 to index
          %get3A_426 = arith.index_cast %add3A_423 : i32 to index
          %get3A_427 = arith.constant 0 : index
          %get3A_428 = tpu.vector_load %arg6[%get3A_425, %get3A_426, %get3A_427] {strides = array<i32>} : memref<2x512x32xf32, #tpu.memory_space<vmem>>, vector<16xf32>,
          %scatter3A_429 = arith.constant 1 : i32
          %scatter3A_430 = arith.constant 0 : i32
          %scatter3A_431 = arith.constant 0 : i32
          %scatter3A_432 = arith.constant 0 : i32
          %scatter3A_433 = arith.constant 0 : i32
          %scatter3A_434 = tpu.memref_slice %arg7[%scatter3A_429, %scatter3A_430, %scatter3A_431, %scatter3A_432, %scatter3A_433] : memref<2x4x4x8x129xf32, #tpu.memory_space<vmem>> -> memref<1x4x4x8x129xf32, #tpu.memory_space<vmem>>
          %scatter3A_435 = tpu.memref_squeeze %scatter3A_434 : memref<1x4x4x8x129xf32, #tpu.memory_space<vmem>> -> memref<4x4x8x129xf32, #tpu.memory_space<vmem>>
          tpu.vector_store_idx %scatter3A_435[%add3A_28, %broadcast_in_dim3A, %select_n3A_48, %broadcast_in_dim3A_420], %get3A_428 : memref<4x4x8x129xf32, #tpu.memory_space<vmem>>[vector<16xi32>, vector<16xi32>, vector<16xi32>, vector<16xi32>], vector<16xf32>,
          %get3A_436 = arith.constant 1 : i32
          %get3A_437 = arith.index_cast %get3A_436 : i32 to index
          %get3A_438 = arith.index_cast %add3A_423 : i32 to index
          %get3A_439 = arith.constant 16 : index
          %get3A_440 = tpu.vector_load %arg6[%get3A_437, %get3A_438, %get3A_439] {strides = array<i32>} : memref<2x512x32xf32, #tpu.memory_space<vmem>>, vector<16xf32>,
          %scatter3A_441 = arith.constant 1 : i32
          %scatter3A_442 = arith.constant 0 : i32
          %scatter3A_443 = arith.constant 0 : i32
          %scatter3A_444 = arith.constant 0 : i32
          %scatter3A_445 = arith.constant 0 : i32
          %scatter3A_446 = tpu.memref_slice %arg7[%scatter3A_441, %scatter3A_442, %scatter3A_443, %scatter3A_444, %scatter3A_445] : memref<2x4x4x8x129xf32, #tpu.memory_space<vmem>> -> memref<1x4x4x8x129xf32, #tpu.memory_space<vmem>>
          %scatter3A_447 = tpu.memref_squeeze %scatter3A_446 : memref<1x4x4x8x129xf32, #tpu.memory_space<vmem>> -> memref<4x4x8x129xf32, #tpu.memory_space<vmem>>
          tpu.vector_store_idx %scatter3A_447[%add3A_82, %broadcast_in_dim3A, %select_n3A_104, %broadcast_in_dim3A_420], %get3A_440 : memref<4x4x8x129xf32, #tpu.memory_space<vmem>>[vector<16xi32>, vector<16xi32>, vector<16xi32>, vector<16xi32>], vector<16xf32>,
          %scan3A_448 = arith.constant 3 : i32
          %scan3A_449 = arith.addi %scan3A_361, %scan3A_448 : i32
          %broadcast_in_dim3A_450 = vector.broadcast %scan3A_449 : i32 to vector<16xi32>
          %mul3A_451 = arith.constant 128 : i32
          %mul3A_452 = arith.muli %scan3A_354, %mul3A_451 : i32
          %add3A_453 = arith.addi %mul3A_452, %scan3A_449 : i32
          %get3A_454 = arith.constant 1 : i32
          %get3A_455 = arith.index_cast %get3A_454 : i32 to index
          %get3A_456 = arith.index_cast %add3A_453 : i32 to index
          %get3A_457 = arith.constant 0 : index
          %get3A_458 = tpu.vector_load %arg6[%get3A_455, %get3A_456, %get3A_457] {strides = array<i32>} : memref<2x512x32xf32, #tpu.memory_space<vmem>>, vector<16xf32>,
          %scatter3A_459 = arith.constant 1 : i32
          %scatter3A_460 = arith.constant 0 : i32
          %scatter3A_461 = arith.constant 0 : i32
          %scatter3A_462 = arith.constant 0 : i32
          %scatter3A_463 = arith.constant 0 : i32
          %scatter3A_464 = tpu.memref_slice %arg7[%scatter3A_459, %scatter3A_460, %scatter3A_461, %scatter3A_462, %scatter3A_463] : memref<2x4x4x8x129xf32, #tpu.memory_space<vmem>> -> memref<1x4x4x8x129xf32, #tpu.memory_space<vmem>>
          %scatter3A_465 = tpu.memref_squeeze %scatter3A_464 : memref<1x4x4x8x129xf32, #tpu.memory_space<vmem>> -> memref<4x4x8x129xf32, #tpu.memory_space<vmem>>
          tpu.vector_store_idx %scatter3A_465[%add3A_28, %broadcast_in_dim3A, %select_n3A_48, %broadcast_in_dim3A_450], %get3A_458 : memref<4x4x8x129xf32, #tpu.memory_space<vmem>>[vector<16xi32>, vector<16xi32>, vector<16xi32>, vector<16xi32>], vector<16xf32>,
          %get3A_466 = arith.constant 1 : i32
          %get3A_467 = arith.index_cast %get3A_466 : i32 to index
          %get3A_468 = arith.index_cast %add3A_453 : i32 to index
          %get3A_469 = arith.constant 16 : index
          %get3A_470 = tpu.vector_load %arg6[%get3A_467, %get3A_468, %get3A_469] {strides = array<i32>} : memref<2x512x32xf32, #tpu.memory_space<vmem>>, vector<16xf32>,
          %scatter3A_471 = arith.constant 1 : i32
          %scatter3A_472 = arith.constant 0 : i32
          %scatter3A_473 = arith.constant 0 : i32
          %scatter3A_474 = arith.constant 0 : i32
          %scatter3A_475 = arith.constant 0 : i32
          %scatter3A_476 = tpu.memref_slice %arg7[%scatter3A_471, %scatter3A_472, %scatter3A_473, %scatter3A_474, %scatter3A_475] : memref<2x4x4x8x129xf32, #tpu.memory_space<vmem>> -> memref<1x4x4x8x129xf32, #tpu.memory_space<vmem>>
          %scatter3A_477 = tpu.memref_squeeze %scatter3A_476 : memref<1x4x4x8x129xf32, #tpu.memory_space<vmem>> -> memref<4x4x8x129xf32, #tpu.memory_space<vmem>>
          tpu.vector_store_idx %scatter3A_477[%add3A_82, %broadcast_in_dim3A, %select_n3A_104, %broadcast_in_dim3A_450], %get3A_470 : memref<4x4x8x129xf32, #tpu.memory_space<vmem>>[vector<16xi32>, vector<16xi32>, vector<16xi32>, vector<16xi32>], vector<16xf32>,
          %scan3A_478 = arith.constant 4 : i32
          %scan3A_479 = arith.addi %scan3A_361, %scan3A_478 : i32
          %broadcast_in_dim3A_480 = vector.broadcast %scan3A_479 : i32 to vector<16xi32>
          %mul3A_481 = arith.constant 128 : i32
          %mul3A_482 = arith.muli %scan3A_354, %mul3A_481 : i32
          %add3A_483 = arith.addi %mul3A_482, %scan3A_479 : i32
          %get3A_484 = arith.constant 1 : i32
          %get3A_485 = arith.index_cast %get3A_484 : i32 to index
          %get3A_486 = arith.index_cast %add3A_483 : i32 to index
          %get3A_487 = arith.constant 0 : index
          %get3A_488 = tpu.vector_load %arg6[%get3A_485, %get3A_486, %get3A_487] {strides = array<i32>} : memref<2x512x32xf32, #tpu.memory_space<vmem>>, vector<16xf32>,
          %scatter3A_489 = arith.constant 1 : i32
          %scatter3A_490 = arith.constant 0 : i32
          %scatter3A_491 = arith.constant 0 : i32
          %scatter3A_492 = arith.constant 0 : i32
          %scatter3A_493 = arith.constant 0 : i32
          %scatter3A_494 = tpu.memref_slice %arg7[%scatter3A_489, %scatter3A_490, %scatter3A_491, %scatter3A_492, %scatter3A_493] : memref<2x4x4x8x129xf32, #tpu.memory_space<vmem>> -> memref<1x4x4x8x129xf32, #tpu.memory_space<vmem>>
          %scatter3A_495 = tpu.memref_squeeze %scatter3A_494 : memref<1x4x4x8x129xf32, #tpu.memory_space<vmem>> -> memref<4x4x8x129xf32, #tpu.memory_space<vmem>>
          tpu.vector_store_idx %scatter3A_495[%add3A_28, %broadcast_in_dim3A, %select_n3A_48, %broadcast_in_dim3A_480], %get3A_488 : memref<4x4x8x129xf32, #tpu.memory_space<vmem>>[vector<16xi32>, vector<16xi32>, vector<16xi32>, vector<16xi32>], vector<16xf32>,
          %get3A_496 = arith.constant 1 : i32
          %get3A_497 = arith.index_cast %get3A_496 : i32 to index
          %get3A_498 = arith.index_cast %add3A_483 : i32 to index
          %get3A_499 = arith.constant 16 : index
          %get3A_500 = tpu.vector_load %arg6[%get3A_497, %get3A_498, %get3A_499] {strides = array<i32>} : memref<2x512x32xf32, #tpu.memory_space<vmem>>, vector<16xf32>,
          %scatter3A_501 = arith.constant 1 : i32
          %scatter3A_502 = arith.constant 0 : i32
          %scatter3A_503 = arith.constant 0 : i32
          %scatter3A_504 = arith.constant 0 : i32
          %scatter3A_505 = arith.constant 0 : i32
          %scatter3A_506 = tpu.memref_slice %arg7[%scatter3A_501, %scatter3A_502, %scatter3A_503, %scatter3A_504, %scatter3A_505] : memref<2x4x4x8x129xf32, #tpu.memory_space<vmem>> -> memref<1x4x4x8x129xf32, #tpu.memory_space<vmem>>
          %scatter3A_507 = tpu.memref_squeeze %scatter3A_506 : memref<1x4x4x8x129xf32, #tpu.memory_space<vmem>> -> memref<4x4x8x129xf32, #tpu.memory_space<vmem>>
          tpu.vector_store_idx %scatter3A_507[%add3A_82, %broadcast_in_dim3A, %select_n3A_104, %broadcast_in_dim3A_480], %get3A_500 : memref<4x4x8x129xf32, #tpu.memory_space<vmem>>[vector<16xi32>, vector<16xi32>, vector<16xi32>, vector<16xi32>], vector<16xf32>,
          %scan3A_508 = arith.constant 5 : i32
          %scan3A_509 = arith.addi %scan3A_361, %scan3A_508 : i32
          %broadcast_in_dim3A_510 = vector.broadcast %scan3A_509 : i32 to vector<16xi32>
          %mul3A_511 = arith.constant 128 : i32
          %mul3A_512 = arith.muli %scan3A_354, %mul3A_511 : i32
          %add3A_513 = arith.addi %mul3A_512, %scan3A_509 : i32
          %get3A_514 = arith.constant 1 : i32
          %get3A_515 = arith.index_cast %get3A_514 : i32 to index
          %get3A_516 = arith.index_cast %add3A_513 : i32 to index
          %get3A_517 = arith.constant 0 : index
          %get3A_518 = tpu.vector_load %arg6[%get3A_515, %get3A_516, %get3A_517] {strides = array<i32>} : memref<2x512x32xf32, #tpu.memory_space<vmem>>, vector<16xf32>,
          %scatter3A_519 = arith.constant 1 : i32
          %scatter3A_520 = arith.constant 0 : i32
          %scatter3A_521 = arith.constant 0 : i32
          %scatter3A_522 = arith.constant 0 : i32
          %scatter3A_523 = arith.constant 0 : i32
          %scatter3A_524 = tpu.memref_slice %arg7[%scatter3A_519, %scatter3A_520, %scatter3A_521, %scatter3A_522, %scatter3A_523] : memref<2x4x4x8x129xf32, #tpu.memory_space<vmem>> -> memref<1x4x4x8x129xf32, #tpu.memory_space<vmem>>
          %scatter3A_525 = tpu.memref_squeeze %scatter3A_524 : memref<1x4x4x8x129xf32, #tpu.memory_space<vmem>> -> memref<4x4x8x129xf32, #tpu.memory_space<vmem>>
          tpu.vector_store_idx %scatter3A_525[%add3A_28, %broadcast_in_dim3A, %select_n3A_48, %broadcast_in_dim3A_510], %get3A_518 : memref<4x4x8x129xf32, #tpu.memory_space<vmem>>[vector<16xi32>, vector<16xi32>, vector<16xi32>, vector<16xi32>], vector<16xf32>,
          %get3A_526 = arith.constant 1 : i32
          %get3A_527 = arith.index_cast %get3A_526 : i32 to index
          %get3A_528 = arith.index_cast %add3A_513 : i32 to index
          %get3A_529 = arith.constant 16 : index
          %get3A_530 = tpu.vector_load %arg6[%get3A_527, %get3A_528, %get3A_529] {strides = array<i32>} : memref<2x512x32xf32, #tpu.memory_space<vmem>>, vector<16xf32>,
          %scatter3A_531 = arith.constant 1 : i32
          %scatter3A_532 = arith.constant 0 : i32
          %scatter3A_533 = arith.constant 0 : i32
          %scatter3A_534 = arith.constant 0 : i32
          %scatter3A_535 = arith.constant 0 : i32
          %scatter3A_536 = tpu.memref_slice %arg7[%scatter3A_531, %scatter3A_532, %scatter3A_533, %scatter3A_534, %scatter3A_535] : memref<2x4x4x8x129xf32, #tpu.memory_space<vmem>> -> memref<1x4x4x8x129xf32, #tpu.memory_space<vmem>>
          %scatter3A_537 = tpu.memref_squeeze %scatter3A_536 : memref<1x4x4x8x129xf32, #tpu.memory_space<vmem>> -> memref<4x4x8x129xf32, #tpu.memory_space<vmem>>
          tpu.vector_store_idx %scatter3A_537[%add3A_82, %broadcast_in_dim3A, %select_n3A_104, %broadcast_in_dim3A_510], %get3A_530 : memref<4x4x8x129xf32, #tpu.memory_space<vmem>>[vector<16xi32>, vector<16xi32>, vector<16xi32>, vector<16xi32>], vector<16xf32>,
          %scan3A_538 = arith.constant 6 : i32
          %scan3A_539 = arith.addi %scan3A_361, %scan3A_538 : i32
          %broadcast_in_dim3A_540 = vector.broadcast %scan3A_539 : i32 to vector<16xi32>
          %mul3A_541 = arith.constant 128 : i32
          %mul3A_542 = arith.muli %scan3A_354, %mul3A_541 : i32
          %add3A_543 = arith.addi %mul3A_542, %scan3A_539 : i32
          %get3A_544 = arith.constant 1 : i32
          %get3A_545 = arith.index_cast %get3A_544 : i32 to index
          %get3A_546 = arith.index_cast %add3A_543 : i32 to index
          %get3A_547 = arith.constant 0 : index
          %get3A_548 = tpu.vector_load %arg6[%get3A_545, %get3A_546, %get3A_547] {strides = array<i32>} : memref<2x512x32xf32, #tpu.memory_space<vmem>>, vector<16xf32>,
          %scatter3A_549 = arith.constant 1 : i32
          %scatter3A_550 = arith.constant 0 : i32
          %scatter3A_551 = arith.constant 0 : i32
          %scatter3A_552 = arith.constant 0 : i32
          %scatter3A_553 = arith.constant 0 : i32
          %scatter3A_554 = tpu.memref_slice %arg7[%scatter3A_549, %scatter3A_550, %scatter3A_551, %scatter3A_552, %scatter3A_553] : memref<2x4x4x8x129xf32, #tpu.memory_space<vmem>> -> memref<1x4x4x8x129xf32, #tpu.memory_space<vmem>>
          %scatter3A_555 = tpu.memref_squeeze %scatter3A_554 : memref<1x4x4x8x129xf32, #tpu.memory_space<vmem>> -> memref<4x4x8x129xf32, #tpu.memory_space<vmem>>
          tpu.vector_store_idx %scatter3A_555[%add3A_28, %broadcast_in_dim3A, %select_n3A_48, %broadcast_in_dim3A_540], %get3A_548 : memref<4x4x8x129xf32, #tpu.memory_space<vmem>>[vector<16xi32>, vector<16xi32>, vector<16xi32>, vector<16xi32>], vector<16xf32>,
          %get3A_556 = arith.constant 1 : i32
          %get3A_557 = arith.index_cast %get3A_556 : i32 to index
          %get3A_558 = arith.index_cast %add3A_543 : i32 to index
          %get3A_559 = arith.constant 16 : index
          %get3A_560 = tpu.vector_load %arg6[%get3A_557, %get3A_558, %get3A_559] {strides = array<i32>} : memref<2x512x32xf32, #tpu.memory_space<vmem>>, vector<16xf32>,
          %scatter3A_561 = arith.constant 1 : i32
          %scatter3A_562 = arith.constant 0 : i32
          %scatter3A_563 = arith.constant 0 : i32
          %scatter3A_564 = arith.constant 0 : i32
          %scatter3A_565 = arith.constant 0 : i32
          %scatter3A_566 = tpu.memref_slice %arg7[%scatter3A_561, %scatter3A_562, %scatter3A_563, %scatter3A_564, %scatter3A_565] : memref<2x4x4x8x129xf32, #tpu.memory_space<vmem>> -> memref<1x4x4x8x129xf32, #tpu.memory_space<vmem>>
          %scatter3A_567 = tpu.memref_squeeze %scatter3A_566 : memref<1x4x4x8x129xf32, #tpu.memory_space<vmem>> -> memref<4x4x8x129xf32, #tpu.memory_space<vmem>>
          tpu.vector_store_idx %scatter3A_567[%add3A_82, %broadcast_in_dim3A, %select_n3A_104, %broadcast_in_dim3A_540], %get3A_560 : memref<4x4x8x129xf32, #tpu.memory_space<vmem>>[vector<16xi32>, vector<16xi32>, vector<16xi32>, vector<16xi32>], vector<16xf32>,
          %scan3A_568 = arith.constant 7 : i32
          %scan3A_569 = arith.addi %scan3A_361, %scan3A_568 : i32
          %broadcast_in_dim3A_570 = vector.broadcast %scan3A_569 : i32 to vector<16xi32>
          %mul3A_571 = arith.constant 128 : i32
          %mul3A_572 = arith.muli %scan3A_354, %mul3A_571 : i32
          %add3A_573 = arith.addi %mul3A_572, %scan3A_569 : i32
          %get3A_574 = arith.constant 1 : i32
          %get3A_575 = arith.index_cast %get3A_574 : i32 to index
          %get3A_576 = arith.index_cast %add3A_573 : i32 to index
          %get3A_577 = arith.constant 0 : index
          %get3A_578 = tpu.vector_load %arg6[%get3A_575, %get3A_576, %get3A_577] {strides = array<i32>} : memref<2x512x32xf32, #tpu.memory_space<vmem>>, vector<16xf32>,
          %scatter3A_579 = arith.constant 1 : i32
          %scatter3A_580 = arith.constant 0 : i32
          %scatter3A_581 = arith.constant 0 : i32
          %scatter3A_582 = arith.constant 0 : i32
          %scatter3A_583 = arith.constant 0 : i32
          %scatter3A_584 = tpu.memref_slice %arg7[%scatter3A_579, %scatter3A_580, %scatter3A_581, %scatter3A_582, %scatter3A_583] : memref<2x4x4x8x129xf32, #tpu.memory_space<vmem>> -> memref<1x4x4x8x129xf32, #tpu.memory_space<vmem>>
          %scatter3A_585 = tpu.memref_squeeze %scatter3A_584 : memref<1x4x4x8x129xf32, #tpu.memory_space<vmem>> -> memref<4x4x8x129xf32, #tpu.memory_space<vmem>>
          tpu.vector_store_idx %scatter3A_585[%add3A_28, %broadcast_in_dim3A, %select_n3A_48, %broadcast_in_dim3A_570], %get3A_578 : memref<4x4x8x129xf32, #tpu.memory_space<vmem>>[vector<16xi32>, vector<16xi32>, vector<16xi32>, vector<16xi32>], vector<16xf32>,
          %get3A_586 = arith.constant 1 : i32
          %get3A_587 = arith.index_cast %get3A_586 : i32 to index
          %get3A_588 = arith.index_cast %add3A_573 : i32 to index
          %get3A_589 = arith.constant 16 : index
          %get3A_590 = tpu.vector_load %arg6[%get3A_587, %get3A_588, %get3A_589] {strides = array<i32>} : memref<2x512x32xf32, #tpu.memory_space<vmem>>, vector<16xf32>,
          %scatter3A_591 = arith.constant 1 : i32
          %scatter3A_592 = arith.constant 0 : i32
          %scatter3A_593 = arith.constant 0 : i32
          %scatter3A_594 = arith.constant 0 : i32
          %scatter3A_595 = arith.constant 0 : i32
          %scatter3A_596 = tpu.memref_slice %arg7[%scatter3A_591, %scatter3A_592, %scatter3A_593, %scatter3A_594, %scatter3A_595] : memref<2x4x4x8x129xf32, #tpu.memory_space<vmem>> -> memref<1x4x4x8x129xf32, #tpu.memory_space<vmem>>
          %scatter3A_597 = tpu.memref_squeeze %scatter3A_596 : memref<1x4x4x8x129xf32, #tpu.memory_space<vmem>> -> memref<4x4x8x129xf32, #tpu.memory_space<vmem>>
          tpu.vector_store_idx %scatter3A_597[%add3A_82, %broadcast_in_dim3A, %select_n3A_104, %broadcast_in_dim3A_570], %get3A_590 : memref<4x4x8x129xf32, #tpu.memory_space<vmem>>[vector<16xi32>, vector<16xi32>, vector<16xi32>, vector<16xi32>], vector<16xf32>,
        }
        %scan3A_360 = arith.constant 128 : i32
      }
      %scan3A_315 = arith.constant 4 : i32
      %mul3A_316 = arith.constant 4 : i32
      %mul3A_317 = arith.muli %add3A, %mul3A_316 : i32
      %dma_start3A_318 = arith.constant 1 : i32
      %dma_start3A_319 = arith.constant 1 : i32
      %dma_start3A_320 = arith.constant 0 : i32
      %dma_start3A_321 = arith.constant 0 : i32
      %dma_start3A_322 = arith.constant 0 : i32
      %dma_start3A_323 = arith.constant 0 : i32
      %dma_start3A_324 = tpu.memref_slice %arg7[%dma_start3A_318, %dma_start3A_320, %dma_start3A_321, %dma_start3A_322, %dma_start3A_323] : memref<2x4x4x8x129xf32, #tpu.memory_space<vmem>> -> memref<1x4x4x8x129xf32, #tpu.memory_space<vmem>>
      %dma_start3A_325 = tpu.memref_squeeze %dma_start3A_324 : memref<1x4x4x8x129xf32, #tpu.memory_space<vmem>> -> memref<4x4x8x129xf32, #tpu.memory_space<vmem>>
      %dma_start3A_326 = arith.constant 0 : i32
      %dma_start3A_327 = arith.constant 0 : i32
      %dma_start3A_328 = arith.constant 0 : i32
      %dma_start3A_329 = arith.constant 0 : i32
      %dma_start3A_330 = tpu.memref_slice %dma_start3A_325[%dma_start3A_326, %dma_start3A_327, %dma_start3A_328, %dma_start3A_329] : memref<4x4x8x129xf32, #tpu.memory_space<vmem>> -> memref<4x4x8x128xf32, #tpu.memory_space<vmem>>
      %dma_start3A_331 = arith.constant 0 : i32
      %dma_start3A_332 = arith.constant 0 : i32
      %dma_start3A_333 = arith.constant 0 : i32
      %dma_start3A_334 = tpu.memref_slice %arg4[%add3A_285, %dma_start3A_331, %mul3A_317, %dma_start3A_332, %dma_start3A_333] : memref<50x4x128x8x128xf32, #tpu.memory_space<hbm>> -> memref<1x4x4x8x128xf32, #tpu.memory_space<hbm>>
      %dma_start3A_335 = tpu.memref_squeeze %dma_start3A_334 : memref<1x4x4x8x128xf32, #tpu.memory_space<hbm>> -> memref<4x4x8x128xf32, #tpu.memory_space<hbm>>
      %dma_start3A_336 = tpu.memref_slice %arg9[%dma_start3A_319] : memref<2x!tpu.dma_semaphore, #tpu.memory_space<semaphore_mem>> -> memref<1x!tpu.dma_semaphore, #tpu.memory_space<semaphore_mem>>
      %dma_start3A_337 = tpu.memref_squeeze %dma_start3A_336 : memref<1x!tpu.dma_semaphore, #tpu.memory_space<semaphore_mem>> -> memref<!tpu.dma_semaphore, #tpu.memory_space<semaphore_mem>>
      %dma_start3A_338 = arith.constant 0 : i32
      %dma_start3A_339 = arith.constant 0 : i32
      %dma_start3A_340 = arith.constant 0 : i32
      %dma_start3A_341 = tpu.memref_slice %arg4[%add3A_285, %dma_start3A_338, %mul3A_317, %dma_start3A_339, %dma_start3A_340] : memref<50x4x128x8x128xf32, #tpu.memory_space<hbm>> -> memref<1x4x4x8x128xf32, #tpu.memory_space<hbm>>
      %dma_start3A_342 = tpu.memref_squeeze %dma_start3A_341 : memref<1x4x4x8x128xf32, #tpu.memory_space<hbm>> -> memref<4x4x8x128xf32, #tpu.memory_space<hbm>>
      %dma_start3A_343 = arith.constant 0 : i32
      %dma_start3A_344 = arith.constant 0 : i32
      %dma_start3A_345 = arith.constant 0 : i32
      %dma_start3A_346 = arith.constant 0 : i32
      %dma_start3A_347 = tpu.memref_slice %arg7[%dma_start3A_318, %dma_start3A_343, %dma_start3A_344, %dma_start3A_345, %dma_start3A_346] : memref<2x4x4x8x129xf32, #tpu.memory_space<vmem>> -> memref<1x4x4x8x129xf32, #tpu.memory_space<vmem>>
      %dma_start3A_348 = tpu.memref_squeeze %dma_start3A_347 : memref<1x4x4x8x129xf32, #tpu.memory_space<vmem>> -> memref<4x4x8x129xf32, #tpu.memory_space<vmem>>
      %dma_start3A_349 = arith.constant 0 : i32
      %dma_start3A_350 = arith.constant 0 : i32
      %dma_start3A_351 = arith.constant 0 : i32
      %dma_start3A_352 = arith.constant 0 : i32
      %dma_start3A_353 = tpu.memref_slice %dma_start3A_348[%dma_start3A_349, %dma_start3A_350, %dma_start3A_351, %dma_start3A_352] : memref<4x4x8x129xf32, #tpu.memory_space<vmem>> -> memref<4x4x8x128xf32, #tpu.memory_space<vmem>>
      tpu.enqueue_dma source(%dma_start3A_353 : memref<4x4x8x128xf32, #tpu.memory_space<vmem>>) target(%dma_start3A_342 : memref<4x4x8x128xf32, #tpu.memory_space<hbm>>) target_semaphore(%dma_start3A_337 : memref<!tpu.dma_semaphore, #tpu.memory_space<semaphore_mem>>)
    }
    %scan3A_123 = arith.constant 25 : i32
    %mul3A_124 = arith.constant 4 : i32
    %mul3A_125 = arith.muli %add3A, %mul3A_124 : i32
    %dma_wait3A = arith.constant 0 : i32
    %dma_wait3A_126 = arith.constant 48 : i32
    %dma_wait3A_127 = arith.constant 0 : i32
    %dma_wait3A_128 = arith.constant 0 : i32
    %dma_wait3A_129 = arith.constant 0 : i32
    %dma_wait3A_130 = arith.constant 0 : i32
    %dma_wait3A_131 = arith.constant 0 : i32
    %dma_wait3A_132 = tpu.memref_slice %arg7[%dma_wait3A, %dma_wait3A_128, %dma_wait3A_129, %dma_wait3A_130, %dma_wait3A_131] : memref<2x4x4x8x129xf32, #tpu.memory_space<vmem>> -> memref<1x4x4x8x129xf32, #tpu.memory_space<vmem>>
    %dma_wait3A_133 = tpu.memref_squeeze %dma_wait3A_132 : memref<1x4x4x8x129xf32, #tpu.memory_space<vmem>> -> memref<4x4x8x129xf32, #tpu.memory_space<vmem>>
    %dma_wait3A_134 = arith.constant 0 : i32
    %dma_wait3A_135 = arith.constant 0 : i32
    %dma_wait3A_136 = arith.constant 0 : i32
    %dma_wait3A_137 = arith.constant 0 : i32
    %dma_wait3A_138 = tpu.memref_slice %dma_wait3A_133[%dma_wait3A_134, %dma_wait3A_135, %dma_wait3A_136, %dma_wait3A_137] : memref<4x4x8x129xf32, #tpu.memory_space<vmem>> -> memref<4x4x8x128xf32, #tpu.memory_space<vmem>>
    %dma_wait3A_139 = arith.constant 0 : i32
    %dma_wait3A_140 = arith.constant 0 : i32
    %dma_wait3A_141 = arith.constant 0 : i32
    %dma_wait3A_142 = tpu.memref_slice %arg4[%dma_wait3A_126, %dma_wait3A_139, %mul3A_125, %dma_wait3A_140, %dma_wait3A_141] : memref<50x4x128x8x128xf32, #tpu.memory_space<hbm>> -> memref<1x4x4x8x128xf32, #tpu.memory_space<hbm>>
    %dma_wait3A_143 = tpu.memref_squeeze %dma_wait3A_142 : memref<1x4x4x8x128xf32, #tpu.memory_space<hbm>> -> memref<4x4x8x128xf32, #tpu.memory_space<hbm>>
    %dma_wait3A_144 = tpu.memref_slice %arg9[%dma_wait3A_127] : memref<2x!tpu.dma_semaphore, #tpu.memory_space<semaphore_mem>> -> memref<1x!tpu.dma_semaphore, #tpu.memory_space<semaphore_mem>>
    %dma_wait3A_145 = tpu.memref_squeeze %dma_wait3A_144 : memref<1x!tpu.dma_semaphore, #tpu.memory_space<semaphore_mem>> -> memref<!tpu.dma_semaphore, #tpu.memory_space<semaphore_mem>>
    %dma_wait3A_146 = arith.constant 0 : i32
    %dma_wait3A_147 = arith.constant 0 : i32
    %dma_wait3A_148 = arith.constant 0 : i32
    %dma_wait3A_149 = tpu.memref_slice %arg4[%dma_wait3A_126, %dma_wait3A_146, %mul3A_125, %dma_wait3A_147, %dma_wait3A_148] : memref<50x4x128x8x128xf32, #tpu.memory_space<hbm>> -> memref<1x4x4x8x128xf32, #tpu.memory_space<hbm>>
    %dma_wait3A_150 = tpu.memref_squeeze %dma_wait3A_149 : memref<1x4x4x8x128xf32, #tpu.memory_space<hbm>> -> memref<4x4x8x128xf32, #tpu.memory_space<hbm>>
    %dma_wait3A_151 = arith.constant 0 : i32
    %dma_wait3A_152 = arith.constant 0 : i32
    %dma_wait3A_153 = arith.constant 0 : i32
    %dma_wait3A_154 = arith.constant 0 : i32
    %dma_wait3A_155 = tpu.memref_slice %arg7[%dma_wait3A, %dma_wait3A_151, %dma_wait3A_152, %dma_wait3A_153, %dma_wait3A_154] : memref<2x4x4x8x129xf32, #tpu.memory_space<vmem>> -> memref<1x4x4x8x129xf32, #tpu.memory_space<vmem>>
    %dma_wait3A_156 = tpu.memref_squeeze %dma_wait3A_155 : memref<1x4x4x8x129xf32, #tpu.memory_space<vmem>> -> memref<4x4x8x129xf32, #tpu.memory_space<vmem>>
    %dma_wait3A_157 = arith.constant 0 : i32
    %dma_wait3A_158 = arith.constant 0 : i32
    %dma_wait3A_159 = arith.constant 0 : i32
    %dma_wait3A_160 = arith.constant 0 : i32
    %dma_wait3A_161 = tpu.memref_slice %dma_wait3A_156[%dma_wait3A_157, %dma_wait3A_158, %dma_wait3A_159, %dma_wait3A_160] : memref<4x4x8x129xf32, #tpu.memory_space<vmem>> -> memref<4x4x8x128xf32, #tpu.memory_space<vmem>>
    tpu.wait_dma2 semaphore(%dma_wait3A_145 : memref<!tpu.dma_semaphore, #tpu.memory_space<semaphore_mem>>) src(%dma_wait3A_161 : memref<4x4x8x128xf32, #tpu.memory_space<vmem>>) dst(%dma_wait3A_150 : memref<4x4x8x128xf32, #tpu.memory_space<hbm>>)
    %mul3A_162 = arith.constant 4 : i32
    %mul3A_163 = arith.muli %add3A, %mul3A_162 : i32
    %dma_wait3A_164 = arith.constant 1 : i32
    %dma_wait3A_165 = arith.constant 49 : i32
    %dma_wait3A_166 = arith.constant 1 : i32
    %dma_wait3A_167 = arith.constant 0 : i32
    %dma_wait3A_168 = arith.constant 0 : i32
    %dma_wait3A_169 = arith.constant 0 : i32
    %dma_wait3A_170 = arith.constant 0 : i32
    %dma_wait3A_171 = tpu.memref_slice %arg7[%dma_wait3A_164, %dma_wait3A_167, %dma_wait3A_168, %dma_wait3A_169, %dma_wait3A_170] : memref<2x4x4x8x129xf32, #tpu.memory_space<vmem>> -> memref<1x4x4x8x129xf32, #tpu.memory_space<vmem>>
    %dma_wait3A_172 = tpu.memref_squeeze %dma_wait3A_171 : memref<1x4x4x8x129xf32, #tpu.memory_space<vmem>> -> memref<4x4x8x129xf32, #tpu.memory_space<vmem>>
    %dma_wait3A_173 = arith.constant 0 : i32
    %dma_wait3A_174 = arith.constant 0 : i32
    %dma_wait3A_175 = arith.constant 0 : i32
    %dma_wait3A_176 = arith.constant 0 : i32
    %dma_wait3A_177 = tpu.memref_slice %dma_wait3A_172[%dma_wait3A_173, %dma_wait3A_174, %dma_wait3A_175, %dma_wait3A_176] : memref<4x4x8x129xf32, #tpu.memory_space<vmem>> -> memref<4x4x8x128xf32, #tpu.memory_space<vmem>>
    %dma_wait3A_178 = arith.constant 0 : i32
    %dma_wait3A_179 = arith.constant 0 : i32
    %dma_wait3A_180 = arith.constant 0 : i32
    %dma_wait3A_181 = tpu.memref_slice %arg4[%dma_wait3A_165, %dma_wait3A_178, %mul3A_163, %dma_wait3A_179, %dma_wait3A_180] : memref<50x4x128x8x128xf32, #tpu.memory_space<hbm>> -> memref<1x4x4x8x128xf32, #tpu.memory_space<hbm>>
    %dma_wait3A_182 = tpu.memref_squeeze %dma_wait3A_181 : memref<1x4x4x8x128xf32, #tpu.memory_space<hbm>> -> memref<4x4x8x128xf32, #tpu.memory_space<hbm>>
    %dma_wait3A_183 = tpu.memref_slice %arg9[%dma_wait3A_166] : memref<2x!tpu.dma_semaphore, #tpu.memory_space<semaphore_mem>> -> memref<1x!tpu.dma_semaphore, #tpu.memory_space<semaphore_mem>>
    %dma_wait3A_184 = tpu.memref_squeeze %dma_wait3A_183 : memref<1x!tpu.dma_semaphore, #tpu.memory_space<semaphore_mem>> -> memref<!tpu.dma_semaphore, #tpu.memory_space<semaphore_mem>>
    %dma_wait3A_185 = arith.constant 0 : i32
    %dma_wait3A_186 = arith.constant 0 : i32
    %dma_wait3A_187 = arith.constant 0 : i32
    %dma_wait3A_188 = tpu.memref_slice %arg4[%dma_wait3A_165, %dma_wait3A_185, %mul3A_163, %dma_wait3A_186, %dma_wait3A_187] : memref<50x4x128x8x128xf32, #tpu.memory_space<hbm>> -> memref<1x4x4x8x128xf32, #tpu.memory_space<hbm>>
    %dma_wait3A_189 = tpu.memref_squeeze %dma_wait3A_188 : memref<1x4x4x8x128xf32, #tpu.memory_space<hbm>> -> memref<4x4x8x128xf32, #tpu.memory_space<hbm>>
    %dma_wait3A_190 = arith.constant 0 : i32
    %dma_wait3A_191 = arith.constant 0 : i32
    %dma_wait3A_192 = arith.constant 0 : i32
    %dma_wait3A_193 = arith.constant 0 : i32
    %dma_wait3A_194 = tpu.memref_slice %arg7[%dma_wait3A_164, %dma_wait3A_190, %dma_wait3A_191, %dma_wait3A_192, %dma_wait3A_193] : memref<2x4x4x8x129xf32, #tpu.memory_space<vmem>> -> memref<1x4x4x8x129xf32, #tpu.memory_space<vmem>>
    %dma_wait3A_195 = tpu.memref_squeeze %dma_wait3A_194 : memref<1x4x4x8x129xf32, #tpu.memory_space<vmem>> -> memref<4x4x8x129xf32, #tpu.memory_space<vmem>>
    %dma_wait3A_196 = arith.constant 0 : i32
    %dma_wait3A_197 = arith.constant 0 : i32
    %dma_wait3A_198 = arith.constant 0 : i32
    %dma_wait3A_199 = arith.constant 0 : i32
    %dma_wait3A_200 = tpu.memref_slice %dma_wait3A_195[%dma_wait3A_196, %dma_wait3A_197, %dma_wait3A_198, %dma_wait3A_199] : memref<4x4x8x129xf32, #tpu.memory_space<vmem>> -> memref<4x4x8x128xf32, #tpu.memory_space<vmem>>
    tpu.wait_dma2 semaphore(%dma_wait3A_184 : memref<!tpu.dma_semaphore, #tpu.memory_space<semaphore_mem>>) src(%dma_wait3A_200 : memref<4x4x8x128xf32, #tpu.memory_space<vmem>>) dst(%dma_wait3A_189 : memref<4x4x8x128xf32, #tpu.memory_space<hbm>>)
    return
  }
}

#map = affine_map<(d0, d1) -> (0, 0)>
#map1 = affine_map<(d0, d1) -> (0)>
module attributes {stable_mosaic.version = 14 : i64} {
  func.func @k(%arg0: i32, %arg1: i32, %arg2: memref<32x1000000xf32, #tpu.memory_space<hbm>>, %arg3: memref<2048xf32, #tpu.memory_space<hbm>>, %arg4: memref<32000000xf32, #tpu.memory_space<hbm>>, %arg5: memref<2x4x8x128xf32, #tpu.memory_space<vmem>>, %arg6: memref<2x4096xf32, #tpu.memory_space<vmem>>, %arg7: memref<4256xf32, #tpu.memory_space<vmem>>, %arg8: memref<2048xf32, #tpu.memory_space<vmem>>, %arg9: memref<2x!tpu.dma_semaphore, #tpu.memory_space<semaphore_mem>>, %arg10: memref<2x!tpu.dma_semaphore, #tpu.memory_space<semaphore_mem>>) attributes {dimension_semantics = [#tpu.dimension_semantics<core_parallel>, #tpu.dimension_semantics<subcore_parallel>], iteration_bounds = array<i64: 2, 16>, scalar_prefetch = 0 : i64, scratch_operands = 6 : i64, tpu.core_type = #tpu.core_type<sc_vector_subcore>, window_params = [{transform_indices = #map}, {transform_indices = #map1}, {transform_indices = #map1}]} {
    %mul3A = arith.constant 2 : i32
    %mul3A_0 = arith.muli %arg1, %mul3A : i32
    %add3A = arith.addi %mul3A_0, %arg0 : i32
    %iota3A = tpu.iota {dimensions = array<i32: 0>} : vector<16xi32>
    %eq3A = arith.constant 0 : i32
    %eq3A_1 = arith.cmpi eq, %add3A, %eq3A : i32
    %convert_element_type3A = arith.extui %eq3A_1 : i1 to i32
    %cond3A = arith.constant 0 : i32
    %cond3A_2 = arith.cmpi ne, %convert_element_type3A, %cond3A : i32
    scf.if %cond3A_2 {
      "tpu.region"() ({
        %run_scoped3A = tpu.sem_alloc : memref<!tpu.dma_semaphore, #tpu.memory_space<semaphore_mem>>
        tpu.enqueue_dma source(%arg3 : memref<2048xf32, #tpu.memory_space<hbm>>) target(%arg8 : memref<2048xf32, #tpu.memory_space<vmem>>) target_semaphore(%run_scoped3A : memref<!tpu.dma_semaphore, #tpu.memory_space<semaphore_mem>>)
        tpu.wait_dma2 semaphore(%run_scoped3A : memref<!tpu.dma_semaphore, #tpu.memory_space<semaphore_mem>>) src(%arg3 : memref<2048xf32, #tpu.memory_space<hbm>>) dst(%arg8 : memref<2048xf32, #tpu.memory_space<vmem>>)
        tpu.yield
      }) : () -> ()
      "tpu.region"() ({
        %run_scoped3A = tpu.sem_alloc : memref<!tpu.dma_semaphore, #tpu.memory_space<semaphore_mem>>
        %dma_start3A_150 = arith.constant 31997952 : i32
        %dma_start3A_151 = tpu.memref_slice %arg4[%dma_start3A_150] : memref<32000000xf32, #tpu.memory_space<hbm>> -> memref<2048xf32, #tpu.memory_space<hbm>>
        %dma_start3A_152 = arith.constant 31997952 : i32
        %dma_start3A_153 = tpu.memref_slice %arg4[%dma_start3A_152] : memref<32000000xf32, #tpu.memory_space<hbm>> -> memref<2048xf32, #tpu.memory_space<hbm>>
        tpu.enqueue_dma source(%arg8 : memref<2048xf32, #tpu.memory_space<vmem>>) target(%dma_start3A_153 : memref<2048xf32, #tpu.memory_space<hbm>>) target_semaphore(%run_scoped3A : memref<!tpu.dma_semaphore, #tpu.memory_space<semaphore_mem>>)
        %dma_wait3A_154 = arith.constant 31997952 : i32
        %dma_wait3A_155 = tpu.memref_slice %arg4[%dma_wait3A_154] : memref<32000000xf32, #tpu.memory_space<hbm>> -> memref<2048xf32, #tpu.memory_space<hbm>>
        %dma_wait3A_156 = arith.constant 31997952 : i32
        %dma_wait3A_157 = tpu.memref_slice %arg4[%dma_wait3A_156] : memref<32000000xf32, #tpu.memory_space<hbm>> -> memref<2048xf32, #tpu.memory_space<hbm>>
        tpu.wait_dma2 semaphore(%run_scoped3A : memref<!tpu.dma_semaphore, #tpu.memory_space<semaphore_mem>>) src(%arg8 : memref<2048xf32, #tpu.memory_space<vmem>>) dst(%dma_wait3A_157 : memref<2048xf32, #tpu.memory_space<hbm>>)
        tpu.yield
      }) : () -> ()
    } else {
    }
    %mul3A_3 = arith.constant 128 : i32
    %mul3A_4 = arith.muli %add3A, %mul3A_3 : i32
    %mul3A_5 = arith.constant 128 : i32
    %mul3A_6 = arith.muli %add3A, %mul3A_5 : i32
    %mul3A_7 = arith.constant 128 : i32
    %mul3A_8 = arith.muli %add3A, %mul3A_7 : i32
    %mul3A_9 = arith.constant 128 : i32
    %mul3A_10 = arith.muli %add3A, %mul3A_9 : i32
    %dma_start3A = arith.constant 0 : i32
    %dma_start3A_11 = arith.constant 0 : i32
    %dma_start3A_12 = arith.constant 0 : i32
    %dma_start3A_13 = arith.constant 0 : i32
    %dma_start3A_14 = arith.constant 0 : i32
    %dma_start3A_15 = tpu.memref_slice %arg5[%dma_start3A, %dma_start3A_11, %dma_start3A_13, %dma_start3A_14] : memref<2x4x8x128xf32, #tpu.memory_space<vmem>> -> memref<1x1x8x128xf32, #tpu.memory_space<vmem>>
    %dma_start3A_16 = tpu.memref_squeeze %dma_start3A_15 : memref<1x1x8x128xf32, #tpu.memory_space<vmem>> -> memref<8x128xf32, #tpu.memory_space<vmem>>
    %dma_start3A_17 = arith.constant 0 : i32
    %dma_start3A_18 = tpu.memref_slice %arg2[%dma_start3A_17, %mul3A_4] : memref<32x1000000xf32, #tpu.memory_space<hbm>> -> memref<8x128xf32, #tpu.memory_space<hbm>>
    %dma_start3A_19 = tpu.memref_slice %arg9[%dma_start3A_12] : memref<2x!tpu.dma_semaphore, #tpu.memory_space<semaphore_mem>> -> memref<1x!tpu.dma_semaphore, #tpu.memory_space<semaphore_mem>>
    %dma_start3A_20 = tpu.memref_squeeze %dma_start3A_19 : memref<1x!tpu.dma_semaphore, #tpu.memory_space<semaphore_mem>> -> memref<!tpu.dma_semaphore, #tpu.memory_space<semaphore_mem>>
    %dma_start3A_21 = arith.constant 0 : i32
    %dma_start3A_22 = arith.constant 0 : i32
    %dma_start3A_23 = tpu.memref_slice %arg5[%dma_start3A, %dma_start3A_11, %dma_start3A_21, %dma_start3A_22] : memref<2x4x8x128xf32, #tpu.memory_space<vmem>> -> memref<1x1x8x128xf32, #tpu.memory_space<vmem>>
    %dma_start3A_24 = tpu.memref_squeeze %dma_start3A_23 : memref<1x1x8x128xf32, #tpu.memory_space<vmem>> -> memref<8x128xf32, #tpu.memory_space<vmem>>
    %dma_start3A_25 = arith.constant 0 : i32
    %dma_start3A_26 = tpu.memref_slice %arg2[%dma_start3A_25, %mul3A_4] : memref<32x1000000xf32, #tpu.memory_space<hbm>> -> memref<8x128xf32, #tpu.memory_space<hbm>>
    tpu.enqueue_dma source(%dma_start3A_26 : memref<8x128xf32, #tpu.memory_space<hbm>>) target(%dma_start3A_24 : memref<8x128xf32, #tpu.memory_space<vmem>>) target_semaphore(%dma_start3A_20 : memref<!tpu.dma_semaphore, #tpu.memory_space<semaphore_mem>>)
    %dma_start3A_27 = arith.constant 0 : i32
    %dma_start3A_28 = arith.constant 1 : i32
    %dma_start3A_29 = arith.constant 0 : i32
    %dma_start3A_30 = arith.constant 0 : i32
    %dma_start3A_31 = arith.constant 0 : i32
    %dma_start3A_32 = tpu.memref_slice %arg5[%dma_start3A_27, %dma_start3A_28, %dma_start3A_30, %dma_start3A_31] : memref<2x4x8x128xf32, #tpu.memory_space<vmem>> -> memref<1x1x8x128xf32, #tpu.memory_space<vmem>>
    %dma_start3A_33 = tpu.memref_squeeze %dma_start3A_32 : memref<1x1x8x128xf32, #tpu.memory_space<vmem>> -> memref<8x128xf32, #tpu.memory_space<vmem>>
    %dma_start3A_34 = arith.constant 8 : i32
    %dma_start3A_35 = tpu.memref_slice %arg2[%dma_start3A_34, %mul3A_6] : memref<32x1000000xf32, #tpu.memory_space<hbm>> -> memref<8x128xf32, #tpu.memory_space<hbm>>
    %dma_start3A_36 = tpu.memref_slice %arg9[%dma_start3A_29] : memref<2x!tpu.dma_semaphore, #tpu.memory_space<semaphore_mem>> -> memref<1x!tpu.dma_semaphore, #tpu.memory_space<semaphore_mem>>
    %dma_start3A_37 = tpu.memref_squeeze %dma_start3A_36 : memref<1x!tpu.dma_semaphore, #tpu.memory_space<semaphore_mem>> -> memref<!tpu.dma_semaphore, #tpu.memory_space<semaphore_mem>>
    %dma_start3A_38 = arith.constant 0 : i32
    %dma_start3A_39 = arith.constant 0 : i32
    %dma_start3A_40 = tpu.memref_slice %arg5[%dma_start3A_27, %dma_start3A_28, %dma_start3A_38, %dma_start3A_39] : memref<2x4x8x128xf32, #tpu.memory_space<vmem>> -> memref<1x1x8x128xf32, #tpu.memory_space<vmem>>
    %dma_start3A_41 = tpu.memref_squeeze %dma_start3A_40 : memref<1x1x8x128xf32, #tpu.memory_space<vmem>> -> memref<8x128xf32, #tpu.memory_space<vmem>>
    %dma_start3A_42 = arith.constant 8 : i32
    %dma_start3A_43 = tpu.memref_slice %arg2[%dma_start3A_42, %mul3A_6] : memref<32x1000000xf32, #tpu.memory_space<hbm>> -> memref<8x128xf32, #tpu.memory_space<hbm>>
    tpu.enqueue_dma source(%dma_start3A_43 : memref<8x128xf32, #tpu.memory_space<hbm>>) target(%dma_start3A_41 : memref<8x128xf32, #tpu.memory_space<vmem>>) target_semaphore(%dma_start3A_37 : memref<!tpu.dma_semaphore, #tpu.memory_space<semaphore_mem>>)
    %dma_start3A_44 = arith.constant 0 : i32
    %dma_start3A_45 = arith.constant 2 : i32
    %dma_start3A_46 = arith.constant 0 : i32
    %dma_start3A_47 = arith.constant 0 : i32
    %dma_start3A_48 = arith.constant 0 : i32
    %dma_start3A_49 = tpu.memref_slice %arg5[%dma_start3A_44, %dma_start3A_45, %dma_start3A_47, %dma_start3A_48] : memref<2x4x8x128xf32, #tpu.memory_space<vmem>> -> memref<1x1x8x128xf32, #tpu.memory_space<vmem>>
    %dma_start3A_50 = tpu.memref_squeeze %dma_start3A_49 : memref<1x1x8x128xf32, #tpu.memory_space<vmem>> -> memref<8x128xf32, #tpu.memory_space<vmem>>
    %dma_start3A_51 = arith.constant 16 : i32
    %dma_start3A_52 = tpu.memref_slice %arg2[%dma_start3A_51, %mul3A_8] : memref<32x1000000xf32, #tpu.memory_space<hbm>> -> memref<8x128xf32, #tpu.memory_space<hbm>>
    %dma_start3A_53 = tpu.memref_slice %arg9[%dma_start3A_46] : memref<2x!tpu.dma_semaphore, #tpu.memory_space<semaphore_mem>> -> memref<1x!tpu.dma_semaphore, #tpu.memory_space<semaphore_mem>>
    %dma_start3A_54 = tpu.memref_squeeze %dma_start3A_53 : memref<1x!tpu.dma_semaphore, #tpu.memory_space<semaphore_mem>> -> memref<!tpu.dma_semaphore, #tpu.memory_space<semaphore_mem>>
    %dma_start3A_55 = arith.constant 0 : i32
    %dma_start3A_56 = arith.constant 0 : i32
    %dma_start3A_57 = tpu.memref_slice %arg5[%dma_start3A_44, %dma_start3A_45, %dma_start3A_55, %dma_start3A_56] : memref<2x4x8x128xf32, #tpu.memory_space<vmem>> -> memref<1x1x8x128xf32, #tpu.memory_space<vmem>>
    %dma_start3A_58 = tpu.memref_squeeze %dma_start3A_57 : memref<1x1x8x128xf32, #tpu.memory_space<vmem>> -> memref<8x128xf32, #tpu.memory_space<vmem>>
    %dma_start3A_59 = arith.constant 16 : i32
    %dma_start3A_60 = tpu.memref_slice %arg2[%dma_start3A_59, %mul3A_8] : memref<32x1000000xf32, #tpu.memory_space<hbm>> -> memref<8x128xf32, #tpu.memory_space<hbm>>
    tpu.enqueue_dma source(%dma_start3A_60 : memref<8x128xf32, #tpu.memory_space<hbm>>) target(%dma_start3A_58 : memref<8x128xf32, #tpu.memory_space<vmem>>) target_semaphore(%dma_start3A_54 : memref<!tpu.dma_semaphore, #tpu.memory_space<semaphore_mem>>)
    %dma_start3A_61 = arith.constant 0 : i32
    %dma_start3A_62 = arith.constant 3 : i32
    %dma_start3A_63 = arith.constant 0 : i32
    %dma_start3A_64 = arith.constant 0 : i32
    %dma_start3A_65 = arith.constant 0 : i32
    %dma_start3A_66 = tpu.memref_slice %arg5[%dma_start3A_61, %dma_start3A_62, %dma_start3A_64, %dma_start3A_65] : memref<2x4x8x128xf32, #tpu.memory_space<vmem>> -> memref<1x1x8x128xf32, #tpu.memory_space<vmem>>
    %dma_start3A_67 = tpu.memref_squeeze %dma_start3A_66 : memref<1x1x8x128xf32, #tpu.memory_space<vmem>> -> memref<8x128xf32, #tpu.memory_space<vmem>>
    %dma_start3A_68 = arith.constant 24 : i32
    %dma_start3A_69 = tpu.memref_slice %arg2[%dma_start3A_68, %mul3A_10] : memref<32x1000000xf32, #tpu.memory_space<hbm>> -> memref<8x128xf32, #tpu.memory_space<hbm>>
    %dma_start3A_70 = tpu.memref_slice %arg9[%dma_start3A_63] : memref<2x!tpu.dma_semaphore, #tpu.memory_space<semaphore_mem>> -> memref<1x!tpu.dma_semaphore, #tpu.memory_space<semaphore_mem>>
    %dma_start3A_71 = tpu.memref_squeeze %dma_start3A_70 : memref<1x!tpu.dma_semaphore, #tpu.memory_space<semaphore_mem>> -> memref<!tpu.dma_semaphore, #tpu.memory_space<semaphore_mem>>
    %dma_start3A_72 = arith.constant 0 : i32
    %dma_start3A_73 = arith.constant 0 : i32
    %dma_start3A_74 = tpu.memref_slice %arg5[%dma_start3A_61, %dma_start3A_62, %dma_start3A_72, %dma_start3A_73] : memref<2x4x8x128xf32, #tpu.memory_space<vmem>> -> memref<1x1x8x128xf32, #tpu.memory_space<vmem>>
    %dma_start3A_75 = tpu.memref_squeeze %dma_start3A_74 : memref<1x1x8x128xf32, #tpu.memory_space<vmem>> -> memref<8x128xf32, #tpu.memory_space<vmem>>
    %dma_start3A_76 = arith.constant 24 : i32
    %dma_start3A_77 = tpu.memref_slice %arg2[%dma_start3A_76, %mul3A_10] : memref<32x1000000xf32, #tpu.memory_space<hbm>> -> memref<8x128xf32, #tpu.memory_space<hbm>>
    tpu.enqueue_dma source(%dma_start3A_77 : memref<8x128xf32, #tpu.memory_space<hbm>>) target(%dma_start3A_75 : memref<8x128xf32, #tpu.memory_space<vmem>>) target_semaphore(%dma_start3A_71 : memref<!tpu.dma_semaphore, #tpu.memory_space<semaphore_mem>>)
    %scan3A = arith.constant 0 : i32
    %scan3A_78 = arith.constant 0 : i32
    %scan3A_79 = arith.constant 123 : i32
    %scan3A_80 = arith.addi %scan3A_78, %scan3A_79 : i32
    %scan3A_81 = arith.constant 1 : i32
    scf.for %scan3A_150 = %scan3A_78 to %scan3A_80 step %scan3A_81  : i32 {
      %mul3A_151 = arith.constant 2 : i32
      %mul3A_152 = arith.muli %mul3A_151, %scan3A_150 : i32
      %add3A_153 = arith.constant 0 : i32
      %add3A_154 = arith.addi %mul3A_152, %add3A_153 : i32
      %mul3A_155 = arith.constant 32 : i32
      %mul3A_156 = arith.muli %mul3A_155, %add3A_154 : i32
      %add3A_157 = arith.addi %add3A, %mul3A_156 : i32
      %lt3A_158 = arith.constant 7812 : i32
      %lt3A_159 = arith.cmpi slt, %add3A_157, %lt3A_158 : i32
      %convert_element_type3A_160 = arith.extui %lt3A_159 : i1 to i32
      %cond3A_161 = arith.constant 0 : i32
      %cond3A_162 = arith.cmpi ne, %convert_element_type3A_160, %cond3A_161 : i32
      scf.if %cond3A_162 {
        %mul3A_175 = arith.constant 128 : i32
        %mul3A_176 = arith.muli %add3A_157, %mul3A_175 : i32
        %mul3A_177 = arith.constant 128 : i32
        %mul3A_178 = arith.muli %add3A_157, %mul3A_177 : i32
        %mul3A_179 = arith.constant 128 : i32
        %mul3A_180 = arith.muli %add3A_157, %mul3A_179 : i32
        %mul3A_181 = arith.constant 128 : i32
        %mul3A_182 = arith.muli %add3A_157, %mul3A_181 : i32
        %dma_wait3A_183 = arith.constant 0 : i32
        %dma_wait3A_184 = arith.constant 0 : i32
        %dma_wait3A_185 = arith.constant 0 : i32
        %dma_wait3A_186 = arith.constant 0 : i32
        %dma_wait3A_187 = arith.constant 0 : i32
        %dma_wait3A_188 = tpu.memref_slice %arg5[%dma_wait3A_183, %dma_wait3A_184, %dma_wait3A_186, %dma_wait3A_187] : memref<2x4x8x128xf32, #tpu.memory_space<vmem>> -> memref<1x1x8x128xf32, #tpu.memory_space<vmem>>
        %dma_wait3A_189 = tpu.memref_squeeze %dma_wait3A_188 : memref<1x1x8x128xf32, #tpu.memory_space<vmem>> -> memref<8x128xf32, #tpu.memory_space<vmem>>
        %dma_wait3A_190 = arith.constant 0 : i32
        %dma_wait3A_191 = tpu.memref_slice %arg2[%dma_wait3A_190, %mul3A_176] : memref<32x1000000xf32, #tpu.memory_space<hbm>> -> memref<8x128xf32, #tpu.memory_space<hbm>>
        %dma_wait3A_192 = tpu.memref_slice %arg9[%dma_wait3A_185] : memref<2x!tpu.dma_semaphore, #tpu.memory_space<semaphore_mem>> -> memref<1x!tpu.dma_semaphore, #tpu.memory_space<semaphore_mem>>
        %dma_wait3A_193 = tpu.memref_squeeze %dma_wait3A_192 : memref<1x!tpu.dma_semaphore, #tpu.memory_space<semaphore_mem>> -> memref<!tpu.dma_semaphore, #tpu.memory_space<semaphore_mem>>
        %dma_wait3A_194 = arith.constant 0 : i32
        %dma_wait3A_195 = arith.constant 0 : i32
        %dma_wait3A_196 = tpu.memref_slice %arg5[%dma_wait3A_183, %dma_wait3A_184, %dma_wait3A_194, %dma_wait3A_195] : memref<2x4x8x128xf32, #tpu.memory_space<vmem>> -> memref<1x1x8x128xf32, #tpu.memory_space<vmem>>
        %dma_wait3A_197 = tpu.memref_squeeze %dma_wait3A_196 : memref<1x1x8x128xf32, #tpu.memory_space<vmem>> -> memref<8x128xf32, #tpu.memory_space<vmem>>
        %dma_wait3A_198 = arith.constant 0 : i32
        %dma_wait3A_199 = tpu.memref_slice %arg2[%dma_wait3A_198, %mul3A_176] : memref<32x1000000xf32, #tpu.memory_space<hbm>> -> memref<8x128xf32, #tpu.memory_space<hbm>>
        tpu.wait_dma2 semaphore(%dma_wait3A_193 : memref<!tpu.dma_semaphore, #tpu.memory_space<semaphore_mem>>) src(%dma_wait3A_199 : memref<8x128xf32, #tpu.memory_space<hbm>>) dst(%dma_wait3A_197 : memref<8x128xf32, #tpu.memory_space<vmem>>)
        %dma_wait3A_200 = arith.constant 0 : i32
        %dma_wait3A_201 = arith.constant 1 : i32
        %dma_wait3A_202 = arith.constant 0 : i32
        %dma_wait3A_203 = arith.constant 0 : i32
        %dma_wait3A_204 = arith.constant 0 : i32
        %dma_wait3A_205 = tpu.memref_slice %arg5[%dma_wait3A_200, %dma_wait3A_201, %dma_wait3A_203, %dma_wait3A_204] : memref<2x4x8x128xf32, #tpu.memory_space<vmem>> -> memref<1x1x8x128xf32, #tpu.memory_space<vmem>>
        %dma_wait3A_206 = tpu.memref_squeeze %dma_wait3A_205 : memref<1x1x8x128xf32, #tpu.memory_space<vmem>> -> memref<8x128xf32, #tpu.memory_space<vmem>>
        %dma_wait3A_207 = arith.constant 8 : i32
        %dma_wait3A_208 = tpu.memref_slice %arg2[%dma_wait3A_207, %mul3A_178] : memref<32x1000000xf32, #tpu.memory_space<hbm>> -> memref<8x128xf32, #tpu.memory_space<hbm>>
        %dma_wait3A_209 = tpu.memref_slice %arg9[%dma_wait3A_202] : memref<2x!tpu.dma_semaphore, #tpu.memory_space<semaphore_mem>> -> memref<1x!tpu.dma_semaphore, #tpu.memory_space<semaphore_mem>>
        %dma_wait3A_210 = tpu.memref_squeeze %dma_wait3A_209 : memref<1x!tpu.dma_semaphore, #tpu.memory_space<semaphore_mem>> -> memref<!tpu.dma_semaphore, #tpu.memory_space<semaphore_mem>>
        %dma_wait3A_211 = arith.constant 0 : i32
        %dma_wait3A_212 = arith.constant 0 : i32
        %dma_wait3A_213 = tpu.memref_slice %arg5[%dma_wait3A_200, %dma_wait3A_201, %dma_wait3A_211, %dma_wait3A_212] : memref<2x4x8x128xf32, #tpu.memory_space<vmem>> -> memref<1x1x8x128xf32, #tpu.memory_space<vmem>>
        %dma_wait3A_214 = tpu.memref_squeeze %dma_wait3A_213 : memref<1x1x8x128xf32, #tpu.memory_space<vmem>> -> memref<8x128xf32, #tpu.memory_space<vmem>>
        %dma_wait3A_215 = arith.constant 8 : i32
        %dma_wait3A_216 = tpu.memref_slice %arg2[%dma_wait3A_215, %mul3A_178] : memref<32x1000000xf32, #tpu.memory_space<hbm>> -> memref<8x128xf32, #tpu.memory_space<hbm>>
        tpu.wait_dma2 semaphore(%dma_wait3A_210 : memref<!tpu.dma_semaphore, #tpu.memory_space<semaphore_mem>>) src(%dma_wait3A_216 : memref<8x128xf32, #tpu.memory_space<hbm>>) dst(%dma_wait3A_214 : memref<8x128xf32, #tpu.memory_space<vmem>>)
        %dma_wait3A_217 = arith.constant 0 : i32
        %dma_wait3A_218 = arith.constant 2 : i32
        %dma_wait3A_219 = arith.constant 0 : i32
        %dma_wait3A_220 = arith.constant 0 : i32
        %dma_wait3A_221 = arith.constant 0 : i32
        %dma_wait3A_222 = tpu.memref_slice %arg5[%dma_wait3A_217, %dma_wait3A_218, %dma_wait3A_220, %dma_wait3A_221] : memref<2x4x8x128xf32, #tpu.memory_space<vmem>> -> memref<1x1x8x128xf32, #tpu.memory_space<vmem>>
        %dma_wait3A_223 = tpu.memref_squeeze %dma_wait3A_222 : memref<1x1x8x128xf32, #tpu.memory_space<vmem>> -> memref<8x128xf32, #tpu.memory_space<vmem>>
        %dma_wait3A_224 = arith.constant 16 : i32
        %dma_wait3A_225 = tpu.memref_slice %arg2[%dma_wait3A_224, %mul3A_180] : memref<32x1000000xf32, #tpu.memory_space<hbm>> -> memref<8x128xf32, #tpu.memory_space<hbm>>
        %dma_wait3A_226 = tpu.memref_slice %arg9[%dma_wait3A_219] : memref<2x!tpu.dma_semaphore, #tpu.memory_space<semaphore_mem>> -> memref<1x!tpu.dma_semaphore, #tpu.memory_space<semaphore_mem>>
        %dma_wait3A_227 = tpu.memref_squeeze %dma_wait3A_226 : memref<1x!tpu.dma_semaphore, #tpu.memory_space<semaphore_mem>> -> memref<!tpu.dma_semaphore, #tpu.memory_space<semaphore_mem>>
        %dma_wait3A_228 = arith.constant 0 : i32
        %dma_wait3A_229 = arith.constant 0 : i32
        %dma_wait3A_230 = tpu.memref_slice %arg5[%dma_wait3A_217, %dma_wait3A_218, %dma_wait3A_228, %dma_wait3A_229] : memref<2x4x8x128xf32, #tpu.memory_space<vmem>> -> memref<1x1x8x128xf32, #tpu.memory_space<vmem>>
        %dma_wait3A_231 = tpu.memref_squeeze %dma_wait3A_230 : memref<1x1x8x128xf32, #tpu.memory_space<vmem>> -> memref<8x128xf32, #tpu.memory_space<vmem>>
        %dma_wait3A_232 = arith.constant 16 : i32
        %dma_wait3A_233 = tpu.memref_slice %arg2[%dma_wait3A_232, %mul3A_180] : memref<32x1000000xf32, #tpu.memory_space<hbm>> -> memref<8x128xf32, #tpu.memory_space<hbm>>
        tpu.wait_dma2 semaphore(%dma_wait3A_227 : memref<!tpu.dma_semaphore, #tpu.memory_space<semaphore_mem>>) src(%dma_wait3A_233 : memref<8x128xf32, #tpu.memory_space<hbm>>) dst(%dma_wait3A_231 : memref<8x128xf32, #tpu.memory_space<vmem>>)
        %dma_wait3A_234 = arith.constant 0 : i32
        %dma_wait3A_235 = arith.constant 3 : i32
        %dma_wait3A_236 = arith.constant 0 : i32
        %dma_wait3A_237 = arith.constant 0 : i32
        %dma_wait3A_238 = arith.constant 0 : i32
        %dma_wait3A_239 = tpu.memref_slice %arg5[%dma_wait3A_234, %dma_wait3A_235, %dma_wait3A_237, %dma_wait3A_238] : memref<2x4x8x128xf32, #tpu.memory_space<vmem>> -> memref<1x1x8x128xf32, #tpu.memory_space<vmem>>
        %dma_wait3A_240 = tpu.memref_squeeze %dma_wait3A_239 : memref<1x1x8x128xf32, #tpu.memory_space<vmem>> -> memref<8x128xf32, #tpu.memory_space<vmem>>
        %dma_wait3A_241 = arith.constant 24 : i32
        %dma_wait3A_242 = tpu.memref_slice %arg2[%dma_wait3A_241, %mul3A_182] : memref<32x1000000xf32, #tpu.memory_space<hbm>> -> memref<8x128xf32, #tpu.memory_space<hbm>>
        %dma_wait3A_243 = tpu.memref_slice %arg9[%dma_wait3A_236] : memref<2x!tpu.dma_semaphore, #tpu.memory_space<semaphore_mem>> -> memref<1x!tpu.dma_semaphore, #tpu.memory_space<semaphore_mem>>
        %dma_wait3A_244 = tpu.memref_squeeze %dma_wait3A_243 : memref<1x!tpu.dma_semaphore, #tpu.memory_space<semaphore_mem>> -> memref<!tpu.dma_semaphore, #tpu.memory_space<semaphore_mem>>
        %dma_wait3A_245 = arith.constant 0 : i32
        %dma_wait3A_246 = arith.constant 0 : i32
        %dma_wait3A_247 = tpu.memref_slice %arg5[%dma_wait3A_234, %dma_wait3A_235, %dma_wait3A_245, %dma_wait3A_246] : memref<2x4x8x128xf32, #tpu.memory_space<vmem>> -> memref<1x1x8x128xf32, #tpu.memory_space<vmem>>
        %dma_wait3A_248 = tpu.memref_squeeze %dma_wait3A_247 : memref<1x1x8x128xf32, #tpu.memory_space<vmem>> -> memref<8x128xf32, #tpu.memory_space<vmem>>
        %dma_wait3A_249 = arith.constant 24 : i32
        %dma_wait3A_250 = tpu.memref_slice %arg2[%dma_wait3A_249, %mul3A_182] : memref<32x1000000xf32, #tpu.memory_space<hbm>> -> memref<8x128xf32, #tpu.memory_space<hbm>>
        tpu.wait_dma2 semaphore(%dma_wait3A_244 : memref<!tpu.dma_semaphore, #tpu.memory_space<semaphore_mem>>) src(%dma_wait3A_250 : memref<8x128xf32, #tpu.memory_space<hbm>>) dst(%dma_wait3A_248 : memref<8x128xf32, #tpu.memory_space<vmem>>)
        %add3A_251 = arith.constant 32 : i32
        %add3A_252 = arith.addi %add3A_157, %add3A_251 : i32
        %lt3A_253 = arith.constant 7812 : i32
        %lt3A_254 = arith.cmpi slt, %add3A_252, %lt3A_253 : i32
        %convert_element_type3A_255 = arith.extui %lt3A_254 : i1 to i32
        %cond3A_256 = arith.constant 0 : i32
        %cond3A_257 = arith.cmpi ne, %convert_element_type3A_255, %cond3A_256 : i32
        scf.if %cond3A_257 {
          %mul3A_290 = arith.constant 128 : i32
          %mul3A_291 = arith.muli %add3A_252, %mul3A_290 : i32
          %mul3A_292 = arith.constant 128 : i32
          %mul3A_293 = arith.muli %add3A_252, %mul3A_292 : i32
          %mul3A_294 = arith.constant 128 : i32
          %mul3A_295 = arith.muli %add3A_252, %mul3A_294 : i32
          %mul3A_296 = arith.constant 128 : i32
          %mul3A_297 = arith.muli %add3A_252, %mul3A_296 : i32
          %dma_start3A_298 = arith.constant 1 : i32
          %dma_start3A_299 = arith.constant 0 : i32
          %dma_start3A_300 = arith.constant 1 : i32
          %dma_start3A_301 = arith.constant 0 : i32
          %dma_start3A_302 = arith.constant 0 : i32
          %dma_start3A_303 = tpu.memref_slice %arg5[%dma_start3A_298, %dma_start3A_299, %dma_start3A_301, %dma_start3A_302] : memref<2x4x8x128xf32, #tpu.memory_space<vmem>> -> memref<1x1x8x128xf32, #tpu.memory_space<vmem>>
          %dma_start3A_304 = tpu.memref_squeeze %dma_start3A_303 : memref<1x1x8x128xf32, #tpu.memory_space<vmem>> -> memref<8x128xf32, #tpu.memory_space<vmem>>
          %dma_start3A_305 = arith.constant 0 : i32
          %dma_start3A_306 = tpu.memref_slice %arg2[%dma_start3A_305, %mul3A_291] : memref<32x1000000xf32, #tpu.memory_space<hbm>> -> memref<8x128xf32, #tpu.memory_space<hbm>>
          %dma_start3A_307 = tpu.memref_slice %arg9[%dma_start3A_300] : memref<2x!tpu.dma_semaphore, #tpu.memory_space<semaphore_mem>> -> memref<1x!tpu.dma_semaphore, #tpu.memory_space<semaphore_mem>>
          %dma_start3A_308 = tpu.memref_squeeze %dma_start3A_307 : memref<1x!tpu.dma_semaphore, #tpu.memory_space<semaphore_mem>> -> memref<!tpu.dma_semaphore, #tpu.memory_space<semaphore_mem>>
          %dma_start3A_309 = arith.constant 0 : i32
          %dma_start3A_310 = arith.constant 0 : i32
          %dma_start3A_311 = tpu.memref_slice %arg5[%dma_start3A_298, %dma_start3A_299, %dma_start3A_309, %dma_start3A_310] : memref<2x4x8x128xf32, #tpu.memory_space<vmem>> -> memref<1x1x8x128xf32, #tpu.memory_space<vmem>>
          %dma_start3A_312 = tpu.memref_squeeze %dma_start3A_311 : memref<1x1x8x128xf32, #tpu.memory_space<vmem>> -> memref<8x128xf32, #tpu.memory_space<vmem>>
          %dma_start3A_313 = arith.constant 0 : i32
          %dma_start3A_314 = tpu.memref_slice %arg2[%dma_start3A_313, %mul3A_291] : memref<32x1000000xf32, #tpu.memory_space<hbm>> -> memref<8x128xf32, #tpu.memory_space<hbm>>
          tpu.enqueue_dma source(%dma_start3A_314 : memref<8x128xf32, #tpu.memory_space<hbm>>) target(%dma_start3A_312 : memref<8x128xf32, #tpu.memory_space<vmem>>) target_semaphore(%dma_start3A_308 : memref<!tpu.dma_semaphore, #tpu.memory_space<semaphore_mem>>)
          %dma_start3A_315 = arith.constant 1 : i32
          %dma_start3A_316 = arith.constant 1 : i32
          %dma_start3A_317 = arith.constant 1 : i32
          %dma_start3A_318 = arith.constant 0 : i32
          %dma_start3A_319 = arith.constant 0 : i32
          %dma_start3A_320 = tpu.memref_slice %arg5[%dma_start3A_315, %dma_start3A_316, %dma_start3A_318, %dma_start3A_319] : memref<2x4x8x128xf32, #tpu.memory_space<vmem>> -> memref<1x1x8x128xf32, #tpu.memory_space<vmem>>
          %dma_start3A_321 = tpu.memref_squeeze %dma_start3A_320 : memref<1x1x8x128xf32, #tpu.memory_space<vmem>> -> memref<8x128xf32, #tpu.memory_space<vmem>>
          %dma_start3A_322 = arith.constant 8 : i32
          %dma_start3A_323 = tpu.memref_slice %arg2[%dma_start3A_322, %mul3A_293] : memref<32x1000000xf32, #tpu.memory_space<hbm>> -> memref<8x128xf32, #tpu.memory_space<hbm>>
          %dma_start3A_324 = tpu.memref_slice %arg9[%dma_start3A_317] : memref<2x!tpu.dma_semaphore, #tpu.memory_space<semaphore_mem>> -> memref<1x!tpu.dma_semaphore, #tpu.memory_space<semaphore_mem>>
          %dma_start3A_325 = tpu.memref_squeeze %dma_start3A_324 : memref<1x!tpu.dma_semaphore, #tpu.memory_space<semaphore_mem>> -> memref<!tpu.dma_semaphore, #tpu.memory_space<semaphore_mem>>
          %dma_start3A_326 = arith.constant 0 : i32
          %dma_start3A_327 = arith.constant 0 : i32
          %dma_start3A_328 = tpu.memref_slice %arg5[%dma_start3A_315, %dma_start3A_316, %dma_start3A_326, %dma_start3A_327] : memref<2x4x8x128xf32, #tpu.memory_space<vmem>> -> memref<1x1x8x128xf32, #tpu.memory_space<vmem>>
          %dma_start3A_329 = tpu.memref_squeeze %dma_start3A_328 : memref<1x1x8x128xf32, #tpu.memory_space<vmem>> -> memref<8x128xf32, #tpu.memory_space<vmem>>
          %dma_start3A_330 = arith.constant 8 : i32
          %dma_start3A_331 = tpu.memref_slice %arg2[%dma_start3A_330, %mul3A_293] : memref<32x1000000xf32, #tpu.memory_space<hbm>> -> memref<8x128xf32, #tpu.memory_space<hbm>>
          tpu.enqueue_dma source(%dma_start3A_331 : memref<8x128xf32, #tpu.memory_space<hbm>>) target(%dma_start3A_329 : memref<8x128xf32, #tpu.memory_space<vmem>>) target_semaphore(%dma_start3A_325 : memref<!tpu.dma_semaphore, #tpu.memory_space<semaphore_mem>>)
          %dma_start3A_332 = arith.constant 1 : i32
          %dma_start3A_333 = arith.constant 2 : i32
          %dma_start3A_334 = arith.constant 1 : i32
          %dma_start3A_335 = arith.constant 0 : i32
          %dma_start3A_336 = arith.constant 0 : i32
          %dma_start3A_337 = tpu.memref_slice %arg5[%dma_start3A_332, %dma_start3A_333, %dma_start3A_335, %dma_start3A_336] : memref<2x4x8x128xf32, #tpu.memory_space<vmem>> -> memref<1x1x8x128xf32, #tpu.memory_space<vmem>>
          %dma_start3A_338 = tpu.memref_squeeze %dma_start3A_337 : memref<1x1x8x128xf32, #tpu.memory_space<vmem>> -> memref<8x128xf32, #tpu.memory_space<vmem>>
          %dma_start3A_339 = arith.constant 16 : i32
          %dma_start3A_340 = tpu.memref_slice %arg2[%dma_start3A_339, %mul3A_295] : memref<32x1000000xf32, #tpu.memory_space<hbm>> -> memref<8x128xf32, #tpu.memory_space<hbm>>
          %dma_start3A_341 = tpu.memref_slice %arg9[%dma_start3A_334] : memref<2x!tpu.dma_semaphore, #tpu.memory_space<semaphore_mem>> -> memref<1x!tpu.dma_semaphore, #tpu.memory_space<semaphore_mem>>
          %dma_start3A_342 = tpu.memref_squeeze %dma_start3A_341 : memref<1x!tpu.dma_semaphore, #tpu.memory_space<semaphore_mem>> -> memref<!tpu.dma_semaphore, #tpu.memory_space<semaphore_mem>>
          %dma_start3A_343 = arith.constant 0 : i32
          %dma_start3A_344 = arith.constant 0 : i32
          %dma_start3A_345 = tpu.memref_slice %arg5[%dma_start3A_332, %dma_start3A_333, %dma_start3A_343, %dma_start3A_344] : memref<2x4x8x128xf32, #tpu.memory_space<vmem>> -> memref<1x1x8x128xf32, #tpu.memory_space<vmem>>
          %dma_start3A_346 = tpu.memref_squeeze %dma_start3A_345 : memref<1x1x8x128xf32, #tpu.memory_space<vmem>> -> memref<8x128xf32, #tpu.memory_space<vmem>>
          %dma_start3A_347 = arith.constant 16 : i32
          %dma_start3A_348 = tpu.memref_slice %arg2[%dma_start3A_347, %mul3A_295] : memref<32x1000000xf32, #tpu.memory_space<hbm>> -> memref<8x128xf32, #tpu.memory_space<hbm>>
          tpu.enqueue_dma source(%dma_start3A_348 : memref<8x128xf32, #tpu.memory_space<hbm>>) target(%dma_start3A_346 : memref<8x128xf32, #tpu.memory_space<vmem>>) target_semaphore(%dma_start3A_342 : memref<!tpu.dma_semaphore, #tpu.memory_space<semaphore_mem>>)
          %dma_start3A_349 = arith.constant 1 : i32
          %dma_start3A_350 = arith.constant 3 : i32
          %dma_start3A_351 = arith.constant 1 : i32
          %dma_start3A_352 = arith.constant 0 : i32
          %dma_start3A_353 = arith.constant 0 : i32
          %dma_start3A_354 = tpu.memref_slice %arg5[%dma_start3A_349, %dma_start3A_350, %dma_start3A_352, %dma_start3A_353] : memref<2x4x8x128xf32, #tpu.memory_space<vmem>> -> memref<1x1x8x128xf32, #tpu.memory_space<vmem>>
          %dma_start3A_355 = tpu.memref_squeeze %dma_start3A_354 : memref<1x1x8x128xf32, #tpu.memory_space<vmem>> -> memref<8x128xf32, #tpu.memory_space<vmem>>
          %dma_start3A_356 = arith.constant 24 : i32
          %dma_start3A_357 = tpu.memref_slice %arg2[%dma_start3A_356, %mul3A_297] : memref<32x1000000xf32, #tpu.memory_space<hbm>> -> memref<8x128xf32, #tpu.memory_space<hbm>>
          %dma_start3A_358 = tpu.memref_slice %arg9[%dma_start3A_351] : memref<2x!tpu.dma_semaphore, #tpu.memory_space<semaphore_mem>> -> memref<1x!tpu.dma_semaphore, #tpu.memory_space<semaphore_mem>>
          %dma_start3A_359 = tpu.memref_squeeze %dma_start3A_358 : memref<1x!tpu.dma_semaphore, #tpu.memory_space<semaphore_mem>> -> memref<!tpu.dma_semaphore, #tpu.memory_space<semaphore_mem>>
          %dma_start3A_360 = arith.constant 0 : i32
          %dma_start3A_361 = arith.constant 0 : i32
          %dma_start3A_362 = tpu.memref_slice %arg5[%dma_start3A_349, %dma_start3A_350, %dma_start3A_360, %dma_start3A_361] : memref<2x4x8x128xf32, #tpu.memory_space<vmem>> -> memref<1x1x8x128xf32, #tpu.memory_space<vmem>>
          %dma_start3A_363 = tpu.memref_squeeze %dma_start3A_362 : memref<1x1x8x128xf32, #tpu.memory_space<vmem>> -> memref<8x128xf32, #tpu.memory_space<vmem>>
          %dma_start3A_364 = arith.constant 24 : i32
          %dma_start3A_365 = tpu.memref_slice %arg2[%dma_start3A_364, %mul3A_297] : memref<32x1000000xf32, #tpu.memory_space<hbm>> -> memref<8x128xf32, #tpu.memory_space<hbm>>
          tpu.enqueue_dma source(%dma_start3A_365 : memref<8x128xf32, #tpu.memory_space<hbm>>) target(%dma_start3A_363 : memref<8x128xf32, #tpu.memory_space<vmem>>) target_semaphore(%dma_start3A_359 : memref<!tpu.dma_semaphore, #tpu.memory_space<semaphore_mem>>)
        } else {
        }
        %ge3A = arith.constant 2 : i32
        %ge3A_258 = arith.cmpi sge, %add3A_154, %ge3A : i32
        %convert_element_type3A_259 = arith.extui %ge3A_258 : i1 to i32
        %cond3A_260 = arith.constant 0 : i32
        %cond3A_261 = arith.cmpi ne, %convert_element_type3A_259, %cond3A_260 : i32
        scf.if %cond3A_261 {
          %sub3A_290 = arith.constant 64 : i32
          %sub3A_291 = arith.subi %add3A_157, %sub3A_290 : i32
          %mul3A_292 = arith.constant 128 : i32
          %mul3A_293 = arith.muli %sub3A_291, %mul3A_292 : i32
          %mul3A_294 = arith.constant 32 : i32
          %mul3A_295 = arith.muli %mul3A_293, %mul3A_294 : i32
          %dma_wait3A_296 = arith.constant 0 : i32
          %dma_wait3A_297 = arith.constant 0 : i32
          %dma_wait3A_298 = arith.constant 0 : i32
          %dma_wait3A_299 = tpu.memref_slice %arg6[%dma_wait3A_296, %dma_wait3A_298] : memref<2x4096xf32, #tpu.memory_space<vmem>> -> memref<1x4096xf32, #tpu.memory_space<vmem>>
          %dma_wait3A_300 = tpu.memref_squeeze %dma_wait3A_299 : memref<1x4096xf32, #tpu.memory_space<vmem>> -> memref<4096xf32, #tpu.memory_space<vmem>>
          %dma_wait3A_301 = tpu.memref_slice %arg4[%mul3A_295] : memref<32000000xf32, #tpu.memory_space<hbm>> -> memref<4096xf32, #tpu.memory_space<hbm>>
          %dma_wait3A_302 = tpu.memref_slice %arg10[%dma_wait3A_297] : memref<2x!tpu.dma_semaphore, #tpu.memory_space<semaphore_mem>> -> memref<1x!tpu.dma_semaphore, #tpu.memory_space<semaphore_mem>>
          %dma_wait3A_303 = tpu.memref_squeeze %dma_wait3A_302 : memref<1x!tpu.dma_semaphore, #tpu.memory_space<semaphore_mem>> -> memref<!tpu.dma_semaphore, #tpu.memory_space<semaphore_mem>>
          %dma_wait3A_304 = tpu.memref_slice %arg4[%mul3A_295] : memref<32000000xf32, #tpu.memory_space<hbm>> -> memref<4096xf32, #tpu.memory_space<hbm>>
          %dma_wait3A_305 = arith.constant 0 : i32
          %dma_wait3A_306 = tpu.memref_slice %arg6[%dma_wait3A_296, %dma_wait3A_305] : memref<2x4096xf32, #tpu.memory_space<vmem>> -> memref<1x4096xf32, #tpu.memory_space<vmem>>
          %dma_wait3A_307 = tpu.memref_squeeze %dma_wait3A_306 : memref<1x4096xf32, #tpu.memory_space<vmem>> -> memref<4096xf32, #tpu.memory_space<vmem>>
          tpu.wait_dma2 semaphore(%dma_wait3A_303 : memref<!tpu.dma_semaphore, #tpu.memory_space<semaphore_mem>>) src(%dma_wait3A_307 : memref<4096xf32, #tpu.memory_space<vmem>>) dst(%dma_wait3A_304 : memref<4096xf32, #tpu.memory_space<hbm>>)
        } else {
        }
        %scan3A_262 = arith.constant 0 : i32
        %scan3A_263 = arith.constant 0 : i32
        %scan3A_264 = arith.constant 256 : i32
        %scan3A_265 = arith.addi %scan3A_263, %scan3A_264 : i32
        %scan3A_266 = arith.constant 8 : i32
        scf.for %scan3A_290 = %scan3A_263 to %scan3A_265 step %scan3A_266  : i32 {
          %jit3A_291 = arith.constant 64 : i32
          %div3A_292 = arith.divsi %scan3A_290, %jit3A_291 : i32
          %sign3A_293 = arith.constant 0 : i32
          %sign3A_294 = arith.cmpi sgt, %scan3A_290, %sign3A_293 : i32
          %sign3A_295 = arith.extui %sign3A_294 : i1 to i32
          %sign3A_296 = arith.constant 0 : i32
          %sign3A_297 = arith.cmpi slt, %scan3A_290, %sign3A_296 : i32
          %sign3A_298 = arith.extui %sign3A_297 : i1 to i32
          %sign3A_299 = arith.subi %sign3A_295, %sign3A_298 : i32
          %sign3A_300 = arith.constant 0 : i32
          %sign3A_301 = arith.cmpi sgt, %jit3A_291, %sign3A_300 : i32
          %sign3A_302 = arith.extui %sign3A_301 : i1 to i32
          %sign3A_303 = arith.constant 0 : i32
          %sign3A_304 = arith.cmpi slt, %jit3A_291, %sign3A_303 : i32
          %sign3A_305 = arith.extui %sign3A_304 : i1 to i32
          %sign3A_306 = arith.subi %sign3A_302, %sign3A_305 : i32
          %ne3A_307 = arith.cmpi ne, %sign3A_299, %sign3A_306 : i32
          %rem3A_308 = arith.remsi %scan3A_290, %jit3A_291 : i32
          %ne3A_309 = arith.constant 0 : i32
          %ne3A_310 = arith.cmpi ne, %rem3A_308, %ne3A_309 : i32
          %and3A_311 = arith.andi %ne3A_307, %ne3A_310 : i1
          %sub3A_312 = arith.constant 1 : i32
          %sub3A_313 = arith.subi %div3A_292, %sub3A_312 : i32
          %select_n3A_314 = arith.select %and3A_311, %sub3A_313, %div3A_292 : i32
          %jit3A_315 = arith.constant 8 : i32
          %div3A_316 = arith.divsi %scan3A_290, %jit3A_315 : i32
          %sign3A_317 = arith.constant 0 : i32
          %sign3A_318 = arith.cmpi sgt, %scan3A_290, %sign3A_317 : i32
          %sign3A_319 = arith.extui %sign3A_318 : i1 to i32
          %sign3A_320 = arith.constant 0 : i32
          %sign3A_321 = arith.cmpi slt, %scan3A_290, %sign3A_320 : i32
          %sign3A_322 = arith.extui %sign3A_321 : i1 to i32
          %sign3A_323 = arith.subi %sign3A_319, %sign3A_322 : i32
          %sign3A_324 = arith.constant 0 : i32
          %sign3A_325 = arith.cmpi sgt, %jit3A_315, %sign3A_324 : i32
          %sign3A_326 = arith.extui %sign3A_325 : i1 to i32
          %sign3A_327 = arith.constant 0 : i32
          %sign3A_328 = arith.cmpi slt, %jit3A_315, %sign3A_327 : i32
          %sign3A_329 = arith.extui %sign3A_328 : i1 to i32
          %sign3A_330 = arith.subi %sign3A_326, %sign3A_329 : i32
          %ne3A_331 = arith.cmpi ne, %sign3A_323, %sign3A_330 : i32
          %rem3A_332 = arith.remsi %scan3A_290, %jit3A_315 : i32
          %ne3A_333 = arith.constant 0 : i32
          %ne3A_334 = arith.cmpi ne, %rem3A_332, %ne3A_333 : i32
          %and3A_335 = arith.andi %ne3A_331, %ne3A_334 : i1
          %sub3A_336 = arith.constant 1 : i32
          %sub3A_337 = arith.subi %div3A_316, %sub3A_336 : i32
          %select_n3A_338 = arith.select %and3A_335, %sub3A_337, %div3A_316 : i32
          %jit3A_339 = arith.constant 8 : i32
          %eq3A_340 = arith.constant 0 : i32
          %eq3A_341 = arith.cmpi eq, %jit3A_339, %eq3A_340 : i32
          %jit3A_342 = arith.constant 1 : i32
          %select_n3A_343 = arith.select %eq3A_341, %jit3A_342, %jit3A_339 : i32
          %rem3A_344 = arith.remsi %select_n3A_338, %select_n3A_343 : i32
          %ne3A_345 = arith.constant 0 : i32
          %ne3A_346 = arith.cmpi ne, %rem3A_344, %ne3A_345 : i32
          %lt3A_347 = arith.constant 0 : i32
          %lt3A_348 = arith.cmpi slt, %rem3A_344, %lt3A_347 : i32
          %lt3A_349 = arith.constant 0 : i32
          %lt3A_350 = arith.cmpi slt, %select_n3A_343, %lt3A_349 : i32
          %ne3A_351 = arith.xori %lt3A_348, %lt3A_350 : i1
          %and3A_352 = arith.andi %ne3A_351, %ne3A_346 : i1
          %add3A_353 = arith.addi %rem3A_344, %select_n3A_343 : i32
          %select_n3A_354 = arith.select %and3A_352, %add3A_353, %rem3A_344 : i32
          %jit3A_355 = arith.constant 8 : i32
          %eq3A_356 = arith.constant 0 : i32
          %eq3A_357 = arith.cmpi eq, %jit3A_355, %eq3A_356 : i32
          %jit3A_358 = arith.constant 1 : i32
          %select_n3A_359 = arith.select %eq3A_357, %jit3A_358, %jit3A_355 : i32
          %rem3A_360 = arith.remsi %scan3A_290, %select_n3A_359 : i32
          %ne3A_361 = arith.constant 0 : i32
          %ne3A_362 = arith.cmpi ne, %rem3A_360, %ne3A_361 : i32
          %lt3A_363 = arith.constant 0 : i32
          %lt3A_364 = arith.cmpi slt, %rem3A_360, %lt3A_363 : i32
          %lt3A_365 = arith.constant 0 : i32
          %lt3A_366 = arith.cmpi slt, %select_n3A_359, %lt3A_365 : i32
          %ne3A_367 = arith.xori %lt3A_364, %lt3A_366 : i1
          %and3A_368 = arith.andi %ne3A_367, %ne3A_362 : i1
          %add3A_369 = arith.addi %rem3A_360, %select_n3A_359 : i32
          %select_n3A_370 = arith.select %and3A_368, %add3A_369, %rem3A_360 : i32
          %mul3A_371 = arith.constant 16 : i32
          %mul3A_372 = arith.muli %select_n3A_370, %mul3A_371 : i32
          %mul3A_373 = arith.constant 8 : i32
          %mul3A_374 = arith.muli %select_n3A_314, %mul3A_373 : i32
          %add3A_375 = arith.addi %mul3A_374, %select_n3A_354 : i32
          %get3A = arith.constant 0 : i32
          %get3A_376 = arith.index_cast %get3A : i32 to index
          %get3A_377 = arith.index_cast %select_n3A_314 : i32 to index
          %get3A_378 = arith.index_cast %select_n3A_354 : i32 to index
          %get3A_379 = arith.index_cast %mul3A_372 : i32 to index
          %get3A_380 = tpu.vector_load %arg5[%get3A_376, %get3A_377, %get3A_378, %get3A_379] {strides = array<i32>} : memref<2x4x8x128xf32, #tpu.memory_space<vmem>>, vector<16xf32>,
          %add3A_381 = vector.broadcast %mul3A_372 : i32 to vector<16xi32>
          %add3A_382 = arith.addi %add3A_381, %iota3A : vector<16xi32>
          %mul3A_383 = arith.constant 33 : i32
          %mul3A_384 = vector.broadcast %mul3A_383 : i32 to vector<16xi32>
          %mul3A_385 = arith.muli %add3A_382, %mul3A_384 : vector<16xi32>
          %add3A_386 = vector.broadcast %add3A_375 : i32 to vector<16xi32>
          %add3A_387 = arith.addi %mul3A_385, %add3A_386 : vector<16xi32>
          tpu.vector_store_idx %arg7[%add3A_387], %get3A_380 : memref<4256xf32, #tpu.memory_space<vmem>>[vector<16xi32>], vector<16xf32>,
          %scan3A_388 = arith.constant 1 : i32
          %scan3A_389 = arith.addi %scan3A_290, %scan3A_388 : i32
          %jit3A_390 = arith.constant 64 : i32
          %div3A_391 = arith.divsi %scan3A_389, %jit3A_390 : i32
          %sign3A_392 = arith.constant 0 : i32
          %sign3A_393 = arith.cmpi sgt, %scan3A_389, %sign3A_392 : i32
          %sign3A_394 = arith.extui %sign3A_393 : i1 to i32
          %sign3A_395 = arith.constant 0 : i32
          %sign3A_396 = arith.cmpi slt, %scan3A_389, %sign3A_395 : i32
          %sign3A_397 = arith.extui %sign3A_396 : i1 to i32
          %sign3A_398 = arith.subi %sign3A_394, %sign3A_397 : i32
          %sign3A_399 = arith.constant 0 : i32
          %sign3A_400 = arith.cmpi sgt, %jit3A_390, %sign3A_399 : i32
          %sign3A_401 = arith.extui %sign3A_400 : i1 to i32
          %sign3A_402 = arith.constant 0 : i32
          %sign3A_403 = arith.cmpi slt, %jit3A_390, %sign3A_402 : i32
          %sign3A_404 = arith.extui %sign3A_403 : i1 to i32
          %sign3A_405 = arith.subi %sign3A_401, %sign3A_404 : i32
          %ne3A_406 = arith.cmpi ne, %sign3A_398, %sign3A_405 : i32
          %rem3A_407 = arith.remsi %scan3A_389, %jit3A_390 : i32
          %ne3A_408 = arith.constant 0 : i32
          %ne3A_409 = arith.cmpi ne, %rem3A_407, %ne3A_408 : i32
          %and3A_410 = arith.andi %ne3A_406, %ne3A_409 : i1
          %sub3A_411 = arith.constant 1 : i32
          %sub3A_412 = arith.subi %div3A_391, %sub3A_411 : i32
          %select_n3A_413 = arith.select %and3A_410, %sub3A_412, %div3A_391 : i32
          %jit3A_414 = arith.constant 8 : i32
          %div3A_415 = arith.divsi %scan3A_389, %jit3A_414 : i32
          %sign3A_416 = arith.constant 0 : i32
          %sign3A_417 = arith.cmpi sgt, %scan3A_389, %sign3A_416 : i32
          %sign3A_418 = arith.extui %sign3A_417 : i1 to i32
          %sign3A_419 = arith.constant 0 : i32
          %sign3A_420 = arith.cmpi slt, %scan3A_389, %sign3A_419 : i32
          %sign3A_421 = arith.extui %sign3A_420 : i1 to i32
          %sign3A_422 = arith.subi %sign3A_418, %sign3A_421 : i32
          %sign3A_423 = arith.constant 0 : i32
          %sign3A_424 = arith.cmpi sgt, %jit3A_414, %sign3A_423 : i32
          %sign3A_425 = arith.extui %sign3A_424 : i1 to i32
          %sign3A_426 = arith.constant 0 : i32
          %sign3A_427 = arith.cmpi slt, %jit3A_414, %sign3A_426 : i32
          %sign3A_428 = arith.extui %sign3A_427 : i1 to i32
          %sign3A_429 = arith.subi %sign3A_425, %sign3A_428 : i32
          %ne3A_430 = arith.cmpi ne, %sign3A_422, %sign3A_429 : i32
          %rem3A_431 = arith.remsi %scan3A_389, %jit3A_414 : i32
          %ne3A_432 = arith.constant 0 : i32
          %ne3A_433 = arith.cmpi ne, %rem3A_431, %ne3A_432 : i32
          %and3A_434 = arith.andi %ne3A_430, %ne3A_433 : i1
          %sub3A_435 = arith.constant 1 : i32
          %sub3A_436 = arith.subi %div3A_415, %sub3A_435 : i32
          %select_n3A_437 = arith.select %and3A_434, %sub3A_436, %div3A_415 : i32
          %jit3A_438 = arith.constant 8 : i32
          %eq3A_439 = arith.constant 0 : i32
          %eq3A_440 = arith.cmpi eq, %jit3A_438, %eq3A_439 : i32
          %jit3A_441 = arith.constant 1 : i32
          %select_n3A_442 = arith.select %eq3A_440, %jit3A_441, %jit3A_438 : i32
          %rem3A_443 = arith.remsi %select_n3A_437, %select_n3A_442 : i32
          %ne3A_444 = arith.constant 0 : i32
          %ne3A_445 = arith.cmpi ne, %rem3A_443, %ne3A_444 : i32
          %lt3A_446 = arith.constant 0 : i32
          %lt3A_447 = arith.cmpi slt, %rem3A_443, %lt3A_446 : i32
          %lt3A_448 = arith.constant 0 : i32
          %lt3A_449 = arith.cmpi slt, %select_n3A_442, %lt3A_448 : i32
          %ne3A_450 = arith.xori %lt3A_447, %lt3A_449 : i1
          %and3A_451 = arith.andi %ne3A_450, %ne3A_445 : i1
          %add3A_452 = arith.addi %rem3A_443, %select_n3A_442 : i32
          %select_n3A_453 = arith.select %and3A_451, %add3A_452, %rem3A_443 : i32
          %jit3A_454 = arith.constant 8 : i32
          %eq3A_455 = arith.constant 0 : i32
          %eq3A_456 = arith.cmpi eq, %jit3A_454, %eq3A_455 : i32
          %jit3A_457 = arith.constant 1 : i32
          %select_n3A_458 = arith.select %eq3A_456, %jit3A_457, %jit3A_454 : i32
          %rem3A_459 = arith.remsi %scan3A_389, %select_n3A_458 : i32
          %ne3A_460 = arith.constant 0 : i32
          %ne3A_461 = arith.cmpi ne, %rem3A_459, %ne3A_460 : i32
          %lt3A_462 = arith.constant 0 : i32
          %lt3A_463 = arith.cmpi slt, %rem3A_459, %lt3A_462 : i32
          %lt3A_464 = arith.constant 0 : i32
          %lt3A_465 = arith.cmpi slt, %select_n3A_458, %lt3A_464 : i32
          %ne3A_466 = arith.xori %lt3A_463, %lt3A_465 : i1
          %and3A_467 = arith.andi %ne3A_466, %ne3A_461 : i1
          %add3A_468 = arith.addi %rem3A_459, %select_n3A_458 : i32
          %select_n3A_469 = arith.select %and3A_467, %add3A_468, %rem3A_459 : i32
          %mul3A_470 = arith.constant 16 : i32
          %mul3A_471 = arith.muli %select_n3A_469, %mul3A_470 : i32
          %mul3A_472 = arith.constant 8 : i32
          %mul3A_473 = arith.muli %select_n3A_413, %mul3A_472 : i32
          %add3A_474 = arith.addi %mul3A_473, %select_n3A_453 : i32
          %get3A_475 = arith.constant 0 : i32
          %get3A_476 = arith.index_cast %get3A_475 : i32 to index
          %get3A_477 = arith.index_cast %select_n3A_413 : i32 to index
          %get3A_478 = arith.index_cast %select_n3A_453 : i32 to index
          %get3A_479 = arith.index_cast %mul3A_471 : i32 to index
          %get3A_480 = tpu.vector_load %arg5[%get3A_476, %get3A_477, %get3A_478, %get3A_479] {strides = array<i32>} : memref<2x4x8x128xf32, #tpu.memory_space<vmem>>, vector<16xf32>,
          %add3A_481 = vector.broadcast %mul3A_471 : i32 to vector<16xi32>
          %add3A_482 = arith.addi %add3A_481, %iota3A : vector<16xi32>
          %mul3A_483 = arith.constant 33 : i32
          %mul3A_484 = vector.broadcast %mul3A_483 : i32 to vector<16xi32>
          %mul3A_485 = arith.muli %add3A_482, %mul3A_484 : vector<16xi32>
          %add3A_486 = vector.broadcast %add3A_474 : i32 to vector<16xi32>
          %add3A_487 = arith.addi %mul3A_485, %add3A_486 : vector<16xi32>
          tpu.vector_store_idx %arg7[%add3A_487], %get3A_480 : memref<4256xf32, #tpu.memory_space<vmem>>[vector<16xi32>], vector<16xf32>,
          %scan3A_488 = arith.constant 2 : i32
          %scan3A_489 = arith.addi %scan3A_290, %scan3A_488 : i32
          %jit3A_490 = arith.constant 64 : i32
          %div3A_491 = arith.divsi %scan3A_489, %jit3A_490 : i32
          %sign3A_492 = arith.constant 0 : i32
          %sign3A_493 = arith.cmpi sgt, %scan3A_489, %sign3A_492 : i32
          %sign3A_494 = arith.extui %sign3A_493 : i1 to i32
          %sign3A_495 = arith.constant 0 : i32
          %sign3A_496 = arith.cmpi slt, %scan3A_489, %sign3A_495 : i32
          %sign3A_497 = arith.extui %sign3A_496 : i1 to i32
          %sign3A_498 = arith.subi %sign3A_494, %sign3A_497 : i32
          %sign3A_499 = arith.constant 0 : i32
          %sign3A_500 = arith.cmpi sgt, %jit3A_490, %sign3A_499 : i32
          %sign3A_501 = arith.extui %sign3A_500 : i1 to i32
          %sign3A_502 = arith.constant 0 : i32
          %sign3A_503 = arith.cmpi slt, %jit3A_490, %sign3A_502 : i32
          %sign3A_504 = arith.extui %sign3A_503 : i1 to i32
          %sign3A_505 = arith.subi %sign3A_501, %sign3A_504 : i32
          %ne3A_506 = arith.cmpi ne, %sign3A_498, %sign3A_505 : i32
          %rem3A_507 = arith.remsi %scan3A_489, %jit3A_490 : i32
          %ne3A_508 = arith.constant 0 : i32
          %ne3A_509 = arith.cmpi ne, %rem3A_507, %ne3A_508 : i32
          %and3A_510 = arith.andi %ne3A_506, %ne3A_509 : i1
          %sub3A_511 = arith.constant 1 : i32
          %sub3A_512 = arith.subi %div3A_491, %sub3A_511 : i32
          %select_n3A_513 = arith.select %and3A_510, %sub3A_512, %div3A_491 : i32
          %jit3A_514 = arith.constant 8 : i32
          %div3A_515 = arith.divsi %scan3A_489, %jit3A_514 : i32
          %sign3A_516 = arith.constant 0 : i32
          %sign3A_517 = arith.cmpi sgt, %scan3A_489, %sign3A_516 : i32
          %sign3A_518 = arith.extui %sign3A_517 : i1 to i32
          %sign3A_519 = arith.constant 0 : i32
          %sign3A_520 = arith.cmpi slt, %scan3A_489, %sign3A_519 : i32
          %sign3A_521 = arith.extui %sign3A_520 : i1 to i32
          %sign3A_522 = arith.subi %sign3A_518, %sign3A_521 : i32
          %sign3A_523 = arith.constant 0 : i32
          %sign3A_524 = arith.cmpi sgt, %jit3A_514, %sign3A_523 : i32
          %sign3A_525 = arith.extui %sign3A_524 : i1 to i32
          %sign3A_526 = arith.constant 0 : i32
          %sign3A_527 = arith.cmpi slt, %jit3A_514, %sign3A_526 : i32
          %sign3A_528 = arith.extui %sign3A_527 : i1 to i32
          %sign3A_529 = arith.subi %sign3A_525, %sign3A_528 : i32
          %ne3A_530 = arith.cmpi ne, %sign3A_522, %sign3A_529 : i32
          %rem3A_531 = arith.remsi %scan3A_489, %jit3A_514 : i32
          %ne3A_532 = arith.constant 0 : i32
          %ne3A_533 = arith.cmpi ne, %rem3A_531, %ne3A_532 : i32
          %and3A_534 = arith.andi %ne3A_530, %ne3A_533 : i1
          %sub3A_535 = arith.constant 1 : i32
          %sub3A_536 = arith.subi %div3A_515, %sub3A_535 : i32
          %select_n3A_537 = arith.select %and3A_534, %sub3A_536, %div3A_515 : i32
          %jit3A_538 = arith.constant 8 : i32
          %eq3A_539 = arith.constant 0 : i32
          %eq3A_540 = arith.cmpi eq, %jit3A_538, %eq3A_539 : i32
          %jit3A_541 = arith.constant 1 : i32
          %select_n3A_542 = arith.select %eq3A_540, %jit3A_541, %jit3A_538 : i32
          %rem3A_543 = arith.remsi %select_n3A_537, %select_n3A_542 : i32
          %ne3A_544 = arith.constant 0 : i32
          %ne3A_545 = arith.cmpi ne, %rem3A_543, %ne3A_544 : i32
          %lt3A_546 = arith.constant 0 : i32
          %lt3A_547 = arith.cmpi slt, %rem3A_543, %lt3A_546 : i32
          %lt3A_548 = arith.constant 0 : i32
          %lt3A_549 = arith.cmpi slt, %select_n3A_542, %lt3A_548 : i32
          %ne3A_550 = arith.xori %lt3A_547, %lt3A_549 : i1
          %and3A_551 = arith.andi %ne3A_550, %ne3A_545 : i1
          %add3A_552 = arith.addi %rem3A_543, %select_n3A_542 : i32
          %select_n3A_553 = arith.select %and3A_551, %add3A_552, %rem3A_543 : i32
          %jit3A_554 = arith.constant 8 : i32
          %eq3A_555 = arith.constant 0 : i32
          %eq3A_556 = arith.cmpi eq, %jit3A_554, %eq3A_555 : i32
          %jit3A_557 = arith.constant 1 : i32
          %select_n3A_558 = arith.select %eq3A_556, %jit3A_557, %jit3A_554 : i32
          %rem3A_559 = arith.remsi %scan3A_489, %select_n3A_558 : i32
          %ne3A_560 = arith.constant 0 : i32
          %ne3A_561 = arith.cmpi ne, %rem3A_559, %ne3A_560 : i32
          %lt3A_562 = arith.constant 0 : i32
          %lt3A_563 = arith.cmpi slt, %rem3A_559, %lt3A_562 : i32
          %lt3A_564 = arith.constant 0 : i32
          %lt3A_565 = arith.cmpi slt, %select_n3A_558, %lt3A_564 : i32
          %ne3A_566 = arith.xori %lt3A_563, %lt3A_565 : i1
          %and3A_567 = arith.andi %ne3A_566, %ne3A_561 : i1
          %add3A_568 = arith.addi %rem3A_559, %select_n3A_558 : i32
          %select_n3A_569 = arith.select %and3A_567, %add3A_568, %rem3A_559 : i32
          %mul3A_570 = arith.constant 16 : i32
          %mul3A_571 = arith.muli %select_n3A_569, %mul3A_570 : i32
          %mul3A_572 = arith.constant 8 : i32
          %mul3A_573 = arith.muli %select_n3A_513, %mul3A_572 : i32
          %add3A_574 = arith.addi %mul3A_573, %select_n3A_553 : i32
          %get3A_575 = arith.constant 0 : i32
          %get3A_576 = arith.index_cast %get3A_575 : i32 to index
          %get3A_577 = arith.index_cast %select_n3A_513 : i32 to index
          %get3A_578 = arith.index_cast %select_n3A_553 : i32 to index
          %get3A_579 = arith.index_cast %mul3A_571 : i32 to index
          %get3A_580 = tpu.vector_load %arg5[%get3A_576, %get3A_577, %get3A_578, %get3A_579] {strides = array<i32>} : memref<2x4x8x128xf32, #tpu.memory_space<vmem>>, vector<16xf32>,
          %add3A_581 = vector.broadcast %mul3A_571 : i32 to vector<16xi32>
          %add3A_582 = arith.addi %add3A_581, %iota3A : vector<16xi32>
          %mul3A_583 = arith.constant 33 : i32
          %mul3A_584 = vector.broadcast %mul3A_583 : i32 to vector<16xi32>
          %mul3A_585 = arith.muli %add3A_582, %mul3A_584 : vector<16xi32>
          %add3A_586 = vector.broadcast %add3A_574 : i32 to vector<16xi32>
          %add3A_587 = arith.addi %mul3A_585, %add3A_586 : vector<16xi32>
          tpu.vector_store_idx %arg7[%add3A_587], %get3A_580 : memref<4256xf32, #tpu.memory_space<vmem>>[vector<16xi32>], vector<16xf32>,
          %scan3A_588 = arith.constant 3 : i32
          %scan3A_589 = arith.addi %scan3A_290, %scan3A_588 : i32
          %jit3A_590 = arith.constant 64 : i32
          %div3A_591 = arith.divsi %scan3A_589, %jit3A_590 : i32
          %sign3A_592 = arith.constant 0 : i32
          %sign3A_593 = arith.cmpi sgt, %scan3A_589, %sign3A_592 : i32
          %sign3A_594 = arith.extui %sign3A_593 : i1 to i32
          %sign3A_595 = arith.constant 0 : i32
          %sign3A_596 = arith.cmpi slt, %scan3A_589, %sign3A_595 : i32
          %sign3A_597 = arith.extui %sign3A_596 : i1 to i32
          %sign3A_598 = arith.subi %sign3A_594, %sign3A_597 : i32
          %sign3A_599 = arith.constant 0 : i32
          %sign3A_600 = arith.cmpi sgt, %jit3A_590, %sign3A_599 : i32
          %sign3A_601 = arith.extui %sign3A_600 : i1 to i32
          %sign3A_602 = arith.constant 0 : i32
          %sign3A_603 = arith.cmpi slt, %jit3A_590, %sign3A_602 : i32
          %sign3A_604 = arith.extui %sign3A_603 : i1 to i32
          %sign3A_605 = arith.subi %sign3A_601, %sign3A_604 : i32
          %ne3A_606 = arith.cmpi ne, %sign3A_598, %sign3A_605 : i32
          %rem3A_607 = arith.remsi %scan3A_589, %jit3A_590 : i32
          %ne3A_608 = arith.constant 0 : i32
          %ne3A_609 = arith.cmpi ne, %rem3A_607, %ne3A_608 : i32
          %and3A_610 = arith.andi %ne3A_606, %ne3A_609 : i1
          %sub3A_611 = arith.constant 1 : i32
          %sub3A_612 = arith.subi %div3A_591, %sub3A_611 : i32
          %select_n3A_613 = arith.select %and3A_610, %sub3A_612, %div3A_591 : i32
          %jit3A_614 = arith.constant 8 : i32
          %div3A_615 = arith.divsi %scan3A_589, %jit3A_614 : i32
          %sign3A_616 = arith.constant 0 : i32
          %sign3A_617 = arith.cmpi sgt, %scan3A_589, %sign3A_616 : i32
          %sign3A_618 = arith.extui %sign3A_617 : i1 to i32
          %sign3A_619 = arith.constant 0 : i32
          %sign3A_620 = arith.cmpi slt, %scan3A_589, %sign3A_619 : i32
          %sign3A_621 = arith.extui %sign3A_620 : i1 to i32
          %sign3A_622 = arith.subi %sign3A_618, %sign3A_621 : i32
          %sign3A_623 = arith.constant 0 : i32
          %sign3A_624 = arith.cmpi sgt, %jit3A_614, %sign3A_623 : i32
          %sign3A_625 = arith.extui %sign3A_624 : i1 to i32
          %sign3A_626 = arith.constant 0 : i32
          %sign3A_627 = arith.cmpi slt, %jit3A_614, %sign3A_626 : i32
          %sign3A_628 = arith.extui %sign3A_627 : i1 to i32
          %sign3A_629 = arith.subi %sign3A_625, %sign3A_628 : i32
          %ne3A_630 = arith.cmpi ne, %sign3A_622, %sign3A_629 : i32
          %rem3A_631 = arith.remsi %scan3A_589, %jit3A_614 : i32
          %ne3A_632 = arith.constant 0 : i32
          %ne3A_633 = arith.cmpi ne, %rem3A_631, %ne3A_632 : i32
          %and3A_634 = arith.andi %ne3A_630, %ne3A_633 : i1
          %sub3A_635 = arith.constant 1 : i32
          %sub3A_636 = arith.subi %div3A_615, %sub3A_635 : i32
          %select_n3A_637 = arith.select %and3A_634, %sub3A_636, %div3A_615 : i32
          %jit3A_638 = arith.constant 8 : i32
          %eq3A_639 = arith.constant 0 : i32
          %eq3A_640 = arith.cmpi eq, %jit3A_638, %eq3A_639 : i32
          %jit3A_641 = arith.constant 1 : i32
          %select_n3A_642 = arith.select %eq3A_640, %jit3A_641, %jit3A_638 : i32
          %rem3A_643 = arith.remsi %select_n3A_637, %select_n3A_642 : i32
          %ne3A_644 = arith.constant 0 : i32
          %ne3A_645 = arith.cmpi ne, %rem3A_643, %ne3A_644 : i32
          %lt3A_646 = arith.constant 0 : i32
          %lt3A_647 = arith.cmpi slt, %rem3A_643, %lt3A_646 : i32
          %lt3A_648 = arith.constant 0 : i32
          %lt3A_649 = arith.cmpi slt, %select_n3A_642, %lt3A_648 : i32
          %ne3A_650 = arith.xori %lt3A_647, %lt3A_649 : i1
          %and3A_651 = arith.andi %ne3A_650, %ne3A_645 : i1
          %add3A_652 = arith.addi %rem3A_643, %select_n3A_642 : i32
          %select_n3A_653 = arith.select %and3A_651, %add3A_652, %rem3A_643 : i32
          %jit3A_654 = arith.constant 8 : i32
          %eq3A_655 = arith.constant 0 : i32
          %eq3A_656 = arith.cmpi eq, %jit3A_654, %eq3A_655 : i32
          %jit3A_657 = arith.constant 1 : i32
          %select_n3A_658 = arith.select %eq3A_656, %jit3A_657, %jit3A_654 : i32
          %rem3A_659 = arith.remsi %scan3A_589, %select_n3A_658 : i32
          %ne3A_660 = arith.constant 0 : i32
          %ne3A_661 = arith.cmpi ne, %rem3A_659, %ne3A_660 : i32
          %lt3A_662 = arith.constant 0 : i32
          %lt3A_663 = arith.cmpi slt, %rem3A_659, %lt3A_662 : i32
          %lt3A_664 = arith.constant 0 : i32
          %lt3A_665 = arith.cmpi slt, %select_n3A_658, %lt3A_664 : i32
          %ne3A_666 = arith.xori %lt3A_663, %lt3A_665 : i1
          %and3A_667 = arith.andi %ne3A_666, %ne3A_661 : i1
          %add3A_668 = arith.addi %rem3A_659, %select_n3A_658 : i32
          %select_n3A_669 = arith.select %and3A_667, %add3A_668, %rem3A_659 : i32
          %mul3A_670 = arith.constant 16 : i32
          %mul3A_671 = arith.muli %select_n3A_669, %mul3A_670 : i32
          %mul3A_672 = arith.constant 8 : i32
          %mul3A_673 = arith.muli %select_n3A_613, %mul3A_672 : i32
          %add3A_674 = arith.addi %mul3A_673, %select_n3A_653 : i32
          %get3A_675 = arith.constant 0 : i32
          %get3A_676 = arith.index_cast %get3A_675 : i32 to index
          %get3A_677 = arith.index_cast %select_n3A_613 : i32 to index
          %get3A_678 = arith.index_cast %select_n3A_653 : i32 to index
          %get3A_679 = arith.index_cast %mul3A_671 : i32 to index
          %get3A_680 = tpu.vector_load %arg5[%get3A_676, %get3A_677, %get3A_678, %get3A_679] {strides = array<i32>} : memref<2x4x8x128xf32, #tpu.memory_space<vmem>>, vector<16xf32>,
          %add3A_681 = vector.broadcast %mul3A_671 : i32 to vector<16xi32>
          %add3A_682 = arith.addi %add3A_681, %iota3A : vector<16xi32>
          %mul3A_683 = arith.constant 33 : i32
          %mul3A_684 = vector.broadcast %mul3A_683 : i32 to vector<16xi32>
          %mul3A_685 = arith.muli %add3A_682, %mul3A_684 : vector<16xi32>
          %add3A_686 = vector.broadcast %add3A_674 : i32 to vector<16xi32>
          %add3A_687 = arith.addi %mul3A_685, %add3A_686 : vector<16xi32>
          tpu.vector_store_idx %arg7[%add3A_687], %get3A_680 : memref<4256xf32, #tpu.memory_space<vmem>>[vector<16xi32>], vector<16xf32>,
          %scan3A_688 = arith.constant 4 : i32
          %scan3A_689 = arith.addi %scan3A_290, %scan3A_688 : i32
          %jit3A_690 = arith.constant 64 : i32
          %div3A_691 = arith.divsi %scan3A_689, %jit3A_690 : i32
          %sign3A_692 = arith.constant 0 : i32
          %sign3A_693 = arith.cmpi sgt, %scan3A_689, %sign3A_692 : i32
          %sign3A_694 = arith.extui %sign3A_693 : i1 to i32
          %sign3A_695 = arith.constant 0 : i32
          %sign3A_696 = arith.cmpi slt, %scan3A_689, %sign3A_695 : i32
          %sign3A_697 = arith.extui %sign3A_696 : i1 to i32
          %sign3A_698 = arith.subi %sign3A_694, %sign3A_697 : i32
          %sign3A_699 = arith.constant 0 : i32
          %sign3A_700 = arith.cmpi sgt, %jit3A_690, %sign3A_699 : i32
          %sign3A_701 = arith.extui %sign3A_700 : i1 to i32
          %sign3A_702 = arith.constant 0 : i32
          %sign3A_703 = arith.cmpi slt, %jit3A_690, %sign3A_702 : i32
          %sign3A_704 = arith.extui %sign3A_703 : i1 to i32
          %sign3A_705 = arith.subi %sign3A_701, %sign3A_704 : i32
          %ne3A_706 = arith.cmpi ne, %sign3A_698, %sign3A_705 : i32
          %rem3A_707 = arith.remsi %scan3A_689, %jit3A_690 : i32
          %ne3A_708 = arith.constant 0 : i32
          %ne3A_709 = arith.cmpi ne, %rem3A_707, %ne3A_708 : i32
          %and3A_710 = arith.andi %ne3A_706, %ne3A_709 : i1
          %sub3A_711 = arith.constant 1 : i32
          %sub3A_712 = arith.subi %div3A_691, %sub3A_711 : i32
          %select_n3A_713 = arith.select %and3A_710, %sub3A_712, %div3A_691 : i32
          %jit3A_714 = arith.constant 8 : i32
          %div3A_715 = arith.divsi %scan3A_689, %jit3A_714 : i32
          %sign3A_716 = arith.constant 0 : i32
          %sign3A_717 = arith.cmpi sgt, %scan3A_689, %sign3A_716 : i32
          %sign3A_718 = arith.extui %sign3A_717 : i1 to i32
          %sign3A_719 = arith.constant 0 : i32
          %sign3A_720 = arith.cmpi slt, %scan3A_689, %sign3A_719 : i32
          %sign3A_721 = arith.extui %sign3A_720 : i1 to i32
          %sign3A_722 = arith.subi %sign3A_718, %sign3A_721 : i32
          %sign3A_723 = arith.constant 0 : i32
          %sign3A_724 = arith.cmpi sgt, %jit3A_714, %sign3A_723 : i32
          %sign3A_725 = arith.extui %sign3A_724 : i1 to i32
          %sign3A_726 = arith.constant 0 : i32
          %sign3A_727 = arith.cmpi slt, %jit3A_714, %sign3A_726 : i32
          %sign3A_728 = arith.extui %sign3A_727 : i1 to i32
          %sign3A_729 = arith.subi %sign3A_725, %sign3A_728 : i32
          %ne3A_730 = arith.cmpi ne, %sign3A_722, %sign3A_729 : i32
          %rem3A_731 = arith.remsi %scan3A_689, %jit3A_714 : i32
          %ne3A_732 = arith.constant 0 : i32
          %ne3A_733 = arith.cmpi ne, %rem3A_731, %ne3A_732 : i32
          %and3A_734 = arith.andi %ne3A_730, %ne3A_733 : i1
          %sub3A_735 = arith.constant 1 : i32
          %sub3A_736 = arith.subi %div3A_715, %sub3A_735 : i32
          %select_n3A_737 = arith.select %and3A_734, %sub3A_736, %div3A_715 : i32
          %jit3A_738 = arith.constant 8 : i32
          %eq3A_739 = arith.constant 0 : i32
          %eq3A_740 = arith.cmpi eq, %jit3A_738, %eq3A_739 : i32
          %jit3A_741 = arith.constant 1 : i32
          %select_n3A_742 = arith.select %eq3A_740, %jit3A_741, %jit3A_738 : i32
          %rem3A_743 = arith.remsi %select_n3A_737, %select_n3A_742 : i32
          %ne3A_744 = arith.constant 0 : i32
          %ne3A_745 = arith.cmpi ne, %rem3A_743, %ne3A_744 : i32
          %lt3A_746 = arith.constant 0 : i32
          %lt3A_747 = arith.cmpi slt, %rem3A_743, %lt3A_746 : i32
          %lt3A_748 = arith.constant 0 : i32
          %lt3A_749 = arith.cmpi slt, %select_n3A_742, %lt3A_748 : i32
          %ne3A_750 = arith.xori %lt3A_747, %lt3A_749 : i1
          %and3A_751 = arith.andi %ne3A_750, %ne3A_745 : i1
          %add3A_752 = arith.addi %rem3A_743, %select_n3A_742 : i32
          %select_n3A_753 = arith.select %and3A_751, %add3A_752, %rem3A_743 : i32
          %jit3A_754 = arith.constant 8 : i32
          %eq3A_755 = arith.constant 0 : i32
          %eq3A_756 = arith.cmpi eq, %jit3A_754, %eq3A_755 : i32
          %jit3A_757 = arith.constant 1 : i32
          %select_n3A_758 = arith.select %eq3A_756, %jit3A_757, %jit3A_754 : i32
          %rem3A_759 = arith.remsi %scan3A_689, %select_n3A_758 : i32
          %ne3A_760 = arith.constant 0 : i32
          %ne3A_761 = arith.cmpi ne, %rem3A_759, %ne3A_760 : i32
          %lt3A_762 = arith.constant 0 : i32
          %lt3A_763 = arith.cmpi slt, %rem3A_759, %lt3A_762 : i32
          %lt3A_764 = arith.constant 0 : i32
          %lt3A_765 = arith.cmpi slt, %select_n3A_758, %lt3A_764 : i32
          %ne3A_766 = arith.xori %lt3A_763, %lt3A_765 : i1
          %and3A_767 = arith.andi %ne3A_766, %ne3A_761 : i1
          %add3A_768 = arith.addi %rem3A_759, %select_n3A_758 : i32
          %select_n3A_769 = arith.select %and3A_767, %add3A_768, %rem3A_759 : i32
          %mul3A_770 = arith.constant 16 : i32
          %mul3A_771 = arith.muli %select_n3A_769, %mul3A_770 : i32
          %mul3A_772 = arith.constant 8 : i32
          %mul3A_773 = arith.muli %select_n3A_713, %mul3A_772 : i32
          %add3A_774 = arith.addi %mul3A_773, %select_n3A_753 : i32
          %get3A_775 = arith.constant 0 : i32
          %get3A_776 = arith.index_cast %get3A_775 : i32 to index
          %get3A_777 = arith.index_cast %select_n3A_713 : i32 to index
          %get3A_778 = arith.index_cast %select_n3A_753 : i32 to index
          %get3A_779 = arith.index_cast %mul3A_771 : i32 to index
          %get3A_780 = tpu.vector_load %arg5[%get3A_776, %get3A_777, %get3A_778, %get3A_779] {strides = array<i32>} : memref<2x4x8x128xf32, #tpu.memory_space<vmem>>, vector<16xf32>,
          %add3A_781 = vector.broadcast %mul3A_771 : i32 to vector<16xi32>
          %add3A_782 = arith.addi %add3A_781, %iota3A : vector<16xi32>
          %mul3A_783 = arith.constant 33 : i32
          %mul3A_784 = vector.broadcast %mul3A_783 : i32 to vector<16xi32>
          %mul3A_785 = arith.muli %add3A_782, %mul3A_784 : vector<16xi32>
          %add3A_786 = vector.broadcast %add3A_774 : i32 to vector<16xi32>
          %add3A_787 = arith.addi %mul3A_785, %add3A_786 : vector<16xi32>
          tpu.vector_store_idx %arg7[%add3A_787], %get3A_780 : memref<4256xf32, #tpu.memory_space<vmem>>[vector<16xi32>], vector<16xf32>,
          %scan3A_788 = arith.constant 5 : i32
          %scan3A_789 = arith.addi %scan3A_290, %scan3A_788 : i32
          %jit3A_790 = arith.constant 64 : i32
          %div3A_791 = arith.divsi %scan3A_789, %jit3A_790 : i32
          %sign3A_792 = arith.constant 0 : i32
          %sign3A_793 = arith.cmpi sgt, %scan3A_789, %sign3A_792 : i32
          %sign3A_794 = arith.extui %sign3A_793 : i1 to i32
          %sign3A_795 = arith.constant 0 : i32
          %sign3A_796 = arith.cmpi slt, %scan3A_789, %sign3A_795 : i32
          %sign3A_797 = arith.extui %sign3A_796 : i1 to i32
          %sign3A_798 = arith.subi %sign3A_794, %sign3A_797 : i32
          %sign3A_799 = arith.constant 0 : i32
          %sign3A_800 = arith.cmpi sgt, %jit3A_790, %sign3A_799 : i32
          %sign3A_801 = arith.extui %sign3A_800 : i1 to i32
          %sign3A_802 = arith.constant 0 : i32
          %sign3A_803 = arith.cmpi slt, %jit3A_790, %sign3A_802 : i32
          %sign3A_804 = arith.extui %sign3A_803 : i1 to i32
          %sign3A_805 = arith.subi %sign3A_801, %sign3A_804 : i32
          %ne3A_806 = arith.cmpi ne, %sign3A_798, %sign3A_805 : i32
          %rem3A_807 = arith.remsi %scan3A_789, %jit3A_790 : i32
          %ne3A_808 = arith.constant 0 : i32
          %ne3A_809 = arith.cmpi ne, %rem3A_807, %ne3A_808 : i32
          %and3A_810 = arith.andi %ne3A_806, %ne3A_809 : i1
          %sub3A_811 = arith.constant 1 : i32
          %sub3A_812 = arith.subi %div3A_791, %sub3A_811 : i32
          %select_n3A_813 = arith.select %and3A_810, %sub3A_812, %div3A_791 : i32
          %jit3A_814 = arith.constant 8 : i32
          %div3A_815 = arith.divsi %scan3A_789, %jit3A_814 : i32
          %sign3A_816 = arith.constant 0 : i32
          %sign3A_817 = arith.cmpi sgt, %scan3A_789, %sign3A_816 : i32
          %sign3A_818 = arith.extui %sign3A_817 : i1 to i32
          %sign3A_819 = arith.constant 0 : i32
          %sign3A_820 = arith.cmpi slt, %scan3A_789, %sign3A_819 : i32
          %sign3A_821 = arith.extui %sign3A_820 : i1 to i32
          %sign3A_822 = arith.subi %sign3A_818, %sign3A_821 : i32
          %sign3A_823 = arith.constant 0 : i32
          %sign3A_824 = arith.cmpi sgt, %jit3A_814, %sign3A_823 : i32
          %sign3A_825 = arith.extui %sign3A_824 : i1 to i32
          %sign3A_826 = arith.constant 0 : i32
          %sign3A_827 = arith.cmpi slt, %jit3A_814, %sign3A_826 : i32
          %sign3A_828 = arith.extui %sign3A_827 : i1 to i32
          %sign3A_829 = arith.subi %sign3A_825, %sign3A_828 : i32
          %ne3A_830 = arith.cmpi ne, %sign3A_822, %sign3A_829 : i32
          %rem3A_831 = arith.remsi %scan3A_789, %jit3A_814 : i32
          %ne3A_832 = arith.constant 0 : i32
          %ne3A_833 = arith.cmpi ne, %rem3A_831, %ne3A_832 : i32
          %and3A_834 = arith.andi %ne3A_830, %ne3A_833 : i1
          %sub3A_835 = arith.constant 1 : i32
          %sub3A_836 = arith.subi %div3A_815, %sub3A_835 : i32
          %select_n3A_837 = arith.select %and3A_834, %sub3A_836, %div3A_815 : i32
          %jit3A_838 = arith.constant 8 : i32
          %eq3A_839 = arith.constant 0 : i32
          %eq3A_840 = arith.cmpi eq, %jit3A_838, %eq3A_839 : i32
          %jit3A_841 = arith.constant 1 : i32
          %select_n3A_842 = arith.select %eq3A_840, %jit3A_841, %jit3A_838 : i32
          %rem3A_843 = arith.remsi %select_n3A_837, %select_n3A_842 : i32
          %ne3A_844 = arith.constant 0 : i32
          %ne3A_845 = arith.cmpi ne, %rem3A_843, %ne3A_844 : i32
          %lt3A_846 = arith.constant 0 : i32
          %lt3A_847 = arith.cmpi slt, %rem3A_843, %lt3A_846 : i32
          %lt3A_848 = arith.constant 0 : i32
          %lt3A_849 = arith.cmpi slt, %select_n3A_842, %lt3A_848 : i32
          %ne3A_850 = arith.xori %lt3A_847, %lt3A_849 : i1
          %and3A_851 = arith.andi %ne3A_850, %ne3A_845 : i1
          %add3A_852 = arith.addi %rem3A_843, %select_n3A_842 : i32
          %select_n3A_853 = arith.select %and3A_851, %add3A_852, %rem3A_843 : i32
          %jit3A_854 = arith.constant 8 : i32
          %eq3A_855 = arith.constant 0 : i32
          %eq3A_856 = arith.cmpi eq, %jit3A_854, %eq3A_855 : i32
          %jit3A_857 = arith.constant 1 : i32
          %select_n3A_858 = arith.select %eq3A_856, %jit3A_857, %jit3A_854 : i32
          %rem3A_859 = arith.remsi %scan3A_789, %select_n3A_858 : i32
          %ne3A_860 = arith.constant 0 : i32
          %ne3A_861 = arith.cmpi ne, %rem3A_859, %ne3A_860 : i32
          %lt3A_862 = arith.constant 0 : i32
          %lt3A_863 = arith.cmpi slt, %rem3A_859, %lt3A_862 : i32
          %lt3A_864 = arith.constant 0 : i32
          %lt3A_865 = arith.cmpi slt, %select_n3A_858, %lt3A_864 : i32
          %ne3A_866 = arith.xori %lt3A_863, %lt3A_865 : i1
          %and3A_867 = arith.andi %ne3A_866, %ne3A_861 : i1
          %add3A_868 = arith.addi %rem3A_859, %select_n3A_858 : i32
          %select_n3A_869 = arith.select %and3A_867, %add3A_868, %rem3A_859 : i32
          %mul3A_870 = arith.constant 16 : i32
          %mul3A_871 = arith.muli %select_n3A_869, %mul3A_870 : i32
          %mul3A_872 = arith.constant 8 : i32
          %mul3A_873 = arith.muli %select_n3A_813, %mul3A_872 : i32
          %add3A_874 = arith.addi %mul3A_873, %select_n3A_853 : i32
          %get3A_875 = arith.constant 0 : i32
          %get3A_876 = arith.index_cast %get3A_875 : i32 to index
          %get3A_877 = arith.index_cast %select_n3A_813 : i32 to index
          %get3A_878 = arith.index_cast %select_n3A_853 : i32 to index
          %get3A_879 = arith.index_cast %mul3A_871 : i32 to index
          %get3A_880 = tpu.vector_load %arg5[%get3A_876, %get3A_877, %get3A_878, %get3A_879] {strides = array<i32>} : memref<2x4x8x128xf32, #tpu.memory_space<vmem>>, vector<16xf32>,
          %add3A_881 = vector.broadcast %mul3A_871 : i32 to vector<16xi32>
          %add3A_882 = arith.addi %add3A_881, %iota3A : vector<16xi32>
          %mul3A_883 = arith.constant 33 : i32
          %mul3A_884 = vector.broadcast %mul3A_883 : i32 to vector<16xi32>
          %mul3A_885 = arith.muli %add3A_882, %mul3A_884 : vector<16xi32>
          %add3A_886 = vector.broadcast %add3A_874 : i32 to vector<16xi32>
          %add3A_887 = arith.addi %mul3A_885, %add3A_886 : vector<16xi32>
          tpu.vector_store_idx %arg7[%add3A_887], %get3A_880 : memref<4256xf32, #tpu.memory_space<vmem>>[vector<16xi32>], vector<16xf32>,
          %scan3A_888 = arith.constant 6 : i32
          %scan3A_889 = arith.addi %scan3A_290, %scan3A_888 : i32
          %jit3A_890 = arith.constant 64 : i32
          %div3A_891 = arith.divsi %scan3A_889, %jit3A_890 : i32
          %sign3A_892 = arith.constant 0 : i32
          %sign3A_893 = arith.cmpi sgt, %scan3A_889, %sign3A_892 : i32
          %sign3A_894 = arith.extui %sign3A_893 : i1 to i32
          %sign3A_895 = arith.constant 0 : i32
          %sign3A_896 = arith.cmpi slt, %scan3A_889, %sign3A_895 : i32
          %sign3A_897 = arith.extui %sign3A_896 : i1 to i32
          %sign3A_898 = arith.subi %sign3A_894, %sign3A_897 : i32
          %sign3A_899 = arith.constant 0 : i32
          %sign3A_900 = arith.cmpi sgt, %jit3A_890, %sign3A_899 : i32
          %sign3A_901 = arith.extui %sign3A_900 : i1 to i32
          %sign3A_902 = arith.constant 0 : i32
          %sign3A_903 = arith.cmpi slt, %jit3A_890, %sign3A_902 : i32
          %sign3A_904 = arith.extui %sign3A_903 : i1 to i32
          %sign3A_905 = arith.subi %sign3A_901, %sign3A_904 : i32
          %ne3A_906 = arith.cmpi ne, %sign3A_898, %sign3A_905 : i32
          %rem3A_907 = arith.remsi %scan3A_889, %jit3A_890 : i32
          %ne3A_908 = arith.constant 0 : i32
          %ne3A_909 = arith.cmpi ne, %rem3A_907, %ne3A_908 : i32
          %and3A_910 = arith.andi %ne3A_906, %ne3A_909 : i1
          %sub3A_911 = arith.constant 1 : i32
          %sub3A_912 = arith.subi %div3A_891, %sub3A_911 : i32
          %select_n3A_913 = arith.select %and3A_910, %sub3A_912, %div3A_891 : i32
          %jit3A_914 = arith.constant 8 : i32
          %div3A_915 = arith.divsi %scan3A_889, %jit3A_914 : i32
          %sign3A_916 = arith.constant 0 : i32
          %sign3A_917 = arith.cmpi sgt, %scan3A_889, %sign3A_916 : i32
          %sign3A_918 = arith.extui %sign3A_917 : i1 to i32
          %sign3A_919 = arith.constant 0 : i32
          %sign3A_920 = arith.cmpi slt, %scan3A_889, %sign3A_919 : i32
          %sign3A_921 = arith.extui %sign3A_920 : i1 to i32
          %sign3A_922 = arith.subi %sign3A_918, %sign3A_921 : i32
          %sign3A_923 = arith.constant 0 : i32
          %sign3A_924 = arith.cmpi sgt, %jit3A_914, %sign3A_923 : i32
          %sign3A_925 = arith.extui %sign3A_924 : i1 to i32
          %sign3A_926 = arith.constant 0 : i32
          %sign3A_927 = arith.cmpi slt, %jit3A_914, %sign3A_926 : i32
          %sign3A_928 = arith.extui %sign3A_927 : i1 to i32
          %sign3A_929 = arith.subi %sign3A_925, %sign3A_928 : i32
          %ne3A_930 = arith.cmpi ne, %sign3A_922, %sign3A_929 : i32
          %rem3A_931 = arith.remsi %scan3A_889, %jit3A_914 : i32
          %ne3A_932 = arith.constant 0 : i32
          %ne3A_933 = arith.cmpi ne, %rem3A_931, %ne3A_932 : i32
          %and3A_934 = arith.andi %ne3A_930, %ne3A_933 : i1
          %sub3A_935 = arith.constant 1 : i32
          %sub3A_936 = arith.subi %div3A_915, %sub3A_935 : i32
          %select_n3A_937 = arith.select %and3A_934, %sub3A_936, %div3A_915 : i32
          %jit3A_938 = arith.constant 8 : i32
          %eq3A_939 = arith.constant 0 : i32
          %eq3A_940 = arith.cmpi eq, %jit3A_938, %eq3A_939 : i32
          %jit3A_941 = arith.constant 1 : i32
          %select_n3A_942 = arith.select %eq3A_940, %jit3A_941, %jit3A_938 : i32
          %rem3A_943 = arith.remsi %select_n3A_937, %select_n3A_942 : i32
          %ne3A_944 = arith.constant 0 : i32
          %ne3A_945 = arith.cmpi ne, %rem3A_943, %ne3A_944 : i32
          %lt3A_946 = arith.constant 0 : i32
          %lt3A_947 = arith.cmpi slt, %rem3A_943, %lt3A_946 : i32
          %lt3A_948 = arith.constant 0 : i32
          %lt3A_949 = arith.cmpi slt, %select_n3A_942, %lt3A_948 : i32
          %ne3A_950 = arith.xori %lt3A_947, %lt3A_949 : i1
          %and3A_951 = arith.andi %ne3A_950, %ne3A_945 : i1
          %add3A_952 = arith.addi %rem3A_943, %select_n3A_942 : i32
          %select_n3A_953 = arith.select %and3A_951, %add3A_952, %rem3A_943 : i32
          %jit3A_954 = arith.constant 8 : i32
          %eq3A_955 = arith.constant 0 : i32
          %eq3A_956 = arith.cmpi eq, %jit3A_954, %eq3A_955 : i32
          %jit3A_957 = arith.constant 1 : i32
          %select_n3A_958 = arith.select %eq3A_956, %jit3A_957, %jit3A_954 : i32
          %rem3A_959 = arith.remsi %scan3A_889, %select_n3A_958 : i32
          %ne3A_960 = arith.constant 0 : i32
          %ne3A_961 = arith.cmpi ne, %rem3A_959, %ne3A_960 : i32
          %lt3A_962 = arith.constant 0 : i32
          %lt3A_963 = arith.cmpi slt, %rem3A_959, %lt3A_962 : i32
          %lt3A_964 = arith.constant 0 : i32
          %lt3A_965 = arith.cmpi slt, %select_n3A_958, %lt3A_964 : i32
          %ne3A_966 = arith.xori %lt3A_963, %lt3A_965 : i1
          %and3A_967 = arith.andi %ne3A_966, %ne3A_961 : i1
          %add3A_968 = arith.addi %rem3A_959, %select_n3A_958 : i32
          %select_n3A_969 = arith.select %and3A_967, %add3A_968, %rem3A_959 : i32
          %mul3A_970 = arith.constant 16 : i32
          %mul3A_971 = arith.muli %select_n3A_969, %mul3A_970 : i32
          %mul3A_972 = arith.constant 8 : i32
          %mul3A_973 = arith.muli %select_n3A_913, %mul3A_972 : i32
          %add3A_974 = arith.addi %mul3A_973, %select_n3A_953 : i32
          %get3A_975 = arith.constant 0 : i32
          %get3A_976 = arith.index_cast %get3A_975 : i32 to index
          %get3A_977 = arith.index_cast %select_n3A_913 : i32 to index
          %get3A_978 = arith.index_cast %select_n3A_953 : i32 to index
          %get3A_979 = arith.index_cast %mul3A_971 : i32 to index
          %get3A_980 = tpu.vector_load %arg5[%get3A_976, %get3A_977, %get3A_978, %get3A_979] {strides = array<i32>} : memref<2x4x8x128xf32, #tpu.memory_space<vmem>>, vector<16xf32>,
          %add3A_981 = vector.broadcast %mul3A_971 : i32 to vector<16xi32>
          %add3A_982 = arith.addi %add3A_981, %iota3A : vector<16xi32>
          %mul3A_983 = arith.constant 33 : i32
          %mul3A_984 = vector.broadcast %mul3A_983 : i32 to vector<16xi32>
          %mul3A_985 = arith.muli %add3A_982, %mul3A_984 : vector<16xi32>
          %add3A_986 = vector.broadcast %add3A_974 : i32 to vector<16xi32>
          %add3A_987 = arith.addi %mul3A_985, %add3A_986 : vector<16xi32>
          tpu.vector_store_idx %arg7[%add3A_987], %get3A_980 : memref<4256xf32, #tpu.memory_space<vmem>>[vector<16xi32>], vector<16xf32>,
          %scan3A_988 = arith.constant 7 : i32
          %scan3A_989 = arith.addi %scan3A_290, %scan3A_988 : i32
          %jit3A_990 = arith.constant 64 : i32
          %div3A_991 = arith.divsi %scan3A_989, %jit3A_990 : i32
          %sign3A_992 = arith.constant 0 : i32
          %sign3A_993 = arith.cmpi sgt, %scan3A_989, %sign3A_992 : i32
          %sign3A_994 = arith.extui %sign3A_993 : i1 to i32
          %sign3A_995 = arith.constant 0 : i32
          %sign3A_996 = arith.cmpi slt, %scan3A_989, %sign3A_995 : i32
          %sign3A_997 = arith.extui %sign3A_996 : i1 to i32
          %sign3A_998 = arith.subi %sign3A_994, %sign3A_997 : i32
          %sign3A_999 = arith.constant 0 : i32
          %sign3A_1000 = arith.cmpi sgt, %jit3A_990, %sign3A_999 : i32
          %sign3A_1001 = arith.extui %sign3A_1000 : i1 to i32
          %sign3A_1002 = arith.constant 0 : i32
          %sign3A_1003 = arith.cmpi slt, %jit3A_990, %sign3A_1002 : i32
          %sign3A_1004 = arith.extui %sign3A_1003 : i1 to i32
          %sign3A_1005 = arith.subi %sign3A_1001, %sign3A_1004 : i32
          %ne3A_1006 = arith.cmpi ne, %sign3A_998, %sign3A_1005 : i32
          %rem3A_1007 = arith.remsi %scan3A_989, %jit3A_990 : i32
          %ne3A_1008 = arith.constant 0 : i32
          %ne3A_1009 = arith.cmpi ne, %rem3A_1007, %ne3A_1008 : i32
          %and3A_1010 = arith.andi %ne3A_1006, %ne3A_1009 : i1
          %sub3A_1011 = arith.constant 1 : i32
          %sub3A_1012 = arith.subi %div3A_991, %sub3A_1011 : i32
          %select_n3A_1013 = arith.select %and3A_1010, %sub3A_1012, %div3A_991 : i32
          %jit3A_1014 = arith.constant 8 : i32
          %div3A_1015 = arith.divsi %scan3A_989, %jit3A_1014 : i32
          %sign3A_1016 = arith.constant 0 : i32
          %sign3A_1017 = arith.cmpi sgt, %scan3A_989, %sign3A_1016 : i32
          %sign3A_1018 = arith.extui %sign3A_1017 : i1 to i32
          %sign3A_1019 = arith.constant 0 : i32
          %sign3A_1020 = arith.cmpi slt, %scan3A_989, %sign3A_1019 : i32
          %sign3A_1021 = arith.extui %sign3A_1020 : i1 to i32
          %sign3A_1022 = arith.subi %sign3A_1018, %sign3A_1021 : i32
          %sign3A_1023 = arith.constant 0 : i32
          %sign3A_1024 = arith.cmpi sgt, %jit3A_1014, %sign3A_1023 : i32
          %sign3A_1025 = arith.extui %sign3A_1024 : i1 to i32
          %sign3A_1026 = arith.constant 0 : i32
          %sign3A_1027 = arith.cmpi slt, %jit3A_1014, %sign3A_1026 : i32
          %sign3A_1028 = arith.extui %sign3A_1027 : i1 to i32
          %sign3A_1029 = arith.subi %sign3A_1025, %sign3A_1028 : i32
          %ne3A_1030 = arith.cmpi ne, %sign3A_1022, %sign3A_1029 : i32
          %rem3A_1031 = arith.remsi %scan3A_989, %jit3A_1014 : i32
          %ne3A_1032 = arith.constant 0 : i32
          %ne3A_1033 = arith.cmpi ne, %rem3A_1031, %ne3A_1032 : i32
          %and3A_1034 = arith.andi %ne3A_1030, %ne3A_1033 : i1
          %sub3A_1035 = arith.constant 1 : i32
          %sub3A_1036 = arith.subi %div3A_1015, %sub3A_1035 : i32
          %select_n3A_1037 = arith.select %and3A_1034, %sub3A_1036, %div3A_1015 : i32
          %jit3A_1038 = arith.constant 8 : i32
          %eq3A_1039 = arith.constant 0 : i32
          %eq3A_1040 = arith.cmpi eq, %jit3A_1038, %eq3A_1039 : i32
          %jit3A_1041 = arith.constant 1 : i32
          %select_n3A_1042 = arith.select %eq3A_1040, %jit3A_1041, %jit3A_1038 : i32
          %rem3A_1043 = arith.remsi %select_n3A_1037, %select_n3A_1042 : i32
          %ne3A_1044 = arith.constant 0 : i32
          %ne3A_1045 = arith.cmpi ne, %rem3A_1043, %ne3A_1044 : i32
          %lt3A_1046 = arith.constant 0 : i32
          %lt3A_1047 = arith.cmpi slt, %rem3A_1043, %lt3A_1046 : i32
          %lt3A_1048 = arith.constant 0 : i32
          %lt3A_1049 = arith.cmpi slt, %select_n3A_1042, %lt3A_1048 : i32
          %ne3A_1050 = arith.xori %lt3A_1047, %lt3A_1049 : i1
          %and3A_1051 = arith.andi %ne3A_1050, %ne3A_1045 : i1
          %add3A_1052 = arith.addi %rem3A_1043, %select_n3A_1042 : i32
          %select_n3A_1053 = arith.select %and3A_1051, %add3A_1052, %rem3A_1043 : i32
          %jit3A_1054 = arith.constant 8 : i32
          %eq3A_1055 = arith.constant 0 : i32
          %eq3A_1056 = arith.cmpi eq, %jit3A_1054, %eq3A_1055 : i32
          %jit3A_1057 = arith.constant 1 : i32
          %select_n3A_1058 = arith.select %eq3A_1056, %jit3A_1057, %jit3A_1054 : i32
          %rem3A_1059 = arith.remsi %scan3A_989, %select_n3A_1058 : i32
          %ne3A_1060 = arith.constant 0 : i32
          %ne3A_1061 = arith.cmpi ne, %rem3A_1059, %ne3A_1060 : i32
          %lt3A_1062 = arith.constant 0 : i32
          %lt3A_1063 = arith.cmpi slt, %rem3A_1059, %lt3A_1062 : i32
          %lt3A_1064 = arith.constant 0 : i32
          %lt3A_1065 = arith.cmpi slt, %select_n3A_1058, %lt3A_1064 : i32
          %ne3A_1066 = arith.xori %lt3A_1063, %lt3A_1065 : i1
          %and3A_1067 = arith.andi %ne3A_1066, %ne3A_1061 : i1
          %add3A_1068 = arith.addi %rem3A_1059, %select_n3A_1058 : i32
          %select_n3A_1069 = arith.select %and3A_1067, %add3A_1068, %rem3A_1059 : i32
          %mul3A_1070 = arith.constant 16 : i32
          %mul3A_1071 = arith.muli %select_n3A_1069, %mul3A_1070 : i32
          %mul3A_1072 = arith.constant 8 : i32
          %mul3A_1073 = arith.muli %select_n3A_1013, %mul3A_1072 : i32
          %add3A_1074 = arith.addi %mul3A_1073, %select_n3A_1053 : i32
          %get3A_1075 = arith.constant 0 : i32
          %get3A_1076 = arith.index_cast %get3A_1075 : i32 to index
          %get3A_1077 = arith.index_cast %select_n3A_1013 : i32 to index
          %get3A_1078 = arith.index_cast %select_n3A_1053 : i32 to index
          %get3A_1079 = arith.index_cast %mul3A_1071 : i32 to index
          %get3A_1080 = tpu.vector_load %arg5[%get3A_1076, %get3A_1077, %get3A_1078, %get3A_1079] {strides = array<i32>} : memref<2x4x8x128xf32, #tpu.memory_space<vmem>>, vector<16xf32>,
          %add3A_1081 = vector.broadcast %mul3A_1071 : i32 to vector<16xi32>
          %add3A_1082 = arith.addi %add3A_1081, %iota3A : vector<16xi32>
          %mul3A_1083 = arith.constant 33 : i32
          %mul3A_1084 = vector.broadcast %mul3A_1083 : i32 to vector<16xi32>
          %mul3A_1085 = arith.muli %add3A_1082, %mul3A_1084 : vector<16xi32>
          %add3A_1086 = vector.broadcast %add3A_1074 : i32 to vector<16xi32>
          %add3A_1087 = arith.addi %mul3A_1085, %add3A_1086 : vector<16xi32>
          tpu.vector_store_idx %arg7[%add3A_1087], %get3A_1080 : memref<4256xf32, #tpu.memory_space<vmem>>[vector<16xi32>], vector<16xf32>,
        }
        %scan3A_267 = arith.constant 256 : i32
        %scan3A_268 = arith.constant 0 : i32
        %scan3A_269 = arith.constant 0 : i32
        %scan3A_270 = arith.constant 256 : i32
        %scan3A_271 = arith.addi %scan3A_269, %scan3A_270 : i32
        %scan3A_272 = arith.constant 8 : i32
        scf.for %scan3A_290 = %scan3A_269 to %scan3A_271 step %scan3A_272  : i32 {
          %jit3A_291 = arith.constant 2 : i32
          %div3A_292 = arith.divsi %scan3A_290, %jit3A_291 : i32
          %sign3A_293 = arith.constant 0 : i32
          %sign3A_294 = arith.cmpi sgt, %scan3A_290, %sign3A_293 : i32
          %sign3A_295 = arith.extui %sign3A_294 : i1 to i32
          %sign3A_296 = arith.constant 0 : i32
          %sign3A_297 = arith.cmpi slt, %scan3A_290, %sign3A_296 : i32
          %sign3A_298 = arith.extui %sign3A_297 : i1 to i32
          %sign3A_299 = arith.subi %sign3A_295, %sign3A_298 : i32
          %sign3A_300 = arith.constant 0 : i32
          %sign3A_301 = arith.cmpi sgt, %jit3A_291, %sign3A_300 : i32
          %sign3A_302 = arith.extui %sign3A_301 : i1 to i32
          %sign3A_303 = arith.constant 0 : i32
          %sign3A_304 = arith.cmpi slt, %jit3A_291, %sign3A_303 : i32
          %sign3A_305 = arith.extui %sign3A_304 : i1 to i32
          %sign3A_306 = arith.subi %sign3A_302, %sign3A_305 : i32
          %ne3A_307 = arith.cmpi ne, %sign3A_299, %sign3A_306 : i32
          %rem3A_308 = arith.remsi %scan3A_290, %jit3A_291 : i32
          %ne3A_309 = arith.constant 0 : i32
          %ne3A_310 = arith.cmpi ne, %rem3A_308, %ne3A_309 : i32
          %and3A_311 = arith.andi %ne3A_307, %ne3A_310 : i1
          %sub3A_312 = arith.constant 1 : i32
          %sub3A_313 = arith.subi %div3A_292, %sub3A_312 : i32
          %select_n3A_314 = arith.select %and3A_311, %sub3A_313, %div3A_292 : i32
          %jit3A_315 = arith.constant 2 : i32
          %eq3A_316 = arith.constant 0 : i32
          %eq3A_317 = arith.cmpi eq, %jit3A_315, %eq3A_316 : i32
          %jit3A_318 = arith.constant 1 : i32
          %select_n3A_319 = arith.select %eq3A_317, %jit3A_318, %jit3A_315 : i32
          %rem3A_320 = arith.remsi %scan3A_290, %select_n3A_319 : i32
          %ne3A_321 = arith.constant 0 : i32
          %ne3A_322 = arith.cmpi ne, %rem3A_320, %ne3A_321 : i32
          %lt3A_323 = arith.constant 0 : i32
          %lt3A_324 = arith.cmpi slt, %rem3A_320, %lt3A_323 : i32
          %lt3A_325 = arith.constant 0 : i32
          %lt3A_326 = arith.cmpi slt, %select_n3A_319, %lt3A_325 : i32
          %ne3A_327 = arith.xori %lt3A_324, %lt3A_326 : i1
          %and3A_328 = arith.andi %ne3A_327, %ne3A_322 : i1
          %add3A_329 = arith.addi %rem3A_320, %select_n3A_319 : i32
          %select_n3A_330 = arith.select %and3A_328, %add3A_329, %rem3A_320 : i32
          %mul3A_331 = arith.constant 33 : i32
          %mul3A_332 = arith.muli %select_n3A_314, %mul3A_331 : i32
          %mul3A_333 = arith.constant 16 : i32
          %mul3A_334 = arith.muli %select_n3A_330, %mul3A_333 : i32
          %add3A_335 = arith.addi %mul3A_332, %mul3A_334 : i32
          %get3A = arith.index_cast %add3A_335 : i32 to index
          %get3A_336 = tpu.vector_load %arg7[%get3A] {strides = array<i32>} : memref<4256xf32, #tpu.memory_space<vmem>>, vector<16xf32>,
          %mul3A_337 = arith.constant 32 : i32
          %mul3A_338 = arith.muli %select_n3A_314, %mul3A_337 : i32
          %mul3A_339 = arith.constant 16 : i32
          %mul3A_340 = arith.muli %select_n3A_330, %mul3A_339 : i32
          %add3A_341 = arith.addi %mul3A_338, %mul3A_340 : i32
          %swap3A = arith.constant 0 : i32
          %swap3A_342 = arith.index_cast %swap3A : i32 to index
          %swap3A_343 = arith.index_cast %add3A_341 : i32 to index
          %swap3A_344 = tpu.vector_load %arg6[%swap3A_342, %swap3A_343] {strides = array<i32>} : memref<2x4096xf32, #tpu.memory_space<vmem>>, vector<16xf32>,
          tpu.vector_store %arg6[%swap3A_342, %swap3A_343], %get3A_336 {strides = array<i32>} : memref<2x4096xf32, #tpu.memory_space<vmem>>, vector<16xf32>,
          %scan3A_345 = arith.constant 1 : i32
          %scan3A_346 = arith.addi %scan3A_290, %scan3A_345 : i32
          %jit3A_347 = arith.constant 2 : i32
          %div3A_348 = arith.divsi %scan3A_346, %jit3A_347 : i32
          %sign3A_349 = arith.constant 0 : i32
          %sign3A_350 = arith.cmpi sgt, %scan3A_346, %sign3A_349 : i32
          %sign3A_351 = arith.extui %sign3A_350 : i1 to i32
          %sign3A_352 = arith.constant 0 : i32
          %sign3A_353 = arith.cmpi slt, %scan3A_346, %sign3A_352 : i32
          %sign3A_354 = arith.extui %sign3A_353 : i1 to i32
          %sign3A_355 = arith.subi %sign3A_351, %sign3A_354 : i32
          %sign3A_356 = arith.constant 0 : i32
          %sign3A_357 = arith.cmpi sgt, %jit3A_347, %sign3A_356 : i32
          %sign3A_358 = arith.extui %sign3A_357 : i1 to i32
          %sign3A_359 = arith.constant 0 : i32
          %sign3A_360 = arith.cmpi slt, %jit3A_347, %sign3A_359 : i32
          %sign3A_361 = arith.extui %sign3A_360 : i1 to i32
          %sign3A_362 = arith.subi %sign3A_358, %sign3A_361 : i32
          %ne3A_363 = arith.cmpi ne, %sign3A_355, %sign3A_362 : i32
          %rem3A_364 = arith.remsi %scan3A_346, %jit3A_347 : i32
          %ne3A_365 = arith.constant 0 : i32
          %ne3A_366 = arith.cmpi ne, %rem3A_364, %ne3A_365 : i32
          %and3A_367 = arith.andi %ne3A_363, %ne3A_366 : i1
          %sub3A_368 = arith.constant 1 : i32
          %sub3A_369 = arith.subi %div3A_348, %sub3A_368 : i32
          %select_n3A_370 = arith.select %and3A_367, %sub3A_369, %div3A_348 : i32
          %jit3A_371 = arith.constant 2 : i32
          %eq3A_372 = arith.constant 0 : i32
          %eq3A_373 = arith.cmpi eq, %jit3A_371, %eq3A_372 : i32
          %jit3A_374 = arith.constant 1 : i32
          %select_n3A_375 = arith.select %eq3A_373, %jit3A_374, %jit3A_371 : i32
          %rem3A_376 = arith.remsi %scan3A_346, %select_n3A_375 : i32
          %ne3A_377 = arith.constant 0 : i32
          %ne3A_378 = arith.cmpi ne, %rem3A_376, %ne3A_377 : i32
          %lt3A_379 = arith.constant 0 : i32
          %lt3A_380 = arith.cmpi slt, %rem3A_376, %lt3A_379 : i32
          %lt3A_381 = arith.constant 0 : i32
          %lt3A_382 = arith.cmpi slt, %select_n3A_375, %lt3A_381 : i32
          %ne3A_383 = arith.xori %lt3A_380, %lt3A_382 : i1
          %and3A_384 = arith.andi %ne3A_383, %ne3A_378 : i1
          %add3A_385 = arith.addi %rem3A_376, %select_n3A_375 : i32
          %select_n3A_386 = arith.select %and3A_384, %add3A_385, %rem3A_376 : i32
          %mul3A_387 = arith.constant 33 : i32
          %mul3A_388 = arith.muli %select_n3A_370, %mul3A_387 : i32
          %mul3A_389 = arith.constant 16 : i32
          %mul3A_390 = arith.muli %select_n3A_386, %mul3A_389 : i32
          %add3A_391 = arith.addi %mul3A_388, %mul3A_390 : i32
          %get3A_392 = arith.index_cast %add3A_391 : i32 to index
          %get3A_393 = tpu.vector_load %arg7[%get3A_392] {strides = array<i32>} : memref<4256xf32, #tpu.memory_space<vmem>>, vector<16xf32>,
          %mul3A_394 = arith.constant 32 : i32
          %mul3A_395 = arith.muli %select_n3A_370, %mul3A_394 : i32
          %mul3A_396 = arith.constant 16 : i32
          %mul3A_397 = arith.muli %select_n3A_386, %mul3A_396 : i32
          %add3A_398 = arith.addi %mul3A_395, %mul3A_397 : i32
          %swap3A_399 = arith.constant 0 : i32
          %swap3A_400 = arith.index_cast %swap3A_399 : i32 to index
          %swap3A_401 = arith.index_cast %add3A_398 : i32 to index
          %swap3A_402 = tpu.vector_load %arg6[%swap3A_400, %swap3A_401] {strides = array<i32>} : memref<2x4096xf32, #tpu.memory_space<vmem>>, vector<16xf32>,
          tpu.vector_store %arg6[%swap3A_400, %swap3A_401], %get3A_393 {strides = array<i32>} : memref<2x4096xf32, #tpu.memory_space<vmem>>, vector<16xf32>,
          %scan3A_403 = arith.constant 2 : i32
          %scan3A_404 = arith.addi %scan3A_290, %scan3A_403 : i32
          %jit3A_405 = arith.constant 2 : i32
          %div3A_406 = arith.divsi %scan3A_404, %jit3A_405 : i32
          %sign3A_407 = arith.constant 0 : i32
          %sign3A_408 = arith.cmpi sgt, %scan3A_404, %sign3A_407 : i32
          %sign3A_409 = arith.extui %sign3A_408 : i1 to i32
          %sign3A_410 = arith.constant 0 : i32
          %sign3A_411 = arith.cmpi slt, %scan3A_404, %sign3A_410 : i32
          %sign3A_412 = arith.extui %sign3A_411 : i1 to i32
          %sign3A_413 = arith.subi %sign3A_409, %sign3A_412 : i32
          %sign3A_414 = arith.constant 0 : i32
          %sign3A_415 = arith.cmpi sgt, %jit3A_405, %sign3A_414 : i32
          %sign3A_416 = arith.extui %sign3A_415 : i1 to i32
          %sign3A_417 = arith.constant 0 : i32
          %sign3A_418 = arith.cmpi slt, %jit3A_405, %sign3A_417 : i32
          %sign3A_419 = arith.extui %sign3A_418 : i1 to i32
          %sign3A_420 = arith.subi %sign3A_416, %sign3A_419 : i32
          %ne3A_421 = arith.cmpi ne, %sign3A_413, %sign3A_420 : i32
          %rem3A_422 = arith.remsi %scan3A_404, %jit3A_405 : i32
          %ne3A_423 = arith.constant 0 : i32
          %ne3A_424 = arith.cmpi ne, %rem3A_422, %ne3A_423 : i32
          %and3A_425 = arith.andi %ne3A_421, %ne3A_424 : i1
          %sub3A_426 = arith.constant 1 : i32
          %sub3A_427 = arith.subi %div3A_406, %sub3A_426 : i32
          %select_n3A_428 = arith.select %and3A_425, %sub3A_427, %div3A_406 : i32
          %jit3A_429 = arith.constant 2 : i32
          %eq3A_430 = arith.constant 0 : i32
          %eq3A_431 = arith.cmpi eq, %jit3A_429, %eq3A_430 : i32
          %jit3A_432 = arith.constant 1 : i32
          %select_n3A_433 = arith.select %eq3A_431, %jit3A_432, %jit3A_429 : i32
          %rem3A_434 = arith.remsi %scan3A_404, %select_n3A_433 : i32
          %ne3A_435 = arith.constant 0 : i32
          %ne3A_436 = arith.cmpi ne, %rem3A_434, %ne3A_435 : i32
          %lt3A_437 = arith.constant 0 : i32
          %lt3A_438 = arith.cmpi slt, %rem3A_434, %lt3A_437 : i32
          %lt3A_439 = arith.constant 0 : i32
          %lt3A_440 = arith.cmpi slt, %select_n3A_433, %lt3A_439 : i32
          %ne3A_441 = arith.xori %lt3A_438, %lt3A_440 : i1
          %and3A_442 = arith.andi %ne3A_441, %ne3A_436 : i1
          %add3A_443 = arith.addi %rem3A_434, %select_n3A_433 : i32
          %select_n3A_444 = arith.select %and3A_442, %add3A_443, %rem3A_434 : i32
          %mul3A_445 = arith.constant 33 : i32
          %mul3A_446 = arith.muli %select_n3A_428, %mul3A_445 : i32
          %mul3A_447 = arith.constant 16 : i32
          %mul3A_448 = arith.muli %select_n3A_444, %mul3A_447 : i32
          %add3A_449 = arith.addi %mul3A_446, %mul3A_448 : i32
          %get3A_450 = arith.index_cast %add3A_449 : i32 to index
          %get3A_451 = tpu.vector_load %arg7[%get3A_450] {strides = array<i32>} : memref<4256xf32, #tpu.memory_space<vmem>>, vector<16xf32>,
          %mul3A_452 = arith.constant 32 : i32
          %mul3A_453 = arith.muli %select_n3A_428, %mul3A_452 : i32
          %mul3A_454 = arith.constant 16 : i32
          %mul3A_455 = arith.muli %select_n3A_444, %mul3A_454 : i32
          %add3A_456 = arith.addi %mul3A_453, %mul3A_455 : i32
          %swap3A_457 = arith.constant 0 : i32
          %swap3A_458 = arith.index_cast %swap3A_457 : i32 to index
          %swap3A_459 = arith.index_cast %add3A_456 : i32 to index
          %swap3A_460 = tpu.vector_load %arg6[%swap3A_458, %swap3A_459] {strides = array<i32>} : memref<2x4096xf32, #tpu.memory_space<vmem>>, vector<16xf32>,
          tpu.vector_store %arg6[%swap3A_458, %swap3A_459], %get3A_451 {strides = array<i32>} : memref<2x4096xf32, #tpu.memory_space<vmem>>, vector<16xf32>,
          %scan3A_461 = arith.constant 3 : i32
          %scan3A_462 = arith.addi %scan3A_290, %scan3A_461 : i32
          %jit3A_463 = arith.constant 2 : i32
          %div3A_464 = arith.divsi %scan3A_462, %jit3A_463 : i32
          %sign3A_465 = arith.constant 0 : i32
          %sign3A_466 = arith.cmpi sgt, %scan3A_462, %sign3A_465 : i32
          %sign3A_467 = arith.extui %sign3A_466 : i1 to i32
          %sign3A_468 = arith.constant 0 : i32
          %sign3A_469 = arith.cmpi slt, %scan3A_462, %sign3A_468 : i32
          %sign3A_470 = arith.extui %sign3A_469 : i1 to i32
          %sign3A_471 = arith.subi %sign3A_467, %sign3A_470 : i32
          %sign3A_472 = arith.constant 0 : i32
          %sign3A_473 = arith.cmpi sgt, %jit3A_463, %sign3A_472 : i32
          %sign3A_474 = arith.extui %sign3A_473 : i1 to i32
          %sign3A_475 = arith.constant 0 : i32
          %sign3A_476 = arith.cmpi slt, %jit3A_463, %sign3A_475 : i32
          %sign3A_477 = arith.extui %sign3A_476 : i1 to i32
          %sign3A_478 = arith.subi %sign3A_474, %sign3A_477 : i32
          %ne3A_479 = arith.cmpi ne, %sign3A_471, %sign3A_478 : i32
          %rem3A_480 = arith.remsi %scan3A_462, %jit3A_463 : i32
          %ne3A_481 = arith.constant 0 : i32
          %ne3A_482 = arith.cmpi ne, %rem3A_480, %ne3A_481 : i32
          %and3A_483 = arith.andi %ne3A_479, %ne3A_482 : i1
          %sub3A_484 = arith.constant 1 : i32
          %sub3A_485 = arith.subi %div3A_464, %sub3A_484 : i32
          %select_n3A_486 = arith.select %and3A_483, %sub3A_485, %div3A_464 : i32
          %jit3A_487 = arith.constant 2 : i32
          %eq3A_488 = arith.constant 0 : i32
          %eq3A_489 = arith.cmpi eq, %jit3A_487, %eq3A_488 : i32
          %jit3A_490 = arith.constant 1 : i32
          %select_n3A_491 = arith.select %eq3A_489, %jit3A_490, %jit3A_487 : i32
          %rem3A_492 = arith.remsi %scan3A_462, %select_n3A_491 : i32
          %ne3A_493 = arith.constant 0 : i32
          %ne3A_494 = arith.cmpi ne, %rem3A_492, %ne3A_493 : i32
          %lt3A_495 = arith.constant 0 : i32
          %lt3A_496 = arith.cmpi slt, %rem3A_492, %lt3A_495 : i32
          %lt3A_497 = arith.constant 0 : i32
          %lt3A_498 = arith.cmpi slt, %select_n3A_491, %lt3A_497 : i32
          %ne3A_499 = arith.xori %lt3A_496, %lt3A_498 : i1
          %and3A_500 = arith.andi %ne3A_499, %ne3A_494 : i1
          %add3A_501 = arith.addi %rem3A_492, %select_n3A_491 : i32
          %select_n3A_502 = arith.select %and3A_500, %add3A_501, %rem3A_492 : i32
          %mul3A_503 = arith.constant 33 : i32
          %mul3A_504 = arith.muli %select_n3A_486, %mul3A_503 : i32
          %mul3A_505 = arith.constant 16 : i32
          %mul3A_506 = arith.muli %select_n3A_502, %mul3A_505 : i32
          %add3A_507 = arith.addi %mul3A_504, %mul3A_506 : i32
          %get3A_508 = arith.index_cast %add3A_507 : i32 to index
          %get3A_509 = tpu.vector_load %arg7[%get3A_508] {strides = array<i32>} : memref<4256xf32, #tpu.memory_space<vmem>>, vector<16xf32>,
          %mul3A_510 = arith.constant 32 : i32
          %mul3A_511 = arith.muli %select_n3A_486, %mul3A_510 : i32
          %mul3A_512 = arith.constant 16 : i32
          %mul3A_513 = arith.muli %select_n3A_502, %mul3A_512 : i32
          %add3A_514 = arith.addi %mul3A_511, %mul3A_513 : i32
          %swap3A_515 = arith.constant 0 : i32
          %swap3A_516 = arith.index_cast %swap3A_515 : i32 to index
          %swap3A_517 = arith.index_cast %add3A_514 : i32 to index
          %swap3A_518 = tpu.vector_load %arg6[%swap3A_516, %swap3A_517] {strides = array<i32>} : memref<2x4096xf32, #tpu.memory_space<vmem>>, vector<16xf32>,
          tpu.vector_store %arg6[%swap3A_516, %swap3A_517], %get3A_509 {strides = array<i32>} : memref<2x4096xf32, #tpu.memory_space<vmem>>, vector<16xf32>,
          %scan3A_519 = arith.constant 4 : i32
          %scan3A_520 = arith.addi %scan3A_290, %scan3A_519 : i32
          %jit3A_521 = arith.constant 2 : i32
          %div3A_522 = arith.divsi %scan3A_520, %jit3A_521 : i32
          %sign3A_523 = arith.constant 0 : i32
          %sign3A_524 = arith.cmpi sgt, %scan3A_520, %sign3A_523 : i32
          %sign3A_525 = arith.extui %sign3A_524 : i1 to i32
          %sign3A_526 = arith.constant 0 : i32
          %sign3A_527 = arith.cmpi slt, %scan3A_520, %sign3A_526 : i32
          %sign3A_528 = arith.extui %sign3A_527 : i1 to i32
          %sign3A_529 = arith.subi %sign3A_525, %sign3A_528 : i32
          %sign3A_530 = arith.constant 0 : i32
          %sign3A_531 = arith.cmpi sgt, %jit3A_521, %sign3A_530 : i32
          %sign3A_532 = arith.extui %sign3A_531 : i1 to i32
          %sign3A_533 = arith.constant 0 : i32
          %sign3A_534 = arith.cmpi slt, %jit3A_521, %sign3A_533 : i32
          %sign3A_535 = arith.extui %sign3A_534 : i1 to i32
          %sign3A_536 = arith.subi %sign3A_532, %sign3A_535 : i32
          %ne3A_537 = arith.cmpi ne, %sign3A_529, %sign3A_536 : i32
          %rem3A_538 = arith.remsi %scan3A_520, %jit3A_521 : i32
          %ne3A_539 = arith.constant 0 : i32
          %ne3A_540 = arith.cmpi ne, %rem3A_538, %ne3A_539 : i32
          %and3A_541 = arith.andi %ne3A_537, %ne3A_540 : i1
          %sub3A_542 = arith.constant 1 : i32
          %sub3A_543 = arith.subi %div3A_522, %sub3A_542 : i32
          %select_n3A_544 = arith.select %and3A_541, %sub3A_543, %div3A_522 : i32
          %jit3A_545 = arith.constant 2 : i32
          %eq3A_546 = arith.constant 0 : i32
          %eq3A_547 = arith.cmpi eq, %jit3A_545, %eq3A_546 : i32
          %jit3A_548 = arith.constant 1 : i32
          %select_n3A_549 = arith.select %eq3A_547, %jit3A_548, %jit3A_545 : i32
          %rem3A_550 = arith.remsi %scan3A_520, %select_n3A_549 : i32
          %ne3A_551 = arith.constant 0 : i32
          %ne3A_552 = arith.cmpi ne, %rem3A_550, %ne3A_551 : i32
          %lt3A_553 = arith.constant 0 : i32
          %lt3A_554 = arith.cmpi slt, %rem3A_550, %lt3A_553 : i32
          %lt3A_555 = arith.constant 0 : i32
          %lt3A_556 = arith.cmpi slt, %select_n3A_549, %lt3A_555 : i32
          %ne3A_557 = arith.xori %lt3A_554, %lt3A_556 : i1
          %and3A_558 = arith.andi %ne3A_557, %ne3A_552 : i1
          %add3A_559 = arith.addi %rem3A_550, %select_n3A_549 : i32
          %select_n3A_560 = arith.select %and3A_558, %add3A_559, %rem3A_550 : i32
          %mul3A_561 = arith.constant 33 : i32
          %mul3A_562 = arith.muli %select_n3A_544, %mul3A_561 : i32
          %mul3A_563 = arith.constant 16 : i32
          %mul3A_564 = arith.muli %select_n3A_560, %mul3A_563 : i32
          %add3A_565 = arith.addi %mul3A_562, %mul3A_564 : i32
          %get3A_566 = arith.index_cast %add3A_565 : i32 to index
          %get3A_567 = tpu.vector_load %arg7[%get3A_566] {strides = array<i32>} : memref<4256xf32, #tpu.memory_space<vmem>>, vector<16xf32>,
          %mul3A_568 = arith.constant 32 : i32
          %mul3A_569 = arith.muli %select_n3A_544, %mul3A_568 : i32
          %mul3A_570 = arith.constant 16 : i32
          %mul3A_571 = arith.muli %select_n3A_560, %mul3A_570 : i32
          %add3A_572 = arith.addi %mul3A_569, %mul3A_571 : i32
          %swap3A_573 = arith.constant 0 : i32
          %swap3A_574 = arith.index_cast %swap3A_573 : i32 to index
          %swap3A_575 = arith.index_cast %add3A_572 : i32 to index
          %swap3A_576 = tpu.vector_load %arg6[%swap3A_574, %swap3A_575] {strides = array<i32>} : memref<2x4096xf32, #tpu.memory_space<vmem>>, vector<16xf32>,
          tpu.vector_store %arg6[%swap3A_574, %swap3A_575], %get3A_567 {strides = array<i32>} : memref<2x4096xf32, #tpu.memory_space<vmem>>, vector<16xf32>,
          %scan3A_577 = arith.constant 5 : i32
          %scan3A_578 = arith.addi %scan3A_290, %scan3A_577 : i32
          %jit3A_579 = arith.constant 2 : i32
          %div3A_580 = arith.divsi %scan3A_578, %jit3A_579 : i32
          %sign3A_581 = arith.constant 0 : i32
          %sign3A_582 = arith.cmpi sgt, %scan3A_578, %sign3A_581 : i32
          %sign3A_583 = arith.extui %sign3A_582 : i1 to i32
          %sign3A_584 = arith.constant 0 : i32
          %sign3A_585 = arith.cmpi slt, %scan3A_578, %sign3A_584 : i32
          %sign3A_586 = arith.extui %sign3A_585 : i1 to i32
          %sign3A_587 = arith.subi %sign3A_583, %sign3A_586 : i32
          %sign3A_588 = arith.constant 0 : i32
          %sign3A_589 = arith.cmpi sgt, %jit3A_579, %sign3A_588 : i32
          %sign3A_590 = arith.extui %sign3A_589 : i1 to i32
          %sign3A_591 = arith.constant 0 : i32
          %sign3A_592 = arith.cmpi slt, %jit3A_579, %sign3A_591 : i32
          %sign3A_593 = arith.extui %sign3A_592 : i1 to i32
          %sign3A_594 = arith.subi %sign3A_590, %sign3A_593 : i32
          %ne3A_595 = arith.cmpi ne, %sign3A_587, %sign3A_594 : i32
          %rem3A_596 = arith.remsi %scan3A_578, %jit3A_579 : i32
          %ne3A_597 = arith.constant 0 : i32
          %ne3A_598 = arith.cmpi ne, %rem3A_596, %ne3A_597 : i32
          %and3A_599 = arith.andi %ne3A_595, %ne3A_598 : i1
          %sub3A_600 = arith.constant 1 : i32
          %sub3A_601 = arith.subi %div3A_580, %sub3A_600 : i32
          %select_n3A_602 = arith.select %and3A_599, %sub3A_601, %div3A_580 : i32
          %jit3A_603 = arith.constant 2 : i32
          %eq3A_604 = arith.constant 0 : i32
          %eq3A_605 = arith.cmpi eq, %jit3A_603, %eq3A_604 : i32
          %jit3A_606 = arith.constant 1 : i32
          %select_n3A_607 = arith.select %eq3A_605, %jit3A_606, %jit3A_603 : i32
          %rem3A_608 = arith.remsi %scan3A_578, %select_n3A_607 : i32
          %ne3A_609 = arith.constant 0 : i32
          %ne3A_610 = arith.cmpi ne, %rem3A_608, %ne3A_609 : i32
          %lt3A_611 = arith.constant 0 : i32
          %lt3A_612 = arith.cmpi slt, %rem3A_608, %lt3A_611 : i32
          %lt3A_613 = arith.constant 0 : i32
          %lt3A_614 = arith.cmpi slt, %select_n3A_607, %lt3A_613 : i32
          %ne3A_615 = arith.xori %lt3A_612, %lt3A_614 : i1
          %and3A_616 = arith.andi %ne3A_615, %ne3A_610 : i1
          %add3A_617 = arith.addi %rem3A_608, %select_n3A_607 : i32
          %select_n3A_618 = arith.select %and3A_616, %add3A_617, %rem3A_608 : i32
          %mul3A_619 = arith.constant 33 : i32
          %mul3A_620 = arith.muli %select_n3A_602, %mul3A_619 : i32
          %mul3A_621 = arith.constant 16 : i32
          %mul3A_622 = arith.muli %select_n3A_618, %mul3A_621 : i32
          %add3A_623 = arith.addi %mul3A_620, %mul3A_622 : i32
          %get3A_624 = arith.index_cast %add3A_623 : i32 to index
          %get3A_625 = tpu.vector_load %arg7[%get3A_624] {strides = array<i32>} : memref<4256xf32, #tpu.memory_space<vmem>>, vector<16xf32>,
          %mul3A_626 = arith.constant 32 : i32
          %mul3A_627 = arith.muli %select_n3A_602, %mul3A_626 : i32
          %mul3A_628 = arith.constant 16 : i32
          %mul3A_629 = arith.muli %select_n3A_618, %mul3A_628 : i32
          %add3A_630 = arith.addi %mul3A_627, %mul3A_629 : i32
          %swap3A_631 = arith.constant 0 : i32
          %swap3A_632 = arith.index_cast %swap3A_631 : i32 to index
          %swap3A_633 = arith.index_cast %add3A_630 : i32 to index
          %swap3A_634 = tpu.vector_load %arg6[%swap3A_632, %swap3A_633] {strides = array<i32>} : memref<2x4096xf32, #tpu.memory_space<vmem>>, vector<16xf32>,
          tpu.vector_store %arg6[%swap3A_632, %swap3A_633], %get3A_625 {strides = array<i32>} : memref<2x4096xf32, #tpu.memory_space<vmem>>, vector<16xf32>,
          %scan3A_635 = arith.constant 6 : i32
          %scan3A_636 = arith.addi %scan3A_290, %scan3A_635 : i32
          %jit3A_637 = arith.constant 2 : i32
          %div3A_638 = arith.divsi %scan3A_636, %jit3A_637 : i32
          %sign3A_639 = arith.constant 0 : i32
          %sign3A_640 = arith.cmpi sgt, %scan3A_636, %sign3A_639 : i32
          %sign3A_641 = arith.extui %sign3A_640 : i1 to i32
          %sign3A_642 = arith.constant 0 : i32
          %sign3A_643 = arith.cmpi slt, %scan3A_636, %sign3A_642 : i32
          %sign3A_644 = arith.extui %sign3A_643 : i1 to i32
          %sign3A_645 = arith.subi %sign3A_641, %sign3A_644 : i32
          %sign3A_646 = arith.constant 0 : i32
          %sign3A_647 = arith.cmpi sgt, %jit3A_637, %sign3A_646 : i32
          %sign3A_648 = arith.extui %sign3A_647 : i1 to i32
          %sign3A_649 = arith.constant 0 : i32
          %sign3A_650 = arith.cmpi slt, %jit3A_637, %sign3A_649 : i32
          %sign3A_651 = arith.extui %sign3A_650 : i1 to i32
          %sign3A_652 = arith.subi %sign3A_648, %sign3A_651 : i32
          %ne3A_653 = arith.cmpi ne, %sign3A_645, %sign3A_652 : i32
          %rem3A_654 = arith.remsi %scan3A_636, %jit3A_637 : i32
          %ne3A_655 = arith.constant 0 : i32
          %ne3A_656 = arith.cmpi ne, %rem3A_654, %ne3A_655 : i32
          %and3A_657 = arith.andi %ne3A_653, %ne3A_656 : i1
          %sub3A_658 = arith.constant 1 : i32
          %sub3A_659 = arith.subi %div3A_638, %sub3A_658 : i32
          %select_n3A_660 = arith.select %and3A_657, %sub3A_659, %div3A_638 : i32
          %jit3A_661 = arith.constant 2 : i32
          %eq3A_662 = arith.constant 0 : i32
          %eq3A_663 = arith.cmpi eq, %jit3A_661, %eq3A_662 : i32
          %jit3A_664 = arith.constant 1 : i32
          %select_n3A_665 = arith.select %eq3A_663, %jit3A_664, %jit3A_661 : i32
          %rem3A_666 = arith.remsi %scan3A_636, %select_n3A_665 : i32
          %ne3A_667 = arith.constant 0 : i32
          %ne3A_668 = arith.cmpi ne, %rem3A_666, %ne3A_667 : i32
          %lt3A_669 = arith.constant 0 : i32
          %lt3A_670 = arith.cmpi slt, %rem3A_666, %lt3A_669 : i32
          %lt3A_671 = arith.constant 0 : i32
          %lt3A_672 = arith.cmpi slt, %select_n3A_665, %lt3A_671 : i32
          %ne3A_673 = arith.xori %lt3A_670, %lt3A_672 : i1
          %and3A_674 = arith.andi %ne3A_673, %ne3A_668 : i1
          %add3A_675 = arith.addi %rem3A_666, %select_n3A_665 : i32
          %select_n3A_676 = arith.select %and3A_674, %add3A_675, %rem3A_666 : i32
          %mul3A_677 = arith.constant 33 : i32
          %mul3A_678 = arith.muli %select_n3A_660, %mul3A_677 : i32
          %mul3A_679 = arith.constant 16 : i32
          %mul3A_680 = arith.muli %select_n3A_676, %mul3A_679 : i32
          %add3A_681 = arith.addi %mul3A_678, %mul3A_680 : i32
          %get3A_682 = arith.index_cast %add3A_681 : i32 to index
          %get3A_683 = tpu.vector_load %arg7[%get3A_682] {strides = array<i32>} : memref<4256xf32, #tpu.memory_space<vmem>>, vector<16xf32>,
          %mul3A_684 = arith.constant 32 : i32
          %mul3A_685 = arith.muli %select_n3A_660, %mul3A_684 : i32
          %mul3A_686 = arith.constant 16 : i32
          %mul3A_687 = arith.muli %select_n3A_676, %mul3A_686 : i32
          %add3A_688 = arith.addi %mul3A_685, %mul3A_687 : i32
          %swap3A_689 = arith.constant 0 : i32
          %swap3A_690 = arith.index_cast %swap3A_689 : i32 to index
          %swap3A_691 = arith.index_cast %add3A_688 : i32 to index
          %swap3A_692 = tpu.vector_load %arg6[%swap3A_690, %swap3A_691] {strides = array<i32>} : memref<2x4096xf32, #tpu.memory_space<vmem>>, vector<16xf32>,
          tpu.vector_store %arg6[%swap3A_690, %swap3A_691], %get3A_683 {strides = array<i32>} : memref<2x4096xf32, #tpu.memory_space<vmem>>, vector<16xf32>,
          %scan3A_693 = arith.constant 7 : i32
          %scan3A_694 = arith.addi %scan3A_290, %scan3A_693 : i32
          %jit3A_695 = arith.constant 2 : i32
          %div3A_696 = arith.divsi %scan3A_694, %jit3A_695 : i32
          %sign3A_697 = arith.constant 0 : i32
          %sign3A_698 = arith.cmpi sgt, %scan3A_694, %sign3A_697 : i32
          %sign3A_699 = arith.extui %sign3A_698 : i1 to i32
          %sign3A_700 = arith.constant 0 : i32
          %sign3A_701 = arith.cmpi slt, %scan3A_694, %sign3A_700 : i32
          %sign3A_702 = arith.extui %sign3A_701 : i1 to i32
          %sign3A_703 = arith.subi %sign3A_699, %sign3A_702 : i32
          %sign3A_704 = arith.constant 0 : i32
          %sign3A_705 = arith.cmpi sgt, %jit3A_695, %sign3A_704 : i32
          %sign3A_706 = arith.extui %sign3A_705 : i1 to i32
          %sign3A_707 = arith.constant 0 : i32
          %sign3A_708 = arith.cmpi slt, %jit3A_695, %sign3A_707 : i32
          %sign3A_709 = arith.extui %sign3A_708 : i1 to i32
          %sign3A_710 = arith.subi %sign3A_706, %sign3A_709 : i32
          %ne3A_711 = arith.cmpi ne, %sign3A_703, %sign3A_710 : i32
          %rem3A_712 = arith.remsi %scan3A_694, %jit3A_695 : i32
          %ne3A_713 = arith.constant 0 : i32
          %ne3A_714 = arith.cmpi ne, %rem3A_712, %ne3A_713 : i32
          %and3A_715 = arith.andi %ne3A_711, %ne3A_714 : i1
          %sub3A_716 = arith.constant 1 : i32
          %sub3A_717 = arith.subi %div3A_696, %sub3A_716 : i32
          %select_n3A_718 = arith.select %and3A_715, %sub3A_717, %div3A_696 : i32
          %jit3A_719 = arith.constant 2 : i32
          %eq3A_720 = arith.constant 0 : i32
          %eq3A_721 = arith.cmpi eq, %jit3A_719, %eq3A_720 : i32
          %jit3A_722 = arith.constant 1 : i32
          %select_n3A_723 = arith.select %eq3A_721, %jit3A_722, %jit3A_719 : i32
          %rem3A_724 = arith.remsi %scan3A_694, %select_n3A_723 : i32
          %ne3A_725 = arith.constant 0 : i32
          %ne3A_726 = arith.cmpi ne, %rem3A_724, %ne3A_725 : i32
          %lt3A_727 = arith.constant 0 : i32
          %lt3A_728 = arith.cmpi slt, %rem3A_724, %lt3A_727 : i32
          %lt3A_729 = arith.constant 0 : i32
          %lt3A_730 = arith.cmpi slt, %select_n3A_723, %lt3A_729 : i32
          %ne3A_731 = arith.xori %lt3A_728, %lt3A_730 : i1
          %and3A_732 = arith.andi %ne3A_731, %ne3A_726 : i1
          %add3A_733 = arith.addi %rem3A_724, %select_n3A_723 : i32
          %select_n3A_734 = arith.select %and3A_732, %add3A_733, %rem3A_724 : i32
          %mul3A_735 = arith.constant 33 : i32
          %mul3A_736 = arith.muli %select_n3A_718, %mul3A_735 : i32
          %mul3A_737 = arith.constant 16 : i32
          %mul3A_738 = arith.muli %select_n3A_734, %mul3A_737 : i32
          %add3A_739 = arith.addi %mul3A_736, %mul3A_738 : i32
          %get3A_740 = arith.index_cast %add3A_739 : i32 to index
          %get3A_741 = tpu.vector_load %arg7[%get3A_740] {strides = array<i32>} : memref<4256xf32, #tpu.memory_space<vmem>>, vector<16xf32>,
          %mul3A_742 = arith.constant 32 : i32
          %mul3A_743 = arith.muli %select_n3A_718, %mul3A_742 : i32
          %mul3A_744 = arith.constant 16 : i32
          %mul3A_745 = arith.muli %select_n3A_734, %mul3A_744 : i32
          %add3A_746 = arith.addi %mul3A_743, %mul3A_745 : i32
          %swap3A_747 = arith.constant 0 : i32
          %swap3A_748 = arith.index_cast %swap3A_747 : i32 to index
          %swap3A_749 = arith.index_cast %add3A_746 : i32 to index
          %swap3A_750 = tpu.vector_load %arg6[%swap3A_748, %swap3A_749] {strides = array<i32>} : memref<2x4096xf32, #tpu.memory_space<vmem>>, vector<16xf32>,
          tpu.vector_store %arg6[%swap3A_748, %swap3A_749], %get3A_741 {strides = array<i32>} : memref<2x4096xf32, #tpu.memory_space<vmem>>, vector<16xf32>,
        }
        %scan3A_273 = arith.constant 256 : i32
        %mul3A_274 = arith.constant 128 : i32
        %mul3A_275 = arith.muli %add3A_157, %mul3A_274 : i32
        %mul3A_276 = arith.constant 32 : i32
        %mul3A_277 = arith.muli %mul3A_275, %mul3A_276 : i32
        %dma_start3A_278 = arith.constant 0 : i32
        %dma_start3A_279 = arith.constant 0 : i32
        %dma_start3A_280 = arith.constant 0 : i32
        %dma_start3A_281 = tpu.memref_slice %arg6[%dma_start3A_278, %dma_start3A_280] : memref<2x4096xf32, #tpu.memory_space<vmem>> -> memref<1x4096xf32, #tpu.memory_space<vmem>>
        %dma_start3A_282 = tpu.memref_squeeze %dma_start3A_281 : memref<1x4096xf32, #tpu.memory_space<vmem>> -> memref<4096xf32, #tpu.memory_space<vmem>>
        %dma_start3A_283 = tpu.memref_slice %arg4[%mul3A_277] : memref<32000000xf32, #tpu.memory_space<hbm>> -> memref<4096xf32, #tpu.memory_space<hbm>>
        %dma_start3A_284 = tpu.memref_slice %arg10[%dma_start3A_279] : memref<2x!tpu.dma_semaphore, #tpu.memory_space<semaphore_mem>> -> memref<1x!tpu.dma_semaphore, #tpu.memory_space<semaphore_mem>>
        %dma_start3A_285 = tpu.memref_squeeze %dma_start3A_284 : memref<1x!tpu.dma_semaphore, #tpu.memory_space<semaphore_mem>> -> memref<!tpu.dma_semaphore, #tpu.memory_space<semaphore_mem>>
        %dma_start3A_286 = tpu.memref_slice %arg4[%mul3A_277] : memref<32000000xf32, #tpu.memory_space<hbm>> -> memref<4096xf32, #tpu.memory_space<hbm>>
        %dma_start3A_287 = arith.constant 0 : i32
        %dma_start3A_288 = tpu.memref_slice %arg6[%dma_start3A_278, %dma_start3A_287] : memref<2x4096xf32, #tpu.memory_space<vmem>> -> memref<1x4096xf32, #tpu.memory_space<vmem>>
        %dma_start3A_289 = tpu.memref_squeeze %dma_start3A_288 : memref<1x4096xf32, #tpu.memory_space<vmem>> -> memref<4096xf32, #tpu.memory_space<vmem>>
        tpu.enqueue_dma source(%dma_start3A_289 : memref<4096xf32, #tpu.memory_space<vmem>>) target(%dma_start3A_286 : memref<4096xf32, #tpu.memory_space<hbm>>) target_semaphore(%dma_start3A_285 : memref<!tpu.dma_semaphore, #tpu.memory_space<semaphore_mem>>)
      } else {
      }
      %mul3A_163 = arith.constant 2 : i32
      %mul3A_164 = arith.muli %mul3A_163, %scan3A_150 : i32
      %add3A_165 = arith.constant 1 : i32
      %add3A_166 = arith.addi %mul3A_164, %add3A_165 : i32
      %mul3A_167 = arith.constant 32 : i32
      %mul3A_168 = arith.muli %mul3A_167, %add3A_166 : i32
      %add3A_169 = arith.addi %add3A, %mul3A_168 : i32
      %lt3A_170 = arith.constant 7812 : i32
      %lt3A_171 = arith.cmpi slt, %add3A_169, %lt3A_170 : i32
      %convert_element_type3A_172 = arith.extui %lt3A_171 : i1 to i32
      %cond3A_173 = arith.constant 0 : i32
      %cond3A_174 = arith.cmpi ne, %convert_element_type3A_172, %cond3A_173 : i32
      scf.if %cond3A_174 {
        %mul3A_175 = arith.constant 128 : i32
        %mul3A_176 = arith.muli %add3A_169, %mul3A_175 : i32
        %mul3A_177 = arith.constant 128 : i32
        %mul3A_178 = arith.muli %add3A_169, %mul3A_177 : i32
        %mul3A_179 = arith.constant 128 : i32
        %mul3A_180 = arith.muli %add3A_169, %mul3A_179 : i32
        %mul3A_181 = arith.constant 128 : i32
        %mul3A_182 = arith.muli %add3A_169, %mul3A_181 : i32
        %dma_wait3A_183 = arith.constant 1 : i32
        %dma_wait3A_184 = arith.constant 0 : i32
        %dma_wait3A_185 = arith.constant 1 : i32
        %dma_wait3A_186 = arith.constant 0 : i32
        %dma_wait3A_187 = arith.constant 0 : i32
        %dma_wait3A_188 = tpu.memref_slice %arg5[%dma_wait3A_183, %dma_wait3A_184, %dma_wait3A_186, %dma_wait3A_187] : memref<2x4x8x128xf32, #tpu.memory_space<vmem>> -> memref<1x1x8x128xf32, #tpu.memory_space<vmem>>
        %dma_wait3A_189 = tpu.memref_squeeze %dma_wait3A_188 : memref<1x1x8x128xf32, #tpu.memory_space<vmem>> -> memref<8x128xf32, #tpu.memory_space<vmem>>
        %dma_wait3A_190 = arith.constant 0 : i32
        %dma_wait3A_191 = tpu.memref_slice %arg2[%dma_wait3A_190, %mul3A_176] : memref<32x1000000xf32, #tpu.memory_space<hbm>> -> memref<8x128xf32, #tpu.memory_space<hbm>>
        %dma_wait3A_192 = tpu.memref_slice %arg9[%dma_wait3A_185] : memref<2x!tpu.dma_semaphore, #tpu.memory_space<semaphore_mem>> -> memref<1x!tpu.dma_semaphore, #tpu.memory_space<semaphore_mem>>
        %dma_wait3A_193 = tpu.memref_squeeze %dma_wait3A_192 : memref<1x!tpu.dma_semaphore, #tpu.memory_space<semaphore_mem>> -> memref<!tpu.dma_semaphore, #tpu.memory_space<semaphore_mem>>
        %dma_wait3A_194 = arith.constant 0 : i32
        %dma_wait3A_195 = arith.constant 0 : i32
        %dma_wait3A_196 = tpu.memref_slice %arg5[%dma_wait3A_183, %dma_wait3A_184, %dma_wait3A_194, %dma_wait3A_195] : memref<2x4x8x128xf32, #tpu.memory_space<vmem>> -> memref<1x1x8x128xf32, #tpu.memory_space<vmem>>
        %dma_wait3A_197 = tpu.memref_squeeze %dma_wait3A_196 : memref<1x1x8x128xf32, #tpu.memory_space<vmem>> -> memref<8x128xf32, #tpu.memory_space<vmem>>
        %dma_wait3A_198 = arith.constant 0 : i32
        %dma_wait3A_199 = tpu.memref_slice %arg2[%dma_wait3A_198, %mul3A_176] : memref<32x1000000xf32, #tpu.memory_space<hbm>> -> memref<8x128xf32, #tpu.memory_space<hbm>>
        tpu.wait_dma2 semaphore(%dma_wait3A_193 : memref<!tpu.dma_semaphore, #tpu.memory_space<semaphore_mem>>) src(%dma_wait3A_199 : memref<8x128xf32, #tpu.memory_space<hbm>>) dst(%dma_wait3A_197 : memref<8x128xf32, #tpu.memory_space<vmem>>)
        %dma_wait3A_200 = arith.constant 1 : i32
        %dma_wait3A_201 = arith.constant 1 : i32
        %dma_wait3A_202 = arith.constant 1 : i32
        %dma_wait3A_203 = arith.constant 0 : i32
        %dma_wait3A_204 = arith.constant 0 : i32
        %dma_wait3A_205 = tpu.memref_slice %arg5[%dma_wait3A_200, %dma_wait3A_201, %dma_wait3A_203, %dma_wait3A_204] : memref<2x4x8x128xf32, #tpu.memory_space<vmem>> -> memref<1x1x8x128xf32, #tpu.memory_space<vmem>>
        %dma_wait3A_206 = tpu.memref_squeeze %dma_wait3A_205 : memref<1x1x8x128xf32, #tpu.memory_space<vmem>> -> memref<8x128xf32, #tpu.memory_space<vmem>>
        %dma_wait3A_207 = arith.constant 8 : i32
        %dma_wait3A_208 = tpu.memref_slice %arg2[%dma_wait3A_207, %mul3A_178] : memref<32x1000000xf32, #tpu.memory_space<hbm>> -> memref<8x128xf32, #tpu.memory_space<hbm>>
        %dma_wait3A_209 = tpu.memref_slice %arg9[%dma_wait3A_202] : memref<2x!tpu.dma_semaphore, #tpu.memory_space<semaphore_mem>> -> memref<1x!tpu.dma_semaphore, #tpu.memory_space<semaphore_mem>>
        %dma_wait3A_210 = tpu.memref_squeeze %dma_wait3A_209 : memref<1x!tpu.dma_semaphore, #tpu.memory_space<semaphore_mem>> -> memref<!tpu.dma_semaphore, #tpu.memory_space<semaphore_mem>>
        %dma_wait3A_211 = arith.constant 0 : i32
        %dma_wait3A_212 = arith.constant 0 : i32
        %dma_wait3A_213 = tpu.memref_slice %arg5[%dma_wait3A_200, %dma_wait3A_201, %dma_wait3A_211, %dma_wait3A_212] : memref<2x4x8x128xf32, #tpu.memory_space<vmem>> -> memref<1x1x8x128xf32, #tpu.memory_space<vmem>>
        %dma_wait3A_214 = tpu.memref_squeeze %dma_wait3A_213 : memref<1x1x8x128xf32, #tpu.memory_space<vmem>> -> memref<8x128xf32, #tpu.memory_space<vmem>>
        %dma_wait3A_215 = arith.constant 8 : i32
        %dma_wait3A_216 = tpu.memref_slice %arg2[%dma_wait3A_215, %mul3A_178] : memref<32x1000000xf32, #tpu.memory_space<hbm>> -> memref<8x128xf32, #tpu.memory_space<hbm>>
        tpu.wait_dma2 semaphore(%dma_wait3A_210 : memref<!tpu.dma_semaphore, #tpu.memory_space<semaphore_mem>>) src(%dma_wait3A_216 : memref<8x128xf32, #tpu.memory_space<hbm>>) dst(%dma_wait3A_214 : memref<8x128xf32, #tpu.memory_space<vmem>>)
        %dma_wait3A_217 = arith.constant 1 : i32
        %dma_wait3A_218 = arith.constant 2 : i32
        %dma_wait3A_219 = arith.constant 1 : i32
        %dma_wait3A_220 = arith.constant 0 : i32
        %dma_wait3A_221 = arith.constant 0 : i32
        %dma_wait3A_222 = tpu.memref_slice %arg5[%dma_wait3A_217, %dma_wait3A_218, %dma_wait3A_220, %dma_wait3A_221] : memref<2x4x8x128xf32, #tpu.memory_space<vmem>> -> memref<1x1x8x128xf32, #tpu.memory_space<vmem>>
        %dma_wait3A_223 = tpu.memref_squeeze %dma_wait3A_222 : memref<1x1x8x128xf32, #tpu.memory_space<vmem>> -> memref<8x128xf32, #tpu.memory_space<vmem>>
        %dma_wait3A_224 = arith.constant 16 : i32
        %dma_wait3A_225 = tpu.memref_slice %arg2[%dma_wait3A_224, %mul3A_180] : memref<32x1000000xf32, #tpu.memory_space<hbm>> -> memref<8x128xf32, #tpu.memory_space<hbm>>
        %dma_wait3A_226 = tpu.memref_slice %arg9[%dma_wait3A_219] : memref<2x!tpu.dma_semaphore, #tpu.memory_space<semaphore_mem>> -> memref<1x!tpu.dma_semaphore, #tpu.memory_space<semaphore_mem>>
        %dma_wait3A_227 = tpu.memref_squeeze %dma_wait3A_226 : memref<1x!tpu.dma_semaphore, #tpu.memory_space<semaphore_mem>> -> memref<!tpu.dma_semaphore, #tpu.memory_space<semaphore_mem>>
        %dma_wait3A_228 = arith.constant 0 : i32
        %dma_wait3A_229 = arith.constant 0 : i32
        %dma_wait3A_230 = tpu.memref_slice %arg5[%dma_wait3A_217, %dma_wait3A_218, %dma_wait3A_228, %dma_wait3A_229] : memref<2x4x8x128xf32, #tpu.memory_space<vmem>> -> memref<1x1x8x128xf32, #tpu.memory_space<vmem>>
        %dma_wait3A_231 = tpu.memref_squeeze %dma_wait3A_230 : memref<1x1x8x128xf32, #tpu.memory_space<vmem>> -> memref<8x128xf32, #tpu.memory_space<vmem>>
        %dma_wait3A_232 = arith.constant 16 : i32
        %dma_wait3A_233 = tpu.memref_slice %arg2[%dma_wait3A_232, %mul3A_180] : memref<32x1000000xf32, #tpu.memory_space<hbm>> -> memref<8x128xf32, #tpu.memory_space<hbm>>
        tpu.wait_dma2 semaphore(%dma_wait3A_227 : memref<!tpu.dma_semaphore, #tpu.memory_space<semaphore_mem>>) src(%dma_wait3A_233 : memref<8x128xf32, #tpu.memory_space<hbm>>) dst(%dma_wait3A_231 : memref<8x128xf32, #tpu.memory_space<vmem>>)
        %dma_wait3A_234 = arith.constant 1 : i32
        %dma_wait3A_235 = arith.constant 3 : i32
        %dma_wait3A_236 = arith.constant 1 : i32
        %dma_wait3A_237 = arith.constant 0 : i32
        %dma_wait3A_238 = arith.constant 0 : i32
        %dma_wait3A_239 = tpu.memref_slice %arg5[%dma_wait3A_234, %dma_wait3A_235, %dma_wait3A_237, %dma_wait3A_238] : memref<2x4x8x128xf32, #tpu.memory_space<vmem>> -> memref<1x1x8x128xf32, #tpu.memory_space<vmem>>
        %dma_wait3A_240 = tpu.memref_squeeze %dma_wait3A_239 : memref<1x1x8x128xf32, #tpu.memory_space<vmem>> -> memref<8x128xf32, #tpu.memory_space<vmem>>
        %dma_wait3A_241 = arith.constant 24 : i32
        %dma_wait3A_242 = tpu.memref_slice %arg2[%dma_wait3A_241, %mul3A_182] : memref<32x1000000xf32, #tpu.memory_space<hbm>> -> memref<8x128xf32, #tpu.memory_space<hbm>>
        %dma_wait3A_243 = tpu.memref_slice %arg9[%dma_wait3A_236] : memref<2x!tpu.dma_semaphore, #tpu.memory_space<semaphore_mem>> -> memref<1x!tpu.dma_semaphore, #tpu.memory_space<semaphore_mem>>
        %dma_wait3A_244 = tpu.memref_squeeze %dma_wait3A_243 : memref<1x!tpu.dma_semaphore, #tpu.memory_space<semaphore_mem>> -> memref<!tpu.dma_semaphore, #tpu.memory_space<semaphore_mem>>
        %dma_wait3A_245 = arith.constant 0 : i32
        %dma_wait3A_246 = arith.constant 0 : i32
        %dma_wait3A_247 = tpu.memref_slice %arg5[%dma_wait3A_234, %dma_wait3A_235, %dma_wait3A_245, %dma_wait3A_246] : memref<2x4x8x128xf32, #tpu.memory_space<vmem>> -> memref<1x1x8x128xf32, #tpu.memory_space<vmem>>
        %dma_wait3A_248 = tpu.memref_squeeze %dma_wait3A_247 : memref<1x1x8x128xf32, #tpu.memory_space<vmem>> -> memref<8x128xf32, #tpu.memory_space<vmem>>
        %dma_wait3A_249 = arith.constant 24 : i32
        %dma_wait3A_250 = tpu.memref_slice %arg2[%dma_wait3A_249, %mul3A_182] : memref<32x1000000xf32, #tpu.memory_space<hbm>> -> memref<8x128xf32, #tpu.memory_space<hbm>>
        tpu.wait_dma2 semaphore(%dma_wait3A_244 : memref<!tpu.dma_semaphore, #tpu.memory_space<semaphore_mem>>) src(%dma_wait3A_250 : memref<8x128xf32, #tpu.memory_space<hbm>>) dst(%dma_wait3A_248 : memref<8x128xf32, #tpu.memory_space<vmem>>)
        %add3A_251 = arith.constant 32 : i32
        %add3A_252 = arith.addi %add3A_169, %add3A_251 : i32
        %lt3A_253 = arith.constant 7812 : i32
        %lt3A_254 = arith.cmpi slt, %add3A_252, %lt3A_253 : i32
        %convert_element_type3A_255 = arith.extui %lt3A_254 : i1 to i32
        %cond3A_256 = arith.constant 0 : i32
        %cond3A_257 = arith.cmpi ne, %convert_element_type3A_255, %cond3A_256 : i32
        scf.if %cond3A_257 {
          %mul3A_290 = arith.constant 128 : i32
          %mul3A_291 = arith.muli %add3A_252, %mul3A_290 : i32
          %mul3A_292 = arith.constant 128 : i32
          %mul3A_293 = arith.muli %add3A_252, %mul3A_292 : i32
          %mul3A_294 = arith.constant 128 : i32
          %mul3A_295 = arith.muli %add3A_252, %mul3A_294 : i32
          %mul3A_296 = arith.constant 128 : i32
          %mul3A_297 = arith.muli %add3A_252, %mul3A_296 : i32
          %dma_start3A_298 = arith.constant 0 : i32
          %dma_start3A_299 = arith.constant 0 : i32
          %dma_start3A_300 = arith.constant 0 : i32
          %dma_start3A_301 = arith.constant 0 : i32
          %dma_start3A_302 = arith.constant 0 : i32
          %dma_start3A_303 = tpu.memref_slice %arg5[%dma_start3A_298, %dma_start3A_299, %dma_start3A_301, %dma_start3A_302] : memref<2x4x8x128xf32, #tpu.memory_space<vmem>> -> memref<1x1x8x128xf32, #tpu.memory_space<vmem>>
          %dma_start3A_304 = tpu.memref_squeeze %dma_start3A_303 : memref<1x1x8x128xf32, #tpu.memory_space<vmem>> -> memref<8x128xf32, #tpu.memory_space<vmem>>
          %dma_start3A_305 = arith.constant 0 : i32
          %dma_start3A_306 = tpu.memref_slice %arg2[%dma_start3A_305, %mul3A_291] : memref<32x1000000xf32, #tpu.memory_space<hbm>> -> memref<8x128xf32, #tpu.memory_space<hbm>>
          %dma_start3A_307 = tpu.memref_slice %arg9[%dma_start3A_300] : memref<2x!tpu.dma_semaphore, #tpu.memory_space<semaphore_mem>> -> memref<1x!tpu.dma_semaphore, #tpu.memory_space<semaphore_mem>>
          %dma_start3A_308 = tpu.memref_squeeze %dma_start3A_307 : memref<1x!tpu.dma_semaphore, #tpu.memory_space<semaphore_mem>> -> memref<!tpu.dma_semaphore, #tpu.memory_space<semaphore_mem>>
          %dma_start3A_309 = arith.constant 0 : i32
          %dma_start3A_310 = arith.constant 0 : i32
          %dma_start3A_311 = tpu.memref_slice %arg5[%dma_start3A_298, %dma_start3A_299, %dma_start3A_309, %dma_start3A_310] : memref<2x4x8x128xf32, #tpu.memory_space<vmem>> -> memref<1x1x8x128xf32, #tpu.memory_space<vmem>>
          %dma_start3A_312 = tpu.memref_squeeze %dma_start3A_311 : memref<1x1x8x128xf32, #tpu.memory_space<vmem>> -> memref<8x128xf32, #tpu.memory_space<vmem>>
          %dma_start3A_313 = arith.constant 0 : i32
          %dma_start3A_314 = tpu.memref_slice %arg2[%dma_start3A_313, %mul3A_291] : memref<32x1000000xf32, #tpu.memory_space<hbm>> -> memref<8x128xf32, #tpu.memory_space<hbm>>
          tpu.enqueue_dma source(%dma_start3A_314 : memref<8x128xf32, #tpu.memory_space<hbm>>) target(%dma_start3A_312 : memref<8x128xf32, #tpu.memory_space<vmem>>) target_semaphore(%dma_start3A_308 : memref<!tpu.dma_semaphore, #tpu.memory_space<semaphore_mem>>)
          %dma_start3A_315 = arith.constant 0 : i32
          %dma_start3A_316 = arith.constant 1 : i32
          %dma_start3A_317 = arith.constant 0 : i32
          %dma_start3A_318 = arith.constant 0 : i32
          %dma_start3A_319 = arith.constant 0 : i32
          %dma_start3A_320 = tpu.memref_slice %arg5[%dma_start3A_315, %dma_start3A_316, %dma_start3A_318, %dma_start3A_319] : memref<2x4x8x128xf32, #tpu.memory_space<vmem>> -> memref<1x1x8x128xf32, #tpu.memory_space<vmem>>
          %dma_start3A_321 = tpu.memref_squeeze %dma_start3A_320 : memref<1x1x8x128xf32, #tpu.memory_space<vmem>> -> memref<8x128xf32, #tpu.memory_space<vmem>>
          %dma_start3A_322 = arith.constant 8 : i32
          %dma_start3A_323 = tpu.memref_slice %arg2[%dma_start3A_322, %mul3A_293] : memref<32x1000000xf32, #tpu.memory_space<hbm>> -> memref<8x128xf32, #tpu.memory_space<hbm>>
          %dma_start3A_324 = tpu.memref_slice %arg9[%dma_start3A_317] : memref<2x!tpu.dma_semaphore, #tpu.memory_space<semaphore_mem>> -> memref<1x!tpu.dma_semaphore, #tpu.memory_space<semaphore_mem>>
          %dma_start3A_325 = tpu.memref_squeeze %dma_start3A_324 : memref<1x!tpu.dma_semaphore, #tpu.memory_space<semaphore_mem>> -> memref<!tpu.dma_semaphore, #tpu.memory_space<semaphore_mem>>
          %dma_start3A_326 = arith.constant 0 : i32
          %dma_start3A_327 = arith.constant 0 : i32
          %dma_start3A_328 = tpu.memref_slice %arg5[%dma_start3A_315, %dma_start3A_316, %dma_start3A_326, %dma_start3A_327] : memref<2x4x8x128xf32, #tpu.memory_space<vmem>> -> memref<1x1x8x128xf32, #tpu.memory_space<vmem>>
          %dma_start3A_329 = tpu.memref_squeeze %dma_start3A_328 : memref<1x1x8x128xf32, #tpu.memory_space<vmem>> -> memref<8x128xf32, #tpu.memory_space<vmem>>
          %dma_start3A_330 = arith.constant 8 : i32
          %dma_start3A_331 = tpu.memref_slice %arg2[%dma_start3A_330, %mul3A_293] : memref<32x1000000xf32, #tpu.memory_space<hbm>> -> memref<8x128xf32, #tpu.memory_space<hbm>>
          tpu.enqueue_dma source(%dma_start3A_331 : memref<8x128xf32, #tpu.memory_space<hbm>>) target(%dma_start3A_329 : memref<8x128xf32, #tpu.memory_space<vmem>>) target_semaphore(%dma_start3A_325 : memref<!tpu.dma_semaphore, #tpu.memory_space<semaphore_mem>>)
          %dma_start3A_332 = arith.constant 0 : i32
          %dma_start3A_333 = arith.constant 2 : i32
          %dma_start3A_334 = arith.constant 0 : i32
          %dma_start3A_335 = arith.constant 0 : i32
          %dma_start3A_336 = arith.constant 0 : i32
          %dma_start3A_337 = tpu.memref_slice %arg5[%dma_start3A_332, %dma_start3A_333, %dma_start3A_335, %dma_start3A_336] : memref<2x4x8x128xf32, #tpu.memory_space<vmem>> -> memref<1x1x8x128xf32, #tpu.memory_space<vmem>>
          %dma_start3A_338 = tpu.memref_squeeze %dma_start3A_337 : memref<1x1x8x128xf32, #tpu.memory_space<vmem>> -> memref<8x128xf32, #tpu.memory_space<vmem>>
          %dma_start3A_339 = arith.constant 16 : i32
          %dma_start3A_340 = tpu.memref_slice %arg2[%dma_start3A_339, %mul3A_295] : memref<32x1000000xf32, #tpu.memory_space<hbm>> -> memref<8x128xf32, #tpu.memory_space<hbm>>
          %dma_start3A_341 = tpu.memref_slice %arg9[%dma_start3A_334] : memref<2x!tpu.dma_semaphore, #tpu.memory_space<semaphore_mem>> -> memref<1x!tpu.dma_semaphore, #tpu.memory_space<semaphore_mem>>
          %dma_start3A_342 = tpu.memref_squeeze %dma_start3A_341 : memref<1x!tpu.dma_semaphore, #tpu.memory_space<semaphore_mem>> -> memref<!tpu.dma_semaphore, #tpu.memory_space<semaphore_mem>>
          %dma_start3A_343 = arith.constant 0 : i32
          %dma_start3A_344 = arith.constant 0 : i32
          %dma_start3A_345 = tpu.memref_slice %arg5[%dma_start3A_332, %dma_start3A_333, %dma_start3A_343, %dma_start3A_344] : memref<2x4x8x128xf32, #tpu.memory_space<vmem>> -> memref<1x1x8x128xf32, #tpu.memory_space<vmem>>
          %dma_start3A_346 = tpu.memref_squeeze %dma_start3A_345 : memref<1x1x8x128xf32, #tpu.memory_space<vmem>> -> memref<8x128xf32, #tpu.memory_space<vmem>>
          %dma_start3A_347 = arith.constant 16 : i32
          %dma_start3A_348 = tpu.memref_slice %arg2[%dma_start3A_347, %mul3A_295] : memref<32x1000000xf32, #tpu.memory_space<hbm>> -> memref<8x128xf32, #tpu.memory_space<hbm>>
          tpu.enqueue_dma source(%dma_start3A_348 : memref<8x128xf32, #tpu.memory_space<hbm>>) target(%dma_start3A_346 : memref<8x128xf32, #tpu.memory_space<vmem>>) target_semaphore(%dma_start3A_342 : memref<!tpu.dma_semaphore, #tpu.memory_space<semaphore_mem>>)
          %dma_start3A_349 = arith.constant 0 : i32
          %dma_start3A_350 = arith.constant 3 : i32
          %dma_start3A_351 = arith.constant 0 : i32
          %dma_start3A_352 = arith.constant 0 : i32
          %dma_start3A_353 = arith.constant 0 : i32
          %dma_start3A_354 = tpu.memref_slice %arg5[%dma_start3A_349, %dma_start3A_350, %dma_start3A_352, %dma_start3A_353] : memref<2x4x8x128xf32, #tpu.memory_space<vmem>> -> memref<1x1x8x128xf32, #tpu.memory_space<vmem>>
          %dma_start3A_355 = tpu.memref_squeeze %dma_start3A_354 : memref<1x1x8x128xf32, #tpu.memory_space<vmem>> -> memref<8x128xf32, #tpu.memory_space<vmem>>
          %dma_start3A_356 = arith.constant 24 : i32
          %dma_start3A_357 = tpu.memref_slice %arg2[%dma_start3A_356, %mul3A_297] : memref<32x1000000xf32, #tpu.memory_space<hbm>> -> memref<8x128xf32, #tpu.memory_space<hbm>>
          %dma_start3A_358 = tpu.memref_slice %arg9[%dma_start3A_351] : memref<2x!tpu.dma_semaphore, #tpu.memory_space<semaphore_mem>> -> memref<1x!tpu.dma_semaphore, #tpu.memory_space<semaphore_mem>>
          %dma_start3A_359 = tpu.memref_squeeze %dma_start3A_358 : memref<1x!tpu.dma_semaphore, #tpu.memory_space<semaphore_mem>> -> memref<!tpu.dma_semaphore, #tpu.memory_space<semaphore_mem>>
          %dma_start3A_360 = arith.constant 0 : i32
          %dma_start3A_361 = arith.constant 0 : i32
          %dma_start3A_362 = tpu.memref_slice %arg5[%dma_start3A_349, %dma_start3A_350, %dma_start3A_360, %dma_start3A_361] : memref<2x4x8x128xf32, #tpu.memory_space<vmem>> -> memref<1x1x8x128xf32, #tpu.memory_space<vmem>>
          %dma_start3A_363 = tpu.memref_squeeze %dma_start3A_362 : memref<1x1x8x128xf32, #tpu.memory_space<vmem>> -> memref<8x128xf32, #tpu.memory_space<vmem>>
          %dma_start3A_364 = arith.constant 24 : i32
          %dma_start3A_365 = tpu.memref_slice %arg2[%dma_start3A_364, %mul3A_297] : memref<32x1000000xf32, #tpu.memory_space<hbm>> -> memref<8x128xf32, #tpu.memory_space<hbm>>
          tpu.enqueue_dma source(%dma_start3A_365 : memref<8x128xf32, #tpu.memory_space<hbm>>) target(%dma_start3A_363 : memref<8x128xf32, #tpu.memory_space<vmem>>) target_semaphore(%dma_start3A_359 : memref<!tpu.dma_semaphore, #tpu.memory_space<semaphore_mem>>)
        } else {
        }
        %ge3A = arith.constant 2 : i32
        %ge3A_258 = arith.cmpi sge, %add3A_166, %ge3A : i32
        %convert_element_type3A_259 = arith.extui %ge3A_258 : i1 to i32
        %cond3A_260 = arith.constant 0 : i32
        %cond3A_261 = arith.cmpi ne, %convert_element_type3A_259, %cond3A_260 : i32
        scf.if %cond3A_261 {
          %sub3A_290 = arith.constant 64 : i32
          %sub3A_291 = arith.subi %add3A_169, %sub3A_290 : i32
          %mul3A_292 = arith.constant 128 : i32
          %mul3A_293 = arith.muli %sub3A_291, %mul3A_292 : i32
          %mul3A_294 = arith.constant 32 : i32
          %mul3A_295 = arith.muli %mul3A_293, %mul3A_294 : i32
          %dma_wait3A_296 = arith.constant 1 : i32
          %dma_wait3A_297 = arith.constant 1 : i32
          %dma_wait3A_298 = arith.constant 0 : i32
          %dma_wait3A_299 = tpu.memref_slice %arg6[%dma_wait3A_296, %dma_wait3A_298] : memref<2x4096xf32, #tpu.memory_space<vmem>> -> memref<1x4096xf32, #tpu.memory_space<vmem>>
          %dma_wait3A_300 = tpu.memref_squeeze %dma_wait3A_299 : memref<1x4096xf32, #tpu.memory_space<vmem>> -> memref<4096xf32, #tpu.memory_space<vmem>>
          %dma_wait3A_301 = tpu.memref_slice %arg4[%mul3A_295] : memref<32000000xf32, #tpu.memory_space<hbm>> -> memref<4096xf32, #tpu.memory_space<hbm>>
          %dma_wait3A_302 = tpu.memref_slice %arg10[%dma_wait3A_297] : memref<2x!tpu.dma_semaphore, #tpu.memory_space<semaphore_mem>> -> memref<1x!tpu.dma_semaphore, #tpu.memory_space<semaphore_mem>>
          %dma_wait3A_303 = tpu.memref_squeeze %dma_wait3A_302 : memref<1x!tpu.dma_semaphore, #tpu.memory_space<semaphore_mem>> -> memref<!tpu.dma_semaphore, #tpu.memory_space<semaphore_mem>>
          %dma_wait3A_304 = tpu.memref_slice %arg4[%mul3A_295] : memref<32000000xf32, #tpu.memory_space<hbm>> -> memref<4096xf32, #tpu.memory_space<hbm>>
          %dma_wait3A_305 = arith.constant 0 : i32
          %dma_wait3A_306 = tpu.memref_slice %arg6[%dma_wait3A_296, %dma_wait3A_305] : memref<2x4096xf32, #tpu.memory_space<vmem>> -> memref<1x4096xf32, #tpu.memory_space<vmem>>
          %dma_wait3A_307 = tpu.memref_squeeze %dma_wait3A_306 : memref<1x4096xf32, #tpu.memory_space<vmem>> -> memref<4096xf32, #tpu.memory_space<vmem>>
          tpu.wait_dma2 semaphore(%dma_wait3A_303 : memref<!tpu.dma_semaphore, #tpu.memory_space<semaphore_mem>>) src(%dma_wait3A_307 : memref<4096xf32, #tpu.memory_space<vmem>>) dst(%dma_wait3A_304 : memref<4096xf32, #tpu.memory_space<hbm>>)
        } else {
        }
        %scan3A_262 = arith.constant 0 : i32
        %scan3A_263 = arith.constant 0 : i32
        %scan3A_264 = arith.constant 256 : i32
        %scan3A_265 = arith.addi %scan3A_263, %scan3A_264 : i32
        %scan3A_266 = arith.constant 8 : i32
        scf.for %scan3A_290 = %scan3A_263 to %scan3A_265 step %scan3A_266  : i32 {
          %jit3A_291 = arith.constant 64 : i32
          %div3A_292 = arith.divsi %scan3A_290, %jit3A_291 : i32
          %sign3A_293 = arith.constant 0 : i32
          %sign3A_294 = arith.cmpi sgt, %scan3A_290, %sign3A_293 : i32
          %sign3A_295 = arith.extui %sign3A_294 : i1 to i32
          %sign3A_296 = arith.constant 0 : i32
          %sign3A_297 = arith.cmpi slt, %scan3A_290, %sign3A_296 : i32
          %sign3A_298 = arith.extui %sign3A_297 : i1 to i32
          %sign3A_299 = arith.subi %sign3A_295, %sign3A_298 : i32
          %sign3A_300 = arith.constant 0 : i32
          %sign3A_301 = arith.cmpi sgt, %jit3A_291, %sign3A_300 : i32
          %sign3A_302 = arith.extui %sign3A_301 : i1 to i32
          %sign3A_303 = arith.constant 0 : i32
          %sign3A_304 = arith.cmpi slt, %jit3A_291, %sign3A_303 : i32
          %sign3A_305 = arith.extui %sign3A_304 : i1 to i32
          %sign3A_306 = arith.subi %sign3A_302, %sign3A_305 : i32
          %ne3A_307 = arith.cmpi ne, %sign3A_299, %sign3A_306 : i32
          %rem3A_308 = arith.remsi %scan3A_290, %jit3A_291 : i32
          %ne3A_309 = arith.constant 0 : i32
          %ne3A_310 = arith.cmpi ne, %rem3A_308, %ne3A_309 : i32
          %and3A_311 = arith.andi %ne3A_307, %ne3A_310 : i1
          %sub3A_312 = arith.constant 1 : i32
          %sub3A_313 = arith.subi %div3A_292, %sub3A_312 : i32
          %select_n3A_314 = arith.select %and3A_311, %sub3A_313, %div3A_292 : i32
          %jit3A_315 = arith.constant 8 : i32
          %div3A_316 = arith.divsi %scan3A_290, %jit3A_315 : i32
          %sign3A_317 = arith.constant 0 : i32
          %sign3A_318 = arith.cmpi sgt, %scan3A_290, %sign3A_317 : i32
          %sign3A_319 = arith.extui %sign3A_318 : i1 to i32
          %sign3A_320 = arith.constant 0 : i32
          %sign3A_321 = arith.cmpi slt, %scan3A_290, %sign3A_320 : i32
          %sign3A_322 = arith.extui %sign3A_321 : i1 to i32
          %sign3A_323 = arith.subi %sign3A_319, %sign3A_322 : i32
          %sign3A_324 = arith.constant 0 : i32
          %sign3A_325 = arith.cmpi sgt, %jit3A_315, %sign3A_324 : i32
          %sign3A_326 = arith.extui %sign3A_325 : i1 to i32
          %sign3A_327 = arith.constant 0 : i32
          %sign3A_328 = arith.cmpi slt, %jit3A_315, %sign3A_327 : i32
          %sign3A_329 = arith.extui %sign3A_328 : i1 to i32
          %sign3A_330 = arith.subi %sign3A_326, %sign3A_329 : i32
          %ne3A_331 = arith.cmpi ne, %sign3A_323, %sign3A_330 : i32
          %rem3A_332 = arith.remsi %scan3A_290, %jit3A_315 : i32
          %ne3A_333 = arith.constant 0 : i32
          %ne3A_334 = arith.cmpi ne, %rem3A_332, %ne3A_333 : i32
          %and3A_335 = arith.andi %ne3A_331, %ne3A_334 : i1
          %sub3A_336 = arith.constant 1 : i32
          %sub3A_337 = arith.subi %div3A_316, %sub3A_336 : i32
          %select_n3A_338 = arith.select %and3A_335, %sub3A_337, %div3A_316 : i32
          %jit3A_339 = arith.constant 8 : i32
          %eq3A_340 = arith.constant 0 : i32
          %eq3A_341 = arith.cmpi eq, %jit3A_339, %eq3A_340 : i32
          %jit3A_342 = arith.constant 1 : i32
          %select_n3A_343 = arith.select %eq3A_341, %jit3A_342, %jit3A_339 : i32
          %rem3A_344 = arith.remsi %select_n3A_338, %select_n3A_343 : i32
          %ne3A_345 = arith.constant 0 : i32
          %ne3A_346 = arith.cmpi ne, %rem3A_344, %ne3A_345 : i32
          %lt3A_347 = arith.constant 0 : i32
          %lt3A_348 = arith.cmpi slt, %rem3A_344, %lt3A_347 : i32
          %lt3A_349 = arith.constant 0 : i32
          %lt3A_350 = arith.cmpi slt, %select_n3A_343, %lt3A_349 : i32
          %ne3A_351 = arith.xori %lt3A_348, %lt3A_350 : i1
          %and3A_352 = arith.andi %ne3A_351, %ne3A_346 : i1
          %add3A_353 = arith.addi %rem3A_344, %select_n3A_343 : i32
          %select_n3A_354 = arith.select %and3A_352, %add3A_353, %rem3A_344 : i32
          %jit3A_355 = arith.constant 8 : i32
          %eq3A_356 = arith.constant 0 : i32
          %eq3A_357 = arith.cmpi eq, %jit3A_355, %eq3A_356 : i32
          %jit3A_358 = arith.constant 1 : i32
          %select_n3A_359 = arith.select %eq3A_357, %jit3A_358, %jit3A_355 : i32
          %rem3A_360 = arith.remsi %scan3A_290, %select_n3A_359 : i32
          %ne3A_361 = arith.constant 0 : i32
          %ne3A_362 = arith.cmpi ne, %rem3A_360, %ne3A_361 : i32
          %lt3A_363 = arith.constant 0 : i32
          %lt3A_364 = arith.cmpi slt, %rem3A_360, %lt3A_363 : i32
          %lt3A_365 = arith.constant 0 : i32
          %lt3A_366 = arith.cmpi slt, %select_n3A_359, %lt3A_365 : i32
          %ne3A_367 = arith.xori %lt3A_364, %lt3A_366 : i1
          %and3A_368 = arith.andi %ne3A_367, %ne3A_362 : i1
          %add3A_369 = arith.addi %rem3A_360, %select_n3A_359 : i32
          %select_n3A_370 = arith.select %and3A_368, %add3A_369, %rem3A_360 : i32
          %mul3A_371 = arith.constant 16 : i32
          %mul3A_372 = arith.muli %select_n3A_370, %mul3A_371 : i32
          %mul3A_373 = arith.constant 8 : i32
          %mul3A_374 = arith.muli %select_n3A_314, %mul3A_373 : i32
          %add3A_375 = arith.addi %mul3A_374, %select_n3A_354 : i32
          %get3A = arith.constant 1 : i32
          %get3A_376 = arith.index_cast %get3A : i32 to index
          %get3A_377 = arith.index_cast %select_n3A_314 : i32 to index
          %get3A_378 = arith.index_cast %select_n3A_354 : i32 to index
          %get3A_379 = arith.index_cast %mul3A_372 : i32 to index
          %get3A_380 = tpu.vector_load %arg5[%get3A_376, %get3A_377, %get3A_378, %get3A_379] {strides = array<i32>} : memref<2x4x8x128xf32, #tpu.memory_space<vmem>>, vector<16xf32>,
          %add3A_381 = vector.broadcast %mul3A_372 : i32 to vector<16xi32>
          %add3A_382 = arith.addi %add3A_381, %iota3A : vector<16xi32>
          %mul3A_383 = arith.constant 33 : i32
          %mul3A_384 = vector.broadcast %mul3A_383 : i32 to vector<16xi32>
          %mul3A_385 = arith.muli %add3A_382, %mul3A_384 : vector<16xi32>
          %add3A_386 = vector.broadcast %add3A_375 : i32 to vector<16xi32>
          %add3A_387 = arith.addi %mul3A_385, %add3A_386 : vector<16xi32>
          tpu.vector_store_idx %arg7[%add3A_387], %get3A_380 : memref<4256xf32, #tpu.memory_space<vmem>>[vector<16xi32>], vector<16xf32>,
          %scan3A_388 = arith.constant 1 : i32
          %scan3A_389 = arith.addi %scan3A_290, %scan3A_388 : i32
          %jit3A_390 = arith.constant 64 : i32
          %div3A_391 = arith.divsi %scan3A_389, %jit3A_390 : i32
          %sign3A_392 = arith.constant 0 : i32
          %sign3A_393 = arith.cmpi sgt, %scan3A_389, %sign3A_392 : i32
          %sign3A_394 = arith.extui %sign3A_393 : i1 to i32
          %sign3A_395 = arith.constant 0 : i32
          %sign3A_396 = arith.cmpi slt, %scan3A_389, %sign3A_395 : i32
          %sign3A_397 = arith.extui %sign3A_396 : i1 to i32
          %sign3A_398 = arith.subi %sign3A_394, %sign3A_397 : i32
          %sign3A_399 = arith.constant 0 : i32
          %sign3A_400 = arith.cmpi sgt, %jit3A_390, %sign3A_399 : i32
          %sign3A_401 = arith.extui %sign3A_400 : i1 to i32
          %sign3A_402 = arith.constant 0 : i32
          %sign3A_403 = arith.cmpi slt, %jit3A_390, %sign3A_402 : i32
          %sign3A_404 = arith.extui %sign3A_403 : i1 to i32
          %sign3A_405 = arith.subi %sign3A_401, %sign3A_404 : i32
          %ne3A_406 = arith.cmpi ne, %sign3A_398, %sign3A_405 : i32
          %rem3A_407 = arith.remsi %scan3A_389, %jit3A_390 : i32
          %ne3A_408 = arith.constant 0 : i32
          %ne3A_409 = arith.cmpi ne, %rem3A_407, %ne3A_408 : i32
          %and3A_410 = arith.andi %ne3A_406, %ne3A_409 : i1
          %sub3A_411 = arith.constant 1 : i32
          %sub3A_412 = arith.subi %div3A_391, %sub3A_411 : i32
          %select_n3A_413 = arith.select %and3A_410, %sub3A_412, %div3A_391 : i32
          %jit3A_414 = arith.constant 8 : i32
          %div3A_415 = arith.divsi %scan3A_389, %jit3A_414 : i32
          %sign3A_416 = arith.constant 0 : i32
          %sign3A_417 = arith.cmpi sgt, %scan3A_389, %sign3A_416 : i32
          %sign3A_418 = arith.extui %sign3A_417 : i1 to i32
          %sign3A_419 = arith.constant 0 : i32
          %sign3A_420 = arith.cmpi slt, %scan3A_389, %sign3A_419 : i32
          %sign3A_421 = arith.extui %sign3A_420 : i1 to i32
          %sign3A_422 = arith.subi %sign3A_418, %sign3A_421 : i32
          %sign3A_423 = arith.constant 0 : i32
          %sign3A_424 = arith.cmpi sgt, %jit3A_414, %sign3A_423 : i32
          %sign3A_425 = arith.extui %sign3A_424 : i1 to i32
          %sign3A_426 = arith.constant 0 : i32
          %sign3A_427 = arith.cmpi slt, %jit3A_414, %sign3A_426 : i32
          %sign3A_428 = arith.extui %sign3A_427 : i1 to i32
          %sign3A_429 = arith.subi %sign3A_425, %sign3A_428 : i32
          %ne3A_430 = arith.cmpi ne, %sign3A_422, %sign3A_429 : i32
          %rem3A_431 = arith.remsi %scan3A_389, %jit3A_414 : i32
          %ne3A_432 = arith.constant 0 : i32
          %ne3A_433 = arith.cmpi ne, %rem3A_431, %ne3A_432 : i32
          %and3A_434 = arith.andi %ne3A_430, %ne3A_433 : i1
          %sub3A_435 = arith.constant 1 : i32
          %sub3A_436 = arith.subi %div3A_415, %sub3A_435 : i32
          %select_n3A_437 = arith.select %and3A_434, %sub3A_436, %div3A_415 : i32
          %jit3A_438 = arith.constant 8 : i32
          %eq3A_439 = arith.constant 0 : i32
          %eq3A_440 = arith.cmpi eq, %jit3A_438, %eq3A_439 : i32
          %jit3A_441 = arith.constant 1 : i32
          %select_n3A_442 = arith.select %eq3A_440, %jit3A_441, %jit3A_438 : i32
          %rem3A_443 = arith.remsi %select_n3A_437, %select_n3A_442 : i32
          %ne3A_444 = arith.constant 0 : i32
          %ne3A_445 = arith.cmpi ne, %rem3A_443, %ne3A_444 : i32
          %lt3A_446 = arith.constant 0 : i32
          %lt3A_447 = arith.cmpi slt, %rem3A_443, %lt3A_446 : i32
          %lt3A_448 = arith.constant 0 : i32
          %lt3A_449 = arith.cmpi slt, %select_n3A_442, %lt3A_448 : i32
          %ne3A_450 = arith.xori %lt3A_447, %lt3A_449 : i1
          %and3A_451 = arith.andi %ne3A_450, %ne3A_445 : i1
          %add3A_452 = arith.addi %rem3A_443, %select_n3A_442 : i32
          %select_n3A_453 = arith.select %and3A_451, %add3A_452, %rem3A_443 : i32
          %jit3A_454 = arith.constant 8 : i32
          %eq3A_455 = arith.constant 0 : i32
          %eq3A_456 = arith.cmpi eq, %jit3A_454, %eq3A_455 : i32
          %jit3A_457 = arith.constant 1 : i32
          %select_n3A_458 = arith.select %eq3A_456, %jit3A_457, %jit3A_454 : i32
          %rem3A_459 = arith.remsi %scan3A_389, %select_n3A_458 : i32
          %ne3A_460 = arith.constant 0 : i32
          %ne3A_461 = arith.cmpi ne, %rem3A_459, %ne3A_460 : i32
          %lt3A_462 = arith.constant 0 : i32
          %lt3A_463 = arith.cmpi slt, %rem3A_459, %lt3A_462 : i32
          %lt3A_464 = arith.constant 0 : i32
          %lt3A_465 = arith.cmpi slt, %select_n3A_458, %lt3A_464 : i32
          %ne3A_466 = arith.xori %lt3A_463, %lt3A_465 : i1
          %and3A_467 = arith.andi %ne3A_466, %ne3A_461 : i1
          %add3A_468 = arith.addi %rem3A_459, %select_n3A_458 : i32
          %select_n3A_469 = arith.select %and3A_467, %add3A_468, %rem3A_459 : i32
          %mul3A_470 = arith.constant 16 : i32
          %mul3A_471 = arith.muli %select_n3A_469, %mul3A_470 : i32
          %mul3A_472 = arith.constant 8 : i32
          %mul3A_473 = arith.muli %select_n3A_413, %mul3A_472 : i32
          %add3A_474 = arith.addi %mul3A_473, %select_n3A_453 : i32
          %get3A_475 = arith.constant 1 : i32
          %get3A_476 = arith.index_cast %get3A_475 : i32 to index
          %get3A_477 = arith.index_cast %select_n3A_413 : i32 to index
          %get3A_478 = arith.index_cast %select_n3A_453 : i32 to index
          %get3A_479 = arith.index_cast %mul3A_471 : i32 to index
          %get3A_480 = tpu.vector_load %arg5[%get3A_476, %get3A_477, %get3A_478, %get3A_479] {strides = array<i32>} : memref<2x4x8x128xf32, #tpu.memory_space<vmem>>, vector<16xf32>,
          %add3A_481 = vector.broadcast %mul3A_471 : i32 to vector<16xi32>
          %add3A_482 = arith.addi %add3A_481, %iota3A : vector<16xi32>
          %mul3A_483 = arith.constant 33 : i32
          %mul3A_484 = vector.broadcast %mul3A_483 : i32 to vector<16xi32>
          %mul3A_485 = arith.muli %add3A_482, %mul3A_484 : vector<16xi32>
          %add3A_486 = vector.broadcast %add3A_474 : i32 to vector<16xi32>
          %add3A_487 = arith.addi %mul3A_485, %add3A_486 : vector<16xi32>
          tpu.vector_store_idx %arg7[%add3A_487], %get3A_480 : memref<4256xf32, #tpu.memory_space<vmem>>[vector<16xi32>], vector<16xf32>,
          %scan3A_488 = arith.constant 2 : i32
          %scan3A_489 = arith.addi %scan3A_290, %scan3A_488 : i32
          %jit3A_490 = arith.constant 64 : i32
          %div3A_491 = arith.divsi %scan3A_489, %jit3A_490 : i32
          %sign3A_492 = arith.constant 0 : i32
          %sign3A_493 = arith.cmpi sgt, %scan3A_489, %sign3A_492 : i32
          %sign3A_494 = arith.extui %sign3A_493 : i1 to i32
          %sign3A_495 = arith.constant 0 : i32
          %sign3A_496 = arith.cmpi slt, %scan3A_489, %sign3A_495 : i32
          %sign3A_497 = arith.extui %sign3A_496 : i1 to i32
          %sign3A_498 = arith.subi %sign3A_494, %sign3A_497 : i32
          %sign3A_499 = arith.constant 0 : i32
          %sign3A_500 = arith.cmpi sgt, %jit3A_490, %sign3A_499 : i32
          %sign3A_501 = arith.extui %sign3A_500 : i1 to i32
          %sign3A_502 = arith.constant 0 : i32
          %sign3A_503 = arith.cmpi slt, %jit3A_490, %sign3A_502 : i32
          %sign3A_504 = arith.extui %sign3A_503 : i1 to i32
          %sign3A_505 = arith.subi %sign3A_501, %sign3A_504 : i32
          %ne3A_506 = arith.cmpi ne, %sign3A_498, %sign3A_505 : i32
          %rem3A_507 = arith.remsi %scan3A_489, %jit3A_490 : i32
          %ne3A_508 = arith.constant 0 : i32
          %ne3A_509 = arith.cmpi ne, %rem3A_507, %ne3A_508 : i32
          %and3A_510 = arith.andi %ne3A_506, %ne3A_509 : i1
          %sub3A_511 = arith.constant 1 : i32
          %sub3A_512 = arith.subi %div3A_491, %sub3A_511 : i32
          %select_n3A_513 = arith.select %and3A_510, %sub3A_512, %div3A_491 : i32
          %jit3A_514 = arith.constant 8 : i32
          %div3A_515 = arith.divsi %scan3A_489, %jit3A_514 : i32
          %sign3A_516 = arith.constant 0 : i32
          %sign3A_517 = arith.cmpi sgt, %scan3A_489, %sign3A_516 : i32
          %sign3A_518 = arith.extui %sign3A_517 : i1 to i32
          %sign3A_519 = arith.constant 0 : i32
          %sign3A_520 = arith.cmpi slt, %scan3A_489, %sign3A_519 : i32
          %sign3A_521 = arith.extui %sign3A_520 : i1 to i32
          %sign3A_522 = arith.subi %sign3A_518, %sign3A_521 : i32
          %sign3A_523 = arith.constant 0 : i32
          %sign3A_524 = arith.cmpi sgt, %jit3A_514, %sign3A_523 : i32
          %sign3A_525 = arith.extui %sign3A_524 : i1 to i32
          %sign3A_526 = arith.constant 0 : i32
          %sign3A_527 = arith.cmpi slt, %jit3A_514, %sign3A_526 : i32
          %sign3A_528 = arith.extui %sign3A_527 : i1 to i32
          %sign3A_529 = arith.subi %sign3A_525, %sign3A_528 : i32
          %ne3A_530 = arith.cmpi ne, %sign3A_522, %sign3A_529 : i32
          %rem3A_531 = arith.remsi %scan3A_489, %jit3A_514 : i32
          %ne3A_532 = arith.constant 0 : i32
          %ne3A_533 = arith.cmpi ne, %rem3A_531, %ne3A_532 : i32
          %and3A_534 = arith.andi %ne3A_530, %ne3A_533 : i1
          %sub3A_535 = arith.constant 1 : i32
          %sub3A_536 = arith.subi %div3A_515, %sub3A_535 : i32
          %select_n3A_537 = arith.select %and3A_534, %sub3A_536, %div3A_515 : i32
          %jit3A_538 = arith.constant 8 : i32
          %eq3A_539 = arith.constant 0 : i32
          %eq3A_540 = arith.cmpi eq, %jit3A_538, %eq3A_539 : i32
          %jit3A_541 = arith.constant 1 : i32
          %select_n3A_542 = arith.select %eq3A_540, %jit3A_541, %jit3A_538 : i32
          %rem3A_543 = arith.remsi %select_n3A_537, %select_n3A_542 : i32
          %ne3A_544 = arith.constant 0 : i32
          %ne3A_545 = arith.cmpi ne, %rem3A_543, %ne3A_544 : i32
          %lt3A_546 = arith.constant 0 : i32
          %lt3A_547 = arith.cmpi slt, %rem3A_543, %lt3A_546 : i32
          %lt3A_548 = arith.constant 0 : i32
          %lt3A_549 = arith.cmpi slt, %select_n3A_542, %lt3A_548 : i32
          %ne3A_550 = arith.xori %lt3A_547, %lt3A_549 : i1
          %and3A_551 = arith.andi %ne3A_550, %ne3A_545 : i1
          %add3A_552 = arith.addi %rem3A_543, %select_n3A_542 : i32
          %select_n3A_553 = arith.select %and3A_551, %add3A_552, %rem3A_543 : i32
          %jit3A_554 = arith.constant 8 : i32
          %eq3A_555 = arith.constant 0 : i32
          %eq3A_556 = arith.cmpi eq, %jit3A_554, %eq3A_555 : i32
          %jit3A_557 = arith.constant 1 : i32
          %select_n3A_558 = arith.select %eq3A_556, %jit3A_557, %jit3A_554 : i32
          %rem3A_559 = arith.remsi %scan3A_489, %select_n3A_558 : i32
          %ne3A_560 = arith.constant 0 : i32
          %ne3A_561 = arith.cmpi ne, %rem3A_559, %ne3A_560 : i32
          %lt3A_562 = arith.constant 0 : i32
          %lt3A_563 = arith.cmpi slt, %rem3A_559, %lt3A_562 : i32
          %lt3A_564 = arith.constant 0 : i32
          %lt3A_565 = arith.cmpi slt, %select_n3A_558, %lt3A_564 : i32
          %ne3A_566 = arith.xori %lt3A_563, %lt3A_565 : i1
          %and3A_567 = arith.andi %ne3A_566, %ne3A_561 : i1
          %add3A_568 = arith.addi %rem3A_559, %select_n3A_558 : i32
          %select_n3A_569 = arith.select %and3A_567, %add3A_568, %rem3A_559 : i32
          %mul3A_570 = arith.constant 16 : i32
          %mul3A_571 = arith.muli %select_n3A_569, %mul3A_570 : i32
          %mul3A_572 = arith.constant 8 : i32
          %mul3A_573 = arith.muli %select_n3A_513, %mul3A_572 : i32
          %add3A_574 = arith.addi %mul3A_573, %select_n3A_553 : i32
          %get3A_575 = arith.constant 1 : i32
          %get3A_576 = arith.index_cast %get3A_575 : i32 to index
          %get3A_577 = arith.index_cast %select_n3A_513 : i32 to index
          %get3A_578 = arith.index_cast %select_n3A_553 : i32 to index
          %get3A_579 = arith.index_cast %mul3A_571 : i32 to index
          %get3A_580 = tpu.vector_load %arg5[%get3A_576, %get3A_577, %get3A_578, %get3A_579] {strides = array<i32>} : memref<2x4x8x128xf32, #tpu.memory_space<vmem>>, vector<16xf32>,
          %add3A_581 = vector.broadcast %mul3A_571 : i32 to vector<16xi32>
          %add3A_582 = arith.addi %add3A_581, %iota3A : vector<16xi32>
          %mul3A_583 = arith.constant 33 : i32
          %mul3A_584 = vector.broadcast %mul3A_583 : i32 to vector<16xi32>
          %mul3A_585 = arith.muli %add3A_582, %mul3A_584 : vector<16xi32>
          %add3A_586 = vector.broadcast %add3A_574 : i32 to vector<16xi32>
          %add3A_587 = arith.addi %mul3A_585, %add3A_586 : vector<16xi32>
          tpu.vector_store_idx %arg7[%add3A_587], %get3A_580 : memref<4256xf32, #tpu.memory_space<vmem>>[vector<16xi32>], vector<16xf32>,
          %scan3A_588 = arith.constant 3 : i32
          %scan3A_589 = arith.addi %scan3A_290, %scan3A_588 : i32
          %jit3A_590 = arith.constant 64 : i32
          %div3A_591 = arith.divsi %scan3A_589, %jit3A_590 : i32
          %sign3A_592 = arith.constant 0 : i32
          %sign3A_593 = arith.cmpi sgt, %scan3A_589, %sign3A_592 : i32
          %sign3A_594 = arith.extui %sign3A_593 : i1 to i32
          %sign3A_595 = arith.constant 0 : i32
          %sign3A_596 = arith.cmpi slt, %scan3A_589, %sign3A_595 : i32
          %sign3A_597 = arith.extui %sign3A_596 : i1 to i32
          %sign3A_598 = arith.subi %sign3A_594, %sign3A_597 : i32
          %sign3A_599 = arith.constant 0 : i32
          %sign3A_600 = arith.cmpi sgt, %jit3A_590, %sign3A_599 : i32
          %sign3A_601 = arith.extui %sign3A_600 : i1 to i32
          %sign3A_602 = arith.constant 0 : i32
          %sign3A_603 = arith.cmpi slt, %jit3A_590, %sign3A_602 : i32
          %sign3A_604 = arith.extui %sign3A_603 : i1 to i32
          %sign3A_605 = arith.subi %sign3A_601, %sign3A_604 : i32
          %ne3A_606 = arith.cmpi ne, %sign3A_598, %sign3A_605 : i32
          %rem3A_607 = arith.remsi %scan3A_589, %jit3A_590 : i32
          %ne3A_608 = arith.constant 0 : i32
          %ne3A_609 = arith.cmpi ne, %rem3A_607, %ne3A_608 : i32
          %and3A_610 = arith.andi %ne3A_606, %ne3A_609 : i1
          %sub3A_611 = arith.constant 1 : i32
          %sub3A_612 = arith.subi %div3A_591, %sub3A_611 : i32
          %select_n3A_613 = arith.select %and3A_610, %sub3A_612, %div3A_591 : i32
          %jit3A_614 = arith.constant 8 : i32
          %div3A_615 = arith.divsi %scan3A_589, %jit3A_614 : i32
          %sign3A_616 = arith.constant 0 : i32
          %sign3A_617 = arith.cmpi sgt, %scan3A_589, %sign3A_616 : i32
          %sign3A_618 = arith.extui %sign3A_617 : i1 to i32
          %sign3A_619 = arith.constant 0 : i32
          %sign3A_620 = arith.cmpi slt, %scan3A_589, %sign3A_619 : i32
          %sign3A_621 = arith.extui %sign3A_620 : i1 to i32
          %sign3A_622 = arith.subi %sign3A_618, %sign3A_621 : i32
          %sign3A_623 = arith.constant 0 : i32
          %sign3A_624 = arith.cmpi sgt, %jit3A_614, %sign3A_623 : i32
          %sign3A_625 = arith.extui %sign3A_624 : i1 to i32
          %sign3A_626 = arith.constant 0 : i32
          %sign3A_627 = arith.cmpi slt, %jit3A_614, %sign3A_626 : i32
          %sign3A_628 = arith.extui %sign3A_627 : i1 to i32
          %sign3A_629 = arith.subi %sign3A_625, %sign3A_628 : i32
          %ne3A_630 = arith.cmpi ne, %sign3A_622, %sign3A_629 : i32
          %rem3A_631 = arith.remsi %scan3A_589, %jit3A_614 : i32
          %ne3A_632 = arith.constant 0 : i32
          %ne3A_633 = arith.cmpi ne, %rem3A_631, %ne3A_632 : i32
          %and3A_634 = arith.andi %ne3A_630, %ne3A_633 : i1
          %sub3A_635 = arith.constant 1 : i32
          %sub3A_636 = arith.subi %div3A_615, %sub3A_635 : i32
          %select_n3A_637 = arith.select %and3A_634, %sub3A_636, %div3A_615 : i32
          %jit3A_638 = arith.constant 8 : i32
          %eq3A_639 = arith.constant 0 : i32
          %eq3A_640 = arith.cmpi eq, %jit3A_638, %eq3A_639 : i32
          %jit3A_641 = arith.constant 1 : i32
          %select_n3A_642 = arith.select %eq3A_640, %jit3A_641, %jit3A_638 : i32
          %rem3A_643 = arith.remsi %select_n3A_637, %select_n3A_642 : i32
          %ne3A_644 = arith.constant 0 : i32
          %ne3A_645 = arith.cmpi ne, %rem3A_643, %ne3A_644 : i32
          %lt3A_646 = arith.constant 0 : i32
          %lt3A_647 = arith.cmpi slt, %rem3A_643, %lt3A_646 : i32
          %lt3A_648 = arith.constant 0 : i32
          %lt3A_649 = arith.cmpi slt, %select_n3A_642, %lt3A_648 : i32
          %ne3A_650 = arith.xori %lt3A_647, %lt3A_649 : i1
          %and3A_651 = arith.andi %ne3A_650, %ne3A_645 : i1
          %add3A_652 = arith.addi %rem3A_643, %select_n3A_642 : i32
          %select_n3A_653 = arith.select %and3A_651, %add3A_652, %rem3A_643 : i32
          %jit3A_654 = arith.constant 8 : i32
          %eq3A_655 = arith.constant 0 : i32
          %eq3A_656 = arith.cmpi eq, %jit3A_654, %eq3A_655 : i32
          %jit3A_657 = arith.constant 1 : i32
          %select_n3A_658 = arith.select %eq3A_656, %jit3A_657, %jit3A_654 : i32
          %rem3A_659 = arith.remsi %scan3A_589, %select_n3A_658 : i32
          %ne3A_660 = arith.constant 0 : i32
          %ne3A_661 = arith.cmpi ne, %rem3A_659, %ne3A_660 : i32
          %lt3A_662 = arith.constant 0 : i32
          %lt3A_663 = arith.cmpi slt, %rem3A_659, %lt3A_662 : i32
          %lt3A_664 = arith.constant 0 : i32
          %lt3A_665 = arith.cmpi slt, %select_n3A_658, %lt3A_664 : i32
          %ne3A_666 = arith.xori %lt3A_663, %lt3A_665 : i1
          %and3A_667 = arith.andi %ne3A_666, %ne3A_661 : i1
          %add3A_668 = arith.addi %rem3A_659, %select_n3A_658 : i32
          %select_n3A_669 = arith.select %and3A_667, %add3A_668, %rem3A_659 : i32
          %mul3A_670 = arith.constant 16 : i32
          %mul3A_671 = arith.muli %select_n3A_669, %mul3A_670 : i32
          %mul3A_672 = arith.constant 8 : i32
          %mul3A_673 = arith.muli %select_n3A_613, %mul3A_672 : i32
          %add3A_674 = arith.addi %mul3A_673, %select_n3A_653 : i32
          %get3A_675 = arith.constant 1 : i32
          %get3A_676 = arith.index_cast %get3A_675 : i32 to index
          %get3A_677 = arith.index_cast %select_n3A_613 : i32 to index
          %get3A_678 = arith.index_cast %select_n3A_653 : i32 to index
          %get3A_679 = arith.index_cast %mul3A_671 : i32 to index
          %get3A_680 = tpu.vector_load %arg5[%get3A_676, %get3A_677, %get3A_678, %get3A_679] {strides = array<i32>} : memref<2x4x8x128xf32, #tpu.memory_space<vmem>>, vector<16xf32>,
          %add3A_681 = vector.broadcast %mul3A_671 : i32 to vector<16xi32>
          %add3A_682 = arith.addi %add3A_681, %iota3A : vector<16xi32>
          %mul3A_683 = arith.constant 33 : i32
          %mul3A_684 = vector.broadcast %mul3A_683 : i32 to vector<16xi32>
          %mul3A_685 = arith.muli %add3A_682, %mul3A_684 : vector<16xi32>
          %add3A_686 = vector.broadcast %add3A_674 : i32 to vector<16xi32>
          %add3A_687 = arith.addi %mul3A_685, %add3A_686 : vector<16xi32>
          tpu.vector_store_idx %arg7[%add3A_687], %get3A_680 : memref<4256xf32, #tpu.memory_space<vmem>>[vector<16xi32>], vector<16xf32>,
          %scan3A_688 = arith.constant 4 : i32
          %scan3A_689 = arith.addi %scan3A_290, %scan3A_688 : i32
          %jit3A_690 = arith.constant 64 : i32
          %div3A_691 = arith.divsi %scan3A_689, %jit3A_690 : i32
          %sign3A_692 = arith.constant 0 : i32
          %sign3A_693 = arith.cmpi sgt, %scan3A_689, %sign3A_692 : i32
          %sign3A_694 = arith.extui %sign3A_693 : i1 to i32
          %sign3A_695 = arith.constant 0 : i32
          %sign3A_696 = arith.cmpi slt, %scan3A_689, %sign3A_695 : i32
          %sign3A_697 = arith.extui %sign3A_696 : i1 to i32
          %sign3A_698 = arith.subi %sign3A_694, %sign3A_697 : i32
          %sign3A_699 = arith.constant 0 : i32
          %sign3A_700 = arith.cmpi sgt, %jit3A_690, %sign3A_699 : i32
          %sign3A_701 = arith.extui %sign3A_700 : i1 to i32
          %sign3A_702 = arith.constant 0 : i32
          %sign3A_703 = arith.cmpi slt, %jit3A_690, %sign3A_702 : i32
          %sign3A_704 = arith.extui %sign3A_703 : i1 to i32
          %sign3A_705 = arith.subi %sign3A_701, %sign3A_704 : i32
          %ne3A_706 = arith.cmpi ne, %sign3A_698, %sign3A_705 : i32
          %rem3A_707 = arith.remsi %scan3A_689, %jit3A_690 : i32
          %ne3A_708 = arith.constant 0 : i32
          %ne3A_709 = arith.cmpi ne, %rem3A_707, %ne3A_708 : i32
          %and3A_710 = arith.andi %ne3A_706, %ne3A_709 : i1
          %sub3A_711 = arith.constant 1 : i32
          %sub3A_712 = arith.subi %div3A_691, %sub3A_711 : i32
          %select_n3A_713 = arith.select %and3A_710, %sub3A_712, %div3A_691 : i32
          %jit3A_714 = arith.constant 8 : i32
          %div3A_715 = arith.divsi %scan3A_689, %jit3A_714 : i32
          %sign3A_716 = arith.constant 0 : i32
          %sign3A_717 = arith.cmpi sgt, %scan3A_689, %sign3A_716 : i32
          %sign3A_718 = arith.extui %sign3A_717 : i1 to i32
          %sign3A_719 = arith.constant 0 : i32
          %sign3A_720 = arith.cmpi slt, %scan3A_689, %sign3A_719 : i32
          %sign3A_721 = arith.extui %sign3A_720 : i1 to i32
          %sign3A_722 = arith.subi %sign3A_718, %sign3A_721 : i32
          %sign3A_723 = arith.constant 0 : i32
          %sign3A_724 = arith.cmpi sgt, %jit3A_714, %sign3A_723 : i32
          %sign3A_725 = arith.extui %sign3A_724 : i1 to i32
          %sign3A_726 = arith.constant 0 : i32
          %sign3A_727 = arith.cmpi slt, %jit3A_714, %sign3A_726 : i32
          %sign3A_728 = arith.extui %sign3A_727 : i1 to i32
          %sign3A_729 = arith.subi %sign3A_725, %sign3A_728 : i32
          %ne3A_730 = arith.cmpi ne, %sign3A_722, %sign3A_729 : i32
          %rem3A_731 = arith.remsi %scan3A_689, %jit3A_714 : i32
          %ne3A_732 = arith.constant 0 : i32
          %ne3A_733 = arith.cmpi ne, %rem3A_731, %ne3A_732 : i32
          %and3A_734 = arith.andi %ne3A_730, %ne3A_733 : i1
          %sub3A_735 = arith.constant 1 : i32
          %sub3A_736 = arith.subi %div3A_715, %sub3A_735 : i32
          %select_n3A_737 = arith.select %and3A_734, %sub3A_736, %div3A_715 : i32
          %jit3A_738 = arith.constant 8 : i32
          %eq3A_739 = arith.constant 0 : i32
          %eq3A_740 = arith.cmpi eq, %jit3A_738, %eq3A_739 : i32
          %jit3A_741 = arith.constant 1 : i32
          %select_n3A_742 = arith.select %eq3A_740, %jit3A_741, %jit3A_738 : i32
          %rem3A_743 = arith.remsi %select_n3A_737, %select_n3A_742 : i32
          %ne3A_744 = arith.constant 0 : i32
          %ne3A_745 = arith.cmpi ne, %rem3A_743, %ne3A_744 : i32
          %lt3A_746 = arith.constant 0 : i32
          %lt3A_747 = arith.cmpi slt, %rem3A_743, %lt3A_746 : i32
          %lt3A_748 = arith.constant 0 : i32
          %lt3A_749 = arith.cmpi slt, %select_n3A_742, %lt3A_748 : i32
          %ne3A_750 = arith.xori %lt3A_747, %lt3A_749 : i1
          %and3A_751 = arith.andi %ne3A_750, %ne3A_745 : i1
          %add3A_752 = arith.addi %rem3A_743, %select_n3A_742 : i32
          %select_n3A_753 = arith.select %and3A_751, %add3A_752, %rem3A_743 : i32
          %jit3A_754 = arith.constant 8 : i32
          %eq3A_755 = arith.constant 0 : i32
          %eq3A_756 = arith.cmpi eq, %jit3A_754, %eq3A_755 : i32
          %jit3A_757 = arith.constant 1 : i32
          %select_n3A_758 = arith.select %eq3A_756, %jit3A_757, %jit3A_754 : i32
          %rem3A_759 = arith.remsi %scan3A_689, %select_n3A_758 : i32
          %ne3A_760 = arith.constant 0 : i32
          %ne3A_761 = arith.cmpi ne, %rem3A_759, %ne3A_760 : i32
          %lt3A_762 = arith.constant 0 : i32
          %lt3A_763 = arith.cmpi slt, %rem3A_759, %lt3A_762 : i32
          %lt3A_764 = arith.constant 0 : i32
          %lt3A_765 = arith.cmpi slt, %select_n3A_758, %lt3A_764 : i32
          %ne3A_766 = arith.xori %lt3A_763, %lt3A_765 : i1
          %and3A_767 = arith.andi %ne3A_766, %ne3A_761 : i1
          %add3A_768 = arith.addi %rem3A_759, %select_n3A_758 : i32
          %select_n3A_769 = arith.select %and3A_767, %add3A_768, %rem3A_759 : i32
          %mul3A_770 = arith.constant 16 : i32
          %mul3A_771 = arith.muli %select_n3A_769, %mul3A_770 : i32
          %mul3A_772 = arith.constant 8 : i32
          %mul3A_773 = arith.muli %select_n3A_713, %mul3A_772 : i32
          %add3A_774 = arith.addi %mul3A_773, %select_n3A_753 : i32
          %get3A_775 = arith.constant 1 : i32
          %get3A_776 = arith.index_cast %get3A_775 : i32 to index
          %get3A_777 = arith.index_cast %select_n3A_713 : i32 to index
          %get3A_778 = arith.index_cast %select_n3A_753 : i32 to index
          %get3A_779 = arith.index_cast %mul3A_771 : i32 to index
          %get3A_780 = tpu.vector_load %arg5[%get3A_776, %get3A_777, %get3A_778, %get3A_779] {strides = array<i32>} : memref<2x4x8x128xf32, #tpu.memory_space<vmem>>, vector<16xf32>,
          %add3A_781 = vector.broadcast %mul3A_771 : i32 to vector<16xi32>
          %add3A_782 = arith.addi %add3A_781, %iota3A : vector<16xi32>
          %mul3A_783 = arith.constant 33 : i32
          %mul3A_784 = vector.broadcast %mul3A_783 : i32 to vector<16xi32>
          %mul3A_785 = arith.muli %add3A_782, %mul3A_784 : vector<16xi32>
          %add3A_786 = vector.broadcast %add3A_774 : i32 to vector<16xi32>
          %add3A_787 = arith.addi %mul3A_785, %add3A_786 : vector<16xi32>
          tpu.vector_store_idx %arg7[%add3A_787], %get3A_780 : memref<4256xf32, #tpu.memory_space<vmem>>[vector<16xi32>], vector<16xf32>,
          %scan3A_788 = arith.constant 5 : i32
          %scan3A_789 = arith.addi %scan3A_290, %scan3A_788 : i32
          %jit3A_790 = arith.constant 64 : i32
          %div3A_791 = arith.divsi %scan3A_789, %jit3A_790 : i32
          %sign3A_792 = arith.constant 0 : i32
          %sign3A_793 = arith.cmpi sgt, %scan3A_789, %sign3A_792 : i32
          %sign3A_794 = arith.extui %sign3A_793 : i1 to i32
          %sign3A_795 = arith.constant 0 : i32
          %sign3A_796 = arith.cmpi slt, %scan3A_789, %sign3A_795 : i32
          %sign3A_797 = arith.extui %sign3A_796 : i1 to i32
          %sign3A_798 = arith.subi %sign3A_794, %sign3A_797 : i32
          %sign3A_799 = arith.constant 0 : i32
          %sign3A_800 = arith.cmpi sgt, %jit3A_790, %sign3A_799 : i32
          %sign3A_801 = arith.extui %sign3A_800 : i1 to i32
          %sign3A_802 = arith.constant 0 : i32
          %sign3A_803 = arith.cmpi slt, %jit3A_790, %sign3A_802 : i32
          %sign3A_804 = arith.extui %sign3A_803 : i1 to i32
          %sign3A_805 = arith.subi %sign3A_801, %sign3A_804 : i32
          %ne3A_806 = arith.cmpi ne, %sign3A_798, %sign3A_805 : i32
          %rem3A_807 = arith.remsi %scan3A_789, %jit3A_790 : i32
          %ne3A_808 = arith.constant 0 : i32
          %ne3A_809 = arith.cmpi ne, %rem3A_807, %ne3A_808 : i32
          %and3A_810 = arith.andi %ne3A_806, %ne3A_809 : i1
          %sub3A_811 = arith.constant 1 : i32
          %sub3A_812 = arith.subi %div3A_791, %sub3A_811 : i32
          %select_n3A_813 = arith.select %and3A_810, %sub3A_812, %div3A_791 : i32
          %jit3A_814 = arith.constant 8 : i32
          %div3A_815 = arith.divsi %scan3A_789, %jit3A_814 : i32
          %sign3A_816 = arith.constant 0 : i32
          %sign3A_817 = arith.cmpi sgt, %scan3A_789, %sign3A_816 : i32
          %sign3A_818 = arith.extui %sign3A_817 : i1 to i32
          %sign3A_819 = arith.constant 0 : i32
          %sign3A_820 = arith.cmpi slt, %scan3A_789, %sign3A_819 : i32
          %sign3A_821 = arith.extui %sign3A_820 : i1 to i32
          %sign3A_822 = arith.subi %sign3A_818, %sign3A_821 : i32
          %sign3A_823 = arith.constant 0 : i32
          %sign3A_824 = arith.cmpi sgt, %jit3A_814, %sign3A_823 : i32
          %sign3A_825 = arith.extui %sign3A_824 : i1 to i32
          %sign3A_826 = arith.constant 0 : i32
          %sign3A_827 = arith.cmpi slt, %jit3A_814, %sign3A_826 : i32
          %sign3A_828 = arith.extui %sign3A_827 : i1 to i32
          %sign3A_829 = arith.subi %sign3A_825, %sign3A_828 : i32
          %ne3A_830 = arith.cmpi ne, %sign3A_822, %sign3A_829 : i32
          %rem3A_831 = arith.remsi %scan3A_789, %jit3A_814 : i32
          %ne3A_832 = arith.constant 0 : i32
          %ne3A_833 = arith.cmpi ne, %rem3A_831, %ne3A_832 : i32
          %and3A_834 = arith.andi %ne3A_830, %ne3A_833 : i1
          %sub3A_835 = arith.constant 1 : i32
          %sub3A_836 = arith.subi %div3A_815, %sub3A_835 : i32
          %select_n3A_837 = arith.select %and3A_834, %sub3A_836, %div3A_815 : i32
          %jit3A_838 = arith.constant 8 : i32
          %eq3A_839 = arith.constant 0 : i32
          %eq3A_840 = arith.cmpi eq, %jit3A_838, %eq3A_839 : i32
          %jit3A_841 = arith.constant 1 : i32
          %select_n3A_842 = arith.select %eq3A_840, %jit3A_841, %jit3A_838 : i32
          %rem3A_843 = arith.remsi %select_n3A_837, %select_n3A_842 : i32
          %ne3A_844 = arith.constant 0 : i32
          %ne3A_845 = arith.cmpi ne, %rem3A_843, %ne3A_844 : i32
          %lt3A_846 = arith.constant 0 : i32
          %lt3A_847 = arith.cmpi slt, %rem3A_843, %lt3A_846 : i32
          %lt3A_848 = arith.constant 0 : i32
          %lt3A_849 = arith.cmpi slt, %select_n3A_842, %lt3A_848 : i32
          %ne3A_850 = arith.xori %lt3A_847, %lt3A_849 : i1
          %and3A_851 = arith.andi %ne3A_850, %ne3A_845 : i1
          %add3A_852 = arith.addi %rem3A_843, %select_n3A_842 : i32
          %select_n3A_853 = arith.select %and3A_851, %add3A_852, %rem3A_843 : i32
          %jit3A_854 = arith.constant 8 : i32
          %eq3A_855 = arith.constant 0 : i32
          %eq3A_856 = arith.cmpi eq, %jit3A_854, %eq3A_855 : i32
          %jit3A_857 = arith.constant 1 : i32
          %select_n3A_858 = arith.select %eq3A_856, %jit3A_857, %jit3A_854 : i32
          %rem3A_859 = arith.remsi %scan3A_789, %select_n3A_858 : i32
          %ne3A_860 = arith.constant 0 : i32
          %ne3A_861 = arith.cmpi ne, %rem3A_859, %ne3A_860 : i32
          %lt3A_862 = arith.constant 0 : i32
          %lt3A_863 = arith.cmpi slt, %rem3A_859, %lt3A_862 : i32
          %lt3A_864 = arith.constant 0 : i32
          %lt3A_865 = arith.cmpi slt, %select_n3A_858, %lt3A_864 : i32
          %ne3A_866 = arith.xori %lt3A_863, %lt3A_865 : i1
          %and3A_867 = arith.andi %ne3A_866, %ne3A_861 : i1
          %add3A_868 = arith.addi %rem3A_859, %select_n3A_858 : i32
          %select_n3A_869 = arith.select %and3A_867, %add3A_868, %rem3A_859 : i32
          %mul3A_870 = arith.constant 16 : i32
          %mul3A_871 = arith.muli %select_n3A_869, %mul3A_870 : i32
          %mul3A_872 = arith.constant 8 : i32
          %mul3A_873 = arith.muli %select_n3A_813, %mul3A_872 : i32
          %add3A_874 = arith.addi %mul3A_873, %select_n3A_853 : i32
          %get3A_875 = arith.constant 1 : i32
          %get3A_876 = arith.index_cast %get3A_875 : i32 to index
          %get3A_877 = arith.index_cast %select_n3A_813 : i32 to index
          %get3A_878 = arith.index_cast %select_n3A_853 : i32 to index
          %get3A_879 = arith.index_cast %mul3A_871 : i32 to index
          %get3A_880 = tpu.vector_load %arg5[%get3A_876, %get3A_877, %get3A_878, %get3A_879] {strides = array<i32>} : memref<2x4x8x128xf32, #tpu.memory_space<vmem>>, vector<16xf32>,
          %add3A_881 = vector.broadcast %mul3A_871 : i32 to vector<16xi32>
          %add3A_882 = arith.addi %add3A_881, %iota3A : vector<16xi32>
          %mul3A_883 = arith.constant 33 : i32
          %mul3A_884 = vector.broadcast %mul3A_883 : i32 to vector<16xi32>
          %mul3A_885 = arith.muli %add3A_882, %mul3A_884 : vector<16xi32>
          %add3A_886 = vector.broadcast %add3A_874 : i32 to vector<16xi32>
          %add3A_887 = arith.addi %mul3A_885, %add3A_886 : vector<16xi32>
          tpu.vector_store_idx %arg7[%add3A_887], %get3A_880 : memref<4256xf32, #tpu.memory_space<vmem>>[vector<16xi32>], vector<16xf32>,
          %scan3A_888 = arith.constant 6 : i32
          %scan3A_889 = arith.addi %scan3A_290, %scan3A_888 : i32
          %jit3A_890 = arith.constant 64 : i32
          %div3A_891 = arith.divsi %scan3A_889, %jit3A_890 : i32
          %sign3A_892 = arith.constant 0 : i32
          %sign3A_893 = arith.cmpi sgt, %scan3A_889, %sign3A_892 : i32
          %sign3A_894 = arith.extui %sign3A_893 : i1 to i32
          %sign3A_895 = arith.constant 0 : i32
          %sign3A_896 = arith.cmpi slt, %scan3A_889, %sign3A_895 : i32
          %sign3A_897 = arith.extui %sign3A_896 : i1 to i32
          %sign3A_898 = arith.subi %sign3A_894, %sign3A_897 : i32
          %sign3A_899 = arith.constant 0 : i32
          %sign3A_900 = arith.cmpi sgt, %jit3A_890, %sign3A_899 : i32
          %sign3A_901 = arith.extui %sign3A_900 : i1 to i32
          %sign3A_902 = arith.constant 0 : i32
          %sign3A_903 = arith.cmpi slt, %jit3A_890, %sign3A_902 : i32
          %sign3A_904 = arith.extui %sign3A_903 : i1 to i32
          %sign3A_905 = arith.subi %sign3A_901, %sign3A_904 : i32
          %ne3A_906 = arith.cmpi ne, %sign3A_898, %sign3A_905 : i32
          %rem3A_907 = arith.remsi %scan3A_889, %jit3A_890 : i32
          %ne3A_908 = arith.constant 0 : i32
          %ne3A_909 = arith.cmpi ne, %rem3A_907, %ne3A_908 : i32
          %and3A_910 = arith.andi %ne3A_906, %ne3A_909 : i1
          %sub3A_911 = arith.constant 1 : i32
          %sub3A_912 = arith.subi %div3A_891, %sub3A_911 : i32
          %select_n3A_913 = arith.select %and3A_910, %sub3A_912, %div3A_891 : i32
          %jit3A_914 = arith.constant 8 : i32
          %div3A_915 = arith.divsi %scan3A_889, %jit3A_914 : i32
          %sign3A_916 = arith.constant 0 : i32
          %sign3A_917 = arith.cmpi sgt, %scan3A_889, %sign3A_916 : i32
          %sign3A_918 = arith.extui %sign3A_917 : i1 to i32
          %sign3A_919 = arith.constant 0 : i32
          %sign3A_920 = arith.cmpi slt, %scan3A_889, %sign3A_919 : i32
          %sign3A_921 = arith.extui %sign3A_920 : i1 to i32
          %sign3A_922 = arith.subi %sign3A_918, %sign3A_921 : i32
          %sign3A_923 = arith.constant 0 : i32
          %sign3A_924 = arith.cmpi sgt, %jit3A_914, %sign3A_923 : i32
          %sign3A_925 = arith.extui %sign3A_924 : i1 to i32
          %sign3A_926 = arith.constant 0 : i32
          %sign3A_927 = arith.cmpi slt, %jit3A_914, %sign3A_926 : i32
          %sign3A_928 = arith.extui %sign3A_927 : i1 to i32
          %sign3A_929 = arith.subi %sign3A_925, %sign3A_928 : i32
          %ne3A_930 = arith.cmpi ne, %sign3A_922, %sign3A_929 : i32
          %rem3A_931 = arith.remsi %scan3A_889, %jit3A_914 : i32
          %ne3A_932 = arith.constant 0 : i32
          %ne3A_933 = arith.cmpi ne, %rem3A_931, %ne3A_932 : i32
          %and3A_934 = arith.andi %ne3A_930, %ne3A_933 : i1
          %sub3A_935 = arith.constant 1 : i32
          %sub3A_936 = arith.subi %div3A_915, %sub3A_935 : i32
          %select_n3A_937 = arith.select %and3A_934, %sub3A_936, %div3A_915 : i32
          %jit3A_938 = arith.constant 8 : i32
          %eq3A_939 = arith.constant 0 : i32
          %eq3A_940 = arith.cmpi eq, %jit3A_938, %eq3A_939 : i32
          %jit3A_941 = arith.constant 1 : i32
          %select_n3A_942 = arith.select %eq3A_940, %jit3A_941, %jit3A_938 : i32
          %rem3A_943 = arith.remsi %select_n3A_937, %select_n3A_942 : i32
          %ne3A_944 = arith.constant 0 : i32
          %ne3A_945 = arith.cmpi ne, %rem3A_943, %ne3A_944 : i32
          %lt3A_946 = arith.constant 0 : i32
          %lt3A_947 = arith.cmpi slt, %rem3A_943, %lt3A_946 : i32
          %lt3A_948 = arith.constant 0 : i32
          %lt3A_949 = arith.cmpi slt, %select_n3A_942, %lt3A_948 : i32
          %ne3A_950 = arith.xori %lt3A_947, %lt3A_949 : i1
          %and3A_951 = arith.andi %ne3A_950, %ne3A_945 : i1
          %add3A_952 = arith.addi %rem3A_943, %select_n3A_942 : i32
          %select_n3A_953 = arith.select %and3A_951, %add3A_952, %rem3A_943 : i32
          %jit3A_954 = arith.constant 8 : i32
          %eq3A_955 = arith.constant 0 : i32
          %eq3A_956 = arith.cmpi eq, %jit3A_954, %eq3A_955 : i32
          %jit3A_957 = arith.constant 1 : i32
          %select_n3A_958 = arith.select %eq3A_956, %jit3A_957, %jit3A_954 : i32
          %rem3A_959 = arith.remsi %scan3A_889, %select_n3A_958 : i32
          %ne3A_960 = arith.constant 0 : i32
          %ne3A_961 = arith.cmpi ne, %rem3A_959, %ne3A_960 : i32
          %lt3A_962 = arith.constant 0 : i32
          %lt3A_963 = arith.cmpi slt, %rem3A_959, %lt3A_962 : i32
          %lt3A_964 = arith.constant 0 : i32
          %lt3A_965 = arith.cmpi slt, %select_n3A_958, %lt3A_964 : i32
          %ne3A_966 = arith.xori %lt3A_963, %lt3A_965 : i1
          %and3A_967 = arith.andi %ne3A_966, %ne3A_961 : i1
          %add3A_968 = arith.addi %rem3A_959, %select_n3A_958 : i32
          %select_n3A_969 = arith.select %and3A_967, %add3A_968, %rem3A_959 : i32
          %mul3A_970 = arith.constant 16 : i32
          %mul3A_971 = arith.muli %select_n3A_969, %mul3A_970 : i32
          %mul3A_972 = arith.constant 8 : i32
          %mul3A_973 = arith.muli %select_n3A_913, %mul3A_972 : i32
          %add3A_974 = arith.addi %mul3A_973, %select_n3A_953 : i32
          %get3A_975 = arith.constant 1 : i32
          %get3A_976 = arith.index_cast %get3A_975 : i32 to index
          %get3A_977 = arith.index_cast %select_n3A_913 : i32 to index
          %get3A_978 = arith.index_cast %select_n3A_953 : i32 to index
          %get3A_979 = arith.index_cast %mul3A_971 : i32 to index
          %get3A_980 = tpu.vector_load %arg5[%get3A_976, %get3A_977, %get3A_978, %get3A_979] {strides = array<i32>} : memref<2x4x8x128xf32, #tpu.memory_space<vmem>>, vector<16xf32>,
          %add3A_981 = vector.broadcast %mul3A_971 : i32 to vector<16xi32>
          %add3A_982 = arith.addi %add3A_981, %iota3A : vector<16xi32>
          %mul3A_983 = arith.constant 33 : i32
          %mul3A_984 = vector.broadcast %mul3A_983 : i32 to vector<16xi32>
          %mul3A_985 = arith.muli %add3A_982, %mul3A_984 : vector<16xi32>
          %add3A_986 = vector.broadcast %add3A_974 : i32 to vector<16xi32>
          %add3A_987 = arith.addi %mul3A_985, %add3A_986 : vector<16xi32>
          tpu.vector_store_idx %arg7[%add3A_987], %get3A_980 : memref<4256xf32, #tpu.memory_space<vmem>>[vector<16xi32>], vector<16xf32>,
          %scan3A_988 = arith.constant 7 : i32
          %scan3A_989 = arith.addi %scan3A_290, %scan3A_988 : i32
          %jit3A_990 = arith.constant 64 : i32
          %div3A_991 = arith.divsi %scan3A_989, %jit3A_990 : i32
          %sign3A_992 = arith.constant 0 : i32
          %sign3A_993 = arith.cmpi sgt, %scan3A_989, %sign3A_992 : i32
          %sign3A_994 = arith.extui %sign3A_993 : i1 to i32
          %sign3A_995 = arith.constant 0 : i32
          %sign3A_996 = arith.cmpi slt, %scan3A_989, %sign3A_995 : i32
          %sign3A_997 = arith.extui %sign3A_996 : i1 to i32
          %sign3A_998 = arith.subi %sign3A_994, %sign3A_997 : i32
          %sign3A_999 = arith.constant 0 : i32
          %sign3A_1000 = arith.cmpi sgt, %jit3A_990, %sign3A_999 : i32
          %sign3A_1001 = arith.extui %sign3A_1000 : i1 to i32
          %sign3A_1002 = arith.constant 0 : i32
          %sign3A_1003 = arith.cmpi slt, %jit3A_990, %sign3A_1002 : i32
          %sign3A_1004 = arith.extui %sign3A_1003 : i1 to i32
          %sign3A_1005 = arith.subi %sign3A_1001, %sign3A_1004 : i32
          %ne3A_1006 = arith.cmpi ne, %sign3A_998, %sign3A_1005 : i32
          %rem3A_1007 = arith.remsi %scan3A_989, %jit3A_990 : i32
          %ne3A_1008 = arith.constant 0 : i32
          %ne3A_1009 = arith.cmpi ne, %rem3A_1007, %ne3A_1008 : i32
          %and3A_1010 = arith.andi %ne3A_1006, %ne3A_1009 : i1
          %sub3A_1011 = arith.constant 1 : i32
          %sub3A_1012 = arith.subi %div3A_991, %sub3A_1011 : i32
          %select_n3A_1013 = arith.select %and3A_1010, %sub3A_1012, %div3A_991 : i32
          %jit3A_1014 = arith.constant 8 : i32
          %div3A_1015 = arith.divsi %scan3A_989, %jit3A_1014 : i32
          %sign3A_1016 = arith.constant 0 : i32
          %sign3A_1017 = arith.cmpi sgt, %scan3A_989, %sign3A_1016 : i32
          %sign3A_1018 = arith.extui %sign3A_1017 : i1 to i32
          %sign3A_1019 = arith.constant 0 : i32
          %sign3A_1020 = arith.cmpi slt, %scan3A_989, %sign3A_1019 : i32
          %sign3A_1021 = arith.extui %sign3A_1020 : i1 to i32
          %sign3A_1022 = arith.subi %sign3A_1018, %sign3A_1021 : i32
          %sign3A_1023 = arith.constant 0 : i32
          %sign3A_1024 = arith.cmpi sgt, %jit3A_1014, %sign3A_1023 : i32
          %sign3A_1025 = arith.extui %sign3A_1024 : i1 to i32
          %sign3A_1026 = arith.constant 0 : i32
          %sign3A_1027 = arith.cmpi slt, %jit3A_1014, %sign3A_1026 : i32
          %sign3A_1028 = arith.extui %sign3A_1027 : i1 to i32
          %sign3A_1029 = arith.subi %sign3A_1025, %sign3A_1028 : i32
          %ne3A_1030 = arith.cmpi ne, %sign3A_1022, %sign3A_1029 : i32
          %rem3A_1031 = arith.remsi %scan3A_989, %jit3A_1014 : i32
          %ne3A_1032 = arith.constant 0 : i32
          %ne3A_1033 = arith.cmpi ne, %rem3A_1031, %ne3A_1032 : i32
          %and3A_1034 = arith.andi %ne3A_1030, %ne3A_1033 : i1
          %sub3A_1035 = arith.constant 1 : i32
          %sub3A_1036 = arith.subi %div3A_1015, %sub3A_1035 : i32
          %select_n3A_1037 = arith.select %and3A_1034, %sub3A_1036, %div3A_1015 : i32
          %jit3A_1038 = arith.constant 8 : i32
          %eq3A_1039 = arith.constant 0 : i32
          %eq3A_1040 = arith.cmpi eq, %jit3A_1038, %eq3A_1039 : i32
          %jit3A_1041 = arith.constant 1 : i32
          %select_n3A_1042 = arith.select %eq3A_1040, %jit3A_1041, %jit3A_1038 : i32
          %rem3A_1043 = arith.remsi %select_n3A_1037, %select_n3A_1042 : i32
          %ne3A_1044 = arith.constant 0 : i32
          %ne3A_1045 = arith.cmpi ne, %rem3A_1043, %ne3A_1044 : i32
          %lt3A_1046 = arith.constant 0 : i32
          %lt3A_1047 = arith.cmpi slt, %rem3A_1043, %lt3A_1046 : i32
          %lt3A_1048 = arith.constant 0 : i32
          %lt3A_1049 = arith.cmpi slt, %select_n3A_1042, %lt3A_1048 : i32
          %ne3A_1050 = arith.xori %lt3A_1047, %lt3A_1049 : i1
          %and3A_1051 = arith.andi %ne3A_1050, %ne3A_1045 : i1
          %add3A_1052 = arith.addi %rem3A_1043, %select_n3A_1042 : i32
          %select_n3A_1053 = arith.select %and3A_1051, %add3A_1052, %rem3A_1043 : i32
          %jit3A_1054 = arith.constant 8 : i32
          %eq3A_1055 = arith.constant 0 : i32
          %eq3A_1056 = arith.cmpi eq, %jit3A_1054, %eq3A_1055 : i32
          %jit3A_1057 = arith.constant 1 : i32
          %select_n3A_1058 = arith.select %eq3A_1056, %jit3A_1057, %jit3A_1054 : i32
          %rem3A_1059 = arith.remsi %scan3A_989, %select_n3A_1058 : i32
          %ne3A_1060 = arith.constant 0 : i32
          %ne3A_1061 = arith.cmpi ne, %rem3A_1059, %ne3A_1060 : i32
          %lt3A_1062 = arith.constant 0 : i32
          %lt3A_1063 = arith.cmpi slt, %rem3A_1059, %lt3A_1062 : i32
          %lt3A_1064 = arith.constant 0 : i32
          %lt3A_1065 = arith.cmpi slt, %select_n3A_1058, %lt3A_1064 : i32
          %ne3A_1066 = arith.xori %lt3A_1063, %lt3A_1065 : i1
          %and3A_1067 = arith.andi %ne3A_1066, %ne3A_1061 : i1
          %add3A_1068 = arith.addi %rem3A_1059, %select_n3A_1058 : i32
          %select_n3A_1069 = arith.select %and3A_1067, %add3A_1068, %rem3A_1059 : i32
          %mul3A_1070 = arith.constant 16 : i32
          %mul3A_1071 = arith.muli %select_n3A_1069, %mul3A_1070 : i32
          %mul3A_1072 = arith.constant 8 : i32
          %mul3A_1073 = arith.muli %select_n3A_1013, %mul3A_1072 : i32
          %add3A_1074 = arith.addi %mul3A_1073, %select_n3A_1053 : i32
          %get3A_1075 = arith.constant 1 : i32
          %get3A_1076 = arith.index_cast %get3A_1075 : i32 to index
          %get3A_1077 = arith.index_cast %select_n3A_1013 : i32 to index
          %get3A_1078 = arith.index_cast %select_n3A_1053 : i32 to index
          %get3A_1079 = arith.index_cast %mul3A_1071 : i32 to index
          %get3A_1080 = tpu.vector_load %arg5[%get3A_1076, %get3A_1077, %get3A_1078, %get3A_1079] {strides = array<i32>} : memref<2x4x8x128xf32, #tpu.memory_space<vmem>>, vector<16xf32>,
          %add3A_1081 = vector.broadcast %mul3A_1071 : i32 to vector<16xi32>
          %add3A_1082 = arith.addi %add3A_1081, %iota3A : vector<16xi32>
          %mul3A_1083 = arith.constant 33 : i32
          %mul3A_1084 = vector.broadcast %mul3A_1083 : i32 to vector<16xi32>
          %mul3A_1085 = arith.muli %add3A_1082, %mul3A_1084 : vector<16xi32>
          %add3A_1086 = vector.broadcast %add3A_1074 : i32 to vector<16xi32>
          %add3A_1087 = arith.addi %mul3A_1085, %add3A_1086 : vector<16xi32>
          tpu.vector_store_idx %arg7[%add3A_1087], %get3A_1080 : memref<4256xf32, #tpu.memory_space<vmem>>[vector<16xi32>], vector<16xf32>,
        }
        %scan3A_267 = arith.constant 256 : i32
        %scan3A_268 = arith.constant 0 : i32
        %scan3A_269 = arith.constant 0 : i32
        %scan3A_270 = arith.constant 256 : i32
        %scan3A_271 = arith.addi %scan3A_269, %scan3A_270 : i32
        %scan3A_272 = arith.constant 8 : i32
        scf.for %scan3A_290 = %scan3A_269 to %scan3A_271 step %scan3A_272  : i32 {
          %jit3A_291 = arith.constant 2 : i32
          %div3A_292 = arith.divsi %scan3A_290, %jit3A_291 : i32
          %sign3A_293 = arith.constant 0 : i32
          %sign3A_294 = arith.cmpi sgt, %scan3A_290, %sign3A_293 : i32
          %sign3A_295 = arith.extui %sign3A_294 : i1 to i32
          %sign3A_296 = arith.constant 0 : i32
          %sign3A_297 = arith.cmpi slt, %scan3A_290, %sign3A_296 : i32
          %sign3A_298 = arith.extui %sign3A_297 : i1 to i32
          %sign3A_299 = arith.subi %sign3A_295, %sign3A_298 : i32
          %sign3A_300 = arith.constant 0 : i32
          %sign3A_301 = arith.cmpi sgt, %jit3A_291, %sign3A_300 : i32
          %sign3A_302 = arith.extui %sign3A_301 : i1 to i32
          %sign3A_303 = arith.constant 0 : i32
          %sign3A_304 = arith.cmpi slt, %jit3A_291, %sign3A_303 : i32
          %sign3A_305 = arith.extui %sign3A_304 : i1 to i32
          %sign3A_306 = arith.subi %sign3A_302, %sign3A_305 : i32
          %ne3A_307 = arith.cmpi ne, %sign3A_299, %sign3A_306 : i32
          %rem3A_308 = arith.remsi %scan3A_290, %jit3A_291 : i32
          %ne3A_309 = arith.constant 0 : i32
          %ne3A_310 = arith.cmpi ne, %rem3A_308, %ne3A_309 : i32
          %and3A_311 = arith.andi %ne3A_307, %ne3A_310 : i1
          %sub3A_312 = arith.constant 1 : i32
          %sub3A_313 = arith.subi %div3A_292, %sub3A_312 : i32
          %select_n3A_314 = arith.select %and3A_311, %sub3A_313, %div3A_292 : i32
          %jit3A_315 = arith.constant 2 : i32
          %eq3A_316 = arith.constant 0 : i32
          %eq3A_317 = arith.cmpi eq, %jit3A_315, %eq3A_316 : i32
          %jit3A_318 = arith.constant 1 : i32
          %select_n3A_319 = arith.select %eq3A_317, %jit3A_318, %jit3A_315 : i32
          %rem3A_320 = arith.remsi %scan3A_290, %select_n3A_319 : i32
          %ne3A_321 = arith.constant 0 : i32
          %ne3A_322 = arith.cmpi ne, %rem3A_320, %ne3A_321 : i32
          %lt3A_323 = arith.constant 0 : i32
          %lt3A_324 = arith.cmpi slt, %rem3A_320, %lt3A_323 : i32
          %lt3A_325 = arith.constant 0 : i32
          %lt3A_326 = arith.cmpi slt, %select_n3A_319, %lt3A_325 : i32
          %ne3A_327 = arith.xori %lt3A_324, %lt3A_326 : i1
          %and3A_328 = arith.andi %ne3A_327, %ne3A_322 : i1
          %add3A_329 = arith.addi %rem3A_320, %select_n3A_319 : i32
          %select_n3A_330 = arith.select %and3A_328, %add3A_329, %rem3A_320 : i32
          %mul3A_331 = arith.constant 33 : i32
          %mul3A_332 = arith.muli %select_n3A_314, %mul3A_331 : i32
          %mul3A_333 = arith.constant 16 : i32
          %mul3A_334 = arith.muli %select_n3A_330, %mul3A_333 : i32
          %add3A_335 = arith.addi %mul3A_332, %mul3A_334 : i32
          %get3A = arith.index_cast %add3A_335 : i32 to index
          %get3A_336 = tpu.vector_load %arg7[%get3A] {strides = array<i32>} : memref<4256xf32, #tpu.memory_space<vmem>>, vector<16xf32>,
          %mul3A_337 = arith.constant 32 : i32
          %mul3A_338 = arith.muli %select_n3A_314, %mul3A_337 : i32
          %mul3A_339 = arith.constant 16 : i32
          %mul3A_340 = arith.muli %select_n3A_330, %mul3A_339 : i32
          %add3A_341 = arith.addi %mul3A_338, %mul3A_340 : i32
          %swap3A = arith.constant 1 : i32
          %swap3A_342 = arith.index_cast %swap3A : i32 to index
          %swap3A_343 = arith.index_cast %add3A_341 : i32 to index
          %swap3A_344 = tpu.vector_load %arg6[%swap3A_342, %swap3A_343] {strides = array<i32>} : memref<2x4096xf32, #tpu.memory_space<vmem>>, vector<16xf32>,
          tpu.vector_store %arg6[%swap3A_342, %swap3A_343], %get3A_336 {strides = array<i32>} : memref<2x4096xf32, #tpu.memory_space<vmem>>, vector<16xf32>,
          %scan3A_345 = arith.constant 1 : i32
          %scan3A_346 = arith.addi %scan3A_290, %scan3A_345 : i32
          %jit3A_347 = arith.constant 2 : i32
          %div3A_348 = arith.divsi %scan3A_346, %jit3A_347 : i32
          %sign3A_349 = arith.constant 0 : i32
          %sign3A_350 = arith.cmpi sgt, %scan3A_346, %sign3A_349 : i32
          %sign3A_351 = arith.extui %sign3A_350 : i1 to i32
          %sign3A_352 = arith.constant 0 : i32
          %sign3A_353 = arith.cmpi slt, %scan3A_346, %sign3A_352 : i32
          %sign3A_354 = arith.extui %sign3A_353 : i1 to i32
          %sign3A_355 = arith.subi %sign3A_351, %sign3A_354 : i32
          %sign3A_356 = arith.constant 0 : i32
          %sign3A_357 = arith.cmpi sgt, %jit3A_347, %sign3A_356 : i32
          %sign3A_358 = arith.extui %sign3A_357 : i1 to i32
          %sign3A_359 = arith.constant 0 : i32
          %sign3A_360 = arith.cmpi slt, %jit3A_347, %sign3A_359 : i32
          %sign3A_361 = arith.extui %sign3A_360 : i1 to i32
          %sign3A_362 = arith.subi %sign3A_358, %sign3A_361 : i32
          %ne3A_363 = arith.cmpi ne, %sign3A_355, %sign3A_362 : i32
          %rem3A_364 = arith.remsi %scan3A_346, %jit3A_347 : i32
          %ne3A_365 = arith.constant 0 : i32
          %ne3A_366 = arith.cmpi ne, %rem3A_364, %ne3A_365 : i32
          %and3A_367 = arith.andi %ne3A_363, %ne3A_366 : i1
          %sub3A_368 = arith.constant 1 : i32
          %sub3A_369 = arith.subi %div3A_348, %sub3A_368 : i32
          %select_n3A_370 = arith.select %and3A_367, %sub3A_369, %div3A_348 : i32
          %jit3A_371 = arith.constant 2 : i32
          %eq3A_372 = arith.constant 0 : i32
          %eq3A_373 = arith.cmpi eq, %jit3A_371, %eq3A_372 : i32
          %jit3A_374 = arith.constant 1 : i32
          %select_n3A_375 = arith.select %eq3A_373, %jit3A_374, %jit3A_371 : i32
          %rem3A_376 = arith.remsi %scan3A_346, %select_n3A_375 : i32
          %ne3A_377 = arith.constant 0 : i32
          %ne3A_378 = arith.cmpi ne, %rem3A_376, %ne3A_377 : i32
          %lt3A_379 = arith.constant 0 : i32
          %lt3A_380 = arith.cmpi slt, %rem3A_376, %lt3A_379 : i32
          %lt3A_381 = arith.constant 0 : i32
          %lt3A_382 = arith.cmpi slt, %select_n3A_375, %lt3A_381 : i32
          %ne3A_383 = arith.xori %lt3A_380, %lt3A_382 : i1
          %and3A_384 = arith.andi %ne3A_383, %ne3A_378 : i1
          %add3A_385 = arith.addi %rem3A_376, %select_n3A_375 : i32
          %select_n3A_386 = arith.select %and3A_384, %add3A_385, %rem3A_376 : i32
          %mul3A_387 = arith.constant 33 : i32
          %mul3A_388 = arith.muli %select_n3A_370, %mul3A_387 : i32
          %mul3A_389 = arith.constant 16 : i32
          %mul3A_390 = arith.muli %select_n3A_386, %mul3A_389 : i32
          %add3A_391 = arith.addi %mul3A_388, %mul3A_390 : i32
          %get3A_392 = arith.index_cast %add3A_391 : i32 to index
          %get3A_393 = tpu.vector_load %arg7[%get3A_392] {strides = array<i32>} : memref<4256xf32, #tpu.memory_space<vmem>>, vector<16xf32>,
          %mul3A_394 = arith.constant 32 : i32
          %mul3A_395 = arith.muli %select_n3A_370, %mul3A_394 : i32
          %mul3A_396 = arith.constant 16 : i32
          %mul3A_397 = arith.muli %select_n3A_386, %mul3A_396 : i32
          %add3A_398 = arith.addi %mul3A_395, %mul3A_397 : i32
          %swap3A_399 = arith.constant 1 : i32
          %swap3A_400 = arith.index_cast %swap3A_399 : i32 to index
          %swap3A_401 = arith.index_cast %add3A_398 : i32 to index
          %swap3A_402 = tpu.vector_load %arg6[%swap3A_400, %swap3A_401] {strides = array<i32>} : memref<2x4096xf32, #tpu.memory_space<vmem>>, vector<16xf32>,
          tpu.vector_store %arg6[%swap3A_400, %swap3A_401], %get3A_393 {strides = array<i32>} : memref<2x4096xf32, #tpu.memory_space<vmem>>, vector<16xf32>,
          %scan3A_403 = arith.constant 2 : i32
          %scan3A_404 = arith.addi %scan3A_290, %scan3A_403 : i32
          %jit3A_405 = arith.constant 2 : i32
          %div3A_406 = arith.divsi %scan3A_404, %jit3A_405 : i32
          %sign3A_407 = arith.constant 0 : i32
          %sign3A_408 = arith.cmpi sgt, %scan3A_404, %sign3A_407 : i32
          %sign3A_409 = arith.extui %sign3A_408 : i1 to i32
          %sign3A_410 = arith.constant 0 : i32
          %sign3A_411 = arith.cmpi slt, %scan3A_404, %sign3A_410 : i32
          %sign3A_412 = arith.extui %sign3A_411 : i1 to i32
          %sign3A_413 = arith.subi %sign3A_409, %sign3A_412 : i32
          %sign3A_414 = arith.constant 0 : i32
          %sign3A_415 = arith.cmpi sgt, %jit3A_405, %sign3A_414 : i32
          %sign3A_416 = arith.extui %sign3A_415 : i1 to i32
          %sign3A_417 = arith.constant 0 : i32
          %sign3A_418 = arith.cmpi slt, %jit3A_405, %sign3A_417 : i32
          %sign3A_419 = arith.extui %sign3A_418 : i1 to i32
          %sign3A_420 = arith.subi %sign3A_416, %sign3A_419 : i32
          %ne3A_421 = arith.cmpi ne, %sign3A_413, %sign3A_420 : i32
          %rem3A_422 = arith.remsi %scan3A_404, %jit3A_405 : i32
          %ne3A_423 = arith.constant 0 : i32
          %ne3A_424 = arith.cmpi ne, %rem3A_422, %ne3A_423 : i32
          %and3A_425 = arith.andi %ne3A_421, %ne3A_424 : i1
          %sub3A_426 = arith.constant 1 : i32
          %sub3A_427 = arith.subi %div3A_406, %sub3A_426 : i32
          %select_n3A_428 = arith.select %and3A_425, %sub3A_427, %div3A_406 : i32
          %jit3A_429 = arith.constant 2 : i32
          %eq3A_430 = arith.constant 0 : i32
          %eq3A_431 = arith.cmpi eq, %jit3A_429, %eq3A_430 : i32
          %jit3A_432 = arith.constant 1 : i32
          %select_n3A_433 = arith.select %eq3A_431, %jit3A_432, %jit3A_429 : i32
          %rem3A_434 = arith.remsi %scan3A_404, %select_n3A_433 : i32
          %ne3A_435 = arith.constant 0 : i32
          %ne3A_436 = arith.cmpi ne, %rem3A_434, %ne3A_435 : i32
          %lt3A_437 = arith.constant 0 : i32
          %lt3A_438 = arith.cmpi slt, %rem3A_434, %lt3A_437 : i32
          %lt3A_439 = arith.constant 0 : i32
          %lt3A_440 = arith.cmpi slt, %select_n3A_433, %lt3A_439 : i32
          %ne3A_441 = arith.xori %lt3A_438, %lt3A_440 : i1
          %and3A_442 = arith.andi %ne3A_441, %ne3A_436 : i1
          %add3A_443 = arith.addi %rem3A_434, %select_n3A_433 : i32
          %select_n3A_444 = arith.select %and3A_442, %add3A_443, %rem3A_434 : i32
          %mul3A_445 = arith.constant 33 : i32
          %mul3A_446 = arith.muli %select_n3A_428, %mul3A_445 : i32
          %mul3A_447 = arith.constant 16 : i32
          %mul3A_448 = arith.muli %select_n3A_444, %mul3A_447 : i32
          %add3A_449 = arith.addi %mul3A_446, %mul3A_448 : i32
          %get3A_450 = arith.index_cast %add3A_449 : i32 to index
          %get3A_451 = tpu.vector_load %arg7[%get3A_450] {strides = array<i32>} : memref<4256xf32, #tpu.memory_space<vmem>>, vector<16xf32>,
          %mul3A_452 = arith.constant 32 : i32
          %mul3A_453 = arith.muli %select_n3A_428, %mul3A_452 : i32
          %mul3A_454 = arith.constant 16 : i32
          %mul3A_455 = arith.muli %select_n3A_444, %mul3A_454 : i32
          %add3A_456 = arith.addi %mul3A_453, %mul3A_455 : i32
          %swap3A_457 = arith.constant 1 : i32
          %swap3A_458 = arith.index_cast %swap3A_457 : i32 to index
          %swap3A_459 = arith.index_cast %add3A_456 : i32 to index
          %swap3A_460 = tpu.vector_load %arg6[%swap3A_458, %swap3A_459] {strides = array<i32>} : memref<2x4096xf32, #tpu.memory_space<vmem>>, vector<16xf32>,
          tpu.vector_store %arg6[%swap3A_458, %swap3A_459], %get3A_451 {strides = array<i32>} : memref<2x4096xf32, #tpu.memory_space<vmem>>, vector<16xf32>,
          %scan3A_461 = arith.constant 3 : i32
          %scan3A_462 = arith.addi %scan3A_290, %scan3A_461 : i32
          %jit3A_463 = arith.constant 2 : i32
          %div3A_464 = arith.divsi %scan3A_462, %jit3A_463 : i32
          %sign3A_465 = arith.constant 0 : i32
          %sign3A_466 = arith.cmpi sgt, %scan3A_462, %sign3A_465 : i32
          %sign3A_467 = arith.extui %sign3A_466 : i1 to i32
          %sign3A_468 = arith.constant 0 : i32
          %sign3A_469 = arith.cmpi slt, %scan3A_462, %sign3A_468 : i32
          %sign3A_470 = arith.extui %sign3A_469 : i1 to i32
          %sign3A_471 = arith.subi %sign3A_467, %sign3A_470 : i32
          %sign3A_472 = arith.constant 0 : i32
          %sign3A_473 = arith.cmpi sgt, %jit3A_463, %sign3A_472 : i32
          %sign3A_474 = arith.extui %sign3A_473 : i1 to i32
          %sign3A_475 = arith.constant 0 : i32
          %sign3A_476 = arith.cmpi slt, %jit3A_463, %sign3A_475 : i32
          %sign3A_477 = arith.extui %sign3A_476 : i1 to i32
          %sign3A_478 = arith.subi %sign3A_474, %sign3A_477 : i32
          %ne3A_479 = arith.cmpi ne, %sign3A_471, %sign3A_478 : i32
          %rem3A_480 = arith.remsi %scan3A_462, %jit3A_463 : i32
          %ne3A_481 = arith.constant 0 : i32
          %ne3A_482 = arith.cmpi ne, %rem3A_480, %ne3A_481 : i32
          %and3A_483 = arith.andi %ne3A_479, %ne3A_482 : i1
          %sub3A_484 = arith.constant 1 : i32
          %sub3A_485 = arith.subi %div3A_464, %sub3A_484 : i32
          %select_n3A_486 = arith.select %and3A_483, %sub3A_485, %div3A_464 : i32
          %jit3A_487 = arith.constant 2 : i32
          %eq3A_488 = arith.constant 0 : i32
          %eq3A_489 = arith.cmpi eq, %jit3A_487, %eq3A_488 : i32
          %jit3A_490 = arith.constant 1 : i32
          %select_n3A_491 = arith.select %eq3A_489, %jit3A_490, %jit3A_487 : i32
          %rem3A_492 = arith.remsi %scan3A_462, %select_n3A_491 : i32
          %ne3A_493 = arith.constant 0 : i32
          %ne3A_494 = arith.cmpi ne, %rem3A_492, %ne3A_493 : i32
          %lt3A_495 = arith.constant 0 : i32
          %lt3A_496 = arith.cmpi slt, %rem3A_492, %lt3A_495 : i32
          %lt3A_497 = arith.constant 0 : i32
          %lt3A_498 = arith.cmpi slt, %select_n3A_491, %lt3A_497 : i32
          %ne3A_499 = arith.xori %lt3A_496, %lt3A_498 : i1
          %and3A_500 = arith.andi %ne3A_499, %ne3A_494 : i1
          %add3A_501 = arith.addi %rem3A_492, %select_n3A_491 : i32
          %select_n3A_502 = arith.select %and3A_500, %add3A_501, %rem3A_492 : i32
          %mul3A_503 = arith.constant 33 : i32
          %mul3A_504 = arith.muli %select_n3A_486, %mul3A_503 : i32
          %mul3A_505 = arith.constant 16 : i32
          %mul3A_506 = arith.muli %select_n3A_502, %mul3A_505 : i32
          %add3A_507 = arith.addi %mul3A_504, %mul3A_506 : i32
          %get3A_508 = arith.index_cast %add3A_507 : i32 to index
          %get3A_509 = tpu.vector_load %arg7[%get3A_508] {strides = array<i32>} : memref<4256xf32, #tpu.memory_space<vmem>>, vector<16xf32>,
          %mul3A_510 = arith.constant 32 : i32
          %mul3A_511 = arith.muli %select_n3A_486, %mul3A_510 : i32
          %mul3A_512 = arith.constant 16 : i32
          %mul3A_513 = arith.muli %select_n3A_502, %mul3A_512 : i32
          %add3A_514 = arith.addi %mul3A_511, %mul3A_513 : i32
          %swap3A_515 = arith.constant 1 : i32
          %swap3A_516 = arith.index_cast %swap3A_515 : i32 to index
          %swap3A_517 = arith.index_cast %add3A_514 : i32 to index
          %swap3A_518 = tpu.vector_load %arg6[%swap3A_516, %swap3A_517] {strides = array<i32>} : memref<2x4096xf32, #tpu.memory_space<vmem>>, vector<16xf32>,
          tpu.vector_store %arg6[%swap3A_516, %swap3A_517], %get3A_509 {strides = array<i32>} : memref<2x4096xf32, #tpu.memory_space<vmem>>, vector<16xf32>,
          %scan3A_519 = arith.constant 4 : i32
          %scan3A_520 = arith.addi %scan3A_290, %scan3A_519 : i32
          %jit3A_521 = arith.constant 2 : i32
          %div3A_522 = arith.divsi %scan3A_520, %jit3A_521 : i32
          %sign3A_523 = arith.constant 0 : i32
          %sign3A_524 = arith.cmpi sgt, %scan3A_520, %sign3A_523 : i32
          %sign3A_525 = arith.extui %sign3A_524 : i1 to i32
          %sign3A_526 = arith.constant 0 : i32
          %sign3A_527 = arith.cmpi slt, %scan3A_520, %sign3A_526 : i32
          %sign3A_528 = arith.extui %sign3A_527 : i1 to i32
          %sign3A_529 = arith.subi %sign3A_525, %sign3A_528 : i32
          %sign3A_530 = arith.constant 0 : i32
          %sign3A_531 = arith.cmpi sgt, %jit3A_521, %sign3A_530 : i32
          %sign3A_532 = arith.extui %sign3A_531 : i1 to i32
          %sign3A_533 = arith.constant 0 : i32
          %sign3A_534 = arith.cmpi slt, %jit3A_521, %sign3A_533 : i32
          %sign3A_535 = arith.extui %sign3A_534 : i1 to i32
          %sign3A_536 = arith.subi %sign3A_532, %sign3A_535 : i32
          %ne3A_537 = arith.cmpi ne, %sign3A_529, %sign3A_536 : i32
          %rem3A_538 = arith.remsi %scan3A_520, %jit3A_521 : i32
          %ne3A_539 = arith.constant 0 : i32
          %ne3A_540 = arith.cmpi ne, %rem3A_538, %ne3A_539 : i32
          %and3A_541 = arith.andi %ne3A_537, %ne3A_540 : i1
          %sub3A_542 = arith.constant 1 : i32
          %sub3A_543 = arith.subi %div3A_522, %sub3A_542 : i32
          %select_n3A_544 = arith.select %and3A_541, %sub3A_543, %div3A_522 : i32
          %jit3A_545 = arith.constant 2 : i32
          %eq3A_546 = arith.constant 0 : i32
          %eq3A_547 = arith.cmpi eq, %jit3A_545, %eq3A_546 : i32
          %jit3A_548 = arith.constant 1 : i32
          %select_n3A_549 = arith.select %eq3A_547, %jit3A_548, %jit3A_545 : i32
          %rem3A_550 = arith.remsi %scan3A_520, %select_n3A_549 : i32
          %ne3A_551 = arith.constant 0 : i32
          %ne3A_552 = arith.cmpi ne, %rem3A_550, %ne3A_551 : i32
          %lt3A_553 = arith.constant 0 : i32
          %lt3A_554 = arith.cmpi slt, %rem3A_550, %lt3A_553 : i32
          %lt3A_555 = arith.constant 0 : i32
          %lt3A_556 = arith.cmpi slt, %select_n3A_549, %lt3A_555 : i32
          %ne3A_557 = arith.xori %lt3A_554, %lt3A_556 : i1
          %and3A_558 = arith.andi %ne3A_557, %ne3A_552 : i1
          %add3A_559 = arith.addi %rem3A_550, %select_n3A_549 : i32
          %select_n3A_560 = arith.select %and3A_558, %add3A_559, %rem3A_550 : i32
          %mul3A_561 = arith.constant 33 : i32
          %mul3A_562 = arith.muli %select_n3A_544, %mul3A_561 : i32
          %mul3A_563 = arith.constant 16 : i32
          %mul3A_564 = arith.muli %select_n3A_560, %mul3A_563 : i32
          %add3A_565 = arith.addi %mul3A_562, %mul3A_564 : i32
          %get3A_566 = arith.index_cast %add3A_565 : i32 to index
          %get3A_567 = tpu.vector_load %arg7[%get3A_566] {strides = array<i32>} : memref<4256xf32, #tpu.memory_space<vmem>>, vector<16xf32>,
          %mul3A_568 = arith.constant 32 : i32
          %mul3A_569 = arith.muli %select_n3A_544, %mul3A_568 : i32
          %mul3A_570 = arith.constant 16 : i32
          %mul3A_571 = arith.muli %select_n3A_560, %mul3A_570 : i32
          %add3A_572 = arith.addi %mul3A_569, %mul3A_571 : i32
          %swap3A_573 = arith.constant 1 : i32
          %swap3A_574 = arith.index_cast %swap3A_573 : i32 to index
          %swap3A_575 = arith.index_cast %add3A_572 : i32 to index
          %swap3A_576 = tpu.vector_load %arg6[%swap3A_574, %swap3A_575] {strides = array<i32>} : memref<2x4096xf32, #tpu.memory_space<vmem>>, vector<16xf32>,
          tpu.vector_store %arg6[%swap3A_574, %swap3A_575], %get3A_567 {strides = array<i32>} : memref<2x4096xf32, #tpu.memory_space<vmem>>, vector<16xf32>,
          %scan3A_577 = arith.constant 5 : i32
          %scan3A_578 = arith.addi %scan3A_290, %scan3A_577 : i32
          %jit3A_579 = arith.constant 2 : i32
          %div3A_580 = arith.divsi %scan3A_578, %jit3A_579 : i32
          %sign3A_581 = arith.constant 0 : i32
          %sign3A_582 = arith.cmpi sgt, %scan3A_578, %sign3A_581 : i32
          %sign3A_583 = arith.extui %sign3A_582 : i1 to i32
          %sign3A_584 = arith.constant 0 : i32
          %sign3A_585 = arith.cmpi slt, %scan3A_578, %sign3A_584 : i32
          %sign3A_586 = arith.extui %sign3A_585 : i1 to i32
          %sign3A_587 = arith.subi %sign3A_583, %sign3A_586 : i32
          %sign3A_588 = arith.constant 0 : i32
          %sign3A_589 = arith.cmpi sgt, %jit3A_579, %sign3A_588 : i32
          %sign3A_590 = arith.extui %sign3A_589 : i1 to i32
          %sign3A_591 = arith.constant 0 : i32
          %sign3A_592 = arith.cmpi slt, %jit3A_579, %sign3A_591 : i32
          %sign3A_593 = arith.extui %sign3A_592 : i1 to i32
          %sign3A_594 = arith.subi %sign3A_590, %sign3A_593 : i32
          %ne3A_595 = arith.cmpi ne, %sign3A_587, %sign3A_594 : i32
          %rem3A_596 = arith.remsi %scan3A_578, %jit3A_579 : i32
          %ne3A_597 = arith.constant 0 : i32
          %ne3A_598 = arith.cmpi ne, %rem3A_596, %ne3A_597 : i32
          %and3A_599 = arith.andi %ne3A_595, %ne3A_598 : i1
          %sub3A_600 = arith.constant 1 : i32
          %sub3A_601 = arith.subi %div3A_580, %sub3A_600 : i32
          %select_n3A_602 = arith.select %and3A_599, %sub3A_601, %div3A_580 : i32
          %jit3A_603 = arith.constant 2 : i32
          %eq3A_604 = arith.constant 0 : i32
          %eq3A_605 = arith.cmpi eq, %jit3A_603, %eq3A_604 : i32
          %jit3A_606 = arith.constant 1 : i32
          %select_n3A_607 = arith.select %eq3A_605, %jit3A_606, %jit3A_603 : i32
          %rem3A_608 = arith.remsi %scan3A_578, %select_n3A_607 : i32
          %ne3A_609 = arith.constant 0 : i32
          %ne3A_610 = arith.cmpi ne, %rem3A_608, %ne3A_609 : i32
          %lt3A_611 = arith.constant 0 : i32
          %lt3A_612 = arith.cmpi slt, %rem3A_608, %lt3A_611 : i32
          %lt3A_613 = arith.constant 0 : i32
          %lt3A_614 = arith.cmpi slt, %select_n3A_607, %lt3A_613 : i32
          %ne3A_615 = arith.xori %lt3A_612, %lt3A_614 : i1
          %and3A_616 = arith.andi %ne3A_615, %ne3A_610 : i1
          %add3A_617 = arith.addi %rem3A_608, %select_n3A_607 : i32
          %select_n3A_618 = arith.select %and3A_616, %add3A_617, %rem3A_608 : i32
          %mul3A_619 = arith.constant 33 : i32
          %mul3A_620 = arith.muli %select_n3A_602, %mul3A_619 : i32
          %mul3A_621 = arith.constant 16 : i32
          %mul3A_622 = arith.muli %select_n3A_618, %mul3A_621 : i32
          %add3A_623 = arith.addi %mul3A_620, %mul3A_622 : i32
          %get3A_624 = arith.index_cast %add3A_623 : i32 to index
          %get3A_625 = tpu.vector_load %arg7[%get3A_624] {strides = array<i32>} : memref<4256xf32, #tpu.memory_space<vmem>>, vector<16xf32>,
          %mul3A_626 = arith.constant 32 : i32
          %mul3A_627 = arith.muli %select_n3A_602, %mul3A_626 : i32
          %mul3A_628 = arith.constant 16 : i32
          %mul3A_629 = arith.muli %select_n3A_618, %mul3A_628 : i32
          %add3A_630 = arith.addi %mul3A_627, %mul3A_629 : i32
          %swap3A_631 = arith.constant 1 : i32
          %swap3A_632 = arith.index_cast %swap3A_631 : i32 to index
          %swap3A_633 = arith.index_cast %add3A_630 : i32 to index
          %swap3A_634 = tpu.vector_load %arg6[%swap3A_632, %swap3A_633] {strides = array<i32>} : memref<2x4096xf32, #tpu.memory_space<vmem>>, vector<16xf32>,
          tpu.vector_store %arg6[%swap3A_632, %swap3A_633], %get3A_625 {strides = array<i32>} : memref<2x4096xf32, #tpu.memory_space<vmem>>, vector<16xf32>,
          %scan3A_635 = arith.constant 6 : i32
          %scan3A_636 = arith.addi %scan3A_290, %scan3A_635 : i32
          %jit3A_637 = arith.constant 2 : i32
          %div3A_638 = arith.divsi %scan3A_636, %jit3A_637 : i32
          %sign3A_639 = arith.constant 0 : i32
          %sign3A_640 = arith.cmpi sgt, %scan3A_636, %sign3A_639 : i32
          %sign3A_641 = arith.extui %sign3A_640 : i1 to i32
          %sign3A_642 = arith.constant 0 : i32
          %sign3A_643 = arith.cmpi slt, %scan3A_636, %sign3A_642 : i32
          %sign3A_644 = arith.extui %sign3A_643 : i1 to i32
          %sign3A_645 = arith.subi %sign3A_641, %sign3A_644 : i32
          %sign3A_646 = arith.constant 0 : i32
          %sign3A_647 = arith.cmpi sgt, %jit3A_637, %sign3A_646 : i32
          %sign3A_648 = arith.extui %sign3A_647 : i1 to i32
          %sign3A_649 = arith.constant 0 : i32
          %sign3A_650 = arith.cmpi slt, %jit3A_637, %sign3A_649 : i32
          %sign3A_651 = arith.extui %sign3A_650 : i1 to i32
          %sign3A_652 = arith.subi %sign3A_648, %sign3A_651 : i32
          %ne3A_653 = arith.cmpi ne, %sign3A_645, %sign3A_652 : i32
          %rem3A_654 = arith.remsi %scan3A_636, %jit3A_637 : i32
          %ne3A_655 = arith.constant 0 : i32
          %ne3A_656 = arith.cmpi ne, %rem3A_654, %ne3A_655 : i32
          %and3A_657 = arith.andi %ne3A_653, %ne3A_656 : i1
          %sub3A_658 = arith.constant 1 : i32
          %sub3A_659 = arith.subi %div3A_638, %sub3A_658 : i32
          %select_n3A_660 = arith.select %and3A_657, %sub3A_659, %div3A_638 : i32
          %jit3A_661 = arith.constant 2 : i32
          %eq3A_662 = arith.constant 0 : i32
          %eq3A_663 = arith.cmpi eq, %jit3A_661, %eq3A_662 : i32
          %jit3A_664 = arith.constant 1 : i32
          %select_n3A_665 = arith.select %eq3A_663, %jit3A_664, %jit3A_661 : i32
          %rem3A_666 = arith.remsi %scan3A_636, %select_n3A_665 : i32
          %ne3A_667 = arith.constant 0 : i32
          %ne3A_668 = arith.cmpi ne, %rem3A_666, %ne3A_667 : i32
          %lt3A_669 = arith.constant 0 : i32
          %lt3A_670 = arith.cmpi slt, %rem3A_666, %lt3A_669 : i32
          %lt3A_671 = arith.constant 0 : i32
          %lt3A_672 = arith.cmpi slt, %select_n3A_665, %lt3A_671 : i32
          %ne3A_673 = arith.xori %lt3A_670, %lt3A_672 : i1
          %and3A_674 = arith.andi %ne3A_673, %ne3A_668 : i1
          %add3A_675 = arith.addi %rem3A_666, %select_n3A_665 : i32
          %select_n3A_676 = arith.select %and3A_674, %add3A_675, %rem3A_666 : i32
          %mul3A_677 = arith.constant 33 : i32
          %mul3A_678 = arith.muli %select_n3A_660, %mul3A_677 : i32
          %mul3A_679 = arith.constant 16 : i32
          %mul3A_680 = arith.muli %select_n3A_676, %mul3A_679 : i32
          %add3A_681 = arith.addi %mul3A_678, %mul3A_680 : i32
          %get3A_682 = arith.index_cast %add3A_681 : i32 to index
          %get3A_683 = tpu.vector_load %arg7[%get3A_682] {strides = array<i32>} : memref<4256xf32, #tpu.memory_space<vmem>>, vector<16xf32>,
          %mul3A_684 = arith.constant 32 : i32
          %mul3A_685 = arith.muli %select_n3A_660, %mul3A_684 : i32
          %mul3A_686 = arith.constant 16 : i32
          %mul3A_687 = arith.muli %select_n3A_676, %mul3A_686 : i32
          %add3A_688 = arith.addi %mul3A_685, %mul3A_687 : i32
          %swap3A_689 = arith.constant 1 : i32
          %swap3A_690 = arith.index_cast %swap3A_689 : i32 to index
          %swap3A_691 = arith.index_cast %add3A_688 : i32 to index
          %swap3A_692 = tpu.vector_load %arg6[%swap3A_690, %swap3A_691] {strides = array<i32>} : memref<2x4096xf32, #tpu.memory_space<vmem>>, vector<16xf32>,
          tpu.vector_store %arg6[%swap3A_690, %swap3A_691], %get3A_683 {strides = array<i32>} : memref<2x4096xf32, #tpu.memory_space<vmem>>, vector<16xf32>,
          %scan3A_693 = arith.constant 7 : i32
          %scan3A_694 = arith.addi %scan3A_290, %scan3A_693 : i32
          %jit3A_695 = arith.constant 2 : i32
          %div3A_696 = arith.divsi %scan3A_694, %jit3A_695 : i32
          %sign3A_697 = arith.constant 0 : i32
          %sign3A_698 = arith.cmpi sgt, %scan3A_694, %sign3A_697 : i32
          %sign3A_699 = arith.extui %sign3A_698 : i1 to i32
          %sign3A_700 = arith.constant 0 : i32
          %sign3A_701 = arith.cmpi slt, %scan3A_694, %sign3A_700 : i32
          %sign3A_702 = arith.extui %sign3A_701 : i1 to i32
          %sign3A_703 = arith.subi %sign3A_699, %sign3A_702 : i32
          %sign3A_704 = arith.constant 0 : i32
          %sign3A_705 = arith.cmpi sgt, %jit3A_695, %sign3A_704 : i32
          %sign3A_706 = arith.extui %sign3A_705 : i1 to i32
          %sign3A_707 = arith.constant 0 : i32
          %sign3A_708 = arith.cmpi slt, %jit3A_695, %sign3A_707 : i32
          %sign3A_709 = arith.extui %sign3A_708 : i1 to i32
          %sign3A_710 = arith.subi %sign3A_706, %sign3A_709 : i32
          %ne3A_711 = arith.cmpi ne, %sign3A_703, %sign3A_710 : i32
          %rem3A_712 = arith.remsi %scan3A_694, %jit3A_695 : i32
          %ne3A_713 = arith.constant 0 : i32
          %ne3A_714 = arith.cmpi ne, %rem3A_712, %ne3A_713 : i32
          %and3A_715 = arith.andi %ne3A_711, %ne3A_714 : i1
          %sub3A_716 = arith.constant 1 : i32
          %sub3A_717 = arith.subi %div3A_696, %sub3A_716 : i32
          %select_n3A_718 = arith.select %and3A_715, %sub3A_717, %div3A_696 : i32
          %jit3A_719 = arith.constant 2 : i32
          %eq3A_720 = arith.constant 0 : i32
          %eq3A_721 = arith.cmpi eq, %jit3A_719, %eq3A_720 : i32
          %jit3A_722 = arith.constant 1 : i32
          %select_n3A_723 = arith.select %eq3A_721, %jit3A_722, %jit3A_719 : i32
          %rem3A_724 = arith.remsi %scan3A_694, %select_n3A_723 : i32
          %ne3A_725 = arith.constant 0 : i32
          %ne3A_726 = arith.cmpi ne, %rem3A_724, %ne3A_725 : i32
          %lt3A_727 = arith.constant 0 : i32
          %lt3A_728 = arith.cmpi slt, %rem3A_724, %lt3A_727 : i32
          %lt3A_729 = arith.constant 0 : i32
          %lt3A_730 = arith.cmpi slt, %select_n3A_723, %lt3A_729 : i32
          %ne3A_731 = arith.xori %lt3A_728, %lt3A_730 : i1
          %and3A_732 = arith.andi %ne3A_731, %ne3A_726 : i1
          %add3A_733 = arith.addi %rem3A_724, %select_n3A_723 : i32
          %select_n3A_734 = arith.select %and3A_732, %add3A_733, %rem3A_724 : i32
          %mul3A_735 = arith.constant 33 : i32
          %mul3A_736 = arith.muli %select_n3A_718, %mul3A_735 : i32
          %mul3A_737 = arith.constant 16 : i32
          %mul3A_738 = arith.muli %select_n3A_734, %mul3A_737 : i32
          %add3A_739 = arith.addi %mul3A_736, %mul3A_738 : i32
          %get3A_740 = arith.index_cast %add3A_739 : i32 to index
          %get3A_741 = tpu.vector_load %arg7[%get3A_740] {strides = array<i32>} : memref<4256xf32, #tpu.memory_space<vmem>>, vector<16xf32>,
          %mul3A_742 = arith.constant 32 : i32
          %mul3A_743 = arith.muli %select_n3A_718, %mul3A_742 : i32
          %mul3A_744 = arith.constant 16 : i32
          %mul3A_745 = arith.muli %select_n3A_734, %mul3A_744 : i32
          %add3A_746 = arith.addi %mul3A_743, %mul3A_745 : i32
          %swap3A_747 = arith.constant 1 : i32
          %swap3A_748 = arith.index_cast %swap3A_747 : i32 to index
          %swap3A_749 = arith.index_cast %add3A_746 : i32 to index
          %swap3A_750 = tpu.vector_load %arg6[%swap3A_748, %swap3A_749] {strides = array<i32>} : memref<2x4096xf32, #tpu.memory_space<vmem>>, vector<16xf32>,
          tpu.vector_store %arg6[%swap3A_748, %swap3A_749], %get3A_741 {strides = array<i32>} : memref<2x4096xf32, #tpu.memory_space<vmem>>, vector<16xf32>,
        }
        %scan3A_273 = arith.constant 256 : i32
        %mul3A_274 = arith.constant 128 : i32
        %mul3A_275 = arith.muli %add3A_169, %mul3A_274 : i32
        %mul3A_276 = arith.constant 32 : i32
        %mul3A_277 = arith.muli %mul3A_275, %mul3A_276 : i32
        %dma_start3A_278 = arith.constant 1 : i32
        %dma_start3A_279 = arith.constant 1 : i32
        %dma_start3A_280 = arith.constant 0 : i32
        %dma_start3A_281 = tpu.memref_slice %arg6[%dma_start3A_278, %dma_start3A_280] : memref<2x4096xf32, #tpu.memory_space<vmem>> -> memref<1x4096xf32, #tpu.memory_space<vmem>>
        %dma_start3A_282 = tpu.memref_squeeze %dma_start3A_281 : memref<1x4096xf32, #tpu.memory_space<vmem>> -> memref<4096xf32, #tpu.memory_space<vmem>>
        %dma_start3A_283 = tpu.memref_slice %arg4[%mul3A_277] : memref<32000000xf32, #tpu.memory_space<hbm>> -> memref<4096xf32, #tpu.memory_space<hbm>>
        %dma_start3A_284 = tpu.memref_slice %arg10[%dma_start3A_279] : memref<2x!tpu.dma_semaphore, #tpu.memory_space<semaphore_mem>> -> memref<1x!tpu.dma_semaphore, #tpu.memory_space<semaphore_mem>>
        %dma_start3A_285 = tpu.memref_squeeze %dma_start3A_284 : memref<1x!tpu.dma_semaphore, #tpu.memory_space<semaphore_mem>> -> memref<!tpu.dma_semaphore, #tpu.memory_space<semaphore_mem>>
        %dma_start3A_286 = tpu.memref_slice %arg4[%mul3A_277] : memref<32000000xf32, #tpu.memory_space<hbm>> -> memref<4096xf32, #tpu.memory_space<hbm>>
        %dma_start3A_287 = arith.constant 0 : i32
        %dma_start3A_288 = tpu.memref_slice %arg6[%dma_start3A_278, %dma_start3A_287] : memref<2x4096xf32, #tpu.memory_space<vmem>> -> memref<1x4096xf32, #tpu.memory_space<vmem>>
        %dma_start3A_289 = tpu.memref_squeeze %dma_start3A_288 : memref<1x4096xf32, #tpu.memory_space<vmem>> -> memref<4096xf32, #tpu.memory_space<vmem>>
        tpu.enqueue_dma source(%dma_start3A_289 : memref<4096xf32, #tpu.memory_space<vmem>>) target(%dma_start3A_286 : memref<4096xf32, #tpu.memory_space<hbm>>) target_semaphore(%dma_start3A_285 : memref<!tpu.dma_semaphore, #tpu.memory_space<semaphore_mem>>)
      } else {
      }
    }
    %scan3A_82 = arith.constant 123 : i32
    %sub3A = arith.constant 7811 : i32
    %sub3A_83 = arith.subi %sub3A, %add3A : i32
    %jit3A = arith.constant 32 : i32
    %div3A = arith.divsi %sub3A_83, %jit3A : i32
    %sign3A = arith.constant 0 : i32
    %sign3A_84 = arith.cmpi sgt, %sub3A_83, %sign3A : i32
    %sign3A_85 = arith.extui %sign3A_84 : i1 to i32
    %sign3A_86 = arith.constant 0 : i32
    %sign3A_87 = arith.cmpi slt, %sub3A_83, %sign3A_86 : i32
    %sign3A_88 = arith.extui %sign3A_87 : i1 to i32
    %sign3A_89 = arith.subi %sign3A_85, %sign3A_88 : i32
    %sign3A_90 = arith.constant 0 : i32
    %sign3A_91 = arith.cmpi sgt, %jit3A, %sign3A_90 : i32
    %sign3A_92 = arith.extui %sign3A_91 : i1 to i32
    %sign3A_93 = arith.constant 0 : i32
    %sign3A_94 = arith.cmpi slt, %jit3A, %sign3A_93 : i32
    %sign3A_95 = arith.extui %sign3A_94 : i1 to i32
    %sign3A_96 = arith.subi %sign3A_92, %sign3A_95 : i32
    %ne3A = arith.cmpi ne, %sign3A_89, %sign3A_96 : i32
    %rem3A = arith.remsi %sub3A_83, %jit3A : i32
    %ne3A_97 = arith.constant 0 : i32
    %ne3A_98 = arith.cmpi ne, %rem3A, %ne3A_97 : i32
    %and3A = arith.andi %ne3A, %ne3A_98 : i1
    %sub3A_99 = arith.constant 1 : i32
    %sub3A_100 = arith.subi %div3A, %sub3A_99 : i32
    %select_n3A = arith.select %and3A, %sub3A_100, %div3A : i32
    %jit3A_101 = arith.constant 2 : i32
    %eq3A_102 = arith.constant 0 : i32
    %eq3A_103 = arith.cmpi eq, %jit3A_101, %eq3A_102 : i32
    %jit3A_104 = arith.constant 1 : i32
    %select_n3A_105 = arith.select %eq3A_103, %jit3A_104, %jit3A_101 : i32
    %rem3A_106 = arith.remsi %select_n3A, %select_n3A_105 : i32
    %ne3A_107 = arith.constant 0 : i32
    %ne3A_108 = arith.cmpi ne, %rem3A_106, %ne3A_107 : i32
    %lt3A = arith.constant 0 : i32
    %lt3A_109 = arith.cmpi slt, %rem3A_106, %lt3A : i32
    %lt3A_110 = arith.constant 0 : i32
    %lt3A_111 = arith.cmpi slt, %select_n3A_105, %lt3A_110 : i32
    %ne3A_112 = arith.xori %lt3A_109, %lt3A_111 : i1
    %and3A_113 = arith.andi %ne3A_112, %ne3A_108 : i1
    %add3A_114 = arith.addi %rem3A_106, %select_n3A_105 : i32
    %select_n3A_115 = arith.select %and3A_113, %add3A_114, %rem3A_106 : i32
    %mul3A_116 = arith.constant 32 : i32
    %mul3A_117 = arith.muli %mul3A_116, %select_n3A : i32
    %add3A_118 = arith.addi %add3A, %mul3A_117 : i32
    %mul3A_119 = arith.constant 128 : i32
    %mul3A_120 = arith.muli %add3A_118, %mul3A_119 : i32
    %mul3A_121 = arith.constant 32 : i32
    %mul3A_122 = arith.muli %mul3A_120, %mul3A_121 : i32
    %dma_wait3A = arith.constant 0 : i32
    %dma_wait3A_123 = tpu.memref_slice %arg6[%select_n3A_115, %dma_wait3A] : memref<2x4096xf32, #tpu.memory_space<vmem>> -> memref<1x4096xf32, #tpu.memory_space<vmem>>
    %dma_wait3A_124 = tpu.memref_squeeze %dma_wait3A_123 : memref<1x4096xf32, #tpu.memory_space<vmem>> -> memref<4096xf32, #tpu.memory_space<vmem>>
    %dma_wait3A_125 = tpu.memref_slice %arg4[%mul3A_122] : memref<32000000xf32, #tpu.memory_space<hbm>> -> memref<4096xf32, #tpu.memory_space<hbm>>
    %dma_wait3A_126 = tpu.memref_slice %arg10[%select_n3A_115] : memref<2x!tpu.dma_semaphore, #tpu.memory_space<semaphore_mem>> -> memref<1x!tpu.dma_semaphore, #tpu.memory_space<semaphore_mem>>
    %dma_wait3A_127 = tpu.memref_squeeze %dma_wait3A_126 : memref<1x!tpu.dma_semaphore, #tpu.memory_space<semaphore_mem>> -> memref<!tpu.dma_semaphore, #tpu.memory_space<semaphore_mem>>
    %dma_wait3A_128 = tpu.memref_slice %arg4[%mul3A_122] : memref<32000000xf32, #tpu.memory_space<hbm>> -> memref<4096xf32, #tpu.memory_space<hbm>>
    %dma_wait3A_129 = arith.constant 0 : i32
    %dma_wait3A_130 = tpu.memref_slice %arg6[%select_n3A_115, %dma_wait3A_129] : memref<2x4096xf32, #tpu.memory_space<vmem>> -> memref<1x4096xf32, #tpu.memory_space<vmem>>
    %dma_wait3A_131 = tpu.memref_squeeze %dma_wait3A_130 : memref<1x4096xf32, #tpu.memory_space<vmem>> -> memref<4096xf32, #tpu.memory_space<vmem>>
    tpu.wait_dma2 semaphore(%dma_wait3A_127 : memref<!tpu.dma_semaphore, #tpu.memory_space<semaphore_mem>>) src(%dma_wait3A_131 : memref<4096xf32, #tpu.memory_space<vmem>>) dst(%dma_wait3A_128 : memref<4096xf32, #tpu.memory_space<hbm>>)
    %sub3A_132 = arith.constant 32 : i32
    %sub3A_133 = arith.subi %add3A_118, %sub3A_132 : i32
    %sub3A_134 = arith.constant 1 : i32
    %sub3A_135 = arith.subi %sub3A_134, %select_n3A_115 : i32
    %mul3A_136 = arith.constant 128 : i32
    %mul3A_137 = arith.muli %sub3A_133, %mul3A_136 : i32
    %mul3A_138 = arith.constant 32 : i32
    %mul3A_139 = arith.muli %mul3A_137, %mul3A_138 : i32
    %dma_wait3A_140 = arith.constant 0 : i32
    %dma_wait3A_141 = tpu.memref_slice %arg6[%sub3A_135, %dma_wait3A_140] : memref<2x4096xf32, #tpu.memory_space<vmem>> -> memref<1x4096xf32, #tpu.memory_space<vmem>>
    %dma_wait3A_142 = tpu.memref_squeeze %dma_wait3A_141 : memref<1x4096xf32, #tpu.memory_space<vmem>> -> memref<4096xf32, #tpu.memory_space<vmem>>
    %dma_wait3A_143 = tpu.memref_slice %arg4[%mul3A_139] : memref<32000000xf32, #tpu.memory_space<hbm>> -> memref<4096xf32, #tpu.memory_space<hbm>>
    %dma_wait3A_144 = tpu.memref_slice %arg10[%sub3A_135] : memref<2x!tpu.dma_semaphore, #tpu.memory_space<semaphore_mem>> -> memref<1x!tpu.dma_semaphore, #tpu.memory_space<semaphore_mem>>
    %dma_wait3A_145 = tpu.memref_squeeze %dma_wait3A_144 : memref<1x!tpu.dma_semaphore, #tpu.memory_space<semaphore_mem>> -> memref<!tpu.dma_semaphore, #tpu.memory_space<semaphore_mem>>
    %dma_wait3A_146 = tpu.memref_slice %arg4[%mul3A_139] : memref<32000000xf32, #tpu.memory_space<hbm>> -> memref<4096xf32, #tpu.memory_space<hbm>>
    %dma_wait3A_147 = arith.constant 0 : i32
    %dma_wait3A_148 = tpu.memref_slice %arg6[%sub3A_135, %dma_wait3A_147] : memref<2x4096xf32, #tpu.memory_space<vmem>> -> memref<1x4096xf32, #tpu.memory_space<vmem>>
    %dma_wait3A_149 = tpu.memref_squeeze %dma_wait3A_148 : memref<1x4096xf32, #tpu.memory_space<vmem>> -> memref<4096xf32, #tpu.memory_space<vmem>>
    tpu.wait_dma2 semaphore(%dma_wait3A_145 : memref<!tpu.dma_semaphore, #tpu.memory_space<semaphore_mem>>) src(%dma_wait3A_149 : memref<4096xf32, #tpu.memory_space<vmem>>) dst(%dma_wait3A_146 : memref<4096xf32, #tpu.memory_space<hbm>>)
    return
  }
}

</mosaic_0001>

<sc_bundles>
// kernel: kernel.4.cloned.1.call-start
scs
__scs_entry_jumppad:
0x0: {  	(pc) =	sbr.rel $0x88, $3  }
0x1: {  	(tag) =	ssettag $0x0;
	lr =	simm.s32 $0x1  }
0x2: {  	[smem:$0x3F9F] =	sst lr;
	_ =	strace $0xD0000000  }
0x3: {  	_ = 	snop  }
0x4: {  	_ = 	snop  }
0x5: {  	_ = 	snop  }
0x6: {  	_ = 	snop  }
0x7: {  	_ = 	snop  }
__scs_overlays_trampoline_lowered:
0x8: {  	[smem:$0x3FAE] =	sst s0  }
0x9: {  	[smem:$0x3FAF] =	sst s1  }
0xa: {  	[smem:$0x3FB0] =	sst s2  }
0xb: {  	[smem:$0x3FB1] =	sst s3  }
0xc: {  	[smem:$0x3FB2] =	sst s4  }
0xd: {  	[smem:$0x3FB3] =	sst s5  }
0xe: {  	[smem:$0x3FB4] =	sst s6  }
0xf: {  	[smem:$0x3FB5] =	sst s7  }
0x10: {  	[smem:$0x3FB6] =	sst s8  }
0x11: {  	[smem:$0x3FB7] =	sst s9;
	s0 =	simm.s32 @!p0 $0x0  }
0x12: {  	s1 =	sld [smem:$0x3F9D];
	s0 =	simm.s32 @p0 $0x1  }
0x13: {  	[smem:$0x3FB8] =	sst s0;
	s0 =	simm.s32 @!p1 $0x0  }
0x14: {  	s2 =	sld [smem:$0x3F9C];
	s0 =	simm.s32 @p1 $0x1  }
0x15: {  	[smem:$0x3FB9] =	sst s0;
	s0 =	simm.s32 @!p2 $0x0  }
0x16: {  	s3 =	sld [smem:$0x3FDB];
	s0 =	simm.s32 @p2 $0x1  }
0x17: {  	s4 =	simm.s32 $0x1BF5;
	[smem:$0x3FBB] =	sst s0  }
0x18: {  	s0 =	sld [smem:$0x3F9E];
	_ =	swait.ge [sflag:s4], $0x0  }
0x19: {  	s7 =	sld [smem:$0x3F9F]  }
0x1a: {  	s8 =	sadd.s32 $0xFFFFE003, lr  }
0x1b: {  	s9 =	sadd.s32 $0xFFFFFEF7, lr;
	s5 =	simm.s32 $0xFFFFFFFF;
	p2 =	slt.u32 s8, $0xFFFFF086  }
0x1c: {  	p1 =	slt.u32 s9, $0xF7A;
	s5 =	simm.s32 @!p2 $0x0  }
0x1d: {  	s5 =	simm.s32 @p1 $0x1;
	p0 =	seq.s32 s7, s2  }
0x1e: {  	s7 =	smul.u32 @!p0 $0xF7A, s2;
	p2 =	seq.s32 @!p0 s5, $0x0  }
0x1f: {  	s9 =	smul.u32 $0xF7A, s1;
	s8 =	simm.s32 @!p0 $0x1BF5;
	p2 =	por !p2, p0  }
0x20: {  	[sflag:s8] =	ssyncset.s32 @!p0 $0xFFFFF086;
	s6 =	sadd.s32 @!p0 s3, s7;
	s7 =	simm.s32 @!p0 $0x108  }
0x21: {  	s3 =	sadd.s32 s3, s9;
	s6 =	sadd.s32 @!p0 $0x88, s6;
	s7 =	simm.s32 @p2 $0x1082  }
0x22: {  	[simem:s7], [sflag:s8] =	dma.local @!p0 [hbm:s6], $0xF7A  }
0x23: {  	s9 =	sor.u32 $0xD0000000, s2;
	s6 =	simm.s32 $0x108;
	_ =	swait.ge @!p0 [sflag:s8], $0x0  }
0x24: {  	s3 =	sadd.s32 $0x88, s3;
	s6 =	simm.s32 @!p1 $0x1082;
	[sflag:s4] =	ssyncset.s32 $0xFFFFF086  }
0x25: {  	[simem:s6], [sflag:s4] =	dma.local [hbm:s3], $0xF7A  }
0x26: {  	[smem:$0x3F9F] =	sst s1;
	(tag) =	ssettag s2;
	_ =	strace s9  }
0x27: {  	s1 =	sld [smem:$0x3FAF]  }
0x28: {  	s2 =	sld [smem:$0x3FB0]  }
0x29: {  	s4 =	sld [smem:$0x3FB2]  }
0x2a: {  	p0 =	seq.s32 s5, $0x0;
	s5 =	sld [smem:$0x3FB3]  }
0x2b: {  	s6 =	sld [smem:$0x3FB4]  }
0x2c: {  	s7 =	sld [smem:$0x3FB5]  }
0x2d: {  	s3 =	simm.s32 $0x108;
	s8 =	sld [smem:$0x3FB6]  }
0x2e: {  	s3 =	simm.s32 @!p0 $0x1082;
	s9 =	sld [smem:$0x3FB7]  }
0x2f: {  	lr =	sadd.s32 s0, s3;
	s0 =	sld [smem:$0x3FAE]  }
0x30: {  	s3 =	sld [smem:$0x3FB1]  }
0x31: {  	[smem:$0x3FBA] =	sst s10  }
0x32: {  	s10 =	sld [smem:$0x3FB8];
	_ =	sdelay $0x3  }
0x33: {  	p0 =	seq.s32 s10, $0x1;
	s10 =	sld [smem:$0x3FBA];
	_ =	sdelay $0x3  }
0x34: {  	[smem:$0x3FBA] =	sst s10  }
0x35: {  	s10 =	sld [smem:$0x3FB9];
	_ =	sdelay $0x3  }
0x36: {  	p1 =	seq.s32 s10, $0x1;
	s10 =	sld [smem:$0x3FBA];
	_ =	sdelay $0x3  }
0x37: {  	[smem:$0x3FBA] =	sst s10  }
0x38: {  	s10 =	sld [smem:$0x3FBB]  }
0x39: {  	_ = 	snop;
	(pc) =	sbr.ind lr, $3  }
0x3a: {  	_ = 	snop  }
0x3b: {  	_ = 	snop  }
0x3c: {  	p2 =	seq.s32 s10, $0x1;
	s10 =	sld [smem:$0x3FBA]  }
0x3d: {  	_ =	shalt  }
0x3e: {  	_ =	shalt  }
0x3f: {  	_ =	shalt  }
0x40: {  	_ =	shalt  }
0x41: {  	_ =	shalt  }
0x42: {  	_ =	shalt  }
0x43: {  	_ =	shalt  }
0x44: {  	_ =	shalt  }
0x45: {  	_ =	shalt  }
0x46: {  	_ =	shalt  }
0x47: {  	_ =	shalt  }
0x48: {  	_ =	shalt  }
0x49: {  	_ =	shalt  }
0x4a: {  	_ =	shalt  }
0x4b: {  	_ =	shalt  }
0x4c: {  	_ =	shalt  }
0x4d: {  	_ =	shalt  }
0x4e: {  	_ =	shalt  }
0x4f: {  	_ =	shalt  }
0x50: {  	_ =	shalt  }
0x51: {  	_ =	shalt  }
0x52: {  	_ =	shalt  }
0x53: {  	_ =	shalt  }
0x54: {  	_ =	shalt  }
0x55: {  	_ =	shalt  }
0x56: {  	_ =	shalt  }
0x57: {  	_ =	shalt  }
0x58: {  	_ =	shalt  }
0x59: {  	_ =	shalt  }
0x5a: {  	_ =	shalt  }
0x5b: {  	_ =	shalt  }
0x5c: {  	_ =	shalt  }
0x5d: {  	_ =	shalt  }
0x5e: {  	_ =	shalt  }
0x5f: {  	_ =	shalt  }
0x60: {  	_ =	shalt  }
0x61: {  	_ =	shalt  }
0x62: {  	_ =	shalt  }
0x63: {  	_ =	shalt  }
0x64: {  	_ =	shalt  }
0x65: {  	_ =	shalt  }
0x66: {  	_ =	shalt  }
0x67: {  	_ =	shalt  }
0x68: {  	_ =	shalt  }
0x69: {  	_ =	shalt  }
0x6a: {  	_ =	shalt  }
0x6b: {  	_ =	shalt  }
0x6c: {  	_ =	shalt  }
0x6d: {  	_ =	shalt  }
0x6e: {  	_ =	shalt  }
0x6f: {  	_ =	shalt  }
0x70: {  	_ =	shalt  }
0x71: {  	_ =	shalt  }
0x72: {  	_ =	shalt  }
0x73: {  	_ =	shalt  }
0x74: {  	_ =	shalt  }
0x75: {  	_ =	shalt  }
0x76: {  	_ =	shalt  }
0x77: {  	_ =	shalt  }
0x78: {  	_ =	shalt  }
0x79: {  	_ =	shalt  }
0x7a: {  	_ =	shalt  }
0x7b: {  	_ =	shalt  }
0x7c: {  	_ =	shalt  }
0x7d: {  	_ =	shalt  }
0x7e: {  	_ =	shalt  }
0x7f: {  	_ =	shalt  }
0x80: {  	_ =	shalt  }
0x81: {  	_ =	shalt  }
0x82: {  	_ =	shalt  }
0x83: {  	_ =	shalt  }
0x84: {  	_ =	shalt  }
0x85: {  	_ =	shalt  }
0x86: {  	_ =	shalt  }
0x87: {  	_ =	shalt  }
.Lfunc_end0:
.L_simem_size_0:
called_computation_lowered:
.L_overlay_start_0:
0x88: {  	s2 =	sld [smem:$0x3FD9]  }
0x89: {  	s3 =	sld [smem:$0x3FFE];
	_ =	sdelay $0x1  }
0x8a: {  	s1 =	srdreg.scid  }
0x8b: {  	s0 =	sand.u32 $0x1, s1  }
0x8c: {  	s17 =	sshll.u32 s0, $0xA;
	s2 =	sadd.s32 s3, s2  }
0x8d: {  	s2 =	sadd.s32 s2, s17  }
0x8e: {  	[smem:$0x3FC6] =	sst s2  }
0x8f: {  	_ = 	snop  }
0x90: {  	s2 =	sld [smem:$0x3FC8]  }
0x91: {  	s18 =	sld [smem:$0x3FD0];
	(tm) =	ssettm $0x1  }
0x92: {  	s4 =	sld [smem:$0x3FFB];
	_ =	sdelay $0x3  }
0x93: {  	_ =	strace s4  }
0x94: {  	s4 =	sld [smem:$0x3FFC];
	_ =	sdelay $0x3  }
0x95: {  	_ =	strace s4  }
0x96: {  	s4 =	sld [smem:$0x3FFD];
	_ =	sdelay $0x3  }
0x97: {  	_ =	strace s4  }
0x98: {  	_ =	strace $0x8FFFFFFF  }
0x99: {  	s19 =	sld [smem:$0x3FDB];
	_ =	sdelay $0x1  }
0x9a: {  	s5 =	simm.s32 $_scs_section_size  }
0x9b: {  	s6 =	simm.s32 $_size__tile_overlayer_lowered;
	s7 =	simm.s32 $_tile_overlayer_lowered  }
0x9c: {  	s22 =	simm.s32 $0x1BFF;
	s21 =	sshll.u32 s7, $0x1;
	s4 =	sadd.s32 s5, s19  }
0x9d: {  	s8 =	simm.s32 $0x0;
	s20 =	sshll.u32 s6, $0x1;
	s6 =	sadd.s32 s21, s4  }
0x9e: {  	[timem:s8], [sflag:s22] =	dma.local [hbm:s6], s20  }
0x9f: {  	_ =	swait.ge [sflag:s22], s20  }
0xa0: {  	s5 =	ssub.s32 $0x0, s20;
	[sflag:s22] =	ssyncset.done $0x0  }
0xa1: {  	[sflag:s22] =	ssyncadd.s32 s5;
	_ =	sdelay $0x1  }
0xa2: {  	s23 =	simm.s32 $0x1B8B  }
0xa3: {  	_ =	swait.ge [sflag:s23], $0x1  }
0xa4: {  	[sflag:s23] =	ssyncset.done $0x0  }
0xa5: {  	s25 =	simm.s32 $0x1B8E;
	s24 =	sld [smem:$0x3FFE];
	[sflag:s23] =	ssyncadd.s32 $0xFFFFFFFF  }
0xa6: {  	s26 =	simm.s32 $execute0_lowered;
	[smem:$0x3FD2] =	sst s25  }
0xa7: {  	s6 =	sshll.u32 s26, $0x1;
	_ =	strace $0x80000046;
	[dreg:$0x1] =	wrdreg $0xFFFFFFFF  }
0xa8: {  	s28 =	simm.s32 $_size_execute0_lowered;
	s4 =	sadd.s32 s4, s6;
	[dreg:$0x0] =	wrdreg $0x0  }
0xa9: {  	s6 =	sshll.u32 s28, $0x1;
	[dreg:$0x2] =	wrdreg s4  }
0xaa: {  	[dreg:$0x3] =	wrdreg s6  }
0xab: {  	[dreg:$0x4] =	wrdreg $0xC0  }
0xac: {  	_ =	task [dreg:s8], $0x5FFFF  }
0xad: {  	[dreg:$0x1] =	wrdreg $0xFFFFFFFF  }
0xae: {  	[dreg:$0x0] =	wrdreg $0x60  }
0xaf: {  	[dreg:$0x2] =	wrdreg s2  }
0xb0: {  	[dreg:$0x3] =	wrdreg s18  }
0xb1: {  	[dreg:$0x4] =	wrdreg s24  }
0xb2: {  	[dreg:$0x5] =	wrdreg $0x9  }
0xb3: {  	_ =	task.clear_ibuf [dreg:s8], $0x6FFFF;
	_ =	strace $0x90000046  }
0xb4: {  	s29 =	simm.s32 $0x9;
	_ =	strace $0x80000048  }
0xb5: {  	_ =	swait.ge [sflag:s29], $0x1  }
0xb6: {  	[sflag:s29] =	ssyncadd.s32 $0xFFFFFFFF  }
0xb7: {  	_ =	strace $0x90000048  }
0xb8: {  	_ =	sfence  }
0xb9: {  	s30 =	sld [smem:$0x0];
	_ =	sdelay $0x2  }
0xba: {  	s31 =	sshll.u32 s1, $0xD;
	s1 =	sshrl.u32 s1, $0x2  }
0xbb: {  	s3 =	sand.u32 $0x4000, s31;
	s1 =	sadd.s32 s1, s30  }
0xbc: {  	s0 =	sor.u32 s3, s0;
	s1 =	sshll.u32 s1, $0x11  }
0xbd: {  	s0 =	sor.u32 s1, s0  }
0xbe: {  	s0 =	sadd.s32 $0x8F2B, s0  }
0xbf: {  	[sflag:s0] =	ssyncadd.remote.s32 $0x1  }
0xc0: {  	_ =	sfence.sel $0xFFFF  }
0xc1: {  	[dreg:$0x0] =	wrdreg $0xFFFFFFFF;
	(pc) =	sbr.abs _section_cstart, $3  }
0xc2: {  	[dreg:$0x1] =	wrdreg $0xFFFFFFFF  }
0xc3: {  	_ =	task.clear_ibuf [dreg:s8], $0x2FFFF;
	_ =	strace $0x9FFFFFFF  }
0xc4: {  	(tm) =	ssettm $0x7FFFFFFF  }
0xc5: {  	_ =	shalt  }
tec
execute0_lowered:
.L_overlay_start_1:
0x0: {  	(tag) =	ssettag $0x1  }
0x1: {  	s1 =	rddreg [dreg:$0x0]  }
0x2: {  	s2 =	rddreg [dreg:$0x1]  }
0x3: {  	s7 =	rddreg [dreg:$0x2];
	s4 =	simm.s32 $0x0  }
0x4: {  	s5 =	srdreg.scid;
	s0 =	stileid.u32;
	s15 =	simm.s32 $0x400  }
0x5: {  	s16 =	simm.s32 $0x800;
	s17 =	simm.s32 $0xC00;
	s18 =	simm.s32 $0x1  }
0x6: {  	s19 =	simm.s32 $0x4000;
	s20 =	simm.s32 $0x2;
	s21 =	simm.s32 $0x0  }
0x7: {  	[smem:$0x7FF] =	sst s4;
	s5 =	sand.u32 $0x1, s5;
	s6 =	sshll.u32 s0, $0x1  }
0x8: {  	_ =	strace $0x80000047;
	s8 =	ssub.s32 $0x2, s5;
	s5 =	sor.u32 s5, s6  }
0x9: {  	v0 =	vlaneseq.u32;
	s6 =	sadd.s32 $0xA00, s7;
	s7 =	sadd.s32 $0x3D1200, s7;
	s9 =	sshrl.u32 s8, $0x1  }
.Ltmp0:
0xa: {  	v0 =	vmul.u32 $0x21, v0;
	s10 =	ssub.s32 $0x3, s5;
	s30 =	sshll.u32 s5, $0x7;
	(pc) =	sbr.rel .LBB2_1-.Ltmp0, $4  }
0xb: {  	s14 =	ssub.s32 s8, s9;
	s31 =	sand.u32 $0x20, s10;
	s8 =	sadd.s32 s1, s30  }
0xc: {  	p0 =	sne.s32 s5, $0x0;
	v1 =	vadd.s32 $0x210, v0;
	v2 =	vadd.s32 $0x420, v0;
	s12 =	sshrl.u32 s31, $0x5;
	s9 =	sadd.s32 $0xF4280, s8  }
0xd: {  	v3 =	vadd.s32 $0x630, v0;
	v4 =	vadd.s32 $0x840, v0;
	s10 =	sadd.s32 $0x1E8500, s8;
	s11 =	sadd.s32 $0x2DC780, s8;
	s13 =	sxor.u32 $0x1, s12  }
0xe: {  	v5 =	vadd.s32 $0xA50, v0;
	v6 =	vadd.s32 $0xC60, v0;
	v7 =	vadd.s32 $0xE70, v0;
	s14 =	smax.u32 s14, $0x1;
	s12 =	sadd.s32 $0x3, s12;
	s13 =	sadd.s32 $0x3, s13  }
.LBB2_18:
0xf: {  	s21 =	sadd.s32 $0x1, s21  }
0x10: {  	_ =	swait.ge [sflag:s12], $0x1000;
	p1 =	sne.s32 s21, s14  }
.Ltmp1:
0x11: {  	[sflag:s12] =	ssyncset.done $0x0;
	(pc) =	sbr.rel @!p1 .LBB2_19-.Ltmp1, $4  }
0x12: {  	[sflag:s12] =	ssyncadd.s32 $0xFFFFF000  }
0x13: {  	_ =	swait.ge [sflag:s13], $0x1000  }
0x14: {  	[sflag:s13] =	ssyncset.done $0x0  }
0x15: {  	[sflag:s13] =	ssyncadd.s32 $0xFFFFF000  }
.LBB2_1:
0x16: {  	s22 =	simm.s32 @!p0 $0x0;
	s23 =	simm.s32 @!p0 $0x5100;
	s24 =	simm.s32 @!p0 $0x5  }
0x17: {  	[tilespmem:s23], [sflag:$0x5] =	stream.linear.gather @!p0 [hbm4b:s2+s22], $0x800, $0x38;
	[tilespmem:$0x5900] =	vst v63  }
0x18: {  	_ =	swait.ge @!p0 [sflag:s24], $0x800  }
0x19: {  	[sflag:s24] =	ssyncset.done @!p0 $0x0  }
0x1a: {  	[sflag:s24] =	ssyncadd.s32 @!p0 $0xFFFFF800  }
0x1b: {  	[hbm4b:s7+s22] =	stream.linear.scatter @!p0 [tilespmem:s23], [sflag:$0x5], $0x800, $0x38;
	[tilespmem:$0x5900] =	vst v63  }
0x1c: {  	_ =	swait.ge @!p0 [sflag:s24], $0x800  }
0x1d: {  	[sflag:s24] =	ssyncset.done @!p0 $0x0  }
0x1e: {  	[sflag:s24] =	ssyncadd.s32 @!p0 $0xFFFFF800  }
0x1f: {  	[tilespmem:s4], [sflag:$0x1] =	stream.linear.gather [hbm4b:s8+s4], $0x400, $0x38;
	[tilespmem:$0x5900] =	vst v63  }
0x20: {  	_ = 	snop  }
0x21: {  	[tilespmem:s15], [sflag:$0x1] =	stream.linear.gather [hbm4b:s9+s4], $0x400, $0x38;
	[tilespmem:$0x5900] =	vst v63  }
.Ltmp2:
0x22: {  	_ = 	snop;
	(pc) =	sbr.rel .LBB2_2-.Ltmp2, $4  }
0x23: {  	_ = 	snop  }
0x24: {  	[tilespmem:s16], [sflag:$0x1] =	stream.linear.gather [hbm4b:s10+s4], $0x400, $0x38;
	[tilespmem:$0x5900] =	vst v63  }
0x25: {  	s22 =	simm.s32 $0x0  }
0x26: {  	[tilespmem:s17], [sflag:$0x1] =	stream.linear.gather [hbm4b:s11+s4], $0x400, $0x38;
	[tilespmem:$0x5900] =	vst v63  }
.LBB2_17:
0x27: {  	s22 =	sadd.s32 $0x1, s22  }
0x28: {  	p1 =	sne.s32 s22, $0x7B  }
.Ltmp3:
0x29: {  	_ = 	snop;
	(pc) =	sbr.rel @!p1 .LBB2_18-.Ltmp3, $1  }
0x2a: {  	_ =	sdelay $0x3  }
.LBB2_2:
0x2b: {  	s23 =	sshll.u32 s22, $0x6  }
0x2c: {  	s24 =	sor.u32 s5, s23  }
0x2d: {  	p1 =	sgt.u32 s24, $0x1E83  }
.Ltmp4:
0x2e: {  	_ = 	snop;
	(pc) =	sbr.rel @p1 .LBB2_17-.Ltmp4, $1  }
0x2f: {  	_ =	sdelay $0x3  }
0x30: {  	_ =	swait.ge [sflag:s18], $0x400  }
0x31: {  	[sflag:s18] =	ssyncset.done $0x0  }
0x32: {  	[sflag:s18] =	ssyncadd.s32 $0xFFFFFC00  }
0x33: {  	_ =	swait.ge [sflag:s18], $0x400  }
0x34: {  	[sflag:s18] =	ssyncset.done $0x0  }
0x35: {  	[sflag:s18] =	ssyncadd.s32 $0xFFFFFC00  }
0x36: {  	_ =	swait.ge [sflag:s18], $0x400  }
0x37: {  	s23 =	sor.u32 $0x20, s24;
	[sflag:s18] =	ssyncset.done $0x0  }
0x38: {  	p2 =	sgt.u32 s23, $0x1E83;
	[sflag:s18] =	ssyncadd.s32 $0xFFFFFC00  }
0x39: {  	s25 =	sshll.u32 @!p2 s23, $0x7;
	s28 =	simm.s32 @!p2 $0x0;
	_ =	swait.ge [sflag:s18], $0x400  }
0x3a: {  	s26 =	sadd.s32 @!p2 s1, s25;
	s25 =	sand.u32 @!p2 $0x1FFFFF80, s25;
	[sflag:s18] =	ssyncset.done $0x0  }
0x3b: {  	s29 =	simm.s32 @!p2 $0x1000;
	s25 =	sadd.s32 @!p2 s1, s25;
	[sflag:s18] =	ssyncadd.s32 $0xFFFFFC00  }
0x3c: {  	[tilespmem:s29], [sflag:$0x2] =	stream.linear.gather @!p2 [hbm4b:s26+s28], $0x400, $0x38;
	[tilespmem:$0x5900] =	vst v63  }
0x3d: {  	s26 =	sadd.s32 @!p2 $0xF4280, s25;
	s29 =	simm.s32 @!p2 $0x1400  }
0x3e: {  	[tilespmem:s29], [sflag:$0x2] =	stream.linear.gather @!p2 [hbm4b:s26+s28], $0x400, $0x38;
	[tilespmem:$0x5900] =	vst v63  }
0x3f: {  	p1 =	seq.s32 s22, $0x0;
	s26 =	sadd.s32 @!p2 $0x1E8500, s25;
	s29 =	simm.s32 @!p2 $0x1800  }
0x40: {  	[tilespmem:s29], [sflag:$0x2] =	stream.linear.gather @!p2 [hbm4b:s26+s28], $0x400, $0x38;
	[tilespmem:$0x5900] =	vst v63  }
0x41: {  	s30 =	simm.s32 $0x0;
	s25 =	sadd.s32 @!p2 $0x2DC780, s25;
	s26 =	simm.s32 @!p2 $0x1C00  }
0x42: {  	[tilespmem:s26], [sflag:$0x2] =	stream.linear.gather @!p2 [hbm4b:s25+s28], $0x400, $0x38;
	[tilespmem:$0x5900] =	vst v63  }
0x43: {  	s30 =	sand.u32 $0x3FFFFC00, s30;
	s25 =	simm.s32 @!p1 $0x3;
	s26 =	simm.s32 $0x0  }
0x44: {  	s29 =	simm.s32 $0x0;
	_ =	swait.ge @!p1 [sflag:s25], $0x1000;
	s0 =	sand.u32 $0x7, s26  }
0x45: {  	s29 =	sand.u32 $0x1FFFFFF8, s29;
	[sflag:s25] =	ssyncset.done @!p1 $0x0;
	s31 =	sshll.u32 s0, $0x7  }
0x46: {  	s3 =	sor.u32 s0, s29;
	[sflag:s25] =	ssyncadd.s32 @!p1 $0xFFFFF000;
	s31 =	sor.u32 s31, s30  }
0x47: {  	v9 =	vadd.s32 s3, v0;
	v8 =	vld [tilespmem:s31+$0x0];
	_ =	sdelay $0x4  }
0x48: {  	[tilespmem:v9+s19+$0x0] =	vst.idx.msk $0xffff, v8  }
0x49: {  	v9 =	vadd.s32 s3, v1;
	v8 =	vld [tilespmem:s31+$0x10];
	_ =	sdelay $0x4  }
0x4a: {  	[tilespmem:v9+s19+$0x0] =	vst.idx.msk $0xffff, v8  }
0x4b: {  	v9 =	vadd.s32 s3, v2;
	v8 =	vld [tilespmem:s31+$0x20];
	_ =	sdelay $0x4  }
0x4c: {  	[tilespmem:v9+s19+$0x0] =	vst.idx.msk $0xffff, v8  }
0x4d: {  	v9 =	vadd.s32 s3, v3;
	v8 =	vld [tilespmem:s31+$0x30];
	_ =	sdelay $0x4  }
0x4e: {  	[tilespmem:v9+s19+$0x0] =	vst.idx.msk $0xffff, v8  }
0x4f: {  	v9 =	vadd.s32 s3, v4;
	v8 =	vld [tilespmem:s31+$0x40];
	_ =	sdelay $0x4  }
0x50: {  	[tilespmem:v9+s19+$0x0] =	vst.idx.msk $0xffff, v8  }
0x51: {  	v9 =	vadd.s32 s3, v5;
	v8 =	vld [tilespmem:s31+$0x50];
	_ =	sdelay $0x4  }
0x52: {  	[tilespmem:v9+s19+$0x0] =	vst.idx.msk $0xffff, v8  }
0x53: {  	v9 =	vadd.s32 s3, v6;
	v8 =	vld [tilespmem:s31+$0x60];
	_ =	sdelay $0x4  }
0x54: {  	[tilespmem:v9+s19+$0x0] =	vst.idx.msk $0xffff, v8  }
0x55: {  	v9 =	vadd.s32 s3, v7;
	v8 =	vld [tilespmem:s31+$0x70]  }
0x56: {  	s29 =	simm.s32 $0x0;
	s25 =	simm.s32 $0x2040  }
.LBB2_4:
0x57: {  	s29 =	sadd.s32 $0x8, s29;
	s26 =	sadd.s32 $0x1, s26;
	s28 =	simm.s32 $0x4042  }
0x58: {  	s30 =	sand.u32 $0x7, s26;
	s31 =	sshrl.u32 s29, $0x3;
	s0 =	sshll.u32 s29, $0x4  }
0x59: {  	s31 =	sand.u32 $0x1FFFFFF8, s31;
	s0 =	sand.u32 $0x3FFFFC00, s0;
	s3 =	sshll.u32 s30, $0x7  }
0x5a: {  	p3 =	slt.u32 s29, $0xF8;
	s30 =	sor.u32 s30, s31;
	s31 =	sor.u32 s3, s0;
	[tilespmem:v9+s19+$0x0] =	vst.idx.msk $0xffff, v8  }
0x5b: {  	v8 =	vld [tilespmem:s31+$0x0];
	v9 =	vadd.s32 s30, v0;
	_ =	sdelay $0x4  }
0x5c: {  	[tilespmem:v9+s19+$0x0] =	vst.idx.msk $0xffff, v8  }
0x5d: {  	v9 =	vadd.s32 s30, v1;
	v8 =	vld [tilespmem:s31+$0x10];
	_ =	sdelay $0x4  }
0x5e: {  	[tilespmem:v9+s19+$0x0] =	vst.idx.msk $0xffff, v8  }
0x5f: {  	v9 =	vadd.s32 s30, v2;
	v8 =	vld [tilespmem:s31+$0x20];
	_ =	sdelay $0x4  }
0x60: {  	[tilespmem:v9+s19+$0x0] =	vst.idx.msk $0xffff, v8  }
0x61: {  	v9 =	vadd.s32 s30, v3;
	v8 =	vld [tilespmem:s31+$0x30];
	_ =	sdelay $0x4  }
0x62: {  	[tilespmem:v9+s19+$0x0] =	vst.idx.msk $0xffff, v8  }
0x63: {  	v9 =	vadd.s32 s30, v4;
	v8 =	vld [tilespmem:s31+$0x40];
	_ =	sdelay $0x4  }
0x64: {  	[tilespmem:v9+s19+$0x0] =	vst.idx.msk $0xffff, v8  }
0x65: {  	v9 =	vadd.s32 s30, v5;
	v8 =	vld [tilespmem:s31+$0x50];
	_ =	sdelay $0x4  }
0x66: {  	[tilespmem:v9+s19+$0x0] =	vst.idx.msk $0xffff, v8  }
0x67: {  	v9 =	vadd.s32 s30, v6;
	v8 =	vld [tilespmem:s31+$0x60];
	_ =	sdelay $0x2  }
.Ltmp5:
0x68: {  	(pc) =	sbr.rel @p3 .LBB2_4-.Ltmp5, $3  }
0x69: {  	_ = 	snop  }
0x6a: {  	[tilespmem:v9+s19+$0x0] =	vst.idx.msk $0xffff, v8  }
0x6b: {  	v9 =	vadd.s32 s30, v7;
	v8 =	vld [tilespmem:s31+$0x70];
	_ =	sdelay $0x1  }
0x6c: {  	_ =	sdelay $0x3  }
0x6d: {  	[tilespmem:v9+s19+$0x0] =	vst.idx.msk $0xffff, v8  }
0x6e: {  	v8 =	vld [tilespmem:s28+$0xFFFFFFBE];
	_ =	sdelay $0x4  }
0x6f: {  	[tilespmem:s25+$0xFFFFFFC0] =	vst v8  }
0x70: {  	v8 =	vld [tilespmem:s28+$0xFFFFFFCE];
	_ =	sdelay $0x4  }
0x71: {  	[tilespmem:s25+$0xFFFFFFD0] =	vst v8  }
0x72: {  	v8 =	vld [tilespmem:s28+$0xFFFFFFDF];
	_ =	sdelay $0x4  }
0x73: {  	[tilespmem:s25+$0xFFFFFFE0] =	vst v8  }
0x74: {  	v8 =	vld [tilespmem:s28+$0xFFFFFFEF];
	_ =	sdelay $0x4  }
0x75: {  	[tilespmem:s25+$0xFFFFFFF0] =	vst v8  }
0x76: {  	v8 =	vld [tilespmem:s28+$0x0];
	_ =	sdelay $0x4  }
0x77: {  	[tilespmem:s25+$0x0] =	vst v8  }
0x78: {  	v8 =	vld [tilespmem:s28+$0x10];
	_ =	sdelay $0x4  }
0x79: {  	[tilespmem:s25+$0x10] =	vst v8  }
0x7a: {  	v8 =	vld [tilespmem:s28+$0x21];
	_ =	sdelay $0x4  }
0x7b: {  	[tilespmem:s25+$0x20] =	vst v8  }
0x7c: {  	v8 =	vld [tilespmem:s28+$0x31];
	_ =	sdelay $0x4  }
0x7d: {  	s26 =	simm.s32 $0x0;
	s28 =	simm.s32 $0x40C6;
	[tilespmem:s25+$0x30] =	vst v8  }
.LBB2_6:
0x7e: {  	v8 =	vld [tilespmem:s28+$0xFFFFFFBE];
	s26 =	sadd.s32 $0x8, s26  }
0x7f: {  	p3 =	slt.u32 s26, $0xF8;
	_ =	sdelay $0x2  }
0x80: {  	s25 =	sadd.s32 $0x100, s25  }
0x81: {  	[tilespmem:s25+$0xFFFFFFC0] =	vst v8  }
0x82: {  	v8 =	vld [tilespmem:s28+$0xFFFFFFCE];
	_ =	sdelay $0x4  }
0x83: {  	[tilespmem:s25+$0xFFFFFFD0] =	vst v8  }
0x84: {  	v8 =	vld [tilespmem:s28+$0xFFFFFFDF];
	_ =	sdelay $0x4  }
0x85: {  	[tilespmem:s25+$0xFFFFFFE0] =	vst v8  }
0x86: {  	v8 =	vld [tilespmem:s28+$0xFFFFFFEF];
	_ =	sdelay $0x4  }
0x87: {  	[tilespmem:s25+$0xFFFFFFF0] =	vst v8  }
0x88: {  	v8 =	vld [tilespmem:s28+$0x0];
	_ =	sdelay $0x4  }
0x89: {  	[tilespmem:s25+$0x0] =	vst v8  }
0x8a: {  	v8 =	vld [tilespmem:s28+$0x10];
	_ =	sdelay $0x4  }
0x8b: {  	[tilespmem:s25+$0x10] =	vst v8  }
0x8c: {  	v8 =	vld [tilespmem:s28+$0x21];
	_ =	sdelay $0x4  }
0x8d: {  	[tilespmem:s25+$0x20] =	vst v8  }
0x8e: {  	v8 =	vld [tilespmem:s28+$0x31]  }
.Ltmp6:
0x8f: {  	(pc) =	sbr.rel @p3 .LBB2_6-.Ltmp6, $2  }
0x90: {  	_ =	sdelay $0x2  }
0x91: {  	s28 =	sadd.s32 $0x84, s28;
	[tilespmem:s25+$0x30] =	vst v8  }
0x92: {  	s0 =	sshll.u32 s24, $0x9  }
0x93: {  	s25 =	simm.s32 $0x2000;
	s24 =	sadd.s32 s6, s0  }
0x94: {  	s26 =	simm.s32 $0x10;
	s28 =	simm.s32 $0x2100;
	s29 =	sadd.s32 $0x0, s24  }
.LBB2_8:
0x95: {  	[hbm4b:s29+s4] =	stream.linear.scatter [tilespmem:s25], [sflag:$0x3], $0x80, $0x38;
	[tilespmem:$0x5900] =	vst v63  }
0x96: {  	s0 =	smov.u32 s26;
	s25 =	smov.u32 s28;
	p3 =	sne.s32 s26, $0x1F0  }
.Ltmp7:
0x97: {  	s26 =	sadd.s32 $0x10, s26;
	(pc) =	sbr.rel @p3 .LBB2_8-.Ltmp7, $2  }
0x98: {  	_ =	sdelay $0x2  }
0x99: {  	s28 =	sadd.s32 $0x100, s28;
	s29 =	sadd.s32 s0, s24  }
.Ltmp8:
0x9a: {  	(pc) =	sbr.rel @p2 .LBB2_17-.Ltmp8, $2  }
0x9b: {  	_ =	sdelay $0x2  }
0x9c: {  	[hbm4b:s29+s4] =	stream.linear.scatter [tilespmem:s25], [sflag:$0x3], $0x80, $0x38;
	[tilespmem:$0x5900] =	vst v63  }
0x9d: {  	_ =	swait.ge [sflag:s20], $0x400  }
0x9e: {  	[sflag:s20] =	ssyncset.done $0x0  }
0x9f: {  	[sflag:s20] =	ssyncadd.s32 $0xFFFFFC00  }
0xa0: {  	_ =	swait.ge [sflag:s20], $0x400  }
0xa1: {  	[sflag:s20] =	ssyncset.done $0x0  }
0xa2: {  	[sflag:s20] =	ssyncadd.s32 $0xFFFFFC00  }
0xa3: {  	_ =	swait.ge [sflag:s20], $0x400  }
0xa4: {  	p2 =	sgt.u32 s23, $0x1E63;
	[sflag:s20] =	ssyncset.done $0x0  }
0xa5: {  	s0 =	sshll.u32 @!p2 s23, $0x7;
	[sflag:s20] =	ssyncadd.s32 $0xFFFFFC00  }
0xa6: {  	s0 =	sand.u32 @!p2 $0x1FFFFF80, s0;
	_ =	swait.ge [sflag:s20], $0x400  }
0xa7: {  	s0 =	sadd.s32 @!p2 s1, s0;
	[sflag:s20] =	ssyncset.done $0x0  }
0xa8: {  	s24 =	simm.s32 @!p2 $0x0;
	s3 =	sadd.s32 @!p2 $0x1000, s0;
	[sflag:s20] =	ssyncadd.s32 $0xFFFFFC00  }
0xa9: {  	[tilespmem:s24], [sflag:$0x1] =	stream.linear.gather @!p2 [hbm4b:s3+s24], $0x400, $0x38;
	[tilespmem:$0x5900] =	vst v63  }
0xaa: {  	s25 =	simm.s32 @!p2 $0x400;
	s3 =	sadd.s32 @!p2 $0xF5280, s0  }
0xab: {  	[tilespmem:s25], [sflag:$0x1] =	stream.linear.gather @!p2 [hbm4b:s3+s24], $0x400, $0x38;
	[tilespmem:$0x5900] =	vst v63  }
0xac: {  	s3 =	sadd.s32 @!p2 $0x1E9500, s0;
	s25 =	simm.s32 @!p2 $0x800  }
0xad: {  	[tilespmem:s25], [sflag:$0x1] =	stream.linear.gather @!p2 [hbm4b:s3+s24], $0x400, $0x38;
	[tilespmem:$0x5900] =	vst v63  }
0xae: {  	s29 =	simm.s32 $0x0;
	s0 =	sadd.s32 @!p2 $0x2DD780, s0;
	s3 =	simm.s32 @!p2 $0xC00  }
0xaf: {  	[tilespmem:s3], [sflag:$0x1] =	stream.linear.gather @!p2 [hbm4b:s0+s24], $0x400, $0x38;
	[tilespmem:$0x5900] =	vst v63  }
0xb0: {  	s26 =	simm.s32 $0x0;
	s25 =	simm.s32 $0x0;
	s0 =	simm.s32 @!p1 $0x4  }
0xb1: {  	s26 =	sand.u32 $0x3FFFFC00, s26;
	s31 =	sand.u32 $0x7, s25;
	_ =	swait.ge @!p1 [sflag:s0], $0x1000  }
0xb2: {  	s24 =	sand.u32 $0x1FFFFFF8, s29;
	s28 =	sshll.u32 s31, $0x7;
	[sflag:s0] =	ssyncset.done @!p1 $0x0  }
0xb3: {  	s30 =	sor.u32 s31, s24;
	s31 =	sor.u32 s28, s26;
	[sflag:s0] =	ssyncadd.s32 @!p1 $0xFFFFF000  }
0xb4: {  	v9 =	vadd.s32 s30, v0;
	v8 =	vld [tilespmem:s31+$0x1000];
	_ =	sdelay $0x4  }
0xb5: {  	[tilespmem:v9+s19+$0x0] =	vst.idx.msk $0xffff, v8  }
0xb6: {  	v9 =	vadd.s32 s30, v1;
	v8 =	vld [tilespmem:s31+$0x1010];
	_ =	sdelay $0x4  }
0xb7: {  	[tilespmem:v9+s19+$0x0] =	vst.idx.msk $0xffff, v8  }
0xb8: {  	v9 =	vadd.s32 s30, v2;
	v8 =	vld [tilespmem:s31+$0x1020];
	_ =	sdelay $0x4  }
0xb9: {  	[tilespmem:v9+s19+$0x0] =	vst.idx.msk $0xffff, v8  }
0xba: {  	v9 =	vadd.s32 s30, v3;
	v8 =	vld [tilespmem:s31+$0x1030];
	_ =	sdelay $0x4  }
0xbb: {  	[tilespmem:v9+s19+$0x0] =	vst.idx.msk $0xffff, v8  }
0xbc: {  	v9 =	vadd.s32 s30, v4;
	v8 =	vld [tilespmem:s31+$0x1040];
	_ =	sdelay $0x4  }
0xbd: {  	[tilespmem:v9+s19+$0x0] =	vst.idx.msk $0xffff, v8  }
0xbe: {  	v9 =	vadd.s32 s30, v5;
	v8 =	vld [tilespmem:s31+$0x1050];
	_ =	sdelay $0x4  }
0xbf: {  	[tilespmem:v9+s19+$0x0] =	vst.idx.msk $0xffff, v8  }
0xc0: {  	v9 =	vadd.s32 s30, v6;
	v8 =	vld [tilespmem:s31+$0x1060];
	_ =	sdelay $0x4  }
0xc1: {  	[tilespmem:v9+s19+$0x0] =	vst.idx.msk $0xffff, v8  }
0xc2: {  	v9 =	vadd.s32 s30, v7;
	v8 =	vld [tilespmem:s31+$0x1070]  }
0xc3: {  	s26 =	simm.s32 $0x0;
	s24 =	simm.s32 $0x20F0  }
.LBB2_11:
0xc4: {  	s26 =	sadd.s32 $0x8, s26;
	s25 =	sadd.s32 $0x1, s25  }
0xc5: {  	s0 =	sand.u32 $0x7, s25;
	s3 =	sshrl.u32 s26, $0x3;
	s28 =	sshll.u32 s26, $0x4  }
0xc6: {  	s3 =	sand.u32 $0x1FFFFFF8, s3;
	s29 =	sand.u32 $0x3FFFFC00, s28;
	s30 =	sshll.u32 s0, $0x7  }
0xc7: {  	p1 =	slt.u32 s26, $0xF8;
	s28 =	sor.u32 s0, s3;
	s29 =	sor.u32 s30, s29;
	[tilespmem:v9+s19+$0x0] =	vst.idx.msk $0xffff, v8  }
0xc8: {  	v8 =	vld [tilespmem:s29+$0x1000];
	v9 =	vadd.s32 s28, v0;
	_ =	sdelay $0x4  }
0xc9: {  	[tilespmem:v9+s19+$0x0] =	vst.idx.msk $0xffff, v8  }
0xca: {  	v9 =	vadd.s32 s28, v1;
	v8 =	vld [tilespmem:s29+$0x1010];
	_ =	sdelay $0x4  }
0xcb: {  	[tilespmem:v9+s19+$0x0] =	vst.idx.msk $0xffff, v8  }
0xcc: {  	v9 =	vadd.s32 s28, v2;
	v8 =	vld [tilespmem:s29+$0x1020];
	_ =	sdelay $0x4  }
0xcd: {  	[tilespmem:v9+s19+$0x0] =	vst.idx.msk $0xffff, v8  }
0xce: {  	v9 =	vadd.s32 s28, v3;
	v8 =	vld [tilespmem:s29+$0x1030];
	_ =	sdelay $0x4  }
0xcf: {  	[tilespmem:v9+s19+$0x0] =	vst.idx.msk $0xffff, v8  }
0xd0: {  	v9 =	vadd.s32 s28, v4;
	v8 =	vld [tilespmem:s29+$0x1040];
	_ =	sdelay $0x4  }
0xd1: {  	[tilespmem:v9+s19+$0x0] =	vst.idx.msk $0xffff, v8  }
0xd2: {  	v9 =	vadd.s32 s28, v5;
	v8 =	vld [tilespmem:s29+$0x1050];
	_ =	sdelay $0x4  }
0xd3: {  	[tilespmem:v9+s19+$0x0] =	vst.idx.msk $0xffff, v8  }
0xd4: {  	v9 =	vadd.s32 s28, v6;
	v8 =	vld [tilespmem:s29+$0x1060];
	_ =	sdelay $0x2  }
.Ltmp9:
0xd5: {  	(pc) =	sbr.rel @p1 .LBB2_11-.Ltmp9, $3  }
0xd6: {  	_ = 	snop  }
0xd7: {  	[tilespmem:v9+s19+$0x0] =	vst.idx.msk $0xffff, v8  }
0xd8: {  	v9 =	vadd.s32 s28, v7;
	v8 =	vld [tilespmem:s29+$0x1070];
	_ =	sdelay $0x1  }
0xd9: {  	_ =	sdelay $0x3  }
0xda: {  	s0 =	simm.s32 $0x4042;
	[tilespmem:v9+s19+$0x0] =	vst.idx.msk $0xffff, v8  }
0xdb: {  	v8 =	vld [tilespmem:s0+$0xFFFFFFBE];
	_ =	sdelay $0x4  }
0xdc: {  	[tilespmem:s24+$0xFFFFFF90] =	vst v8  }
0xdd: {  	v8 =	vld [tilespmem:s0+$0xFFFFFFCE];
	_ =	sdelay $0x4  }
0xde: {  	[tilespmem:s24+$0xFFFFFFA0] =	vst v8  }
0xdf: {  	v8 =	vld [tilespmem:s0+$0xFFFFFFDF];
	_ =	sdelay $0x4  }
0xe0: {  	[tilespmem:s24+$0xFFFFFFB0] =	vst v8  }
0xe1: {  	v8 =	vld [tilespmem:s0+$0xFFFFFFEF];
	_ =	sdelay $0x4  }
0xe2: {  	[tilespmem:s24+$0xFFFFFFC0] =	vst v8  }
0xe3: {  	v8 =	vld [tilespmem:s0+$0x0];
	_ =	sdelay $0x4  }
0xe4: {  	[tilespmem:s24+$0xFFFFFFD0] =	vst v8  }
0xe5: {  	v8 =	vld [tilespmem:s0+$0x10];
	_ =	sdelay $0x4  }
0xe6: {  	[tilespmem:s24+$0xFFFFFFE0] =	vst v8  }
0xe7: {  	v8 =	vld [tilespmem:s0+$0x21];
	_ =	sdelay $0x4  }
0xe8: {  	[tilespmem:s24+$0xFFFFFFF0] =	vst v8  }
0xe9: {  	v8 =	vld [tilespmem:s0+$0x31];
	_ =	sdelay $0x4  }
0xea: {  	s25 =	simm.s32 $0x0;
	s26 =	simm.s32 $0x40C6;
	[tilespmem:s24+$0x0] =	vst v8  }
.LBB2_13:
0xeb: {  	v8 =	vld [tilespmem:s26+$0xFFFFFFBE];
	s25 =	sadd.s32 $0x8, s25  }
0xec: {  	p1 =	slt.u32 s25, $0xF8;
	_ =	sdelay $0x2  }
0xed: {  	s24 =	sadd.s32 $0x100, s24  }
0xee: {  	[tilespmem:s24+$0xFFFFFF90] =	vst v8  }
0xef: {  	v8 =	vld [tilespmem:s26+$0xFFFFFFCE];
	_ =	sdelay $0x4  }
0xf0: {  	[tilespmem:s24+$0xFFFFFFA0] =	vst v8  }
0xf1: {  	v8 =	vld [tilespmem:s26+$0xFFFFFFDF];
	_ =	sdelay $0x4  }
0xf2: {  	[tilespmem:s24+$0xFFFFFFB0] =	vst v8  }
0xf3: {  	v8 =	vld [tilespmem:s26+$0xFFFFFFEF];
	_ =	sdelay $0x4  }
0xf4: {  	[tilespmem:s24+$0xFFFFFFC0] =	vst v8  }
0xf5: {  	v8 =	vld [tilespmem:s26+$0x0];
	_ =	sdelay $0x4  }
0xf6: {  	[tilespmem:s24+$0xFFFFFFD0] =	vst v8  }
0xf7: {  	v8 =	vld [tilespmem:s26+$0x10];
	_ =	sdelay $0x4  }
0xf8: {  	[tilespmem:s24+$0xFFFFFFE0] =	vst v8  }
0xf9: {  	v8 =	vld [tilespmem:s26+$0x21];
	_ =	sdelay $0x4  }
0xfa: {  	[tilespmem:s24+$0xFFFFFFF0] =	vst v8  }
0xfb: {  	v8 =	vld [tilespmem:s26+$0x31]  }
.Ltmp10:
0xfc: {  	(pc) =	sbr.rel @p1 .LBB2_13-.Ltmp10, $2  }
0xfd: {  	_ =	sdelay $0x2  }
0xfe: {  	s26 =	sadd.s32 $0x84, s26;
	[tilespmem:s24+$0x0] =	vst v8  }
0xff: {  	s0 =	sshll.u32 s23, $0x9  }
0x100: {  	s24 =	simm.s32 $0x2080;
	s23 =	sadd.s32 s6, s0  }
0x101: {  	s25 =	simm.s32 $0x10;
	s26 =	simm.s32 $0x2180;
	s28 =	sadd.s32 $0x0, s23  }
.LBB2_15:
0x102: {  	[hbm4b:s28+s4] =	stream.linear.scatter [tilespmem:s24], [sflag:$0x4], $0x80, $0x38;
	[tilespmem:$0x5900] =	vst v63  }
0x103: {  	s0 =	smov.u32 s25;
	s24 =	smov.u32 s26;
	p1 =	sne.s32 s25, $0x1F0  }
.Ltmp11:
0x104: {  	s25 =	sadd.s32 $0x10, s25;
	(pc) =	sbr.rel @p1 .LBB2_15-.Ltmp11, $2  }
0x105: {  	_ =	sdelay $0x2  }
0x106: {  	s26 =	sadd.s32 $0x100, s26;
	s28 =	sadd.s32 s0, s23  }
.Ltmp12:
0x107: {  	(pc) =	sbr.rel .LBB2_17-.Ltmp12, $2  }
0x108: {  	_ =	sdelay $0x2  }
0x109: {  	[hbm4b:s28+s4] =	stream.linear.scatter [tilespmem:s24], [sflag:$0x4], $0x80, $0x38;
	[tilespmem:$0x5900] =	vst v63  }
.LBB2_19:
0x10a: {  	_ =	sfence.sel $0x180000  }
0x10b: {  	[bflag:$0x0] =	sbarrier.arrive $0xFFFF  }
0x10c: {  	_ =	strace $0x90000047  }
0x10d: {  	s0 =	stileid.u32;
	[bflag:$0x2] =	sbarrier.arrive $0xFFFF  }
0x10e: {  	p0 =	sne.s32 s0, $0x0;
	s0 =	rddreg [dreg:$0x3]  }
0x10f: {  	s0 =	sadd.s32 @!p0 $0x100000, s0  }
0x110: {  	[sflag:s0] =	ssyncadd.tile.s32 @!p0 $0x1;
	_ =	shalt  }
.Lfunc_end2:
_tile_overlayer_lowered:
.L_overlay_start_2:
0x111: {  	(tag) =	ssettag $0x2  }
0x112: {  	s0 =	rddreg [dreg:$0x0];
	s2 =	stileid.u32  }
0x113: {  	s1 =	rddreg [dreg:$0x1];
	p0 =	sne.s32 s2, $0x0  }
0x114: {  	s3 =	rddreg [dreg:$0x2];
	[bflag:$0x3] =	sbarrier.arrive $0xFFFF;
	s2 =	simm.s32 @!p0 $0x1C05  }
0x115: {  	[timem:s3], [sflag:s2] =	dma.local @!p0 [hbm:s0], s1  }
0x116: {  	s0 =	simm.s32 @!p0 $0x5  }
0x117: {  	_ =	swait.ge @!p0 [sflag:s0], s1  }
0x118: {  	s1 =	ssub.s32 @!p0 $0x0, s1;
	[sflag:s0] =	ssyncset.done @!p0 $0x0  }
0x119: {  	[sflag:s0] =	ssyncadd.s32 @!p0 s1  }
0x11a: {  	[bflag:$0x3] =	sbarrier.arrive $0xFFFF  }
0x11b: {  	_ =	shalt  }

// kernel: kernel.7.cloned.1.call-start
scs
__scs_entry_jumppad:
0x0: {  	(pc) =	sbr.rel $0x88, $3  }
0x1: {  	(tag) =	ssettag $0x0;
	lr =	simm.s32 $0x1  }
0x2: {  	[smem:$0x3F9F] =	sst lr;
	_ =	strace $0xD0000000  }
0x3: {  	_ = 	snop  }
0x4: {  	_ = 	snop  }
0x5: {  	_ = 	snop  }
0x6: {  	_ = 	snop  }
0x7: {  	_ = 	snop  }
__scs_overlays_trampoline_lowered:
0x8: {  	[smem:$0x3FAE] =	sst s0  }
0x9: {  	[smem:$0x3FAF] =	sst s1  }
0xa: {  	[smem:$0x3FB0] =	sst s2  }
0xb: {  	[smem:$0x3FB1] =	sst s3  }
0xc: {  	[smem:$0x3FB2] =	sst s4  }
0xd: {  	[smem:$0x3FB3] =	sst s5  }
0xe: {  	[smem:$0x3FB4] =	sst s6  }
0xf: {  	[smem:$0x3FB5] =	sst s7  }
0x10: {  	[smem:$0x3FB6] =	sst s8  }
0x11: {  	[smem:$0x3FB7] =	sst s9;
	s0 =	simm.s32 @!p0 $0x0  }
0x12: {  	s1 =	sld [smem:$0x3F9D];
	s0 =	simm.s32 @p0 $0x1  }
0x13: {  	[smem:$0x3FB8] =	sst s0;
	s0 =	simm.s32 @!p1 $0x0  }
0x14: {  	s2 =	sld [smem:$0x3F9C];
	s0 =	simm.s32 @p1 $0x1  }
0x15: {  	[smem:$0x3FB9] =	sst s0;
	s0 =	simm.s32 @!p2 $0x0  }
0x16: {  	s3 =	sld [smem:$0x3FDB];
	s0 =	simm.s32 @p2 $0x1  }
0x17: {  	s4 =	simm.s32 $0x1BF5;
	[smem:$0x3FBB] =	sst s0  }
0x18: {  	s0 =	sld [smem:$0x3F9E];
	_ =	swait.ge [sflag:s4], $0x0  }
0x19: {  	s7 =	sld [smem:$0x3F9F]  }
0x1a: {  	s8 =	sadd.s32 $0xFFFFE003, lr  }
0x1b: {  	s9 =	sadd.s32 $0xFFFFFEF7, lr;
	s5 =	simm.s32 $0xFFFFFFFF;
	p2 =	slt.u32 s8, $0xFFFFF086  }
0x1c: {  	p1 =	slt.u32 s9, $0xF7A;
	s5 =	simm.s32 @!p2 $0x0  }
0x1d: {  	s5 =	simm.s32 @p1 $0x1;
	p0 =	seq.s32 s7, s2  }
0x1e: {  	s7 =	smul.u32 @!p0 $0xF7A, s2;
	p2 =	seq.s32 @!p0 s5, $0x0  }
0x1f: {  	s9 =	smul.u32 $0xF7A, s1;
	s8 =	simm.s32 @!p0 $0x1BF5;
	p2 =	por !p2, p0  }
0x20: {  	[sflag:s8] =	ssyncset.s32 @!p0 $0xFFFFF086;
	s6 =	sadd.s32 @!p0 s3, s7;
	s7 =	simm.s32 @!p0 $0x108  }
0x21: {  	s3 =	sadd.s32 s3, s9;
	s6 =	sadd.s32 @!p0 $0x88, s6;
	s7 =	simm.s32 @p2 $0x1082  }
0x22: {  	[simem:s7], [sflag:s8] =	dma.local @!p0 [hbm:s6], $0xF7A  }
0x23: {  	s9 =	sor.u32 $0xD0000000, s2;
	s6 =	simm.s32 $0x108;
	_ =	swait.ge @!p0 [sflag:s8], $0x0  }
0x24: {  	s3 =	sadd.s32 $0x88, s3;
	s6 =	simm.s32 @!p1 $0x1082;
	[sflag:s4] =	ssyncset.s32 $0xFFFFF086  }
0x25: {  	[simem:s6], [sflag:s4] =	dma.local [hbm:s3], $0xF7A  }
0x26: {  	[smem:$0x3F9F] =	sst s1;
	(tag) =	ssettag s2;
	_ =	strace s9  }
0x27: {  	s1 =	sld [smem:$0x3FAF]  }
0x28: {  	s2 =	sld [smem:$0x3FB0]  }
0x29: {  	s4 =	sld [smem:$0x3FB2]  }
0x2a: {  	p0 =	seq.s32 s5, $0x0;
	s5 =	sld [smem:$0x3FB3]  }
0x2b: {  	s6 =	sld [smem:$0x3FB4]  }
0x2c: {  	s7 =	sld [smem:$0x3FB5]  }
0x2d: {  	s3 =	simm.s32 $0x108;
	s8 =	sld [smem:$0x3FB6]  }
0x2e: {  	s3 =	simm.s32 @!p0 $0x1082;
	s9 =	sld [smem:$0x3FB7]  }
0x2f: {  	lr =	sadd.s32 s0, s3;
	s0 =	sld [smem:$0x3FAE]  }
0x30: {  	s3 =	sld [smem:$0x3FB1]  }
0x31: {  	[smem:$0x3FBA] =	sst s10  }
0x32: {  	s10 =	sld [smem:$0x3FB8];
	_ =	sdelay $0x3  }
0x33: {  	p0 =	seq.s32 s10, $0x1;
	s10 =	sld [smem:$0x3FBA];
	_ =	sdelay $0x3  }
0x34: {  	[smem:$0x3FBA] =	sst s10  }
0x35: {  	s10 =	sld [smem:$0x3FB9];
	_ =	sdelay $0x3  }
0x36: {  	p1 =	seq.s32 s10, $0x1;
	s10 =	sld [smem:$0x3FBA];
	_ =	sdelay $0x3  }
0x37: {  	[smem:$0x3FBA] =	sst s10  }
0x38: {  	s10 =	sld [smem:$0x3FBB]  }
0x39: {  	_ = 	snop;
	(pc) =	sbr.ind lr, $3  }
0x3a: {  	_ = 	snop  }
0x3b: {  	_ = 	snop  }
0x3c: {  	p2 =	seq.s32 s10, $0x1;
	s10 =	sld [smem:$0x3FBA]  }
0x3d: {  	_ =	shalt  }
0x3e: {  	_ =	shalt  }
0x3f: {  	_ =	shalt  }
0x40: {  	_ =	shalt  }
0x41: {  	_ =	shalt  }
0x42: {  	_ =	shalt  }
0x43: {  	_ =	shalt  }
0x44: {  	_ =	shalt  }
0x45: {  	_ =	shalt  }
0x46: {  	_ =	shalt  }
0x47: {  	_ =	shalt  }
0x48: {  	_ =	shalt  }
0x49: {  	_ =	shalt  }
0x4a: {  	_ =	shalt  }
0x4b: {  	_ =	shalt  }
0x4c: {  	_ =	shalt  }
0x4d: {  	_ =	shalt  }
0x4e: {  	_ =	shalt  }
0x4f: {  	_ =	shalt  }
0x50: {  	_ =	shalt  }
0x51: {  	_ =	shalt  }
0x52: {  	_ =	shalt  }
0x53: {  	_ =	shalt  }
0x54: {  	_ =	shalt  }
0x55: {  	_ =	shalt  }
0x56: {  	_ =	shalt  }
0x57: {  	_ =	shalt  }
0x58: {  	_ =	shalt  }
0x59: {  	_ =	shalt  }
0x5a: {  	_ =	shalt  }
0x5b: {  	_ =	shalt  }
0x5c: {  	_ =	shalt  }
0x5d: {  	_ =	shalt  }
0x5e: {  	_ =	shalt  }
0x5f: {  	_ =	shalt  }
0x60: {  	_ =	shalt  }
0x61: {  	_ =	shalt  }
0x62: {  	_ =	shalt  }
0x63: {  	_ =	shalt  }
0x64: {  	_ =	shalt  }
0x65: {  	_ =	shalt  }
0x66: {  	_ =	shalt  }
0x67: {  	_ =	shalt  }
0x68: {  	_ =	shalt  }
0x69: {  	_ =	shalt  }
0x6a: {  	_ =	shalt  }
0x6b: {  	_ =	shalt  }
0x6c: {  	_ =	shalt  }
0x6d: {  	_ =	shalt  }
0x6e: {  	_ =	shalt  }
0x6f: {  	_ =	shalt  }
0x70: {  	_ =	shalt  }
0x71: {  	_ =	shalt  }
0x72: {  	_ =	shalt  }
0x73: {  	_ =	shalt  }
0x74: {  	_ =	shalt  }
0x75: {  	_ =	shalt  }
0x76: {  	_ =	shalt  }
0x77: {  	_ =	shalt  }
0x78: {  	_ =	shalt  }
0x79: {  	_ =	shalt  }
0x7a: {  	_ =	shalt  }
0x7b: {  	_ =	shalt  }
0x7c: {  	_ =	shalt  }
0x7d: {  	_ =	shalt  }
0x7e: {  	_ =	shalt  }
0x7f: {  	_ =	shalt  }
0x80: {  	_ =	shalt  }
0x81: {  	_ =	shalt  }
0x82: {  	_ =	shalt  }
0x83: {  	_ =	shalt  }
0x84: {  	_ =	shalt  }
0x85: {  	_ =	shalt  }
0x86: {  	_ =	shalt  }
0x87: {  	_ =	shalt  }
.Lfunc_end0:
.L_simem_size_0:
called_computation.1_lowered:
.L_overlay_start_0:
0x88: {  	s2 =	sld [smem:$0x3FD9]  }
0x89: {  	s3 =	sld [smem:$0x3FFE];
	_ =	sdelay $0x1  }
0x8a: {  	s1 =	srdreg.scid  }
0x8b: {  	s0 =	sand.u32 $0x1, s1  }
0x8c: {  	s17 =	sshll.u32 s0, $0xA;
	s2 =	sadd.s32 s3, s2  }
0x8d: {  	s2 =	sadd.s32 s2, s17  }
0x8e: {  	[smem:$0x3FC6] =	sst s2  }
0x8f: {  	_ = 	snop  }
0x90: {  	s2 =	sld [smem:$0x3FD0];
	(tm) =	ssettm $0x1  }
0x91: {  	s18 =	sld [smem:$0x3FFB];
	_ =	sdelay $0x3  }
0x92: {  	_ =	strace s18  }
0x93: {  	s3 =	sld [smem:$0x3FFC];
	_ =	sdelay $0x3  }
0x94: {  	_ =	strace s3  }
0x95: {  	s3 =	sld [smem:$0x3FFD];
	_ =	sdelay $0x3  }
0x96: {  	_ =	strace s3  }
0x97: {  	_ =	strace $0x8FFFFFFF  }
0x98: {  	s19 =	sld [smem:$0x3FDB];
	_ =	sdelay $0x1  }
0x99: {  	s4 =	simm.s32 $_scs_section_size  }
0x9a: {  	s5 =	simm.s32 $_size__tile_overlayer_lowered;
	s6 =	simm.s32 $_tile_overlayer_lowered  }
0x9b: {  	s22 =	simm.s32 $0x1BFF;
	s21 =	sshll.u32 s6, $0x1;
	s3 =	sadd.s32 s4, s19  }
0x9c: {  	s7 =	simm.s32 $0x0;
	s20 =	sshll.u32 s5, $0x1;
	s5 =	sadd.s32 s21, s3  }
0x9d: {  	[timem:s7], [sflag:s22] =	dma.local [hbm:s5], s20  }
0x9e: {  	_ =	swait.ge [sflag:s22], s20  }
0x9f: {  	s4 =	ssub.s32 $0x0, s20;
	[sflag:s22] =	ssyncset.done $0x0  }
0xa0: {  	[sflag:s22] =	ssyncadd.s32 s4;
	_ =	sdelay $0x1  }
0xa1: {  	s23 =	simm.s32 $0x1B8B  }
0xa2: {  	_ =	swait.ge [sflag:s23], $0x1  }
0xa3: {  	[sflag:s23] =	ssyncset.done $0x0  }
0xa4: {  	s25 =	simm.s32 $0x1B8E;
	s24 =	sld [smem:$0x3FFE];
	[sflag:s23] =	ssyncadd.s32 $0xFFFFFFFF  }
0xa5: {  	s26 =	simm.s32 $execute0_lowered;
	[smem:$0x3FD2] =	sst s25  }
0xa6: {  	s5 =	sshll.u32 s26, $0x1;
	_ =	strace $0x80000049;
	[dreg:$0x1] =	wrdreg $0xFFFFFFFF  }
0xa7: {  	s28 =	simm.s32 $_size_execute0_lowered;
	s3 =	sadd.s32 s3, s5;
	[dreg:$0x0] =	wrdreg $0x0  }
0xa8: {  	s5 =	sshll.u32 s28, $0x1;
	[dreg:$0x2] =	wrdreg s3  }
0xa9: {  	[dreg:$0x3] =	wrdreg s5  }
0xaa: {  	[dreg:$0x4] =	wrdreg $0xC0  }
0xab: {  	_ =	task [dreg:s7], $0x5FFFF  }
0xac: {  	[dreg:$0x1] =	wrdreg $0xFFFFFFFF  }
0xad: {  	[dreg:$0x0] =	wrdreg $0x60  }
0xae: {  	[dreg:$0x2] =	wrdreg s24  }
0xaf: {  	[dreg:$0x3] =	wrdreg s2  }
0xb0: {  	[dreg:$0x4] =	wrdreg $0x9  }
0xb1: {  	_ =	task.clear_ibuf [dreg:s7], $0x5FFFF;
	_ =	strace $0x90000049  }
0xb2: {  	s29 =	simm.s32 $0x9;
	_ =	strace $0x8000004B  }
0xb3: {  	_ =	swait.ge [sflag:s29], $0x1  }
0xb4: {  	[sflag:s29] =	ssyncadd.s32 $0xFFFFFFFF  }
0xb5: {  	_ =	strace $0x9000004B  }
0xb6: {  	_ =	sfence  }
0xb7: {  	s30 =	sld [smem:$0x0];
	_ =	sdelay $0x2  }
0xb8: {  	s31 =	sshll.u32 s1, $0xD;
	s1 =	sshrl.u32 s1, $0x2  }
0xb9: {  	s3 =	sand.u32 $0x4000, s31;
	s1 =	sadd.s32 s1, s30  }
0xba: {  	s0 =	sor.u32 s3, s0;
	s1 =	sshll.u32 s1, $0x11  }
0xbb: {  	s0 =	sor.u32 s1, s0  }
0xbc: {  	s0 =	sadd.s32 $0x8F2B, s0  }
0xbd: {  	[sflag:s0] =	ssyncadd.remote.s32 $0x1  }
0xbe: {  	_ =	sfence.sel $0xFFFF  }
0xbf: {  	[dreg:$0x0] =	wrdreg $0xFFFFFFFF;
	(pc) =	sbr.abs _section_cstart, $3  }
0xc0: {  	[dreg:$0x1] =	wrdreg $0xFFFFFFFF  }
0xc1: {  	_ =	task.clear_ibuf [dreg:s7], $0x2FFFF;
	_ =	strace $0x9FFFFFFF  }
0xc2: {  	(tm) =	ssettm $0x7FFFFFFF  }
0xc3: {  	_ =	shalt  }
tec
execute0_lowered:
.L_overlay_start_1:
0x0: {  	(tag) =	ssettag $0x1  }
0x1: {  	v0 =	vimm.s32 $0x14B8;
	vm0 =	vcmask $0x300;
	vm14 =	vcmask $0x704  }
0x2: {  	vm13 =	vcmask $0xB08;
	vm12 =	vcmask $0xF0C;
	vm11 =	vcmask $0x1310  }
0x3: {  	vm10 =	vcmask $0x1714;
	vm9 =	vcmask $0x1B18;
	vm8 =	vcmask $0x1F1C  }
0x4: {  	vm7 =	vcmask $0x2320;
	vm6 =	vcmask $0x2724;
	vm5 =	vcmask $0x2B28  }
0x5: {  	vm4 =	vcmask $0x2F2C;
	vm2 =	vcmask $0x3330;
	vm3 =	vcmask $0x3734  }
0x6: {  	vm1 =	vcmask $0x3B38;
	v1 =	vimm.s32 $0x14B9;
	v2 =	vimm.s32 $0x14BA  }
0x7: {  	v3 =	vimm.s32 $0x14BB;
	v4 =	vimm.s32 $0x14BC;
	v5 =	vimm.s32 $0x14BD  }
0x8: {  	v6 =	vimm.s32 $0x14BE;
	v7 =	vimm.s32 $0x14BF;
	v8 =	vimm.s32 $0x36B8  }
0x9: {  	v9 =	vimm.s32 $0x36B9;
	v10 =	vimm.s32 $0x36BA;
	v11 =	vimm.s32 $0x36BB  }
0xa: {  	v12 =	vimm.s32 $0x36BC;
	v13 =	vimm.s32 $0x36BD;
	v14 =	vimm.s32 $0x36BE  }
0xb: {  	v15 =	vimm.s32 $0x36BF;
	v16 =	vimm.s32 $0x0;
	v0 =	vsel vm0, $0x0, v0  }
0xc: {  	v1 =	vsel vm0, $0x1, v1;
	v2 =	vsel vm0, $0x2, v2;
	v3 =	vsel vm0, $0x3, v3  }
0xd: {  	v4 =	vsel vm0, $0x4, v4;
	v5 =	vsel vm0, $0x5, v5;
	v6 =	vsel vm0, $0x6, v6  }
0xe: {  	v7 =	vsel vm0, $0x7, v7;
	v8 =	vsel vm0, $0x2200, v8;
	v9 =	vsel vm0, $0x2201, v9  }
0xf: {  	v10 =	vsel vm0, $0x2202, v10;
	v11 =	vsel vm0, $0x2203, v11;
	v12 =	vsel vm0, $0x2204, v12  }
0x10: {  	v13 =	vsel vm0, $0x2205, v13;
	v14 =	vsel vm0, $0x2206, v14;
	v15 =	vsel vm0, $0x2207, v15  }
0x11: {  	v16 =	vsel vm0, $0x3, v16;
	v0 =	vsel vm14, $0x88, v0;
	v1 =	vsel vm14, $0x89, v1  }
0x12: {  	v2 =	vsel vm14, $0x8A, v2;
	v3 =	vsel vm14, $0x8B, v3;
	v4 =	vsel vm14, $0x8C, v4  }
0x13: {  	v5 =	vsel vm14, $0x8D, v5;
	v6 =	vsel vm14, $0x8E, v6;
	v7 =	vsel vm14, $0x8F, v7  }
0x14: {  	v8 =	vsel vm14, $0x2288, v8;
	v9 =	vsel vm14, $0x2289, v9;
	v10 =	vsel vm14, $0x228A, v10  }
0x15: {  	v11 =	vsel vm14, $0x228B, v11;
	v12 =	vsel vm14, $0x228C, v12;
	v13 =	vsel vm14, $0x228D, v13  }
0x16: {  	v14 =	vsel vm14, $0x228E, v14;
	v15 =	vsel vm14, $0x228F, v15;
	v0 =	vsel vm13, $0x110, v0  }
0x17: {  	v1 =	vsel vm13, $0x111, v1;
	v2 =	vsel vm13, $0x112, v2;
	v3 =	vsel vm13, $0x113, v3  }
0x18: {  	v4 =	vsel vm13, $0x114, v4;
	v5 =	vsel vm13, $0x115, v5;
	v6 =	vsel vm13, $0x116, v6  }
0x19: {  	v7 =	vsel vm13, $0x117, v7;
	v8 =	vsel vm13, $0x2310, v8;
	v9 =	vsel vm13, $0x2311, v9  }
0x1a: {  	v10 =	vsel vm13, $0x2312, v10;
	v11 =	vsel vm13, $0x2313, v11;
	v12 =	vsel vm13, $0x2314, v12  }
0x1b: {  	v13 =	vsel vm13, $0x2315, v13;
	v14 =	vsel vm13, $0x2316, v14;
	v15 =	vsel vm13, $0x2317, v15  }
0x1c: {  	v0 =	vsel vm12, $0x198, v0;
	v1 =	vsel vm12, $0x199, v1;
	v2 =	vsel vm12, $0x19A, v2  }
0x1d: {  	v3 =	vsel vm12, $0x19B, v3;
	v4 =	vsel vm12, $0x19C, v4;
	v5 =	vsel vm12, $0x19D, v5  }
0x1e: {  	v6 =	vsel vm12, $0x19E, v6;
	v7 =	vsel vm12, $0x19F, v7;
	v8 =	vsel vm12, $0x2398, v8  }
0x1f: {  	v9 =	vsel vm12, $0x2399, v9;
	v10 =	vsel vm12, $0x239A, v10;
	v11 =	vsel vm12, $0x239B, v11  }
0x20: {  	v12 =	vsel vm12, $0x239C, v12;
	v13 =	vsel vm12, $0x239D, v13;
	v14 =	vsel vm12, $0x239E, v14  }
0x21: {  	v15 =	vsel vm12, $0x239F, v15;
	v0 =	vsel vm11, $0x220, v0;
	v1 =	vsel vm11, $0x221, v1  }
0x22: {  	v2 =	vsel vm11, $0x222, v2;
	v3 =	vsel vm11, $0x223, v3;
	v4 =	vsel vm11, $0x224, v4  }
0x23: {  	v5 =	vsel vm11, $0x225, v5;
	v6 =	vsel vm11, $0x226, v6;
	v7 =	vsel vm11, $0x227, v7  }
0x24: {  	v8 =	vsel vm11, $0x2420, v8;
	v9 =	vsel vm11, $0x2421, v9;
	v10 =	vsel vm11, $0x2422, v10  }
0x25: {  	v11 =	vsel vm11, $0x2423, v11;
	v12 =	vsel vm11, $0x2424, v12;
	v13 =	vsel vm11, $0x2425, v13  }
0x26: {  	v14 =	vsel vm11, $0x2426, v14;
	v15 =	vsel vm11, $0x2427, v15;
	v0 =	vsel vm10, $0x2A8, v0  }
0x27: {  	v1 =	vsel vm10, $0x2A9, v1;
	v2 =	vsel vm10, $0x2AA, v2;
	v3 =	vsel vm10, $0x2AB, v3  }
0x28: {  	v4 =	vsel vm10, $0x2AC, v4;
	v5 =	vsel vm10, $0x2AD, v5;
	v6 =	vsel vm10, $0x2AE, v6  }
0x29: {  	v7 =	vsel vm10, $0x2AF, v7;
	v8 =	vsel vm10, $0x24A8, v8;
	v9 =	vsel vm10, $0x24A9, v9  }
0x2a: {  	v10 =	vsel vm10, $0x24AA, v10;
	v11 =	vsel vm10, $0x24AB, v11;
	v12 =	vsel vm10, $0x24AC, v12  }
0x2b: {  	v13 =	vsel vm10, $0x24AD, v13;
	v14 =	vsel vm10, $0x24AE, v14;
	v15 =	vsel vm10, $0x24AF, v15  }
0x2c: {  	v0 =	vsel vm9, $0x330, v0;
	v1 =	vsel vm9, $0x331, v1;
	v2 =	vsel vm9, $0x332, v2  }
0x2d: {  	v3 =	vsel vm9, $0x333, v3;
	v4 =	vsel vm9, $0x334, v4;
	v5 =	vsel vm9, $0x335, v5  }
0x2e: {  	v6 =	vsel vm9, $0x336, v6;
	v7 =	vsel vm9, $0x337, v7;
	v8 =	vsel vm9, $0x2530, v8  }
0x2f: {  	v9 =	vsel vm9, $0x2531, v9;
	v10 =	vsel vm9, $0x2532, v10;
	v11 =	vsel vm9, $0x2533, v11  }
0x30: {  	v12 =	vsel vm9, $0x2534, v12;
	v13 =	vsel vm9, $0x2535, v13;
	v14 =	vsel vm9, $0x2536, v14  }
0x31: {  	v15 =	vsel vm9, $0x2537, v15;
	v0 =	vsel vm8, $0x3B8, v0;
	v1 =	vsel vm8, $0x3B9, v1  }
0x32: {  	v2 =	vsel vm8, $0x3BA, v2;
	v3 =	vsel vm8, $0x3BB, v3;
	v4 =	vsel vm8, $0x3BC, v4  }
0x33: {  	v5 =	vsel vm8, $0x3BD, v5;
	v6 =	vsel vm8, $0x3BE, v6;
	v7 =	vsel vm8, $0x3BF, v7  }
0x34: {  	v8 =	vsel vm8, $0x25B8, v8;
	v9 =	vsel vm8, $0x25B9, v9;
	v10 =	vsel vm8, $0x25BA, v10  }
0x35: {  	v11 =	vsel vm8, $0x25BB, v11;
	v12 =	vsel vm8, $0x25BC, v12;
	v13 =	vsel vm8, $0x25BD, v13  }
0x36: {  	v14 =	vsel vm8, $0x25BE, v14;
	v15 =	vsel vm8, $0x25BF, v15;
	v0 =	vsel vm7, $0x1100, v0  }
0x37: {  	v1 =	vsel vm7, $0x1101, v1;
	v2 =	vsel vm7, $0x1102, v2;
	v3 =	vsel vm7, $0x1103, v3  }
0x38: {  	v4 =	vsel vm7, $0x1104, v4;
	v5 =	vsel vm7, $0x1105, v5;
	v6 =	vsel vm7, $0x1106, v6  }
0x39: {  	v7 =	vsel vm7, $0x1107, v7;
	v8 =	vsel vm7, $0x3300, v8;
	v9 =	vsel vm7, $0x3301, v9  }
0x3a: {  	v10 =	vsel vm7, $0x3302, v10;
	v11 =	vsel vm7, $0x3303, v11;
	v12 =	vsel vm7, $0x3304, v12  }
0x3b: {  	v13 =	vsel vm7, $0x3305, v13;
	v14 =	vsel vm7, $0x3306, v14;
	v15 =	vsel vm7, $0x3307, v15  }
0x3c: {  	v0 =	vsel vm6, $0x1188, v0;
	v1 =	vsel vm6, $0x1189, v1;
	v2 =	vsel vm6, $0x118A, v2  }
0x3d: {  	v3 =	vsel vm6, $0x118B, v3;
	v4 =	vsel vm6, $0x118C, v4;
	v5 =	vsel vm6, $0x118D, v5  }
0x3e: {  	v6 =	vsel vm6, $0x118E, v6;
	v7 =	vsel vm6, $0x118F, v7;
	v8 =	vsel vm6, $0x3388, v8  }
0x3f: {  	v9 =	vsel vm6, $0x3389, v9;
	v10 =	vsel vm6, $0x338A, v10;
	v11 =	vsel vm6, $0x338B, v11  }
0x40: {  	v12 =	vsel vm6, $0x338C, v12;
	v13 =	vsel vm6, $0x338D, v13;
	v14 =	vsel vm6, $0x338E, v14  }
0x41: {  	v15 =	vsel vm6, $0x338F, v15;
	v0 =	vsel vm5, $0x1210, v0;
	v1 =	vsel vm5, $0x1211, v1  }
0x42: {  	v2 =	vsel vm5, $0x1212, v2;
	v3 =	vsel vm5, $0x1213, v3;
	v4 =	vsel vm5, $0x1214, v4  }
0x43: {  	v5 =	vsel vm5, $0x1215, v5;
	v6 =	vsel vm5, $0x1216, v6;
	v7 =	vsel vm5, $0x1217, v7  }
0x44: {  	v8 =	vsel vm5, $0x3410, v8;
	v9 =	vsel vm5, $0x3411, v9;
	v10 =	vsel vm5, $0x3412, v10  }
0x45: {  	v11 =	vsel vm5, $0x3413, v11;
	v12 =	vsel vm5, $0x3414, v12;
	v13 =	vsel vm5, $0x3415, v13  }
0x46: {  	v14 =	vsel vm5, $0x3416, v14;
	v15 =	vsel vm5, $0x3417, v15;
	v0 =	vsel vm4, $0x1298, v0  }
0x47: {  	v1 =	vsel vm4, $0x1299, v1;
	v2 =	vsel vm4, $0x129A, v2;
	v3 =	vsel vm4, $0x129B, v3  }
0x48: {  	v4 =	vsel vm4, $0x129C, v4;
	v5 =	vsel vm4, $0x129D, v5;
	v6 =	vsel vm4, $0x129E, v6  }
0x49: {  	v7 =	vsel vm4, $0x129F, v7;
	v8 =	vsel vm4, $0x3498, v8;
	v9 =	vsel vm4, $0x3499, v9  }
0x4a: {  	v10 =	vsel vm4, $0x349A, v10;
	v11 =	vsel vm4, $0x349B, v11;
	v12 =	vsel vm4, $0x349C, v12  }
0x4b: {  	v13 =	vsel vm4, $0x349D, v13;
	v14 =	vsel vm4, $0x349E, v14;
	v15 =	vsel vm4, $0x349F, v15  }
0x4c: {  	v0 =	vsel vm2, $0x1320, v0;
	v1 =	vsel vm2, $0x1321, v1;
	v2 =	vsel vm2, $0x1322, v2  }
0x4d: {  	v3 =	vsel vm2, $0x1323, v3;
	v4 =	vsel vm2, $0x1324, v4;
	v5 =	vsel vm2, $0x1325, v5  }
0x4e: {  	v6 =	vsel vm2, $0x1326, v6;
	v7 =	vsel vm2, $0x1327, v7;
	v8 =	vsel vm2, $0x3520, v8  }
0x4f: {  	s4 =	rddreg [dreg:$0x0];
	v9 =	vsel vm2, $0x3521, v9;
	v10 =	vsel vm2, $0x3522, v10;
	v11 =	vsel vm2, $0x3523, v11  }
0x50: {  	s1 =	rddreg [dreg:$0x1];
	v12 =	vsel vm2, $0x3524, v12;
	v13 =	vsel vm2, $0x3525, v13;
	v14 =	vsel vm2, $0x3526, v14  }
0x51: {  	s0 =	rddreg [dreg:$0x2];
	v15 =	vsel vm2, $0x3527, v15;
	v0 =	vsel vm3, $0x13A8, v0;
	v1 =	vsel vm3, $0x13A9, v1  }
0x52: {  	s5 =	srdreg.scid;
	s2 =	stileid.u32;
	v2 =	vsel vm3, $0x13AA, v2;
	v3 =	vsel vm3, $0x13AB, v3;
	v4 =	vsel vm3, $0x13AC, v4  }
0x53: {  	s3 =	simm.s32 $0x0;
	s9 =	simm.s32 $0x4000;
	s10 =	simm.s32 $0x5;
	v5 =	vsel vm3, $0x13AD, v5;
	v6 =	vsel vm3, $0x13AE, v6;
	v7 =	vsel vm3, $0x13AF, v7  }
0x54: {  	s11 =	simm.s32 $0x6400;
	s12 =	simm.s32 $0x1;
	s13 =	simm.s32 $0xA400;
	v8 =	vsel vm3, $0x35A8, v8;
	v9 =	vsel vm3, $0x35A9, v9;
	v10 =	vsel vm3, $0x35AA, v10  }
0x55: {  	s14 =	simm.s32 $0xE400;
	s15 =	simm.s32 $0x2;
	s16 =	simm.s32 $0x12800;
	v11 =	vsel vm3, $0x35AB, v11;
	v12 =	vsel vm3, $0x35AC, v12;
	v13 =	vsel vm3, $0x35AD, v13  }
0x56: {  	s17 =	simm.s32 $0x3;
	s18 =	simm.s32 $0x4;
	s19 =	simm.s32 $0x0;
	v14 =	vsel vm3, $0x35AE, v14;
	v15 =	vsel vm3, $0x35AF, v15;
	v0 =	vsel vm1, $0x1430, v0  }
0x57: {  	s5 =	sand.u32 $0x1, s5;
	s6 =	sshll.u32 s2, $0x1;
	[smem:$0x7FF] =	sst s3;
	v1 =	vsel vm1, $0x1431, v1;
	v2 =	vsel vm1, $0x1432, v2;
	v3 =	vsel vm1, $0x1433, v3  }
0x58: {  	s6 =	sor.u32 s5, s6;
	s5 =	ssub.s32 $0x2, s5;
	_ =	strace $0x8000004A;
	v4 =	vsel vm1, $0x1434, v4;
	v5 =	vsel vm1, $0x1435, v5;
	v6 =	vsel vm1, $0x1436, v6  }
0x59: {  	s7 =	sshll.u32 s6, $0x6;
	s8 =	sshrl.u32 s5, $0x1;
	s6 =	sshll.u32 s6, $0xC;
	v7 =	vsel vm1, $0x1437, v7;
	v8 =	vsel vm1, $0x3630, v8;
	v9 =	vsel vm1, $0x3631, v9  }
0x5a: {  	s7 =	sadd.s32 s7, s4;
	s4 =	sadd.s32 $0xA00, s4;
	s8 =	ssub.s32 s5, s8;
	v10 =	vsel vm1, $0x3632, v10;
	v11 =	vsel vm1, $0x3633, v11;
	v12 =	vsel vm1, $0x3634, v12  }
0x5b: {  	s5 =	sadd.s32 $0x3D1400, s7;
	s7 =	smax.u32 s8, $0x1;
	s8 =	simm.s32 $0x200;
	v13 =	vsel vm1, $0x3635, v13;
	v14 =	vsel vm1, $0x3636, v14;
	v15 =	vsel vm1, $0x3637, v15  }
.LBB2_1:
0x5c: {  	[tilespmem:s3], [sflag:$0x5] =	stream.strided.gather [hbm4b:s5+s8], $0x6400, s9, s8, $0x38;
	[tilespmem:$0x16C00] =	vst v63  }
0x5d: {  	_ =	swait.ge [sflag:s10], $0x6400  }
0x5e: {  	[sflag:s10] =	ssyncset.done $0x0  }
0x5f: {  	s20 =	simm.s32 $0x0;
	[sflag:s10] =	ssyncadd.s32 $0xFFFF9C00  }
0x60: {  	[tilespmem:s11], [sflag:$0x1] =	stream.indirect.gather [hbm4b:s4+s8], $0x20, s3, s8, $0xb8;
	[tilespmem:$0x16C00] =	vst v63  }
.LBB2_2:
0x61: {  	_ =	swait.ge [sflag:s12], $0x4000;
	s21 =	sshllo.u32 s20, $0x1  }
0x62: {  	[sflag:s12] =	ssyncset.done $0x0;
	s22 =	sshll.u32 s21, $0x9  }
0x63: {  	p0 =	seq.s32 s20, $0x0;
	[sflag:s12] =	ssyncadd.s32 $0xFFFFC000;
	s22 =	sand.u32 $0x3FFFFE00, s22  }
0x64: {  	[tilespmem:s13], [sflag:$0x2] =	stream.indirect.gather [hbm4b:s4+s8], $0x20, s22, s8, $0xb8;
	[tilespmem:$0x16C00] =	vst v63  }
0x65: {  	s22 =	simm.s32 @!p0 $0x3  }
0x66: {  	_ =	swait.ge @!p0 [sflag:s22], $0x4000  }
0x67: {  	s23 =	simm.s32 $0x6480;
	[sflag:s22] =	ssyncset.done @!p0 $0x0  }
0x68: {  	s24 =	simm.s32 $0x0;
	[sflag:s22] =	ssyncadd.s32 @!p0 $0xFFFFC000;
	s22 =	simm.s32 $0x0  }
.LBB2_3:
0x69: {  	v17 =	vmov s24  }
0x6a: {  	v18 =	vmov s22;
	v17 =	vmul.u32 $0x440, v17  }
0x6b: {  	v18 =	vshrl.u32 v18, $0x3  }
0x6c: {  	v32 =	vbroadcast v17, $0x0;
	v17 =	vshll.u32 v18, v16  }
0x6d: {  	v19 =	vbroadcast v17, $0x0  }
0x6e: {  	v17 =	vadd.s32 v0, v32  }
0x6f: {  	v20 =	vld [tilespmem:s23+$0xFFFFFF80];
	v21 =	vadd.s32 v17, v19;
	_ =	sdelay $0x4  }
0x70: {  	v18 =	vadd.s32 v8, v32;
	[tilespmem:v21+s14+$0x0] =	vst.idx.msk $0xffff, v20  }
0x71: {  	s25 =	simm.s32 $0x1;
	v21 =	vadd.s32 v18, v19;
	v20 =	vld [tilespmem:s23+$0xFFFFFF90]  }
0x72: {  	v19 =	vmov s25  }
0x73: {  	v19 =	vshrl.u32 v19, $0x3  }
0x74: {  	v19 =	vshll.u32 v19, v16  }
0x75: {  	v22 =	vbroadcast v19, $0x0  }
0x76: {  	v19 =	vadd.s32 v1, v32;
	[tilespmem:v21+s14+$0x0] =	vst.idx.msk $0xffff, v20  }
0x77: {  	v23 =	vadd.s32 v19, v22;
	v21 =	vld [tilespmem:s23+$0xFFFFFFA0];
	_ =	sdelay $0x4  }
0x78: {  	v20 =	vadd.s32 v9, v32;
	[tilespmem:v23+s14+$0x0] =	vst.idx.msk $0xffff, v21  }
0x79: {  	s30 =	simm.s32 $0x2;
	v22 =	vadd.s32 v20, v22;
	v23 =	vld [tilespmem:s23+$0xFFFFFFB0]  }
0x7a: {  	v21 =	vmov s30  }
0x7b: {  	v21 =	vshrl.u32 v21, $0x3  }
0x7c: {  	v21 =	vshll.u32 v21, v16  }
0x7d: {  	v24 =	vbroadcast v21, $0x0  }
0x7e: {  	v21 =	vadd.s32 v2, v32;
	[tilespmem:v22+s14+$0x0] =	vst.idx.msk $0xffff, v23  }
0x7f: {  	v25 =	vadd.s32 v21, v24;
	v23 =	vld [tilespmem:s23+$0xFFFFFFC0];
	_ =	sdelay $0x4  }
0x80: {  	v22 =	vadd.s32 v10, v32;
	[tilespmem:v25+s14+$0x0] =	vst.idx.msk $0xffff, v23  }
0x81: {  	s31 =	simm.s32 $0x3;
	v24 =	vadd.s32 v22, v24;
	v25 =	vld [tilespmem:s23+$0xFFFFFFD0]  }
0x82: {  	v23 =	vmov s31  }
0x83: {  	v23 =	vshrl.u32 v23, $0x3  }
0x84: {  	v23 =	vshll.u32 v23, v16  }
0x85: {  	v26 =	vbroadcast v23, $0x0  }
0x86: {  	v23 =	vadd.s32 v3, v32;
	[tilespmem:v24+s14+$0x0] =	vst.idx.msk $0xffff, v25  }
0x87: {  	v27 =	vadd.s32 v23, v26;
	v25 =	vld [tilespmem:s23+$0xFFFFFFE0];
	_ =	sdelay $0x4  }
0x88: {  	v24 =	vadd.s32 v11, v32;
	[tilespmem:v27+s14+$0x0] =	vst.idx.msk $0xffff, v25  }
0x89: {  	s26 =	simm.s32 $0x4;
	v26 =	vadd.s32 v24, v26;
	v27 =	vld [tilespmem:s23+$0xFFFFFFF0]  }
0x8a: {  	v25 =	vmov s26  }
0x8b: {  	v25 =	vshrl.u32 v25, $0x3  }
0x8c: {  	v25 =	vshll.u32 v25, v16  }
0x8d: {  	v28 =	vbroadcast v25, $0x0  }
0x8e: {  	v25 =	vadd.s32 v4, v32;
	[tilespmem:v26+s14+$0x0] =	vst.idx.msk $0xffff, v27  }
0x8f: {  	v29 =	vadd.s32 v25, v28;
	v27 =	vld [tilespmem:s23+$0x0];
	_ =	sdelay $0x4  }
0x90: {  	v26 =	vadd.s32 v12, v32;
	[tilespmem:v29+s14+$0x0] =	vst.idx.msk $0xffff, v27  }
0x91: {  	s29 =	simm.s32 $0x5;
	v28 =	vadd.s32 v26, v28;
	v29 =	vld [tilespmem:s23+$0x10]  }
0x92: {  	v27 =	vmov s29  }
0x93: {  	v27 =	vshrl.u32 v27, $0x3  }
0x94: {  	v27 =	vshll.u32 v27, v16  }
0x95: {  	v30 =	vbroadcast v27, $0x0  }
0x96: {  	v27 =	vadd.s32 v5, v32;
	[tilespmem:v28+s14+$0x0] =	vst.idx.msk $0xffff, v29  }
0x97: {  	v31 =	vadd.s32 v27, v30;
	v29 =	vld [tilespmem:s23+$0x20];
	_ =	sdelay $0x4  }
0x98: {  	v28 =	vadd.s32 v13, v32;
	[tilespmem:v31+s14+$0x0] =	vst.idx.msk $0xffff, v29  }
0x99: {  	s30 =	simm.s32 $0x6;
	v30 =	vadd.s32 v28, v30;
	v31 =	vld [tilespmem:s23+$0x30]  }
0x9a: {  	v29 =	vmov s30  }
0x9b: {  	v29 =	vshrl.u32 v29, $0x3  }
0x9c: {  	v29 =	vshll.u32 v29, v16  }
0x9d: {  	v33 =	vbroadcast v29, $0x0  }
0x9e: {  	v29 =	vadd.s32 v6, v32;
	[tilespmem:v30+s14+$0x0] =	vst.idx.msk $0xffff, v31  }
0x9f: {  	v34 =	vadd.s32 v29, v33;
	v31 =	vld [tilespmem:s23+$0x40];
	_ =	sdelay $0x4  }
0xa0: {  	v30 =	vadd.s32 v14, v32;
	[tilespmem:v34+s14+$0x0] =	vst.idx.msk $0xffff, v31  }
0xa1: {  	s31 =	simm.s32 $0x7;
	v33 =	vadd.s32 v30, v33;
	v34 =	vld [tilespmem:s23+$0x50]  }
0xa2: {  	v31 =	vmov s31  }
0xa3: {  	v31 =	vshrl.u32 v31, $0x3  }
0xa4: {  	v31 =	vshll.u32 v31, v16  }
0xa5: {  	v35 =	vbroadcast v31, $0x0  }
0xa6: {  	v31 =	vadd.s32 v7, v32;
	[tilespmem:v33+s14+$0x0] =	vst.idx.msk $0xffff, v34  }
0xa7: {  	v63 =	vadd.s32 v31, v35;
	v33 =	vld [tilespmem:s23+$0x60];
	_ =	sdelay $0x4  }
0xa8: {  	v32 =	vadd.s32 v15, v32;
	[tilespmem:v63+s14+$0x0] =	vst.idx.msk $0xffff, v33  }
0xa9: {  	s25 =	simm.s32 $0x8;
	v34 =	vadd.s32 v32, v35;
	v33 =	vld [tilespmem:s23+$0x70]  }
0xaa: {  	s28 =	simm.s32 $0x10;
	s26 =	smov.u32 s23;
	v35 =	vmov s25  }
.LBB2_4:
0xab: {  	p0 =	slt.u32 s28, $0x78;
	v35 =	vshrl.u32 v35, $0x3  }
0xac: {  	v35 =	vshll.u32 v35, v16  }
0xad: {  	v35 =	vbroadcast v35, $0x0  }
0xae: {  	s26 =	sadd.s32 $0x100, s26;
	[tilespmem:v34+s14+$0x0] =	vst.idx.msk $0xffff, v33  }
0xaf: {  	v33 =	vld [tilespmem:s26+$0xFFFFFF80];
	v34 =	vadd.s32 v17, v35;
	_ =	sdelay $0x4  }
0xb0: {  	[tilespmem:v34+s14+$0x0] =	vst.idx.msk $0xffff, v33  }
0xb1: {  	s29 =	sadd.s32 $0x1, s25;
	v34 =	vadd.s32 v18, v35;
	v33 =	vld [tilespmem:s26+$0xFFFFFF90]  }
0xb2: {  	v35 =	vmov s29  }
0xb3: {  	v35 =	vshrl.u32 v35, $0x3  }
0xb4: {  	v35 =	vshll.u32 v35, v16  }
0xb5: {  	v35 =	vbroadcast v35, $0x0  }
0xb6: {  	[tilespmem:v34+s14+$0x0] =	vst.idx.msk $0xffff, v33  }
0xb7: {  	v34 =	vadd.s32 v19, v35;
	v33 =	vld [tilespmem:s26+$0xFFFFFFA0];
	_ =	sdelay $0x4  }
0xb8: {  	[tilespmem:v34+s14+$0x0] =	vst.idx.msk $0xffff, v33  }
0xb9: {  	s29 =	sadd.s32 $0x2, s25;
	v34 =	vadd.s32 v20, v35;
	v33 =	vld [tilespmem:s26+$0xFFFFFFB0]  }
0xba: {  	v35 =	vmov s29  }
0xbb: {  	v35 =	vshrl.u32 v35, $0x3  }
0xbc: {  	v35 =	vshll.u32 v35, v16  }
0xbd: {  	v35 =	vbroadcast v35, $0x0  }
0xbe: {  	[tilespmem:v34+s14+$0x0] =	vst.idx.msk $0xffff, v33  }
0xbf: {  	v34 =	vadd.s32 v21, v35;
	v33 =	vld [tilespmem:s26+$0xFFFFFFC0];
	_ =	sdelay $0x4  }
0xc0: {  	[tilespmem:v34+s14+$0x0] =	vst.idx.msk $0xffff, v33  }
0xc1: {  	s29 =	sadd.s32 $0x3, s25;
	v34 =	vadd.s32 v22, v35;
	v33 =	vld [tilespmem:s26+$0xFFFFFFD0]  }
0xc2: {  	v35 =	vmov s29  }
0xc3: {  	v35 =	vshrl.u32 v35, $0x3  }
0xc4: {  	v35 =	vshll.u32 v35, v16  }
0xc5: {  	v35 =	vbroadcast v35, $0x0  }
0xc6: {  	[tilespmem:v34+s14+$0x0] =	vst.idx.msk $0xffff, v33  }
0xc7: {  	v34 =	vadd.s32 v23, v35;
	v33 =	vld [tilespmem:s26+$0xFFFFFFE0];
	_ =	sdelay $0x4  }
0xc8: {  	[tilespmem:v34+s14+$0x0] =	vst.idx.msk $0xffff, v33  }
0xc9: {  	s29 =	sadd.s32 $0x4, s25;
	v34 =	vadd.s32 v24, v35;
	v33 =	vld [tilespmem:s26+$0xFFFFFFF0]  }
0xca: {  	v35 =	vmov s29  }
0xcb: {  	v35 =	vshrl.u32 v35, $0x3  }
0xcc: {  	v35 =	vshll.u32 v35, v16  }
0xcd: {  	v35 =	vbroadcast v35, $0x0  }
0xce: {  	[tilespmem:v34+s14+$0x0] =	vst.idx.msk $0xffff, v33  }
0xcf: {  	v34 =	vadd.s32 v25, v35;
	v33 =	vld [tilespmem:s26+$0x0];
	_ =	sdelay $0x4  }
0xd0: {  	[tilespmem:v34+s14+$0x0] =	vst.idx.msk $0xffff, v33  }
0xd1: {  	s29 =	sadd.s32 $0x5, s25;
	v34 =	vadd.s32 v26, v35;
	v33 =	vld [tilespmem:s26+$0x10]  }
0xd2: {  	v35 =	vmov s29  }
0xd3: {  	v35 =	vshrl.u32 v35, $0x3  }
0xd4: {  	v35 =	vshll.u32 v35, v16  }
0xd5: {  	v35 =	vbroadcast v35, $0x0  }
0xd6: {  	[tilespmem:v34+s14+$0x0] =	vst.idx.msk $0xffff, v33  }
0xd7: {  	v34 =	vadd.s32 v27, v35;
	v33 =	vld [tilespmem:s26+$0x20];
	_ =	sdelay $0x4  }
0xd8: {  	[tilespmem:v34+s14+$0x0] =	vst.idx.msk $0xffff, v33  }
0xd9: {  	s29 =	sadd.s32 $0x6, s25;
	v34 =	vadd.s32 v28, v35;
	v33 =	vld [tilespmem:s26+$0x30]  }
0xda: {  	v35 =	vmov s29  }
0xdb: {  	v35 =	vshrl.u32 v35, $0x3  }
0xdc: {  	v35 =	vshll.u32 v35, v16  }
0xdd: {  	v35 =	vbroadcast v35, $0x0  }
0xde: {  	[tilespmem:v34+s14+$0x0] =	vst.idx.msk $0xffff, v33  }
0xdf: {  	v34 =	vadd.s32 v29, v35;
	v33 =	vld [tilespmem:s26+$0x40];
	_ =	sdelay $0x4  }
0xe0: {  	[tilespmem:v34+s14+$0x0] =	vst.idx.msk $0xffff, v33  }
0xe1: {  	s29 =	sadd.s32 $0x7, s25;
	s25 =	smov.u32 s28;
	v34 =	vadd.s32 v30, v35;
	v33 =	vld [tilespmem:s26+$0x50]  }
0xe2: {  	v35 =	vmov s29  }
0xe3: {  	v35 =	vshrl.u32 v35, $0x3  }
0xe4: {  	v35 =	vshll.u32 v35, v16  }
0xe5: {  	v35 =	vbroadcast v35, $0x0  }
0xe6: {  	[tilespmem:v34+s14+$0x0] =	vst.idx.msk $0xffff, v33  }
0xe7: {  	v34 =	vadd.s32 v31, v35;
	v33 =	vld [tilespmem:s26+$0x60];
	_ =	sdelay $0x2  }
.Ltmp0:
0xe8: {  	(pc) =	sbr.rel @p0 .LBB2_4-.Ltmp0, $4  }
0xe9: {  	_ = 	snop  }
0xea: {  	[tilespmem:v34+s14+$0x0] =	vst.idx.msk $0xffff, v33  }
0xeb: {  	v34 =	vadd.s32 v32, v35;
	v33 =	vld [tilespmem:s26+$0x70]  }
0xec: {  	s28 =	sadd.s32 $0x8, s28;
	v35 =	vmov s25  }
0xed: {  	_ = 	snop  }
0xee: {  	v35 =	vshrl.u32 v35, $0x3  }
0xef: {  	v35 =	vshll.u32 v35, v16  }
0xf0: {  	v35 =	vbroadcast v35, $0x0  }
0xf1: {  	s26 =	sadd.s32 $0x100, s26;
	[tilespmem:v34+s14+$0x0] =	vst.idx.msk $0xffff, v33  }
0xf2: {  	v33 =	vld [tilespmem:s26+$0xFFFFFF80];
	v17 =	vadd.s32 v17, v35;
	_ =	sdelay $0x4  }
0xf3: {  	[tilespmem:v17+s14+$0x0] =	vst.idx.msk $0xffff, v33  }
0xf4: {  	s28 =	sadd.s32 $0x1, s25;
	v18 =	vadd.s32 v18, v35;
	v17 =	vld [tilespmem:s26+$0xFFFFFF90]  }
0xf5: {  	v63 =	vmov s28  }
0xf6: {  	v33 =	vshrl.u32 v63, $0x3  }
0xf7: {  	v33 =	vshll.u32 v33, v16  }
0xf8: {  	v33 =	vbroadcast v33, $0x0  }
0xf9: {  	[tilespmem:v18+s14+$0x0] =	vst.idx.msk $0xffff, v17  }
0xfa: {  	v18 =	vadd.s32 v19, v33;
	v17 =	vld [tilespmem:s26+$0xFFFFFFA0];
	_ =	sdelay $0x4  }
0xfb: {  	[tilespmem:v18+s14+$0x0] =	vst.idx.msk $0xffff, v17  }
0xfc: {  	s29 =	sadd.s32 $0x2, s25;
	v18 =	vadd.s32 v20, v33;
	v17 =	vld [tilespmem:s26+$0xFFFFFFB0]  }
0xfd: {  	v19 =	vmov s29  }
0xfe: {  	v19 =	vshrl.u32 v19, $0x3  }
0xff: {  	v19 =	vshll.u32 v19, v16  }
0x100: {  	v19 =	vbroadcast v19, $0x0  }
0x101: {  	[tilespmem:v18+s14+$0x0] =	vst.idx.msk $0xffff, v17  }
0x102: {  	v18 =	vadd.s32 v21, v19;
	v17 =	vld [tilespmem:s26+$0xFFFFFFC0];
	_ =	sdelay $0x4  }
0x103: {  	[tilespmem:v18+s14+$0x0] =	vst.idx.msk $0xffff, v17  }
0x104: {  	s30 =	sadd.s32 $0x3, s25;
	v18 =	vadd.s32 v22, v19;
	v17 =	vld [tilespmem:s26+$0xFFFFFFD0]  }
0x105: {  	v19 =	vmov s30  }
0x106: {  	v19 =	vshrl.u32 v19, $0x3  }
0x107: {  	v19 =	vshll.u32 v19, v16  }
0x108: {  	v19 =	vbroadcast v19, $0x0  }
0x109: {  	[tilespmem:v18+s14+$0x0] =	vst.idx.msk $0xffff, v17  }
0x10a: {  	v18 =	vadd.s32 v23, v19;
	v17 =	vld [tilespmem:s26+$0xFFFFFFE0];
	_ =	sdelay $0x4  }
0x10b: {  	[tilespmem:v18+s14+$0x0] =	vst.idx.msk $0xffff, v17  }
0x10c: {  	s31 =	sadd.s32 $0x4, s25;
	v18 =	vadd.s32 v24, v19;
	v17 =	vld [tilespmem:s26+$0xFFFFFFF0]  }
0x10d: {  	v19 =	vmov s31  }
0x10e: {  	v19 =	vshrl.u32 v19, $0x3  }
0x10f: {  	v19 =	vshll.u32 v19, v16  }
0x110: {  	v19 =	vbroadcast v19, $0x0  }
0x111: {  	[tilespmem:v18+s14+$0x0] =	vst.idx.msk $0xffff, v17  }
0x112: {  	v18 =	vadd.s32 v25, v19;
	v17 =	vld [tilespmem:s26+$0x0];
	_ =	sdelay $0x4  }
0x113: {  	[tilespmem:v18+s14+$0x0] =	vst.idx.msk $0xffff, v17  }
0x114: {  	s29 =	sadd.s32 $0x5, s25;
	v18 =	vadd.s32 v26, v19;
	v17 =	vld [tilespmem:s26+$0x10]  }
0x115: {  	v19 =	vmov s29  }
0x116: {  	v19 =	vshrl.u32 v19, $0x3  }
0x117: {  	v19 =	vshll.u32 v19, v16  }
0x118: {  	v19 =	vbroadcast v19, $0x0  }
0x119: {  	[tilespmem:v18+s14+$0x0] =	vst.idx.msk $0xffff, v17  }
0x11a: {  	v18 =	vadd.s32 v27, v19;
	v17 =	vld [tilespmem:s26+$0x20];
	_ =	sdelay $0x4  }
0x11b: {  	[tilespmem:v18+s14+$0x0] =	vst.idx.msk $0xffff, v17  }
0x11c: {  	s30 =	sadd.s32 $0x6, s25;
	v18 =	vadd.s32 v28, v19;
	v17 =	vld [tilespmem:s26+$0x30]  }
0x11d: {  	v19 =	vmov s30  }
0x11e: {  	v19 =	vshrl.u32 v19, $0x3  }
0x11f: {  	v19 =	vshll.u32 v19, v16  }
0x120: {  	v19 =	vbroadcast v19, $0x0  }
0x121: {  	[tilespmem:v18+s14+$0x0] =	vst.idx.msk $0xffff, v17  }
0x122: {  	v18 =	vadd.s32 v29, v19;
	v17 =	vld [tilespmem:s26+$0x40];
	_ =	sdelay $0x4  }
0x123: {  	[tilespmem:v18+s14+$0x0] =	vst.idx.msk $0xffff, v17  }
0x124: {  	s31 =	sadd.s32 $0x7, s25;
	v18 =	vadd.s32 v30, v19;
	v17 =	vld [tilespmem:s26+$0x50]  }
0x125: {  	v19 =	vmov s31  }
0x126: {  	v19 =	vshrl.u32 v19, $0x3  }
0x127: {  	v19 =	vshll.u32 v19, v16  }
0x128: {  	v19 =	vbroadcast v19, $0x0  }
0x129: {  	[tilespmem:v18+s14+$0x0] =	vst.idx.msk $0xffff, v17  }
0x12a: {  	v18 =	vadd.s32 v31, v19;
	v17 =	vld [tilespmem:s26+$0x60];
	_ =	sdelay $0x4  }
0x12b: {  	s24 =	sadd.s32 $0x1, s24;
	[tilespmem:v18+s14+$0x0] =	vst.idx.msk $0xffff, v17  }
0x12c: {  	p0 =	sne.s32 s24, $0x4;
	v18 =	vadd.s32 v32, v19;
	v17 =	vld [tilespmem:s26+$0x70]  }
.Ltmp1:
0x12d: {  	_ = 	snop;
	(pc) =	sbr.rel @p0 .LBB2_3-.Ltmp1, $2  }
0x12e: {  	_ =	sdelay $0x2  }
0x12f: {  	s23 =	sadd.s32 $0x1000, s23;
	[tilespmem:v18+s14+$0x0] =	vst.idx.msk $0xffff, v17  }
0x130: {  	s22 =	sshll.u32 s20, $0x14  }
0x131: {  	s22 =	sor.u32 s6, s22  }
0x132: {  	s22 =	sshrl.u32 s22, $0x3  }
0x133: {  	s23 =	simm.s32 $0xE400;
	s22 =	sadd.s32 s1, s22  }
0x134: {  	s24 =	simm.s32 $0x10;
	s25 =	simm.s32 $0xE488;
	s26 =	sadd.s32 $0x0, s22  }
.LBB2_7:
0x135: {  	[hbm4b:s26+s3] =	stream.linear.scatter [tilespmem:s23], [sflag:$0x3], $0x80, $0x38;
	[tilespmem:$0x16C00] =	vst v63  }
0x136: {  	s26 =	smov.u32 s24;
	s23 =	smov.u32 s25;
	p0 =	sne.s32 s24, $0x1F0  }
.Ltmp2:
0x137: {  	s24 =	sadd.s32 $0x10, s24;
	(pc) =	sbr.rel @p0 .LBB2_7-.Ltmp2, $2  }
0x138: {  	_ =	sdelay $0x2  }
0x139: {  	s25 =	sadd.s32 $0x88, s25;
	s26 =	sadd.s32 s26, s22  }
0x13a: {  	[hbm4b:s26+s3] =	stream.linear.scatter [tilespmem:s23], [sflag:$0x3], $0x80, $0x38;
	[tilespmem:$0x16C00] =	vst v63  }
0x13b: {  	s23 =	sadd.s32 $0x4000, s22;
	s24 =	simm.s32 $0xF500  }
0x13c: {  	s25 =	simm.s32 $0x10;
	s26 =	simm.s32 $0xF588;
	s28 =	sadd.s32 $0x0, s23  }
.LBB2_9:
0x13d: {  	[hbm4b:s28+s3] =	stream.linear.scatter [tilespmem:s24], [sflag:$0x3], $0x80, $0x38;
	[tilespmem:$0x16C00] =	vst v63  }
0x13e: {  	s28 =	smov.u32 s25;
	s24 =	smov.u32 s26;
	p0 =	sne.s32 s25, $0x1F0  }
.Ltmp3:
0x13f: {  	s25 =	sadd.s32 $0x10, s25;
	(pc) =	sbr.rel @p0 .LBB2_9-.Ltmp3, $2  }
0x140: {  	_ =	sdelay $0x2  }
0x141: {  	s26 =	sadd.s32 $0x88, s26;
	s28 =	sadd.s32 s28, s23  }
0x142: {  	[hbm4b:s28+s3] =	stream.linear.scatter [tilespmem:s24], [sflag:$0x3], $0x80, $0x38;
	[tilespmem:$0x16C00] =	vst v63  }
0x143: {  	s23 =	sadd.s32 $0x8000, s22;
	s24 =	simm.s32 $0x10600  }
0x144: {  	s25 =	simm.s32 $0x10;
	s26 =	simm.s32 $0x10688;
	s28 =	sadd.s32 $0x0, s23  }
.LBB2_11:
0x145: {  	[hbm4b:s28+s3] =	stream.linear.scatter [tilespmem:s24], [sflag:$0x3], $0x80, $0x38;
	[tilespmem:$0x16C00] =	vst v63  }
0x146: {  	s28 =	smov.u32 s25;
	s24 =	smov.u32 s26;
	p0 =	sne.s32 s25, $0x1F0  }
.Ltmp4:
0x147: {  	s25 =	sadd.s32 $0x10, s25;
	(pc) =	sbr.rel @p0 .LBB2_11-.Ltmp4, $2  }
0x148: {  	_ =	sdelay $0x2  }
0x149: {  	s26 =	sadd.s32 $0x88, s26;
	s28 =	sadd.s32 s28, s23  }
0x14a: {  	[hbm4b:s28+s3] =	stream.linear.scatter [tilespmem:s24], [sflag:$0x3], $0x80, $0x38;
	[tilespmem:$0x16C00] =	vst v63  }
0x14b: {  	s22 =	sadd.s32 $0xC000, s22;
	s23 =	simm.s32 $0x11700  }
0x14c: {  	s24 =	simm.s32 $0x10;
	s25 =	simm.s32 $0x11788;
	s26 =	sadd.s32 $0x0, s22  }
.LBB2_13:
0x14d: {  	[hbm4b:s26+s3] =	stream.linear.scatter [tilespmem:s23], [sflag:$0x3], $0x80, $0x38;
	[tilespmem:$0x16C00] =	vst v63  }
0x14e: {  	s26 =	smov.u32 s24;
	s23 =	smov.u32 s25;
	p0 =	sne.s32 s24, $0x1F0  }
.Ltmp5:
0x14f: {  	s24 =	sadd.s32 $0x10, s24;
	(pc) =	sbr.rel @p0 .LBB2_13-.Ltmp5, $2  }
0x150: {  	_ =	sdelay $0x2  }
0x151: {  	s25 =	sadd.s32 $0x88, s25;
	s26 =	sadd.s32 s26, s22  }
0x152: {  	[hbm4b:s26+s3] =	stream.linear.scatter [tilespmem:s23], [sflag:$0x3], $0x80, $0x38;
	[tilespmem:$0x16C00] =	vst v63  }
0x153: {  	p0 =	seq.s32 s20, $0x18  }
0x154: {  	_ =	swait.ge [sflag:s15], $0x4000;
	s22 =	sshll.u32 @!p0 s20, $0xA;
	p1 =	seq.s32 @!p0 s20, $0x0  }
0x155: {  	s23 =	simm.s32 @!p0 $0x200;
	[sflag:s15] =	ssyncset.done $0x0;
	s22 =	sand.u32 @!p0 $0x3FFFFC00, s22  }
0x156: {  	s24 =	simm.s32 @!p0 $0x6400;
	[sflag:s15] =	ssyncadd.s32 $0xFFFFC000;
	s22 =	sadd.s32 @!p0 $0x400, s22  }
0x157: {  	[tilespmem:s24], [sflag:$0x1] =	stream.indirect.gather @!p0 [hbm4b:s4+s23], $0x20, s22, s23, $0xb8;
	[tilespmem:$0x16C00] =	vst v63  }
0x158: {  	p0 =	por p0, !p1  }
0x159: {  	_ =	swait.ge @p0 [sflag:s18], $0x4000  }
0x15a: {  	s22 =	simm.s32 $0x0;
	[sflag:s18] =	ssyncset.done @p0 $0x0  }
0x15b: {  	s23 =	simm.s32 $0xA4F0;
	s24 =	simm.s32 $0x0;
	[sflag:s18] =	ssyncadd.s32 @p0 $0xFFFFC000  }
.LBB2_15:
0x15c: {  	v17 =	vmov s24  }
0x15d: {  	v18 =	vmov s22;
	v17 =	vmul.u32 $0x440, v17  }
0x15e: {  	v18 =	vshrl.u32 v18, $0x3  }
0x15f: {  	v32 =	vbroadcast v17, $0x0;
	v17 =	vshll.u32 v18, v16  }
0x160: {  	v19 =	vbroadcast v17, $0x0  }
0x161: {  	v17 =	vadd.s32 v0, v32  }
0x162: {  	v20 =	vld [tilespmem:s23+$0xFFFFFF10];
	v21 =	vadd.s32 v17, v19;
	_ =	sdelay $0x4  }
0x163: {  	v18 =	vadd.s32 v8, v32;
	[tilespmem:v21+s16+$0x0] =	vst.idx.msk $0xffff, v20  }
0x164: {  	s25 =	simm.s32 $0x1;
	v21 =	vadd.s32 v18, v19;
	v20 =	vld [tilespmem:s23+$0xFFFFFF20]  }
0x165: {  	v19 =	vmov s25  }
0x166: {  	v19 =	vshrl.u32 v19, $0x3  }
0x167: {  	v19 =	vshll.u32 v19, v16  }
0x168: {  	v22 =	vbroadcast v19, $0x0  }
0x169: {  	v19 =	vadd.s32 v1, v32;
	[tilespmem:v21+s16+$0x0] =	vst.idx.msk $0xffff, v20  }
0x16a: {  	v23 =	vadd.s32 v19, v22;
	v21 =	vld [tilespmem:s23+$0xFFFFFF30];
	_ =	sdelay $0x4  }
0x16b: {  	v20 =	vadd.s32 v9, v32;
	[tilespmem:v23+s16+$0x0] =	vst.idx.msk $0xffff, v21  }
0x16c: {  	s30 =	simm.s32 $0x2;
	v22 =	vadd.s32 v20, v22;
	v23 =	vld [tilespmem:s23+$0xFFFFFF40]  }
0x16d: {  	v21 =	vmov s30  }
0x16e: {  	v21 =	vshrl.u32 v21, $0x3  }
0x16f: {  	v21 =	vshll.u32 v21, v16  }
0x170: {  	v24 =	vbroadcast v21, $0x0  }
0x171: {  	v21 =	vadd.s32 v2, v32;
	[tilespmem:v22+s16+$0x0] =	vst.idx.msk $0xffff, v23  }
0x172: {  	v25 =	vadd.s32 v21, v24;
	v23 =	vld [tilespmem:s23+$0xFFFFFF50];
	_ =	sdelay $0x4  }
0x173: {  	v22 =	vadd.s32 v10, v32;
	[tilespmem:v25+s16+$0x0] =	vst.idx.msk $0xffff, v23  }
0x174: {  	s31 =	simm.s32 $0x3;
	v24 =	vadd.s32 v22, v24;
	v25 =	vld [tilespmem:s23+$0xFFFFFF60]  }
0x175: {  	v23 =	vmov s31  }
0x176: {  	v23 =	vshrl.u32 v23, $0x3  }
0x177: {  	v23 =	vshll.u32 v23, v16  }
0x178: {  	v26 =	vbroadcast v23, $0x0  }
0x179: {  	v23 =	vadd.s32 v3, v32;
	[tilespmem:v24+s16+$0x0] =	vst.idx.msk $0xffff, v25  }
0x17a: {  	v27 =	vadd.s32 v23, v26;
	v25 =	vld [tilespmem:s23+$0xFFFFFF70];
	_ =	sdelay $0x4  }
0x17b: {  	v24 =	vadd.s32 v11, v32;
	[tilespmem:v27+s16+$0x0] =	vst.idx.msk $0xffff, v25  }
0x17c: {  	s26 =	simm.s32 $0x4;
	v26 =	vadd.s32 v24, v26;
	v27 =	vld [tilespmem:s23+$0xFFFFFF80]  }
0x17d: {  	v25 =	vmov s26  }
0x17e: {  	v25 =	vshrl.u32 v25, $0x3  }
0x17f: {  	v25 =	vshll.u32 v25, v16  }
0x180: {  	v28 =	vbroadcast v25, $0x0  }
0x181: {  	v25 =	vadd.s32 v4, v32;
	[tilespmem:v26+s16+$0x0] =	vst.idx.msk $0xffff, v27  }
0x182: {  	v29 =	vadd.s32 v25, v28;
	v27 =	vld [tilespmem:s23+$0xFFFFFF90];
	_ =	sdelay $0x4  }
0x183: {  	v26 =	vadd.s32 v12, v32;
	[tilespmem:v29+s16+$0x0] =	vst.idx.msk $0xffff, v27  }
0x184: {  	s29 =	simm.s32 $0x5;
	v28 =	vadd.s32 v26, v28;
	v29 =	vld [tilespmem:s23+$0xFFFFFFA0]  }
0x185: {  	v27 =	vmov s29  }
0x186: {  	v27 =	vshrl.u32 v27, $0x3  }
0x187: {  	v27 =	vshll.u32 v27, v16  }
0x188: {  	v30 =	vbroadcast v27, $0x0  }
0x189: {  	v27 =	vadd.s32 v5, v32;
	[tilespmem:v28+s16+$0x0] =	vst.idx.msk $0xffff, v29  }
0x18a: {  	v31 =	vadd.s32 v27, v30;
	v29 =	vld [tilespmem:s23+$0xFFFFFFB0];
	_ =	sdelay $0x4  }
0x18b: {  	v28 =	vadd.s32 v13, v32;
	[tilespmem:v31+s16+$0x0] =	vst.idx.msk $0xffff, v29  }
0x18c: {  	s30 =	simm.s32 $0x6;
	v30 =	vadd.s32 v28, v30;
	v31 =	vld [tilespmem:s23+$0xFFFFFFC0]  }
0x18d: {  	v29 =	vmov s30  }
0x18e: {  	v29 =	vshrl.u32 v29, $0x3  }
0x18f: {  	v29 =	vshll.u32 v29, v16  }
0x190: {  	v33 =	vbroadcast v29, $0x0  }
0x191: {  	v29 =	vadd.s32 v6, v32;
	[tilespmem:v30+s16+$0x0] =	vst.idx.msk $0xffff, v31  }
0x192: {  	v34 =	vadd.s32 v29, v33;
	v31 =	vld [tilespmem:s23+$0xFFFFFFD0];
	_ =	sdelay $0x4  }
0x193: {  	v30 =	vadd.s32 v14, v32;
	[tilespmem:v34+s16+$0x0] =	vst.idx.msk $0xffff, v31  }
0x194: {  	s31 =	simm.s32 $0x7;
	v33 =	vadd.s32 v30, v33;
	v34 =	vld [tilespmem:s23+$0xFFFFFFE0]  }
0x195: {  	v31 =	vmov s31  }
0x196: {  	v31 =	vshrl.u32 v31, $0x3  }
0x197: {  	v31 =	vshll.u32 v31, v16  }
0x198: {  	v35 =	vbroadcast v31, $0x0  }
0x199: {  	v31 =	vadd.s32 v7, v32;
	[tilespmem:v33+s16+$0x0] =	vst.idx.msk $0xffff, v34  }
0x19a: {  	v63 =	vadd.s32 v31, v35;
	v33 =	vld [tilespmem:s23+$0xFFFFFFF0];
	_ =	sdelay $0x4  }
0x19b: {  	v32 =	vadd.s32 v15, v32;
	[tilespmem:v63+s16+$0x0] =	vst.idx.msk $0xffff, v33  }
0x19c: {  	s25 =	simm.s32 $0x8;
	v34 =	vadd.s32 v32, v35;
	v33 =	vld [tilespmem:s23+$0x0]  }
0x19d: {  	s28 =	simm.s32 $0x10;
	s26 =	smov.u32 s23;
	v35 =	vmov s25  }
.LBB2_16:
0x19e: {  	p0 =	slt.u32 s28, $0x78;
	v35 =	vshrl.u32 v35, $0x3  }
0x19f: {  	v35 =	vshll.u32 v35, v16  }
0x1a0: {  	v35 =	vbroadcast v35, $0x0  }
0x1a1: {  	s26 =	sadd.s32 $0x100, s26;
	[tilespmem:v34+s16+$0x0] =	vst.idx.msk $0xffff, v33  }
0x1a2: {  	v33 =	vld [tilespmem:s26+$0xFFFFFF10];
	v34 =	vadd.s32 v17, v35;
	_ =	sdelay $0x4  }
0x1a3: {  	[tilespmem:v34+s16+$0x0] =	vst.idx.msk $0xffff, v33  }
0x1a4: {  	s29 =	sadd.s32 $0x1, s25;
	v34 =	vadd.s32 v18, v35;
	v33 =	vld [tilespmem:s26+$0xFFFFFF20]  }
0x1a5: {  	v35 =	vmov s29  }
0x1a6: {  	v35 =	vshrl.u32 v35, $0x3  }
0x1a7: {  	v35 =	vshll.u32 v35, v16  }
0x1a8: {  	v35 =	vbroadcast v35, $0x0  }
0x1a9: {  	[tilespmem:v34+s16+$0x0] =	vst.idx.msk $0xffff, v33  }
0x1aa: {  	v34 =	vadd.s32 v19, v35;
	v33 =	vld [tilespmem:s26+$0xFFFFFF30];
	_ =	sdelay $0x4  }
0x1ab: {  	[tilespmem:v34+s16+$0x0] =	vst.idx.msk $0xffff, v33  }
0x1ac: {  	s29 =	sadd.s32 $0x2, s25;
	v34 =	vadd.s32 v20, v35;
	v33 =	vld [tilespmem:s26+$0xFFFFFF40]  }
0x1ad: {  	v35 =	vmov s29  }
0x1ae: {  	v35 =	vshrl.u32 v35, $0x3  }
0x1af: {  	v35 =	vshll.u32 v35, v16  }
0x1b0: {  	v35 =	vbroadcast v35, $0x0  }
0x1b1: {  	[tilespmem:v34+s16+$0x0] =	vst.idx.msk $0xffff, v33  }
0x1b2: {  	v34 =	vadd.s32 v21, v35;
	v33 =	vld [tilespmem:s26+$0xFFFFFF50];
	_ =	sdelay $0x4  }
0x1b3: {  	[tilespmem:v34+s16+$0x0] =	vst.idx.msk $0xffff, v33  }
0x1b4: {  	s29 =	sadd.s32 $0x3, s25;
	v34 =	vadd.s32 v22, v35;
	v33 =	vld [tilespmem:s26+$0xFFFFFF60]  }
0x1b5: {  	v35 =	vmov s29  }
0x1b6: {  	v35 =	vshrl.u32 v35, $0x3  }
0x1b7: {  	v35 =	vshll.u32 v35, v16  }
0x1b8: {  	v35 =	vbroadcast v35, $0x0  }
0x1b9: {  	[tilespmem:v34+s16+$0x0] =	vst.idx.msk $0xffff, v33  }
0x1ba: {  	v34 =	vadd.s32 v23, v35;
	v33 =	vld [tilespmem:s26+$0xFFFFFF70];
	_ =	sdelay $0x4  }
0x1bb: {  	[tilespmem:v34+s16+$0x0] =	vst.idx.msk $0xffff, v33  }
0x1bc: {  	s29 =	sadd.s32 $0x4, s25;
	v34 =	vadd.s32 v24, v35;
	v33 =	vld [tilespmem:s26+$0xFFFFFF80]  }
0x1bd: {  	v35 =	vmov s29  }
0x1be: {  	v35 =	vshrl.u32 v35, $0x3  }
0x1bf: {  	v35 =	vshll.u32 v35, v16  }
0x1c0: {  	v35 =	vbroadcast v35, $0x0  }
0x1c1: {  	[tilespmem:v34+s16+$0x0] =	vst.idx.msk $0xffff, v33  }
0x1c2: {  	v34 =	vadd.s32 v25, v35;
	v33 =	vld [tilespmem:s26+$0xFFFFFF90];
	_ =	sdelay $0x4  }
0x1c3: {  	[tilespmem:v34+s16+$0x0] =	vst.idx.msk $0xffff, v33  }
0x1c4: {  	s29 =	sadd.s32 $0x5, s25;
	v34 =	vadd.s32 v26, v35;
	v33 =	vld [tilespmem:s26+$0xFFFFFFA0]  }
0x1c5: {  	v35 =	vmov s29  }
0x1c6: {  	v35 =	vshrl.u32 v35, $0x3  }
0x1c7: {  	v35 =	vshll.u32 v35, v16  }
0x1c8: {  	v35 =	vbroadcast v35, $0x0  }
0x1c9: {  	[tilespmem:v34+s16+$0x0] =	vst.idx.msk $0xffff, v33  }
0x1ca: {  	v34 =	vadd.s32 v27, v35;
	v33 =	vld [tilespmem:s26+$0xFFFFFFB0];
	_ =	sdelay $0x4  }
0x1cb: {  	[tilespmem:v34+s16+$0x0] =	vst.idx.msk $0xffff, v33  }
0x1cc: {  	s29 =	sadd.s32 $0x6, s25;
	v34 =	vadd.s32 v28, v35;
	v33 =	vld [tilespmem:s26+$0xFFFFFFC0]  }
0x1cd: {  	v35 =	vmov s29  }
0x1ce: {  	v35 =	vshrl.u32 v35, $0x3  }
0x1cf: {  	v35 =	vshll.u32 v35, v16  }
0x1d0: {  	v35 =	vbroadcast v35, $0x0  }
0x1d1: {  	[tilespmem:v34+s16+$0x0] =	vst.idx.msk $0xffff, v33  }
0x1d2: {  	v34 =	vadd.s32 v29, v35;
	v33 =	vld [tilespmem:s26+$0xFFFFFFD0];
	_ =	sdelay $0x4  }
0x1d3: {  	[tilespmem:v34+s16+$0x0] =	vst.idx.msk $0xffff, v33  }
0x1d4: {  	s29 =	sadd.s32 $0x7, s25;
	s25 =	smov.u32 s28;
	v34 =	vadd.s32 v30, v35;
	v33 =	vld [tilespmem:s26+$0xFFFFFFE0]  }
0x1d5: {  	v35 =	vmov s29  }
0x1d6: {  	v35 =	vshrl.u32 v35, $0x3  }
0x1d7: {  	v35 =	vshll.u32 v35, v16  }
0x1d8: {  	v35 =	vbroadcast v35, $0x0  }
0x1d9: {  	[tilespmem:v34+s16+$0x0] =	vst.idx.msk $0xffff, v33  }
0x1da: {  	v34 =	vadd.s32 v31, v35;
	v33 =	vld [tilespmem:s26+$0xFFFFFFF0];
	_ =	sdelay $0x2  }
.Ltmp6:
0x1db: {  	(pc) =	sbr.rel @p0 .LBB2_16-.Ltmp6, $4  }
0x1dc: {  	_ = 	snop  }
0x1dd: {  	[tilespmem:v34+s16+$0x0] =	vst.idx.msk $0xffff, v33  }
0x1de: {  	v34 =	vadd.s32 v32, v35;
	v33 =	vld [tilespmem:s26+$0x0]  }
0x1df: {  	s28 =	sadd.s32 $0x8, s28;
	v35 =	vmov s25  }
0x1e0: {  	_ = 	snop  }
0x1e1: {  	v35 =	vshrl.u32 v35, $0x3  }
0x1e2: {  	v35 =	vshll.u32 v35, v16  }
0x1e3: {  	v35 =	vbroadcast v35, $0x0  }
0x1e4: {  	s26 =	sadd.s32 $0x100, s26;
	[tilespmem:v34+s16+$0x0] =	vst.idx.msk $0xffff, v33  }
0x1e5: {  	v33 =	vld [tilespmem:s26+$0xFFFFFF10];
	v17 =	vadd.s32 v17, v35;
	_ =	sdelay $0x4  }
0x1e6: {  	[tilespmem:v17+s16+$0x0] =	vst.idx.msk $0xffff, v33  }
0x1e7: {  	s28 =	sadd.s32 $0x1, s25;
	v18 =	vadd.s32 v18, v35;
	v17 =	vld [tilespmem:s26+$0xFFFFFF20]  }
0x1e8: {  	v63 =	vmov s28  }
0x1e9: {  	v33 =	vshrl.u32 v63, $0x3  }
0x1ea: {  	v33 =	vshll.u32 v33, v16  }
0x1eb: {  	v33 =	vbroadcast v33, $0x0  }
0x1ec: {  	[tilespmem:v18+s16+$0x0] =	vst.idx.msk $0xffff, v17  }
0x1ed: {  	v18 =	vadd.s32 v19, v33;
	v17 =	vld [tilespmem:s26+$0xFFFFFF30];
	_ =	sdelay $0x4  }
0x1ee: {  	[tilespmem:v18+s16+$0x0] =	vst.idx.msk $0xffff, v17  }
0x1ef: {  	s29 =	sadd.s32 $0x2, s25;
	v18 =	vadd.s32 v20, v33;
	v17 =	vld [tilespmem:s26+$0xFFFFFF40]  }
0x1f0: {  	v19 =	vmov s29  }
0x1f1: {  	v19 =	vshrl.u32 v19, $0x3  }
0x1f2: {  	v19 =	vshll.u32 v19, v16  }
0x1f3: {  	v19 =	vbroadcast v19, $0x0  }
0x1f4: {  	[tilespmem:v18+s16+$0x0] =	vst.idx.msk $0xffff, v17  }
0x1f5: {  	v18 =	vadd.s32 v21, v19;
	v17 =	vld [tilespmem:s26+$0xFFFFFF50];
	_ =	sdelay $0x4  }
0x1f6: {  	[tilespmem:v18+s16+$0x0] =	vst.idx.msk $0xffff, v17  }
0x1f7: {  	s30 =	sadd.s32 $0x3, s25;
	v18 =	vadd.s32 v22, v19;
	v17 =	vld [tilespmem:s26+$0xFFFFFF60]  }
0x1f8: {  	v19 =	vmov s30  }
0x1f9: {  	v19 =	vshrl.u32 v19, $0x3  }
0x1fa: {  	v19 =	vshll.u32 v19, v16  }
0x1fb: {  	v19 =	vbroadcast v19, $0x0  }
0x1fc: {  	[tilespmem:v18+s16+$0x0] =	vst.idx.msk $0xffff, v17  }
0x1fd: {  	v18 =	vadd.s32 v23, v19;
	v17 =	vld [tilespmem:s26+$0xFFFFFF70];
	_ =	sdelay $0x4  }
0x1fe: {  	[tilespmem:v18+s16+$0x0] =	vst.idx.msk $0xffff, v17  }
0x1ff: {  	s31 =	sadd.s32 $0x4, s25;
	v18 =	vadd.s32 v24, v19;
	v17 =	vld [tilespmem:s26+$0xFFFFFF80]  }
0x200: {  	v19 =	vmov s31  }
0x201: {  	v19 =	vshrl.u32 v19, $0x3  }
0x202: {  	v19 =	vshll.u32 v19, v16  }
0x203: {  	v19 =	vbroadcast v19, $0x0  }
0x204: {  	[tilespmem:v18+s16+$0x0] =	vst.idx.msk $0xffff, v17  }
0x205: {  	v18 =	vadd.s32 v25, v19;
	v17 =	vld [tilespmem:s26+$0xFFFFFF90];
	_ =	sdelay $0x4  }
0x206: {  	[tilespmem:v18+s16+$0x0] =	vst.idx.msk $0xffff, v17  }
0x207: {  	s29 =	sadd.s32 $0x5, s25;
	v18 =	vadd.s32 v26, v19;
	v17 =	vld [tilespmem:s26+$0xFFFFFFA0]  }
0x208: {  	v19 =	vmov s29  }
0x209: {  	v19 =	vshrl.u32 v19, $0x3  }
0x20a: {  	v19 =	vshll.u32 v19, v16  }
0x20b: {  	v19 =	vbroadcast v19, $0x0  }
0x20c: {  	[tilespmem:v18+s16+$0x0] =	vst.idx.msk $0xffff, v17  }
0x20d: {  	v18 =	vadd.s32 v27, v19;
	v17 =	vld [tilespmem:s26+$0xFFFFFFB0];
	_ =	sdelay $0x4  }
0x20e: {  	[tilespmem:v18+s16+$0x0] =	vst.idx.msk $0xffff, v17  }
0x20f: {  	s30 =	sadd.s32 $0x6, s25;
	v18 =	vadd.s32 v28, v19;
	v17 =	vld [tilespmem:s26+$0xFFFFFFC0]  }
0x210: {  	v19 =	vmov s30  }
0x211: {  	v19 =	vshrl.u32 v19, $0x3  }
0x212: {  	v19 =	vshll.u32 v19, v16  }
0x213: {  	v19 =	vbroadcast v19, $0x0  }
0x214: {  	[tilespmem:v18+s16+$0x0] =	vst.idx.msk $0xffff, v17  }
0x215: {  	v18 =	vadd.s32 v29, v19;
	v17 =	vld [tilespmem:s26+$0xFFFFFFD0];
	_ =	sdelay $0x4  }
0x216: {  	[tilespmem:v18+s16+$0x0] =	vst.idx.msk $0xffff, v17  }
0x217: {  	s31 =	sadd.s32 $0x7, s25;
	v18 =	vadd.s32 v30, v19;
	v17 =	vld [tilespmem:s26+$0xFFFFFFE0]  }
0x218: {  	v19 =	vmov s31  }
0x219: {  	v19 =	vshrl.u32 v19, $0x3  }
0x21a: {  	v19 =	vshll.u32 v19, v16  }
0x21b: {  	v19 =	vbroadcast v19, $0x0  }
0x21c: {  	[tilespmem:v18+s16+$0x0] =	vst.idx.msk $0xffff, v17  }
0x21d: {  	v18 =	vadd.s32 v31, v19;
	v17 =	vld [tilespmem:s26+$0xFFFFFFF0];
	_ =	sdelay $0x4  }
0x21e: {  	s24 =	sadd.s32 $0x1, s24;
	[tilespmem:v18+s16+$0x0] =	vst.idx.msk $0xffff, v17  }
0x21f: {  	p0 =	sne.s32 s24, $0x4;
	v18 =	vadd.s32 v32, v19;
	v17 =	vld [tilespmem:s26+$0x0]  }
.Ltmp7:
0x220: {  	_ = 	snop;
	(pc) =	sbr.rel @p0 .LBB2_15-.Ltmp7, $2  }
0x221: {  	_ =	sdelay $0x2  }
0x222: {  	s23 =	sadd.s32 $0x1000, s23;
	[tilespmem:v18+s16+$0x0] =	vst.idx.msk $0xffff, v17  }
0x223: {  	s21 =	sshll.u32 s21, $0x13  }
0x224: {  	s21 =	sor.u32 s6, s21  }
0x225: {  	s21 =	sshrl.u32 s21, $0x3  }
0x226: {  	s22 =	simm.s32 $0x12800;
	s21 =	sadd.s32 s1, s21  }
0x227: {  	s23 =	simm.s32 $0x10;
	s24 =	simm.s32 $0x12888;
	s25 =	sadd.s32 $0x0, s21  }
.LBB2_19:
0x228: {  	[hbm4b:s25+s3] =	stream.linear.scatter [tilespmem:s22], [sflag:$0x4], $0x80, $0x38;
	[tilespmem:$0x16C00] =	vst v63  }
0x229: {  	s25 =	smov.u32 s23;
	s22 =	smov.u32 s24;
	p0 =	sne.s32 s23, $0x1F0  }
.Ltmp8:
0x22a: {  	s23 =	sadd.s32 $0x10, s23;
	(pc) =	sbr.rel @p0 .LBB2_19-.Ltmp8, $2  }
0x22b: {  	_ =	sdelay $0x2  }
0x22c: {  	s24 =	sadd.s32 $0x88, s24;
	s25 =	sadd.s32 s25, s21  }
0x22d: {  	[hbm4b:s25+s3] =	stream.linear.scatter [tilespmem:s22], [sflag:$0x4], $0x80, $0x38;
	[tilespmem:$0x16C00] =	vst v63  }
0x22e: {  	s22 =	sadd.s32 $0x4000, s21;
	s23 =	simm.s32 $0x13900  }
0x22f: {  	s24 =	simm.s32 $0x10;
	s25 =	simm.s32 $0x13988;
	s26 =	sadd.s32 $0x0, s22  }
.LBB2_21:
0x230: {  	[hbm4b:s26+s3] =	stream.linear.scatter [tilespmem:s23], [sflag:$0x4], $0x80, $0x38;
	[tilespmem:$0x16C00] =	vst v63  }
0x231: {  	s26 =	smov.u32 s24;
	s23 =	smov.u32 s25;
	p0 =	sne.s32 s24, $0x1F0  }
.Ltmp9:
0x232: {  	s24 =	sadd.s32 $0x10, s24;
	(pc) =	sbr.rel @p0 .LBB2_21-.Ltmp9, $2  }
0x233: {  	_ =	sdelay $0x2  }
0x234: {  	s25 =	sadd.s32 $0x88, s25;
	s26 =	sadd.s32 s26, s22  }
0x235: {  	[hbm4b:s26+s3] =	stream.linear.scatter [tilespmem:s23], [sflag:$0x4], $0x80, $0x38;
	[tilespmem:$0x16C00] =	vst v63  }
0x236: {  	s22 =	sadd.s32 $0x8000, s21;
	s23 =	simm.s32 $0x14A00  }
0x237: {  	s24 =	simm.s32 $0x10;
	s25 =	simm.s32 $0x14A88;
	s26 =	sadd.s32 $0x0, s22  }
.LBB2_23:
0x238: {  	[hbm4b:s26+s3] =	stream.linear.scatter [tilespmem:s23], [sflag:$0x4], $0x80, $0x38;
	[tilespmem:$0x16C00] =	vst v63  }
0x239: {  	s26 =	smov.u32 s24;
	s23 =	smov.u32 s25;
	p0 =	sne.s32 s24, $0x1F0  }
.Ltmp10:
0x23a: {  	s24 =	sadd.s32 $0x10, s24;
	(pc) =	sbr.rel @p0 .LBB2_23-.Ltmp10, $2  }
0x23b: {  	_ =	sdelay $0x2  }
0x23c: {  	s25 =	sadd.s32 $0x88, s25;
	s26 =	sadd.s32 s26, s22  }
0x23d: {  	[hbm4b:s26+s3] =	stream.linear.scatter [tilespmem:s23], [sflag:$0x4], $0x80, $0x38;
	[tilespmem:$0x16C00] =	vst v63  }
0x23e: {  	s21 =	sadd.s32 $0xC000, s21;
	s22 =	simm.s32 $0x15B00  }
0x23f: {  	s23 =	simm.s32 $0x10;
	s24 =	simm.s32 $0x15B88;
	s25 =	sadd.s32 $0x0, s21  }
.LBB2_25:
0x240: {  	[hbm4b:s25+s3] =	stream.linear.scatter [tilespmem:s22], [sflag:$0x4], $0x80, $0x38;
	[tilespmem:$0x16C00] =	vst v63  }
0x241: {  	s25 =	smov.u32 s23;
	s22 =	smov.u32 s24;
	p0 =	sne.s32 s23, $0x1F0  }
.Ltmp11:
0x242: {  	s23 =	sadd.s32 $0x10, s23;
	(pc) =	sbr.rel @p0 .LBB2_25-.Ltmp11, $2  }
0x243: {  	_ =	sdelay $0x2  }
0x244: {  	s24 =	sadd.s32 $0x88, s24;
	s25 =	sadd.s32 s25, s21  }
0x245: {  	s20 =	sadd.s32 $0x1, s20  }
0x246: {  	p0 =	sne.s32 s20, $0x19  }
.Ltmp12:
0x247: {  	_ = 	snop;
	(pc) =	sbr.rel @p0 .LBB2_2-.Ltmp12, $2  }
0x248: {  	_ =	sdelay $0x2  }
0x249: {  	[hbm4b:s25+s3] =	stream.linear.scatter [tilespmem:s22], [sflag:$0x4], $0x80, $0x38;
	[tilespmem:$0x16C00] =	vst v63  }
0x24a: {  	s19 =	sadd.s32 $0x1, s19  }
0x24b: {  	_ =	swait.ge [sflag:s17], $0x4000;
	p0 =	sne.s32 s19, s7  }
.Ltmp13:
0x24c: {  	[sflag:s17] =	ssyncset.done $0x0;
	(pc) =	sbr.rel @p0 .LBB2_1-.Ltmp13, $4  }
0x24d: {  	[sflag:s17] =	ssyncadd.s32 $0xFFFFC000  }
0x24e: {  	_ =	swait.ge [sflag:s18], $0x4000  }
0x24f: {  	[sflag:s18] =	ssyncset.done $0x0  }
0x250: {  	[sflag:s18] =	ssyncadd.s32 $0xFFFFC000  }
0x251: {  	_ =	sfence.sel $0x180000  }
0x252: {  	[bflag:$0x0] =	sbarrier.arrive $0xFFFF  }
0x253: {  	p0 =	sne.s32 s2, $0x0;
	_ =	strace $0x9000004A  }
0x254: {  	s0 =	sadd.s32 @!p0 $0x100000, s0;
	[bflag:$0x2] =	sbarrier.arrive $0xFFFF  }
0x255: {  	[sflag:s0] =	ssyncadd.tile.s32 @!p0 $0x1;
	_ =	shalt  }
.Lfunc_end2:
_tile_overlayer_lowered:
.L_overlay_start_2:
0x256: {  	(tag) =	ssettag $0x2  }
0x257: {  	s0 =	rddreg [dreg:$0x0];
	s2 =	stileid.u32  }
0x258: {  	s1 =	rddreg [dreg:$0x1];
	p0 =	sne.s32 s2, $0x0  }
0x259: {  	s3 =	rddreg [dreg:$0x2];
	[bflag:$0x3] =	sbarrier.arrive $0xFFFF;
	s2 =	simm.s32 @!p0 $0x1C05  }
0x25a: {  	[timem:s3], [sflag:s2] =	dma.local @!p0 [hbm:s0], s1  }
0x25b: {  	s0 =	simm.s32 @!p0 $0x5  }
0x25c: {  	_ =	swait.ge @!p0 [sflag:s0], s1  }
0x25d: {  	s1 =	ssub.s32 @!p0 $0x0, s1;
	[sflag:s0] =	ssyncset.done @!p0 $0x0  }
0x25e: {  	[sflag:s0] =	ssyncadd.s32 @!p0 s1  }
0x25f: {  	[bflag:$0x3] =	sbarrier.arrive $0xFFFF  }
0x260: {  	_ =	shalt  }

</sc_bundles>
